<compile_context>
chip_gen: v7x
topology: tpu7x:2x2x1
jax: 0.10.2.dev20260603
libtpu: 0.0.44.dev20260713+nightly
codegen_flags: <defaults>
</compile_context>

<pallas_src>
import jax
import jax.numpy as jnp
from jax import lax
from jax.experimental import pallas as pl
from jax.experimental.pallas import tpu as pltpu
from jax.experimental.pallas import tpu_sc as plsc

N_ENTITIES = 100000
N_RELATIONS = 237
C = 50
CP = 56
E = 1600000
NW = 32
EPW = E // NW
B = 400
NB = 3 * B
NCHUNK = EPW // B
NGROUP = B // 16
CU = 10


def _dist_mult_body(packed_hbm, table_hbm, rel_hbm, out_hbm,
                    idx_v0, idx_v1, rows_v0, rows_v1, rel_v, strip_v,
                    out_v0, out_v1,
                    sem_i0, sem_i1, sem_g0, sem_g1, sem_o0, sem_o1):
    idx_v = (idx_v0, idx_v1)
    rows_v = (rows_v0, rows_v1)
    out_v = (out_v0, out_v1)
    sem_i = (sem_i0, sem_i1)
    sem_g = (sem_g0, sem_g1)
    sem_o = (sem_o0, sem_o1)

    nc = 2
    wid = lax.axis_index("s") * nc + lax.axis_index("c")

    pltpu.sync_copy(rel_hbm, rel_v)

    iota16 = lax.iota(jnp.int32, 16)

    def fire_idx(i, p):
        pltpu.async_copy(packed_hbm.at[wid * NCHUNK + i], idx_v[p], sem_i[p])

    def wait_idx(p):
        pltpu.make_async_copy(packed_hbm.at[0], idx_v[p], sem_i[p]).wait()

    def fire_gathers(p):
        pltpu.async_copy(table_hbm.at[idx_v[p].at[pl.ds(0, B)]],
                         rows_v[p].at[pl.ds(0, B)], sem_g[p])
        pltpu.async_copy(table_hbm.at[idx_v[p].at[pl.ds(B, B)]],
                         rows_v[p].at[pl.ds(B, B)], sem_g[p])

    def wait_gathers(p):
        for j in range(2):
            pltpu.make_async_copy(table_hbm.at[idx_v[p].at[pl.ds(j * B, B)]],
                                  rows_v[p].at[pl.ds(j * B, B)],
                                  sem_g[p]).wait()

    def fire_out(i, p):
        base = wid * EPW + i * B
        pltpu.async_copy(out_v[p], out_hbm.at[pl.ds(base, B)], sem_o[p])

    def wait_out(p):
        pltpu.make_async_copy(out_v[p], out_hbm.at[pl.ds(0, B)],
                              sem_o[p]).wait()

    def compute(p):
        rows = rows_v[p]
        idx = idx_v[p]
        outb = out_v[p]

        zf = jnp.zeros((16,), jnp.float32)
        le16 = jnp.right_shift(iota16, 2)
        lc16 = jnp.bitwise_and(iota16, 3)

        def group_body(g, carry):
            for j in range(4):
                e4 = g * 16 + j * 4 + le16
                be4 = B + e4
                t4 = plsc.load_gather(idx, [2 * B + e4])
                a0 = zf
                a1 = zf
                cvec = lc16
                for k in range(14):
                    s = plsc.load_gather(rows, [e4, cvec])
                    d = plsc.load_gather(rows, [be4, cvec])
                    r = plsc.load_gather(rel_v, [t4, cvec])
                    if k % 2 == 0:
                        a0 = a0 + s * r * d
                    else:
                        a1 = a1 + s * r * d
                    cvec = cvec + 4
                strip_v[pl.ds(j * 16, 16)] = a0 + a1
            a4 = iota16 * 4
            sc = zf
            for lc in range(4):
                sc = sc + plsc.load_gather(strip_v, [a4 + lc])
            outb[pl.ds(g * 16, 16)] = sc
            return carry

        lax.fori_loop(0, NGROUP, group_body, 0, unroll=False)

    fire_idx(0, 0)
    wait_idx(0)
    fire_gathers(0)
    fire_idx(1, 1)

    def pair_body(k, carry):
        i0 = 2 * k
        wait_gathers(0)
        wait_idx(1)
        fire_gathers(1)

        @pl.when(k > 0)
        def _():
            wait_out(0)
        compute(0)
        fire_out(i0, 0)
        fire_idx(i0 + 2, 0)

        wait_gathers(1)
        wait_idx(0)
        fire_gathers(0)

        @pl.when(k > 0)
        def _():
            wait_out(1)
        compute(1)
        fire_out(i0 + 1, 1)

        @pl.when(i0 + 3 < NCHUNK)
        def _():
            fire_idx(i0 + 3, 1)
        return carry

    lax.fori_loop(0, (NCHUNK - 1) // 2, pair_body, 0, unroll=False)

    wait_gathers(0)
    wait_out(0)
    compute(0)
    fire_out(NCHUNK - 1, 0)
    wait_out(0)
    wait_out(1)


@jax.jit
def _dist_mult(packed, table, rel):
    mesh = plsc.VectorSubcoreMesh(core_axis_name="c", subcore_axis_name="s")
    return pl.kernel(
        _dist_mult_body,
        out_type=jax.ShapeDtypeStruct((E,), jnp.float32),
        mesh=mesh,
        scratch_types=[
            pltpu.VMEM((NB,), jnp.int32),
            pltpu.VMEM((NB,), jnp.int32),
            pltpu.VMEM((2 * B, CP), jnp.float32),
            pltpu.VMEM((2 * B, CP), jnp.float32),
            pltpu.VMEM((N_RELATIONS, CP), jnp.float32),
            pltpu.VMEM((64,), jnp.float32),
            pltpu.VMEM((B,), jnp.float32),
            pltpu.VMEM((B,), jnp.float32),
            pltpu.SemaphoreType.DMA,
            pltpu.SemaphoreType.DMA,
            pltpu.SemaphoreType.DMA,
            pltpu.SemaphoreType.DMA,
            pltpu.SemaphoreType.DMA,
            pltpu.SemaphoreType.DMA,
        ],
        compiler_params=pltpu.CompilerParams(
            needs_layout_passes=False, use_tc_tiling_on_sc=False),
    )(packed, table, rel)


def kernel(edge_index, edge_type, initializations, rel_emb):
    table = jnp.pad(initializations, ((0, 0), (0, CP - C)))
    rel = jnp.pad(rel_emb, ((0, 0), (0, CP - C)))
    packed = jnp.concatenate(
        [edge_index[0].reshape(NW * NCHUNK, B),
         edge_index[1].reshape(NW * NCHUNK, B),
         edge_type.reshape(NW * NCHUNK, B)], axis=1)
    return _dist_mult(packed, table, rel)

# --- scband reference (transcript-rebuilt; emitter-appended) ---
"""Pipeline reference for scband-dist-mult-15040975470740 (READ-ONLY COPY).

The authoritative reference and input builder live on the scoring server;
editing this copy changes nothing except your own understanding.
"""

import jax, jax.numpy as jnp
import numpy as np

N_ENTITIES = 100000
N_RELATIONS = 237
N_CHANNELS = 50
N_EDGES = 1600000

def setup_inputs(seed: int = 0) -> dict:
    key = jax.random.key(seed)
    k1, k2, k3, k4 = jax.random.split(key, 4)
    edge_index = jax.random.randint(k1, (2, N_EDGES), 0, N_ENTITIES, dtype=jnp.int64 if jax.config.jax_enable_x64 else jnp.int32).astype(jnp.int32)
    edge_type = jax.random.randint(k2, (N_EDGES,), 0, N_RELATIONS).astype(jnp.int32)
    # learned parameters
    initializations = jax.random.normal(k3, (N_ENTITIES, N_CHANNELS), dtype=jnp.float32)
    rel_emb = jax.random.normal(k4, (N_RELATIONS, N_CHANNELS), dtype=jnp.float32)
    return {"edge_index": edge_index, "edge_type": edge_type, "initializations": initializations, "rel_emb": rel_emb}

def reference(edge_index, edge_type, initializations, rel_emb):
    # DistMult: score(h, r, t) = sum_c z_h[c] * R_r[c] * z_t[c]
    z_src = jnp.take(initializations, edge_index[0], axis=0)   # [E, C] gather
    z_dst = jnp.take(initializations, edge_index[1], axis=0)   # [E, C] gather
    r = jnp.take(rel_emb, edge_type, axis=0)                    # [E, C] gather
    score = jnp.sum(z_src * r * z_dst, axis=-1)                 # [E]
    return score

if __name__ == "__main__":
    import jax
    _d = setup_inputs()
    print(jax.jit(kernel)(*tuple(_d.values())))

</pallas_src>

<mosaic_0001>
#map = affine_map<(d0, d1) -> (0, 0)>
#map1 = affine_map<(d0, d1) -> (0)>
module attributes {stable_mosaic.version = 14 : i64} {
  func.func @_dist_mult_body(%arg0: i32, %arg1: i32, %arg2: memref<4000x1200xi32, #tpu.memory_space<hbm>>, %arg3: memref<100000x56xf32, #tpu.memory_space<hbm>>, %arg4: memref<237x56xf32, #tpu.memory_space<hbm>>, %arg5: memref<1600000xf32, #tpu.memory_space<hbm>>, %arg6: memref<1200xi32, #tpu.memory_space<vmem>>, %arg7: memref<1200xi32, #tpu.memory_space<vmem>>, %arg8: memref<800x56xf32, #tpu.memory_space<vmem>>, %arg9: memref<800x56xf32, #tpu.memory_space<vmem>>, %arg10: memref<237x56xf32, #tpu.memory_space<vmem>>, %arg11: memref<64xf32, #tpu.memory_space<vmem>>, %arg12: memref<400xf32, #tpu.memory_space<vmem>>, %arg13: memref<400xf32, #tpu.memory_space<vmem>>, %arg14: memref<!tpu.dma_semaphore, #tpu.memory_space<semaphore_mem>>, %arg15: memref<!tpu.dma_semaphore, #tpu.memory_space<semaphore_mem>>, %arg16: memref<!tpu.dma_semaphore, #tpu.memory_space<semaphore_mem>>, %arg17: memref<!tpu.dma_semaphore, #tpu.memory_space<semaphore_mem>>, %arg18: memref<!tpu.dma_semaphore, #tpu.memory_space<semaphore_mem>>, %arg19: memref<!tpu.dma_semaphore, #tpu.memory_space<semaphore_mem>>) attributes {dimension_semantics = [#tpu.dimension_semantics<core_parallel>, #tpu.dimension_semantics<subcore_parallel>], iteration_bounds = array<i64: 2, 16>, scalar_prefetch = 0 : i64, scratch_operands = 14 : i64, tpu.core_type = #tpu.core_type<sc_vector_subcore>, window_params = [{transform_indices = #map}, {transform_indices = #map}, {transform_indices = #map}, {transform_indices = #map1}]} {
    %mul3A = arith.constant 2 : i32
    %mul3A_0 = arith.muli %arg1, %mul3A : i32
    %add3A = arith.addi %mul3A_0, %arg0 : i32
    "tpu.region"() ({
      %run_scoped3A = tpu.sem_alloc : memref<!tpu.dma_semaphore, #tpu.memory_space<semaphore_mem>>
      tpu.enqueue_dma source(%arg4 : memref<237x56xf32, #tpu.memory_space<hbm>>) target(%arg10 : memref<237x56xf32, #tpu.memory_space<vmem>>) target_semaphore(%run_scoped3A : memref<!tpu.dma_semaphore, #tpu.memory_space<semaphore_mem>>)
      tpu.wait_dma2 semaphore(%run_scoped3A : memref<!tpu.dma_semaphore, #tpu.memory_space<semaphore_mem>>) src(%arg4 : memref<237x56xf32, #tpu.memory_space<hbm>>) dst(%arg10 : memref<237x56xf32, #tpu.memory_space<vmem>>)
      tpu.yield
    }) : () -> ()
    %iota3A = tpu.iota {dimensions = array<i32: 0>} : vector<16xi32>
    %mul3A_1 = arith.constant 125 : i32
    %mul3A_2 = arith.muli %add3A, %mul3A_1 : i32
    %add3A_3 = arith.constant 0 : i32
    %add3A_4 = arith.addi %mul3A_2, %add3A_3 : i32
    %dma_start3A = arith.constant 0 : i32
    %dma_start3A_5 = tpu.memref_slice %arg2[%add3A_4, %dma_start3A] : memref<4000x1200xi32, #tpu.memory_space<hbm>> -> memref<1x1200xi32, #tpu.memory_space<hbm>>
    %dma_start3A_6 = tpu.memref_squeeze %dma_start3A_5 : memref<1x1200xi32, #tpu.memory_space<hbm>> -> memref<1200xi32, #tpu.memory_space<hbm>>
    %dma_start3A_7 = arith.constant 0 : i32
    %dma_start3A_8 = tpu.memref_slice %arg2[%add3A_4, %dma_start3A_7] : memref<4000x1200xi32, #tpu.memory_space<hbm>> -> memref<1x1200xi32, #tpu.memory_space<hbm>>
    %dma_start3A_9 = tpu.memref_squeeze %dma_start3A_8 : memref<1x1200xi32, #tpu.memory_space<hbm>> -> memref<1200xi32, #tpu.memory_space<hbm>>
    tpu.enqueue_dma source(%dma_start3A_9 : memref<1200xi32, #tpu.memory_space<hbm>>) target(%arg6 : memref<1200xi32, #tpu.memory_space<vmem>>) target_semaphore(%arg14 : memref<!tpu.dma_semaphore, #tpu.memory_space<semaphore_mem>>)
    %dma_wait3A = arith.constant 0 : i32
    %dma_wait3A_10 = arith.constant 0 : i32
    %dma_wait3A_11 = tpu.memref_slice %arg2[%dma_wait3A, %dma_wait3A_10] : memref<4000x1200xi32, #tpu.memory_space<hbm>> -> memref<1x1200xi32, #tpu.memory_space<hbm>>
    %dma_wait3A_12 = tpu.memref_squeeze %dma_wait3A_11 : memref<1x1200xi32, #tpu.memory_space<hbm>> -> memref<1200xi32, #tpu.memory_space<hbm>>
    %dma_wait3A_13 = arith.constant 0 : i32
    %dma_wait3A_14 = tpu.memref_slice %arg2[%dma_wait3A, %dma_wait3A_13] : memref<4000x1200xi32, #tpu.memory_space<hbm>> -> memref<1x1200xi32, #tpu.memory_space<hbm>>
    %dma_wait3A_15 = tpu.memref_squeeze %dma_wait3A_14 : memref<1x1200xi32, #tpu.memory_space<hbm>> -> memref<1200xi32, #tpu.memory_space<hbm>>
    tpu.wait_dma2 semaphore(%arg14 : memref<!tpu.dma_semaphore, #tpu.memory_space<semaphore_mem>>) src(%dma_wait3A_15 : memref<1200xi32, #tpu.memory_space<hbm>>) dst(%arg6 : memref<1200xi32, #tpu.memory_space<vmem>>)
    %dma_start3A_16 = arith.constant 0 : i32
    %dma_start3A_17 = arith.constant 0 : i32
    %dma_start3A_18 = tpu.memref_slice %arg8[%dma_start3A_16, %dma_start3A_17] : memref<800x56xf32, #tpu.memory_space<vmem>> -> memref<400x56xf32, #tpu.memory_space<vmem>>
    %dma_start3A_19 = arith.constant 0 : i32
    %dma_start3A_20 = tpu.memref_slice %arg6[%dma_start3A_19] : memref<1200xi32, #tpu.memory_space<vmem>> -> memref<400xi32, #tpu.memory_space<vmem>>
    %dma_start3A_21 = arith.constant 0 : i32
    %dma_start3A_22 = arith.constant 0 : i32
    %dma_start3A_23 = tpu.memref_slice %arg3[%dma_start3A_21, %dma_start3A_22] : memref<100000x56xf32, #tpu.memory_space<hbm>> -> memref<100000x56xf32, #tpu.memory_space<hbm>>
    tpu.enqueue_indirect_dma source(%dma_start3A_23 : memref<100000x56xf32, #tpu.memory_space<hbm>>) target(%dma_start3A_18 : memref<400x56xf32, #tpu.memory_space<vmem>>) offsets(%dma_start3A_20 : memref<400xi32, #tpu.memory_space<vmem>>) semaphore(%arg16 : memref<!tpu.dma_semaphore, #tpu.memory_space<semaphore_mem>>)
    %dma_start3A_24 = arith.constant 400 : i32
    %dma_start3A_25 = arith.constant 0 : i32
    %dma_start3A_26 = tpu.memref_slice %arg8[%dma_start3A_24, %dma_start3A_25] : memref<800x56xf32, #tpu.memory_space<vmem>> -> memref<400x56xf32, #tpu.memory_space<vmem>>
    %dma_start3A_27 = arith.constant 400 : i32
    %dma_start3A_28 = tpu.memref_slice %arg6[%dma_start3A_27] : memref<1200xi32, #tpu.memory_space<vmem>> -> memref<400xi32, #tpu.memory_space<vmem>>
    %dma_start3A_29 = arith.constant 0 : i32
    %dma_start3A_30 = arith.constant 0 : i32
    %dma_start3A_31 = tpu.memref_slice %arg3[%dma_start3A_29, %dma_start3A_30] : memref<100000x56xf32, #tpu.memory_space<hbm>> -> memref<100000x56xf32, #tpu.memory_space<hbm>>
    tpu.enqueue_indirect_dma source(%dma_start3A_31 : memref<100000x56xf32, #tpu.memory_space<hbm>>) target(%dma_start3A_26 : memref<400x56xf32, #tpu.memory_space<vmem>>) offsets(%dma_start3A_28 : memref<400xi32, #tpu.memory_space<vmem>>) semaphore(%arg16 : memref<!tpu.dma_semaphore, #tpu.memory_space<semaphore_mem>>)
    %mul3A_32 = arith.constant 125 : i32
    %mul3A_33 = arith.muli %add3A, %mul3A_32 : i32
    %add3A_34 = arith.constant 1 : i32
    %add3A_35 = arith.addi %mul3A_33, %add3A_34 : i32
    %dma_start3A_36 = arith.constant 0 : i32
    %dma_start3A_37 = tpu.memref_slice %arg2[%add3A_35, %dma_start3A_36] : memref<4000x1200xi32, #tpu.memory_space<hbm>> -> memref<1x1200xi32, #tpu.memory_space<hbm>>
    %dma_start3A_38 = tpu.memref_squeeze %dma_start3A_37 : memref<1x1200xi32, #tpu.memory_space<hbm>> -> memref<1200xi32, #tpu.memory_space<hbm>>
    %dma_start3A_39 = arith.constant 0 : i32
    %dma_start3A_40 = tpu.memref_slice %arg2[%add3A_35, %dma_start3A_39] : memref<4000x1200xi32, #tpu.memory_space<hbm>> -> memref<1x1200xi32, #tpu.memory_space<hbm>>
    %dma_start3A_41 = tpu.memref_squeeze %dma_start3A_40 : memref<1x1200xi32, #tpu.memory_space<hbm>> -> memref<1200xi32, #tpu.memory_space<hbm>>
    tpu.enqueue_dma source(%dma_start3A_41 : memref<1200xi32, #tpu.memory_space<hbm>>) target(%arg7 : memref<1200xi32, #tpu.memory_space<vmem>>) target_semaphore(%arg15 : memref<!tpu.dma_semaphore, #tpu.memory_space<semaphore_mem>>)
    %scan3A = arith.constant 0 : i32
    %scan3A_42 = arith.constant 0 : i32
    %scan3A_43 = arith.constant 62 : i32
    %scan3A_44 = arith.addi %scan3A_42, %scan3A_43 : i32
    %scan3A_45 = arith.constant 1 : i32
    scf.for %scan3A_92 = %scan3A_42 to %scan3A_44 step %scan3A_45  : i32 {
      %mul3A_93 = arith.constant 2 : i32
      %mul3A_94 = arith.muli %mul3A_93, %scan3A_92 : i32
      %dma_wait3A_95 = arith.constant 0 : i32
      %dma_wait3A_96 = arith.constant 0 : i32
      %dma_wait3A_97 = tpu.memref_slice %arg8[%dma_wait3A_95, %dma_wait3A_96] : memref<800x56xf32, #tpu.memory_space<vmem>> -> memref<400x56xf32, #tpu.memory_space<vmem>>
      %dma_wait3A_98 = arith.constant 0 : i32
      %dma_wait3A_99 = tpu.memref_slice %arg6[%dma_wait3A_98] : memref<1200xi32, #tpu.memory_space<vmem>> -> memref<400xi32, #tpu.memory_space<vmem>>
      %dma_wait3A_100 = arith.constant 0 : i32
      %dma_wait3A_101 = arith.constant 0 : i32
      %dma_wait3A_102 = tpu.memref_slice %arg3[%dma_wait3A_100, %dma_wait3A_101] : memref<100000x56xf32, #tpu.memory_space<hbm>> -> memref<100000x56xf32, #tpu.memory_space<hbm>>
      tpu.wait_indirect_dma semaphore(%arg16 : memref<!tpu.dma_semaphore, #tpu.memory_space<semaphore_mem>>) src(%dma_wait3A_102 : memref<100000x56xf32, #tpu.memory_space<hbm>>) dst(%dma_wait3A_97 : memref<400x56xf32, #tpu.memory_space<vmem>>)
      %dma_wait3A_103 = arith.constant 400 : i32
      %dma_wait3A_104 = arith.constant 0 : i32
      %dma_wait3A_105 = tpu.memref_slice %arg8[%dma_wait3A_103, %dma_wait3A_104] : memref<800x56xf32, #tpu.memory_space<vmem>> -> memref<400x56xf32, #tpu.memory_space<vmem>>
      %dma_wait3A_106 = arith.constant 400 : i32
      %dma_wait3A_107 = tpu.memref_slice %arg6[%dma_wait3A_106] : memref<1200xi32, #tpu.memory_space<vmem>> -> memref<400xi32, #tpu.memory_space<vmem>>
      %dma_wait3A_108 = arith.constant 0 : i32
      %dma_wait3A_109 = arith.constant 0 : i32
      %dma_wait3A_110 = tpu.memref_slice %arg3[%dma_wait3A_108, %dma_wait3A_109] : memref<100000x56xf32, #tpu.memory_space<hbm>> -> memref<100000x56xf32, #tpu.memory_space<hbm>>
      tpu.wait_indirect_dma semaphore(%arg16 : memref<!tpu.dma_semaphore, #tpu.memory_space<semaphore_mem>>) src(%dma_wait3A_110 : memref<100000x56xf32, #tpu.memory_space<hbm>>) dst(%dma_wait3A_105 : memref<400x56xf32, #tpu.memory_space<vmem>>)
      %dma_wait3A_111 = arith.constant 0 : i32
      %dma_wait3A_112 = arith.constant 0 : i32
      %dma_wait3A_113 = tpu.memref_slice %arg2[%dma_wait3A_111, %dma_wait3A_112] : memref<4000x1200xi32, #tpu.memory_space<hbm>> -> memref<1x1200xi32, #tpu.memory_space<hbm>>
      %dma_wait3A_114 = tpu.memref_squeeze %dma_wait3A_113 : memref<1x1200xi32, #tpu.memory_space<hbm>> -> memref<1200xi32, #tpu.memory_space<hbm>>
      %dma_wait3A_115 = arith.constant 0 : i32
      %dma_wait3A_116 = tpu.memref_slice %arg2[%dma_wait3A_111, %dma_wait3A_115] : memref<4000x1200xi32, #tpu.memory_space<hbm>> -> memref<1x1200xi32, #tpu.memory_space<hbm>>
      %dma_wait3A_117 = tpu.memref_squeeze %dma_wait3A_116 : memref<1x1200xi32, #tpu.memory_space<hbm>> -> memref<1200xi32, #tpu.memory_space<hbm>>
      tpu.wait_dma2 semaphore(%arg15 : memref<!tpu.dma_semaphore, #tpu.memory_space<semaphore_mem>>) src(%dma_wait3A_117 : memref<1200xi32, #tpu.memory_space<hbm>>) dst(%arg7 : memref<1200xi32, #tpu.memory_space<vmem>>)
      %dma_start3A_118 = arith.constant 0 : i32
      %dma_start3A_119 = arith.constant 0 : i32
      %dma_start3A_120 = tpu.memref_slice %arg9[%dma_start3A_118, %dma_start3A_119] : memref<800x56xf32, #tpu.memory_space<vmem>> -> memref<400x56xf32, #tpu.memory_space<vmem>>
      %dma_start3A_121 = arith.constant 0 : i32
      %dma_start3A_122 = tpu.memref_slice %arg7[%dma_start3A_121] : memref<1200xi32, #tpu.memory_space<vmem>> -> memref<400xi32, #tpu.memory_space<vmem>>
      %dma_start3A_123 = arith.constant 0 : i32
      %dma_start3A_124 = arith.constant 0 : i32
      %dma_start3A_125 = tpu.memref_slice %arg3[%dma_start3A_123, %dma_start3A_124] : memref<100000x56xf32, #tpu.memory_space<hbm>> -> memref<100000x56xf32, #tpu.memory_space<hbm>>
      tpu.enqueue_indirect_dma source(%dma_start3A_125 : memref<100000x56xf32, #tpu.memory_space<hbm>>) target(%dma_start3A_120 : memref<400x56xf32, #tpu.memory_space<vmem>>) offsets(%dma_start3A_122 : memref<400xi32, #tpu.memory_space<vmem>>) semaphore(%arg17 : memref<!tpu.dma_semaphore, #tpu.memory_space<semaphore_mem>>)
      %dma_start3A_126 = arith.constant 400 : i32
      %dma_start3A_127 = arith.constant 0 : i32
      %dma_start3A_128 = tpu.memref_slice %arg9[%dma_start3A_126, %dma_start3A_127] : memref<800x56xf32, #tpu.memory_space<vmem>> -> memref<400x56xf32, #tpu.memory_space<vmem>>
      %dma_start3A_129 = arith.constant 400 : i32
      %dma_start3A_130 = tpu.memref_slice %arg7[%dma_start3A_129] : memref<1200xi32, #tpu.memory_space<vmem>> -> memref<400xi32, #tpu.memory_space<vmem>>
      %dma_start3A_131 = arith.constant 0 : i32
      %dma_start3A_132 = arith.constant 0 : i32
      %dma_start3A_133 = tpu.memref_slice %arg3[%dma_start3A_131, %dma_start3A_132] : memref<100000x56xf32, #tpu.memory_space<hbm>> -> memref<100000x56xf32, #tpu.memory_space<hbm>>
      tpu.enqueue_indirect_dma source(%dma_start3A_133 : memref<100000x56xf32, #tpu.memory_space<hbm>>) target(%dma_start3A_128 : memref<400x56xf32, #tpu.memory_space<vmem>>) offsets(%dma_start3A_130 : memref<400xi32, #tpu.memory_space<vmem>>) semaphore(%arg17 : memref<!tpu.dma_semaphore, #tpu.memory_space<semaphore_mem>>)
      %gt3A = arith.constant 0 : i32
      %gt3A_134 = arith.cmpi sgt, %scan3A_92, %gt3A : i32
      %convert_element_type3A = arith.extui %gt3A_134 : i1 to i32
      %cond3A = arith.constant 0 : i32
      %cond3A_135 = arith.cmpi ne, %convert_element_type3A, %cond3A : i32
      scf.if %cond3A_135 {
        %dma_wait3A_241 = arith.constant 0 : i32
        %dma_wait3A_242 = tpu.memref_slice %arg5[%dma_wait3A_241] : memref<1600000xf32, #tpu.memory_space<hbm>> -> memref<400xf32, #tpu.memory_space<hbm>>
        %dma_wait3A_243 = arith.constant 0 : i32
        %dma_wait3A_244 = tpu.memref_slice %arg5[%dma_wait3A_243] : memref<1600000xf32, #tpu.memory_space<hbm>> -> memref<400xf32, #tpu.memory_space<hbm>>
        tpu.wait_dma2 semaphore(%arg18 : memref<!tpu.dma_semaphore, #tpu.memory_space<semaphore_mem>>) src(%arg12 : memref<400xf32, #tpu.memory_space<vmem>>) dst(%dma_wait3A_244 : memref<400xf32, #tpu.memory_space<hbm>>)
      } else {
      }
      %broadcast_in_dim3A_136 = arith.constant 0.000000e+00 : f32
      %broadcast_in_dim3A_137 = vector.broadcast %broadcast_in_dim3A_136 : f32 to vector<16xf32>
      %shift_right_arithmetic3A_138 = arith.constant 2 : i32
      %shift_right_arithmetic3A_139 = vector.broadcast %shift_right_arithmetic3A_138 : i32 to vector<16xi32>
      %shift_right_arithmetic3A_140 = arith.shrsi %iota3A, %shift_right_arithmetic3A_139 : vector<16xi32>
      %and3A_141 = arith.constant 3 : i32
      %and3A_142 = vector.broadcast %and3A_141 : i32 to vector<16xi32>
      %and3A_143 = arith.andi %iota3A, %and3A_142 : vector<16xi32>
      %scan3A_144 = arith.constant 0 : i32
      %scan3A_145 = arith.constant 0 : i32
      %scan3A_146 = arith.constant 25 : i32
      %scan3A_147 = arith.addi %scan3A_145, %scan3A_146 : i32
      %scan3A_148 = arith.constant 1 : i32
      scf.for %scan3A_241 = %scan3A_145 to %scan3A_147 step %scan3A_148  : i32 {
        %mul3A_242 = arith.constant 16 : i32
        %mul3A_243 = arith.muli %scan3A_241, %mul3A_242 : i32
        %add3A_244 = arith.constant 0 : i32
        %add3A_245 = arith.addi %mul3A_243, %add3A_244 : i32
        %add3A_246 = vector.broadcast %add3A_245 : i32 to vector<16xi32>
        %add3A_247 = arith.addi %add3A_246, %shift_right_arithmetic3A_140 : vector<16xi32>
        %add3A_248 = arith.constant 400 : i32
        %add3A_249 = vector.broadcast %add3A_248 : i32 to vector<16xi32>
        %add3A_250 = arith.addi %add3A_249, %add3A_247 : vector<16xi32>
        %add3A_251 = arith.constant 800 : i32
        %add3A_252 = vector.broadcast %add3A_251 : i32 to vector<16xi32>
        %add3A_253 = arith.addi %add3A_252, %add3A_247 : vector<16xi32>
        %gather3A = tpu.vector_load_idx %arg6[%add3A_253] : memref<1200xi32, #tpu.memory_space<vmem>>[vector<16xi32>], vector<16xi32>,
        %gather3A_254 = tpu.vector_load_idx %arg8[%add3A_247, %and3A_143] : memref<800x56xf32, #tpu.memory_space<vmem>>[vector<16xi32>, vector<16xi32>], vector<16xf32>,
        %gather3A_255 = tpu.vector_load_idx %arg8[%add3A_250, %and3A_143] : memref<800x56xf32, #tpu.memory_space<vmem>>[vector<16xi32>, vector<16xi32>], vector<16xf32>,
        %gather3A_256 = tpu.vector_load_idx %arg10[%gather3A, %and3A_143] : memref<237x56xf32, #tpu.memory_space<vmem>>[vector<16xi32>, vector<16xi32>], vector<16xf32>,
        %mul3A_257 = arith.mulf %gather3A_254, %gather3A_256 : vector<16xf32>
        %mul3A_258 = arith.mulf %mul3A_257, %gather3A_255 : vector<16xf32>
        %add3A_259 = arith.addf %broadcast_in_dim3A_137, %mul3A_258 : vector<16xf32>
        %add3A_260 = arith.constant 4 : i32
        %add3A_261 = vector.broadcast %add3A_260 : i32 to vector<16xi32>
        %add3A_262 = arith.addi %and3A_143, %add3A_261 : vector<16xi32>
        %gather3A_263 = tpu.vector_load_idx %arg8[%add3A_247, %add3A_262] : memref<800x56xf32, #tpu.memory_space<vmem>>[vector<16xi32>, vector<16xi32>], vector<16xf32>,
        %gather3A_264 = tpu.vector_load_idx %arg8[%add3A_250, %add3A_262] : memref<800x56xf32, #tpu.memory_space<vmem>>[vector<16xi32>, vector<16xi32>], vector<16xf32>,
        %gather3A_265 = tpu.vector_load_idx %arg10[%gather3A, %add3A_262] : memref<237x56xf32, #tpu.memory_space<vmem>>[vector<16xi32>, vector<16xi32>], vector<16xf32>,
        %mul3A_266 = arith.mulf %gather3A_263, %gather3A_265 : vector<16xf32>
        %mul3A_267 = arith.mulf %mul3A_266, %gather3A_264 : vector<16xf32>
        %add3A_268 = arith.addf %broadcast_in_dim3A_137, %mul3A_267 : vector<16xf32>
        %add3A_269 = arith.constant 4 : i32
        %add3A_270 = vector.broadcast %add3A_269 : i32 to vector<16xi32>
        %add3A_271 = arith.addi %add3A_262, %add3A_270 : vector<16xi32>
        %gather3A_272 = tpu.vector_load_idx %arg8[%add3A_247, %add3A_271] : memref<800x56xf32, #tpu.memory_space<vmem>>[vector<16xi32>, vector<16xi32>], vector<16xf32>,
        %gather3A_273 = tpu.vector_load_idx %arg8[%add3A_250, %add3A_271] : memref<800x56xf32, #tpu.memory_space<vmem>>[vector<16xi32>, vector<16xi32>], vector<16xf32>,
        %gather3A_274 = tpu.vector_load_idx %arg10[%gather3A, %add3A_271] : memref<237x56xf32, #tpu.memory_space<vmem>>[vector<16xi32>, vector<16xi32>], vector<16xf32>,
        %mul3A_275 = arith.mulf %gather3A_272, %gather3A_274 : vector<16xf32>
        %mul3A_276 = arith.mulf %mul3A_275, %gather3A_273 : vector<16xf32>
        %add3A_277 = arith.addf %add3A_259, %mul3A_276 : vector<16xf32>
        %add3A_278 = arith.constant 4 : i32
        %add3A_279 = vector.broadcast %add3A_278 : i32 to vector<16xi32>
        %add3A_280 = arith.addi %add3A_271, %add3A_279 : vector<16xi32>
        %gather3A_281 = tpu.vector_load_idx %arg8[%add3A_247, %add3A_280] : memref<800x56xf32, #tpu.memory_space<vmem>>[vector<16xi32>, vector<16xi32>], vector<16xf32>,
        %gather3A_282 = tpu.vector_load_idx %arg8[%add3A_250, %add3A_280] : memref<800x56xf32, #tpu.memory_space<vmem>>[vector<16xi32>, vector<16xi32>], vector<16xf32>,
        %gather3A_283 = tpu.vector_load_idx %arg10[%gather3A, %add3A_280] : memref<237x56xf32, #tpu.memory_space<vmem>>[vector<16xi32>, vector<16xi32>], vector<16xf32>,
        %mul3A_284 = arith.mulf %gather3A_281, %gather3A_283 : vector<16xf32>
        %mul3A_285 = arith.mulf %mul3A_284, %gather3A_282 : vector<16xf32>
        %add3A_286 = arith.addf %add3A_268, %mul3A_285 : vector<16xf32>
        %add3A_287 = arith.constant 4 : i32
        %add3A_288 = vector.broadcast %add3A_287 : i32 to vector<16xi32>
        %add3A_289 = arith.addi %add3A_280, %add3A_288 : vector<16xi32>
        %gather3A_290 = tpu.vector_load_idx %arg8[%add3A_247, %add3A_289] : memref<800x56xf32, #tpu.memory_space<vmem>>[vector<16xi32>, vector<16xi32>], vector<16xf32>,
        %gather3A_291 = tpu.vector_load_idx %arg8[%add3A_250, %add3A_289] : memref<800x56xf32, #tpu.memory_space<vmem>>[vector<16xi32>, vector<16xi32>], vector<16xf32>,
        %gather3A_292 = tpu.vector_load_idx %arg10[%gather3A, %add3A_289] : memref<237x56xf32, #tpu.memory_space<vmem>>[vector<16xi32>, vector<16xi32>], vector<16xf32>,
        %mul3A_293 = arith.mulf %gather3A_290, %gather3A_292 : vector<16xf32>
        %mul3A_294 = arith.mulf %mul3A_293, %gather3A_291 : vector<16xf32>
        %add3A_295 = arith.addf %add3A_277, %mul3A_294 : vector<16xf32>
        %add3A_296 = arith.constant 4 : i32
        %add3A_297 = vector.broadcast %add3A_296 : i32 to vector<16xi32>
        %add3A_298 = arith.addi %add3A_289, %add3A_297 : vector<16xi32>
        %gather3A_299 = tpu.vector_load_idx %arg8[%add3A_247, %add3A_298] : memref<800x56xf32, #tpu.memory_space<vmem>>[vector<16xi32>, vector<16xi32>], vector<16xf32>,
        %gather3A_300 = tpu.vector_load_idx %arg8[%add3A_250, %add3A_298] : memref<800x56xf32, #tpu.memory_space<vmem>>[vector<16xi32>, vector<16xi32>], vector<16xf32>,
        %gather3A_301 = tpu.vector_load_idx %arg10[%gather3A, %add3A_298] : memref<237x56xf32, #tpu.memory_space<vmem>>[vector<16xi32>, vector<16xi32>], vector<16xf32>,
        %mul3A_302 = arith.mulf %gather3A_299, %gather3A_301 : vector<16xf32>
        %mul3A_303 = arith.mulf %mul3A_302, %gather3A_300 : vector<16xf32>
        %add3A_304 = arith.addf %add3A_286, %mul3A_303 : vector<16xf32>
        %add3A_305 = arith.constant 4 : i32
        %add3A_306 = vector.broadcast %add3A_305 : i32 to vector<16xi32>
        %add3A_307 = arith.addi %add3A_298, %add3A_306 : vector<16xi32>
        %gather3A_308 = tpu.vector_load_idx %arg8[%add3A_247, %add3A_307] : memref<800x56xf32, #tpu.memory_space<vmem>>[vector<16xi32>, vector<16xi32>], vector<16xf32>,
        %gather3A_309 = tpu.vector_load_idx %arg8[%add3A_250, %add3A_307] : memref<800x56xf32, #tpu.memory_space<vmem>>[vector<16xi32>, vector<16xi32>], vector<16xf32>,
        %gather3A_310 = tpu.vector_load_idx %arg10[%gather3A, %add3A_307] : memref<237x56xf32, #tpu.memory_space<vmem>>[vector<16xi32>, vector<16xi32>], vector<16xf32>,
        %mul3A_311 = arith.mulf %gather3A_308, %gather3A_310 : vector<16xf32>
        %mul3A_312 = arith.mulf %mul3A_311, %gather3A_309 : vector<16xf32>
        %add3A_313 = arith.addf %add3A_295, %mul3A_312 : vector<16xf32>
        %add3A_314 = arith.constant 4 : i32
        %add3A_315 = vector.broadcast %add3A_314 : i32 to vector<16xi32>
        %add3A_316 = arith.addi %add3A_307, %add3A_315 : vector<16xi32>
        %gather3A_317 = tpu.vector_load_idx %arg8[%add3A_247, %add3A_316] : memref<800x56xf32, #tpu.memory_space<vmem>>[vector<16xi32>, vector<16xi32>], vector<16xf32>,
        %gather3A_318 = tpu.vector_load_idx %arg8[%add3A_250, %add3A_316] : memref<800x56xf32, #tpu.memory_space<vmem>>[vector<16xi32>, vector<16xi32>], vector<16xf32>,
        %gather3A_319 = tpu.vector_load_idx %arg10[%gather3A, %add3A_316] : memref<237x56xf32, #tpu.memory_space<vmem>>[vector<16xi32>, vector<16xi32>], vector<16xf32>,
        %mul3A_320 = arith.mulf %gather3A_317, %gather3A_319 : vector<16xf32>
        %mul3A_321 = arith.mulf %mul3A_320, %gather3A_318 : vector<16xf32>
        %add3A_322 = arith.addf %add3A_304, %mul3A_321 : vector<16xf32>
        %add3A_323 = arith.constant 4 : i32
        %add3A_324 = vector.broadcast %add3A_323 : i32 to vector<16xi32>
        %add3A_325 = arith.addi %add3A_316, %add3A_324 : vector<16xi32>
        %gather3A_326 = tpu.vector_load_idx %arg8[%add3A_247, %add3A_325] : memref<800x56xf32, #tpu.memory_space<vmem>>[vector<16xi32>, vector<16xi32>], vector<16xf32>,
        %gather3A_327 = tpu.vector_load_idx %arg8[%add3A_250, %add3A_325] : memref<800x56xf32, #tpu.memory_space<vmem>>[vector<16xi32>, vector<16xi32>], vector<16xf32>,
        %gather3A_328 = tpu.vector_load_idx %arg10[%gather3A, %add3A_325] : memref<237x56xf32, #tpu.memory_space<vmem>>[vector<16xi32>, vector<16xi32>], vector<16xf32>,
        %mul3A_329 = arith.mulf %gather3A_326, %gather3A_328 : vector<16xf32>
        %mul3A_330 = arith.mulf %mul3A_329, %gather3A_327 : vector<16xf32>
        %add3A_331 = arith.addf %add3A_313, %mul3A_330 : vector<16xf32>
        %add3A_332 = arith.constant 4 : i32
        %add3A_333 = vector.broadcast %add3A_332 : i32 to vector<16xi32>
        %add3A_334 = arith.addi %add3A_325, %add3A_333 : vector<16xi32>
        %gather3A_335 = tpu.vector_load_idx %arg8[%add3A_247, %add3A_334] : memref<800x56xf32, #tpu.memory_space<vmem>>[vector<16xi32>, vector<16xi32>], vector<16xf32>,
        %gather3A_336 = tpu.vector_load_idx %arg8[%add3A_250, %add3A_334] : memref<800x56xf32, #tpu.memory_space<vmem>>[vector<16xi32>, vector<16xi32>], vector<16xf32>,
        %gather3A_337 = tpu.vector_load_idx %arg10[%gather3A, %add3A_334] : memref<237x56xf32, #tpu.memory_space<vmem>>[vector<16xi32>, vector<16xi32>], vector<16xf32>,
        %mul3A_338 = arith.mulf %gather3A_335, %gather3A_337 : vector<16xf32>
        %mul3A_339 = arith.mulf %mul3A_338, %gather3A_336 : vector<16xf32>
        %add3A_340 = arith.addf %add3A_322, %mul3A_339 : vector<16xf32>
        %add3A_341 = arith.constant 4 : i32
        %add3A_342 = vector.broadcast %add3A_341 : i32 to vector<16xi32>
        %add3A_343 = arith.addi %add3A_334, %add3A_342 : vector<16xi32>
        %gather3A_344 = tpu.vector_load_idx %arg8[%add3A_247, %add3A_343] : memref<800x56xf32, #tpu.memory_space<vmem>>[vector<16xi32>, vector<16xi32>], vector<16xf32>,
        %gather3A_345 = tpu.vector_load_idx %arg8[%add3A_250, %add3A_343] : memref<800x56xf32, #tpu.memory_space<vmem>>[vector<16xi32>, vector<16xi32>], vector<16xf32>,
        %gather3A_346 = tpu.vector_load_idx %arg10[%gather3A, %add3A_343] : memref<237x56xf32, #tpu.memory_space<vmem>>[vector<16xi32>, vector<16xi32>], vector<16xf32>,
        %mul3A_347 = arith.mulf %gather3A_344, %gather3A_346 : vector<16xf32>
        %mul3A_348 = arith.mulf %mul3A_347, %gather3A_345 : vector<16xf32>
        %add3A_349 = arith.addf %add3A_331, %mul3A_348 : vector<16xf32>
        %add3A_350 = arith.constant 4 : i32
        %add3A_351 = vector.broadcast %add3A_350 : i32 to vector<16xi32>
        %add3A_352 = arith.addi %add3A_343, %add3A_351 : vector<16xi32>
        %gather3A_353 = tpu.vector_load_idx %arg8[%add3A_247, %add3A_352] : memref<800x56xf32, #tpu.memory_space<vmem>>[vector<16xi32>, vector<16xi32>], vector<16xf32>,
        %gather3A_354 = tpu.vector_load_idx %arg8[%add3A_250, %add3A_352] : memref<800x56xf32, #tpu.memory_space<vmem>>[vector<16xi32>, vector<16xi32>], vector<16xf32>,
        %gather3A_355 = tpu.vector_load_idx %arg10[%gather3A, %add3A_352] : memref<237x56xf32, #tpu.memory_space<vmem>>[vector<16xi32>, vector<16xi32>], vector<16xf32>,
        %mul3A_356 = arith.mulf %gather3A_353, %gather3A_355 : vector<16xf32>
        %mul3A_357 = arith.mulf %mul3A_356, %gather3A_354 : vector<16xf32>
        %add3A_358 = arith.addf %add3A_340, %mul3A_357 : vector<16xf32>
        %add3A_359 = arith.constant 4 : i32
        %add3A_360 = vector.broadcast %add3A_359 : i32 to vector<16xi32>
        %add3A_361 = arith.addi %add3A_352, %add3A_360 : vector<16xi32>
        %gather3A_362 = tpu.vector_load_idx %arg8[%add3A_247, %add3A_361] : memref<800x56xf32, #tpu.memory_space<vmem>>[vector<16xi32>, vector<16xi32>], vector<16xf32>,
        %gather3A_363 = tpu.vector_load_idx %arg8[%add3A_250, %add3A_361] : memref<800x56xf32, #tpu.memory_space<vmem>>[vector<16xi32>, vector<16xi32>], vector<16xf32>,
        %gather3A_364 = tpu.vector_load_idx %arg10[%gather3A, %add3A_361] : memref<237x56xf32, #tpu.memory_space<vmem>>[vector<16xi32>, vector<16xi32>], vector<16xf32>,
        %mul3A_365 = arith.mulf %gather3A_362, %gather3A_364 : vector<16xf32>
        %mul3A_366 = arith.mulf %mul3A_365, %gather3A_363 : vector<16xf32>
        %add3A_367 = arith.addf %add3A_349, %mul3A_366 : vector<16xf32>
        %add3A_368 = arith.constant 4 : i32
        %add3A_369 = vector.broadcast %add3A_368 : i32 to vector<16xi32>
        %add3A_370 = arith.addi %add3A_361, %add3A_369 : vector<16xi32>
        %gather3A_371 = tpu.vector_load_idx %arg8[%add3A_247, %add3A_370] : memref<800x56xf32, #tpu.memory_space<vmem>>[vector<16xi32>, vector<16xi32>], vector<16xf32>,
        %gather3A_372 = tpu.vector_load_idx %arg8[%add3A_250, %add3A_370] : memref<800x56xf32, #tpu.memory_space<vmem>>[vector<16xi32>, vector<16xi32>], vector<16xf32>,
        %gather3A_373 = tpu.vector_load_idx %arg10[%gather3A, %add3A_370] : memref<237x56xf32, #tpu.memory_space<vmem>>[vector<16xi32>, vector<16xi32>], vector<16xf32>,
        %mul3A_374 = arith.mulf %gather3A_371, %gather3A_373 : vector<16xf32>
        %mul3A_375 = arith.mulf %mul3A_374, %gather3A_372 : vector<16xf32>
        %add3A_376 = arith.addf %add3A_358, %mul3A_375 : vector<16xf32>
        %add3A_377 = arith.constant 4 : i32
        %add3A_378 = vector.broadcast %add3A_377 : i32 to vector<16xi32>
        %add3A_379 = arith.addi %add3A_370, %add3A_378 : vector<16xi32>
        %add3A_380 = arith.addf %add3A_367, %add3A_376 : vector<16xf32>
        %swap3A = arith.constant 0 : index
        %swap3A_381 = tpu.vector_load %arg11[%swap3A] {strides = array<i32>} : memref<64xf32, #tpu.memory_space<vmem>>, vector<16xf32>,
        tpu.vector_store %arg11[%swap3A], %add3A_380 {strides = array<i32>} : memref<64xf32, #tpu.memory_space<vmem>>, vector<16xf32>,
        %mul3A_382 = arith.constant 16 : i32
        %mul3A_383 = arith.muli %scan3A_241, %mul3A_382 : i32
        %add3A_384 = arith.constant 4 : i32
        %add3A_385 = arith.addi %mul3A_383, %add3A_384 : i32
        %add3A_386 = vector.broadcast %add3A_385 : i32 to vector<16xi32>
        %add3A_387 = arith.addi %add3A_386, %shift_right_arithmetic3A_140 : vector<16xi32>
        %add3A_388 = arith.constant 400 : i32
        %add3A_389 = vector.broadcast %add3A_388 : i32 to vector<16xi32>
        %add3A_390 = arith.addi %add3A_389, %add3A_387 : vector<16xi32>
        %add3A_391 = arith.constant 800 : i32
        %add3A_392 = vector.broadcast %add3A_391 : i32 to vector<16xi32>
        %add3A_393 = arith.addi %add3A_392, %add3A_387 : vector<16xi32>
        %gather3A_394 = tpu.vector_load_idx %arg6[%add3A_393] : memref<1200xi32, #tpu.memory_space<vmem>>[vector<16xi32>], vector<16xi32>,
        %gather3A_395 = tpu.vector_load_idx %arg8[%add3A_387, %and3A_143] : memref<800x56xf32, #tpu.memory_space<vmem>>[vector<16xi32>, vector<16xi32>], vector<16xf32>,
        %gather3A_396 = tpu.vector_load_idx %arg8[%add3A_390, %and3A_143] : memref<800x56xf32, #tpu.memory_space<vmem>>[vector<16xi32>, vector<16xi32>], vector<16xf32>,
        %gather3A_397 = tpu.vector_load_idx %arg10[%gather3A_394, %and3A_143] : memref<237x56xf32, #tpu.memory_space<vmem>>[vector<16xi32>, vector<16xi32>], vector<16xf32>,
        %mul3A_398 = arith.mulf %gather3A_395, %gather3A_397 : vector<16xf32>
        %mul3A_399 = arith.mulf %mul3A_398, %gather3A_396 : vector<16xf32>
        %add3A_400 = arith.addf %broadcast_in_dim3A_137, %mul3A_399 : vector<16xf32>
        %add3A_401 = arith.constant 4 : i32
        %add3A_402 = vector.broadcast %add3A_401 : i32 to vector<16xi32>
        %add3A_403 = arith.addi %and3A_143, %add3A_402 : vector<16xi32>
        %gather3A_404 = tpu.vector_load_idx %arg8[%add3A_387, %add3A_403] : memref<800x56xf32, #tpu.memory_space<vmem>>[vector<16xi32>, vector<16xi32>], vector<16xf32>,
        %gather3A_405 = tpu.vector_load_idx %arg8[%add3A_390, %add3A_403] : memref<800x56xf32, #tpu.memory_space<vmem>>[vector<16xi32>, vector<16xi32>], vector<16xf32>,
        %gather3A_406 = tpu.vector_load_idx %arg10[%gather3A_394, %add3A_403] : memref<237x56xf32, #tpu.memory_space<vmem>>[vector<16xi32>, vector<16xi32>], vector<16xf32>,
        %mul3A_407 = arith.mulf %gather3A_404, %gather3A_406 : vector<16xf32>
        %mul3A_408 = arith.mulf %mul3A_407, %gather3A_405 : vector<16xf32>
        %add3A_409 = arith.addf %broadcast_in_dim3A_137, %mul3A_408 : vector<16xf32>
        %add3A_410 = arith.constant 4 : i32
        %add3A_411 = vector.broadcast %add3A_410 : i32 to vector<16xi32>
        %add3A_412 = arith.addi %add3A_403, %add3A_411 : vector<16xi32>
        %gather3A_413 = tpu.vector_load_idx %arg8[%add3A_387, %add3A_412] : memref<800x56xf32, #tpu.memory_space<vmem>>[vector<16xi32>, vector<16xi32>], vector<16xf32>,
        %gather3A_414 = tpu.vector_load_idx %arg8[%add3A_390, %add3A_412] : memref<800x56xf32, #tpu.memory_space<vmem>>[vector<16xi32>, vector<16xi32>], vector<16xf32>,
        %gather3A_415 = tpu.vector_load_idx %arg10[%gather3A_394, %add3A_412] : memref<237x56xf32, #tpu.memory_space<vmem>>[vector<16xi32>, vector<16xi32>], vector<16xf32>,
        %mul3A_416 = arith.mulf %gather3A_413, %gather3A_415 : vector<16xf32>
        %mul3A_417 = arith.mulf %mul3A_416, %gather3A_414 : vector<16xf32>
        %add3A_418 = arith.addf %add3A_400, %mul3A_417 : vector<16xf32>
        %add3A_419 = arith.constant 4 : i32
        %add3A_420 = vector.broadcast %add3A_419 : i32 to vector<16xi32>
        %add3A_421 = arith.addi %add3A_412, %add3A_420 : vector<16xi32>
        %gather3A_422 = tpu.vector_load_idx %arg8[%add3A_387, %add3A_421] : memref<800x56xf32, #tpu.memory_space<vmem>>[vector<16xi32>, vector<16xi32>], vector<16xf32>,
        %gather3A_423 = tpu.vector_load_idx %arg8[%add3A_390, %add3A_421] : memref<800x56xf32, #tpu.memory_space<vmem>>[vector<16xi32>, vector<16xi32>], vector<16xf32>,
        %gather3A_424 = tpu.vector_load_idx %arg10[%gather3A_394, %add3A_421] : memref<237x56xf32, #tpu.memory_space<vmem>>[vector<16xi32>, vector<16xi32>], vector<16xf32>,
        %mul3A_425 = arith.mulf %gather3A_422, %gather3A_424 : vector<16xf32>
        %mul3A_426 = arith.mulf %mul3A_425, %gather3A_423 : vector<16xf32>
        %add3A_427 = arith.addf %add3A_409, %mul3A_426 : vector<16xf32>
        %add3A_428 = arith.constant 4 : i32
        %add3A_429 = vector.broadcast %add3A_428 : i32 to vector<16xi32>
        %add3A_430 = arith.addi %add3A_421, %add3A_429 : vector<16xi32>
        %gather3A_431 = tpu.vector_load_idx %arg8[%add3A_387, %add3A_430] : memref<800x56xf32, #tpu.memory_space<vmem>>[vector<16xi32>, vector<16xi32>], vector<16xf32>,
        %gather3A_432 = tpu.vector_load_idx %arg8[%add3A_390, %add3A_430] : memref<800x56xf32, #tpu.memory_space<vmem>>[vector<16xi32>, vector<16xi32>], vector<16xf32>,
        %gather3A_433 = tpu.vector_load_idx %arg10[%gather3A_394, %add3A_430] : memref<237x56xf32, #tpu.memory_space<vmem>>[vector<16xi32>, vector<16xi32>], vector<16xf32>,
        %mul3A_434 = arith.mulf %gather3A_431, %gather3A_433 : vector<16xf32>
        %mul3A_435 = arith.mulf %mul3A_434, %gather3A_432 : vector<16xf32>
        %add3A_436 = arith.addf %add3A_418, %mul3A_435 : vector<16xf32>
        %add3A_437 = arith.constant 4 : i32
        %add3A_438 = vector.broadcast %add3A_437 : i32 to vector<16xi32>
        %add3A_439 = arith.addi %add3A_430, %add3A_438 : vector<16xi32>
        %gather3A_440 = tpu.vector_load_idx %arg8[%add3A_387, %add3A_439] : memref<800x56xf32, #tpu.memory_space<vmem>>[vector<16xi32>, vector<16xi32>], vector<16xf32>,
        %gather3A_441 = tpu.vector_load_idx %arg8[%add3A_390, %add3A_439] : memref<800x56xf32, #tpu.memory_space<vmem>>[vector<16xi32>, vector<16xi32>], vector<16xf32>,
        %gather3A_442 = tpu.vector_load_idx %arg10[%gather3A_394, %add3A_439] : memref<237x56xf32, #tpu.memory_space<vmem>>[vector<16xi32>, vector<16xi32>], vector<16xf32>,
        %mul3A_443 = arith.mulf %gather3A_440, %gather3A_442 : vector<16xf32>
        %mul3A_444 = arith.mulf %mul3A_443, %gather3A_441 : vector<16xf32>
        %add3A_445 = arith.addf %add3A_427, %mul3A_444 : vector<16xf32>
        %add3A_446 = arith.constant 4 : i32
        %add3A_447 = vector.broadcast %add3A_446 : i32 to vector<16xi32>
        %add3A_448 = arith.addi %add3A_439, %add3A_447 : vector<16xi32>
        %gather3A_449 = tpu.vector_load_idx %arg8[%add3A_387, %add3A_448] : memref<800x56xf32, #tpu.memory_space<vmem>>[vector<16xi32>, vector<16xi32>], vector<16xf32>,
        %gather3A_450 = tpu.vector_load_idx %arg8[%add3A_390, %add3A_448] : memref<800x56xf32, #tpu.memory_space<vmem>>[vector<16xi32>, vector<16xi32>], vector<16xf32>,
        %gather3A_451 = tpu.vector_load_idx %arg10[%gather3A_394, %add3A_448] : memref<237x56xf32, #tpu.memory_space<vmem>>[vector<16xi32>, vector<16xi32>], vector<16xf32>,
        %mul3A_452 = arith.mulf %gather3A_449, %gather3A_451 : vector<16xf32>
        %mul3A_453 = arith.mulf %mul3A_452, %gather3A_450 : vector<16xf32>
        %add3A_454 = arith.addf %add3A_436, %mul3A_453 : vector<16xf32>
        %add3A_455 = arith.constant 4 : i32
        %add3A_456 = vector.broadcast %add3A_455 : i32 to vector<16xi32>
        %add3A_457 = arith.addi %add3A_448, %add3A_456 : vector<16xi32>
        %gather3A_458 = tpu.vector_load_idx %arg8[%add3A_387, %add3A_457] : memref<800x56xf32, #tpu.memory_space<vmem>>[vector<16xi32>, vector<16xi32>], vector<16xf32>,
        %gather3A_459 = tpu.vector_load_idx %arg8[%add3A_390, %add3A_457] : memref<800x56xf32, #tpu.memory_space<vmem>>[vector<16xi32>, vector<16xi32>], vector<16xf32>,
        %gather3A_460 = tpu.vector_load_idx %arg10[%gather3A_394, %add3A_457] : memref<237x56xf32, #tpu.memory_space<vmem>>[vector<16xi32>, vector<16xi32>], vector<16xf32>,
        %mul3A_461 = arith.mulf %gather3A_458, %gather3A_460 : vector<16xf32>
        %mul3A_462 = arith.mulf %mul3A_461, %gather3A_459 : vector<16xf32>
        %add3A_463 = arith.addf %add3A_445, %mul3A_462 : vector<16xf32>
        %add3A_464 = arith.constant 4 : i32
        %add3A_465 = vector.broadcast %add3A_464 : i32 to vector<16xi32>
        %add3A_466 = arith.addi %add3A_457, %add3A_465 : vector<16xi32>
        %gather3A_467 = tpu.vector_load_idx %arg8[%add3A_387, %add3A_466] : memref<800x56xf32, #tpu.memory_space<vmem>>[vector<16xi32>, vector<16xi32>], vector<16xf32>,
        %gather3A_468 = tpu.vector_load_idx %arg8[%add3A_390, %add3A_466] : memref<800x56xf32, #tpu.memory_space<vmem>>[vector<16xi32>, vector<16xi32>], vector<16xf32>,
        %gather3A_469 = tpu.vector_load_idx %arg10[%gather3A_394, %add3A_466] : memref<237x56xf32, #tpu.memory_space<vmem>>[vector<16xi32>, vector<16xi32>], vector<16xf32>,
        %mul3A_470 = arith.mulf %gather3A_467, %gather3A_469 : vector<16xf32>
        %mul3A_471 = arith.mulf %mul3A_470, %gather3A_468 : vector<16xf32>
        %add3A_472 = arith.addf %add3A_454, %mul3A_471 : vector<16xf32>
        %add3A_473 = arith.constant 4 : i32
        %add3A_474 = vector.broadcast %add3A_473 : i32 to vector<16xi32>
        %add3A_475 = arith.addi %add3A_466, %add3A_474 : vector<16xi32>
        %gather3A_476 = tpu.vector_load_idx %arg8[%add3A_387, %add3A_475] : memref<800x56xf32, #tpu.memory_space<vmem>>[vector<16xi32>, vector<16xi32>], vector<16xf32>,
        %gather3A_477 = tpu.vector_load_idx %arg8[%add3A_390, %add3A_475] : memref<800x56xf32, #tpu.memory_space<vmem>>[vector<16xi32>, vector<16xi32>], vector<16xf32>,
        %gather3A_478 = tpu.vector_load_idx %arg10[%gather3A_394, %add3A_475] : memref<237x56xf32, #tpu.memory_space<vmem>>[vector<16xi32>, vector<16xi32>], vector<16xf32>,
        %mul3A_479 = arith.mulf %gather3A_476, %gather3A_478 : vector<16xf32>
        %mul3A_480 = arith.mulf %mul3A_479, %gather3A_477 : vector<16xf32>
        %add3A_481 = arith.addf %add3A_463, %mul3A_480 : vector<16xf32>
        %add3A_482 = arith.constant 4 : i32
        %add3A_483 = vector.broadcast %add3A_482 : i32 to vector<16xi32>
        %add3A_484 = arith.addi %add3A_475, %add3A_483 : vector<16xi32>
        %gather3A_485 = tpu.vector_load_idx %arg8[%add3A_387, %add3A_484] : memref<800x56xf32, #tpu.memory_space<vmem>>[vector<16xi32>, vector<16xi32>], vector<16xf32>,
        %gather3A_486 = tpu.vector_load_idx %arg8[%add3A_390, %add3A_484] : memref<800x56xf32, #tpu.memory_space<vmem>>[vector<16xi32>, vector<16xi32>], vector<16xf32>,
        %gather3A_487 = tpu.vector_load_idx %arg10[%gather3A_394, %add3A_484] : memref<237x56xf32, #tpu.memory_space<vmem>>[vector<16xi32>, vector<16xi32>], vector<16xf32>,
        %mul3A_488 = arith.mulf %gather3A_485, %gather3A_487 : vector<16xf32>
        %mul3A_489 = arith.mulf %mul3A_488, %gather3A_486 : vector<16xf32>
        %add3A_490 = arith.addf %add3A_472, %mul3A_489 : vector<16xf32>
        %add3A_491 = arith.constant 4 : i32
        %add3A_492 = vector.broadcast %add3A_491 : i32 to vector<16xi32>
        %add3A_493 = arith.addi %add3A_484, %add3A_492 : vector<16xi32>
        %gather3A_494 = tpu.vector_load_idx %arg8[%add3A_387, %add3A_493] : memref<800x56xf32, #tpu.memory_space<vmem>>[vector<16xi32>, vector<16xi32>], vector<16xf32>,
        %gather3A_495 = tpu.vector_load_idx %arg8[%add3A_390, %add3A_493] : memref<800x56xf32, #tpu.memory_space<vmem>>[vector<16xi32>, vector<16xi32>], vector<16xf32>,
        %gather3A_496 = tpu.vector_load_idx %arg10[%gather3A_394, %add3A_493] : memref<237x56xf32, #tpu.memory_space<vmem>>[vector<16xi32>, vector<16xi32>], vector<16xf32>,
        %mul3A_497 = arith.mulf %gather3A_494, %gather3A_496 : vector<16xf32>
        %mul3A_498 = arith.mulf %mul3A_497, %gather3A_495 : vector<16xf32>
        %add3A_499 = arith.addf %add3A_481, %mul3A_498 : vector<16xf32>
        %add3A_500 = arith.constant 4 : i32
        %add3A_501 = vector.broadcast %add3A_500 : i32 to vector<16xi32>
        %add3A_502 = arith.addi %add3A_493, %add3A_501 : vector<16xi32>
        %gather3A_503 = tpu.vector_load_idx %arg8[%add3A_387, %add3A_502] : memref<800x56xf32, #tpu.memory_space<vmem>>[vector<16xi32>, vector<16xi32>], vector<16xf32>,
        %gather3A_504 = tpu.vector_load_idx %arg8[%add3A_390, %add3A_502] : memref<800x56xf32, #tpu.memory_space<vmem>>[vector<16xi32>, vector<16xi32>], vector<16xf32>,
        %gather3A_505 = tpu.vector_load_idx %arg10[%gather3A_394, %add3A_502] : memref<237x56xf32, #tpu.memory_space<vmem>>[vector<16xi32>, vector<16xi32>], vector<16xf32>,
        %mul3A_506 = arith.mulf %gather3A_503, %gather3A_505 : vector<16xf32>
        %mul3A_507 = arith.mulf %mul3A_506, %gather3A_504 : vector<16xf32>
        %add3A_508 = arith.addf %add3A_490, %mul3A_507 : vector<16xf32>
        %add3A_509 = arith.constant 4 : i32
        %add3A_510 = vector.broadcast %add3A_509 : i32 to vector<16xi32>
        %add3A_511 = arith.addi %add3A_502, %add3A_510 : vector<16xi32>
        %gather3A_512 = tpu.vector_load_idx %arg8[%add3A_387, %add3A_511] : memref<800x56xf32, #tpu.memory_space<vmem>>[vector<16xi32>, vector<16xi32>], vector<16xf32>,
        %gather3A_513 = tpu.vector_load_idx %arg8[%add3A_390, %add3A_511] : memref<800x56xf32, #tpu.memory_space<vmem>>[vector<16xi32>, vector<16xi32>], vector<16xf32>,
        %gather3A_514 = tpu.vector_load_idx %arg10[%gather3A_394, %add3A_511] : memref<237x56xf32, #tpu.memory_space<vmem>>[vector<16xi32>, vector<16xi32>], vector<16xf32>,
        %mul3A_515 = arith.mulf %gather3A_512, %gather3A_514 : vector<16xf32>
        %mul3A_516 = arith.mulf %mul3A_515, %gather3A_513 : vector<16xf32>
        %add3A_517 = arith.addf %add3A_499, %mul3A_516 : vector<16xf32>
        %add3A_518 = arith.constant 4 : i32
        %add3A_519 = vector.broadcast %add3A_518 : i32 to vector<16xi32>
        %add3A_520 = arith.addi %add3A_511, %add3A_519 : vector<16xi32>
        %add3A_521 = arith.addf %add3A_508, %add3A_517 : vector<16xf32>
        %swap3A_522 = arith.constant 16 : index
        %swap3A_523 = tpu.vector_load %arg11[%swap3A_522] {strides = array<i32>} : memref<64xf32, #tpu.memory_space<vmem>>, vector<16xf32>,
        tpu.vector_store %arg11[%swap3A_522], %add3A_521 {strides = array<i32>} : memref<64xf32, #tpu.memory_space<vmem>>, vector<16xf32>,
        %mul3A_524 = arith.constant 16 : i32
        %mul3A_525 = arith.muli %scan3A_241, %mul3A_524 : i32
        %add3A_526 = arith.constant 8 : i32
        %add3A_527 = arith.addi %mul3A_525, %add3A_526 : i32
        %add3A_528 = vector.broadcast %add3A_527 : i32 to vector<16xi32>
        %add3A_529 = arith.addi %add3A_528, %shift_right_arithmetic3A_140 : vector<16xi32>
        %add3A_530 = arith.constant 400 : i32
        %add3A_531 = vector.broadcast %add3A_530 : i32 to vector<16xi32>
        %add3A_532 = arith.addi %add3A_531, %add3A_529 : vector<16xi32>
        %add3A_533 = arith.constant 800 : i32
        %add3A_534 = vector.broadcast %add3A_533 : i32 to vector<16xi32>
        %add3A_535 = arith.addi %add3A_534, %add3A_529 : vector<16xi32>
        %gather3A_536 = tpu.vector_load_idx %arg6[%add3A_535] : memref<1200xi32, #tpu.memory_space<vmem>>[vector<16xi32>], vector<16xi32>,
        %gather3A_537 = tpu.vector_load_idx %arg8[%add3A_529, %and3A_143] : memref<800x56xf32, #tpu.memory_space<vmem>>[vector<16xi32>, vector<16xi32>], vector<16xf32>,
        %gather3A_538 = tpu.vector_load_idx %arg8[%add3A_532, %and3A_143] : memref<800x56xf32, #tpu.memory_space<vmem>>[vector<16xi32>, vector<16xi32>], vector<16xf32>,
        %gather3A_539 = tpu.vector_load_idx %arg10[%gather3A_536, %and3A_143] : memref<237x56xf32, #tpu.memory_space<vmem>>[vector<16xi32>, vector<16xi32>], vector<16xf32>,
        %mul3A_540 = arith.mulf %gather3A_537, %gather3A_539 : vector<16xf32>
        %mul3A_541 = arith.mulf %mul3A_540, %gather3A_538 : vector<16xf32>
        %add3A_542 = arith.addf %broadcast_in_dim3A_137, %mul3A_541 : vector<16xf32>
        %add3A_543 = arith.constant 4 : i32
        %add3A_544 = vector.broadcast %add3A_543 : i32 to vector<16xi32>
        %add3A_545 = arith.addi %and3A_143, %add3A_544 : vector<16xi32>
        %gather3A_546 = tpu.vector_load_idx %arg8[%add3A_529, %add3A_545] : memref<800x56xf32, #tpu.memory_space<vmem>>[vector<16xi32>, vector<16xi32>], vector<16xf32>,
        %gather3A_547 = tpu.vector_load_idx %arg8[%add3A_532, %add3A_545] : memref<800x56xf32, #tpu.memory_space<vmem>>[vector<16xi32>, vector<16xi32>], vector<16xf32>,
        %gather3A_548 = tpu.vector_load_idx %arg10[%gather3A_536, %add3A_545] : memref<237x56xf32, #tpu.memory_space<vmem>>[vector<16xi32>, vector<16xi32>], vector<16xf32>,
        %mul3A_549 = arith.mulf %gather3A_546, %gather3A_548 : vector<16xf32>
        %mul3A_550 = arith.mulf %mul3A_549, %gather3A_547 : vector<16xf32>
        %add3A_551 = arith.addf %broadcast_in_dim3A_137, %mul3A_550 : vector<16xf32>
        %add3A_552 = arith.constant 4 : i32
        %add3A_553 = vector.broadcast %add3A_552 : i32 to vector<16xi32>
        %add3A_554 = arith.addi %add3A_545, %add3A_553 : vector<16xi32>
        %gather3A_555 = tpu.vector_load_idx %arg8[%add3A_529, %add3A_554] : memref<800x56xf32, #tpu.memory_space<vmem>>[vector<16xi32>, vector<16xi32>], vector<16xf32>,
        %gather3A_556 = tpu.vector_load_idx %arg8[%add3A_532, %add3A_554] : memref<800x56xf32, #tpu.memory_space<vmem>>[vector<16xi32>, vector<16xi32>], vector<16xf32>,
        %gather3A_557 = tpu.vector_load_idx %arg10[%gather3A_536, %add3A_554] : memref<237x56xf32, #tpu.memory_space<vmem>>[vector<16xi32>, vector<16xi32>], vector<16xf32>,
        %mul3A_558 = arith.mulf %gather3A_555, %gather3A_557 : vector<16xf32>
        %mul3A_559 = arith.mulf %mul3A_558, %gather3A_556 : vector<16xf32>
        %add3A_560 = arith.addf %add3A_542, %mul3A_559 : vector<16xf32>
        %add3A_561 = arith.constant 4 : i32
        %add3A_562 = vector.broadcast %add3A_561 : i32 to vector<16xi32>
        %add3A_563 = arith.addi %add3A_554, %add3A_562 : vector<16xi32>
        %gather3A_564 = tpu.vector_load_idx %arg8[%add3A_529, %add3A_563] : memref<800x56xf32, #tpu.memory_space<vmem>>[vector<16xi32>, vector<16xi32>], vector<16xf32>,
        %gather3A_565 = tpu.vector_load_idx %arg8[%add3A_532, %add3A_563] : memref<800x56xf32, #tpu.memory_space<vmem>>[vector<16xi32>, vector<16xi32>], vector<16xf32>,
        %gather3A_566 = tpu.vector_load_idx %arg10[%gather3A_536, %add3A_563] : memref<237x56xf32, #tpu.memory_space<vmem>>[vector<16xi32>, vector<16xi32>], vector<16xf32>,
        %mul3A_567 = arith.mulf %gather3A_564, %gather3A_566 : vector<16xf32>
        %mul3A_568 = arith.mulf %mul3A_567, %gather3A_565 : vector<16xf32>
        %add3A_569 = arith.addf %add3A_551, %mul3A_568 : vector<16xf32>
        %add3A_570 = arith.constant 4 : i32
        %add3A_571 = vector.broadcast %add3A_570 : i32 to vector<16xi32>
        %add3A_572 = arith.addi %add3A_563, %add3A_571 : vector<16xi32>
        %gather3A_573 = tpu.vector_load_idx %arg8[%add3A_529, %add3A_572] : memref<800x56xf32, #tpu.memory_space<vmem>>[vector<16xi32>, vector<16xi32>], vector<16xf32>,
        %gather3A_574 = tpu.vector_load_idx %arg8[%add3A_532, %add3A_572] : memref<800x56xf32, #tpu.memory_space<vmem>>[vector<16xi32>, vector<16xi32>], vector<16xf32>,
        %gather3A_575 = tpu.vector_load_idx %arg10[%gather3A_536, %add3A_572] : memref<237x56xf32, #tpu.memory_space<vmem>>[vector<16xi32>, vector<16xi32>], vector<16xf32>,
        %mul3A_576 = arith.mulf %gather3A_573, %gather3A_575 : vector<16xf32>
        %mul3A_577 = arith.mulf %mul3A_576, %gather3A_574 : vector<16xf32>
        %add3A_578 = arith.addf %add3A_560, %mul3A_577 : vector<16xf32>
        %add3A_579 = arith.constant 4 : i32
        %add3A_580 = vector.broadcast %add3A_579 : i32 to vector<16xi32>
        %add3A_581 = arith.addi %add3A_572, %add3A_580 : vector<16xi32>
        %gather3A_582 = tpu.vector_load_idx %arg8[%add3A_529, %add3A_581] : memref<800x56xf32, #tpu.memory_space<vmem>>[vector<16xi32>, vector<16xi32>], vector<16xf32>,
        %gather3A_583 = tpu.vector_load_idx %arg8[%add3A_532, %add3A_581] : memref<800x56xf32, #tpu.memory_space<vmem>>[vector<16xi32>, vector<16xi32>], vector<16xf32>,
        %gather3A_584 = tpu.vector_load_idx %arg10[%gather3A_536, %add3A_581] : memref<237x56xf32, #tpu.memory_space<vmem>>[vector<16xi32>, vector<16xi32>], vector<16xf32>,
        %mul3A_585 = arith.mulf %gather3A_582, %gather3A_584 : vector<16xf32>
        %mul3A_586 = arith.mulf %mul3A_585, %gather3A_583 : vector<16xf32>
        %add3A_587 = arith.addf %add3A_569, %mul3A_586 : vector<16xf32>
        %add3A_588 = arith.constant 4 : i32
        %add3A_589 = vector.broadcast %add3A_588 : i32 to vector<16xi32>
        %add3A_590 = arith.addi %add3A_581, %add3A_589 : vector<16xi32>
        %gather3A_591 = tpu.vector_load_idx %arg8[%add3A_529, %add3A_590] : memref<800x56xf32, #tpu.memory_space<vmem>>[vector<16xi32>, vector<16xi32>], vector<16xf32>,
        %gather3A_592 = tpu.vector_load_idx %arg8[%add3A_532, %add3A_590] : memref<800x56xf32, #tpu.memory_space<vmem>>[vector<16xi32>, vector<16xi32>], vector<16xf32>,
        %gather3A_593 = tpu.vector_load_idx %arg10[%gather3A_536, %add3A_590] : memref<237x56xf32, #tpu.memory_space<vmem>>[vector<16xi32>, vector<16xi32>], vector<16xf32>,
        %mul3A_594 = arith.mulf %gather3A_591, %gather3A_593 : vector<16xf32>
        %mul3A_595 = arith.mulf %mul3A_594, %gather3A_592 : vector<16xf32>
        %add3A_596 = arith.addf %add3A_578, %mul3A_595 : vector<16xf32>
        %add3A_597 = arith.constant 4 : i32
        %add3A_598 = vector.broadcast %add3A_597 : i32 to vector<16xi32>
        %add3A_599 = arith.addi %add3A_590, %add3A_598 : vector<16xi32>
        %gather3A_600 = tpu.vector_load_idx %arg8[%add3A_529, %add3A_599] : memref<800x56xf32, #tpu.memory_space<vmem>>[vector<16xi32>, vector<16xi32>], vector<16xf32>,
        %gather3A_601 = tpu.vector_load_idx %arg8[%add3A_532, %add3A_599] : memref<800x56xf32, #tpu.memory_space<vmem>>[vector<16xi32>, vector<16xi32>], vector<16xf32>,
        %gather3A_602 = tpu.vector_load_idx %arg10[%gather3A_536, %add3A_599] : memref<237x56xf32, #tpu.memory_space<vmem>>[vector<16xi32>, vector<16xi32>], vector<16xf32>,
        %mul3A_603 = arith.mulf %gather3A_600, %gather3A_602 : vector<16xf32>
        %mul3A_604 = arith.mulf %mul3A_603, %gather3A_601 : vector<16xf32>
        %add3A_605 = arith.addf %add3A_587, %mul3A_604 : vector<16xf32>
        %add3A_606 = arith.constant 4 : i32
        %add3A_607 = vector.broadcast %add3A_606 : i32 to vector<16xi32>
        %add3A_608 = arith.addi %add3A_599, %add3A_607 : vector<16xi32>
        %gather3A_609 = tpu.vector_load_idx %arg8[%add3A_529, %add3A_608] : memref<800x56xf32, #tpu.memory_space<vmem>>[vector<16xi32>, vector<16xi32>], vector<16xf32>,
        %gather3A_610 = tpu.vector_load_idx %arg8[%add3A_532, %add3A_608] : memref<800x56xf32, #tpu.memory_space<vmem>>[vector<16xi32>, vector<16xi32>], vector<16xf32>,
        %gather3A_611 = tpu.vector_load_idx %arg10[%gather3A_536, %add3A_608] : memref<237x56xf32, #tpu.memory_space<vmem>>[vector<16xi32>, vector<16xi32>], vector<16xf32>,
        %mul3A_612 = arith.mulf %gather3A_609, %gather3A_611 : vector<16xf32>
        %mul3A_613 = arith.mulf %mul3A_612, %gather3A_610 : vector<16xf32>
        %add3A_614 = arith.addf %add3A_596, %mul3A_613 : vector<16xf32>
        %add3A_615 = arith.constant 4 : i32
        %add3A_616 = vector.broadcast %add3A_615 : i32 to vector<16xi32>
        %add3A_617 = arith.addi %add3A_608, %add3A_616 : vector<16xi32>
        %gather3A_618 = tpu.vector_load_idx %arg8[%add3A_529, %add3A_617] : memref<800x56xf32, #tpu.memory_space<vmem>>[vector<16xi32>, vector<16xi32>], vector<16xf32>,
        %gather3A_619 = tpu.vector_load_idx %arg8[%add3A_532, %add3A_617] : memref<800x56xf32, #tpu.memory_space<vmem>>[vector<16xi32>, vector<16xi32>], vector<16xf32>,
        %gather3A_620 = tpu.vector_load_idx %arg10[%gather3A_536, %add3A_617] : memref<237x56xf32, #tpu.memory_space<vmem>>[vector<16xi32>, vector<16xi32>], vector<16xf32>,
        %mul3A_621 = arith.mulf %gather3A_618, %gather3A_620 : vector<16xf32>
        %mul3A_622 = arith.mulf %mul3A_621, %gather3A_619 : vector<16xf32>
        %add3A_623 = arith.addf %add3A_605, %mul3A_622 : vector<16xf32>
        %add3A_624 = arith.constant 4 : i32
        %add3A_625 = vector.broadcast %add3A_624 : i32 to vector<16xi32>
        %add3A_626 = arith.addi %add3A_617, %add3A_625 : vector<16xi32>
        %gather3A_627 = tpu.vector_load_idx %arg8[%add3A_529, %add3A_626] : memref<800x56xf32, #tpu.memory_space<vmem>>[vector<16xi32>, vector<16xi32>], vector<16xf32>,
        %gather3A_628 = tpu.vector_load_idx %arg8[%add3A_532, %add3A_626] : memref<800x56xf32, #tpu.memory_space<vmem>>[vector<16xi32>, vector<16xi32>], vector<16xf32>,
        %gather3A_629 = tpu.vector_load_idx %arg10[%gather3A_536, %add3A_626] : memref<237x56xf32, #tpu.memory_space<vmem>>[vector<16xi32>, vector<16xi32>], vector<16xf32>,
        %mul3A_630 = arith.mulf %gather3A_627, %gather3A_629 : vector<16xf32>
        %mul3A_631 = arith.mulf %mul3A_630, %gather3A_628 : vector<16xf32>
        %add3A_632 = arith.addf %add3A_614, %mul3A_631 : vector<16xf32>
        %add3A_633 = arith.constant 4 : i32
        %add3A_634 = vector.broadcast %add3A_633 : i32 to vector<16xi32>
        %add3A_635 = arith.addi %add3A_626, %add3A_634 : vector<16xi32>
        %gather3A_636 = tpu.vector_load_idx %arg8[%add3A_529, %add3A_635] : memref<800x56xf32, #tpu.memory_space<vmem>>[vector<16xi32>, vector<16xi32>], vector<16xf32>,
        %gather3A_637 = tpu.vector_load_idx %arg8[%add3A_532, %add3A_635] : memref<800x56xf32, #tpu.memory_space<vmem>>[vector<16xi32>, vector<16xi32>], vector<16xf32>,
        %gather3A_638 = tpu.vector_load_idx %arg10[%gather3A_536, %add3A_635] : memref<237x56xf32, #tpu.memory_space<vmem>>[vector<16xi32>, vector<16xi32>], vector<16xf32>,
        %mul3A_639 = arith.mulf %gather3A_636, %gather3A_638 : vector<16xf32>
        %mul3A_640 = arith.mulf %mul3A_639, %gather3A_637 : vector<16xf32>
        %add3A_641 = arith.addf %add3A_623, %mul3A_640 : vector<16xf32>
        %add3A_642 = arith.constant 4 : i32
        %add3A_643 = vector.broadcast %add3A_642 : i32 to vector<16xi32>
        %add3A_644 = arith.addi %add3A_635, %add3A_643 : vector<16xi32>
        %gather3A_645 = tpu.vector_load_idx %arg8[%add3A_529, %add3A_644] : memref<800x56xf32, #tpu.memory_space<vmem>>[vector<16xi32>, vector<16xi32>], vector<16xf32>,
        %gather3A_646 = tpu.vector_load_idx %arg8[%add3A_532, %add3A_644] : memref<800x56xf32, #tpu.memory_space<vmem>>[vector<16xi32>, vector<16xi32>], vector<16xf32>,
        %gather3A_647 = tpu.vector_load_idx %arg10[%gather3A_536, %add3A_644] : memref<237x56xf32, #tpu.memory_space<vmem>>[vector<16xi32>, vector<16xi32>], vector<16xf32>,
        %mul3A_648 = arith.mulf %gather3A_645, %gather3A_647 : vector<16xf32>
        %mul3A_649 = arith.mulf %mul3A_648, %gather3A_646 : vector<16xf32>
        %add3A_650 = arith.addf %add3A_632, %mul3A_649 : vector<16xf32>
        %add3A_651 = arith.constant 4 : i32
        %add3A_652 = vector.broadcast %add3A_651 : i32 to vector<16xi32>
        %add3A_653 = arith.addi %add3A_644, %add3A_652 : vector<16xi32>
        %gather3A_654 = tpu.vector_load_idx %arg8[%add3A_529, %add3A_653] : memref<800x56xf32, #tpu.memory_space<vmem>>[vector<16xi32>, vector<16xi32>], vector<16xf32>,
        %gather3A_655 = tpu.vector_load_idx %arg8[%add3A_532, %add3A_653] : memref<800x56xf32, #tpu.memory_space<vmem>>[vector<16xi32>, vector<16xi32>], vector<16xf32>,
        %gather3A_656 = tpu.vector_load_idx %arg10[%gather3A_536, %add3A_653] : memref<237x56xf32, #tpu.memory_space<vmem>>[vector<16xi32>, vector<16xi32>], vector<16xf32>,
        %mul3A_657 = arith.mulf %gather3A_654, %gather3A_656 : vector<16xf32>
        %mul3A_658 = arith.mulf %mul3A_657, %gather3A_655 : vector<16xf32>
        %add3A_659 = arith.addf %add3A_641, %mul3A_658 : vector<16xf32>
        %add3A_660 = arith.constant 4 : i32
        %add3A_661 = vector.broadcast %add3A_660 : i32 to vector<16xi32>
        %add3A_662 = arith.addi %add3A_653, %add3A_661 : vector<16xi32>
        %add3A_663 = arith.addf %add3A_650, %add3A_659 : vector<16xf32>
        %swap3A_664 = arith.constant 32 : index
        %swap3A_665 = tpu.vector_load %arg11[%swap3A_664] {strides = array<i32>} : memref<64xf32, #tpu.memory_space<vmem>>, vector<16xf32>,
        tpu.vector_store %arg11[%swap3A_664], %add3A_663 {strides = array<i32>} : memref<64xf32, #tpu.memory_space<vmem>>, vector<16xf32>,
        %mul3A_666 = arith.constant 16 : i32
        %mul3A_667 = arith.muli %scan3A_241, %mul3A_666 : i32
        %add3A_668 = arith.constant 12 : i32
        %add3A_669 = arith.addi %mul3A_667, %add3A_668 : i32
        %add3A_670 = vector.broadcast %add3A_669 : i32 to vector<16xi32>
        %add3A_671 = arith.addi %add3A_670, %shift_right_arithmetic3A_140 : vector<16xi32>
        %add3A_672 = arith.constant 400 : i32
        %add3A_673 = vector.broadcast %add3A_672 : i32 to vector<16xi32>
        %add3A_674 = arith.addi %add3A_673, %add3A_671 : vector<16xi32>
        %add3A_675 = arith.constant 800 : i32
        %add3A_676 = vector.broadcast %add3A_675 : i32 to vector<16xi32>
        %add3A_677 = arith.addi %add3A_676, %add3A_671 : vector<16xi32>
        %gather3A_678 = tpu.vector_load_idx %arg6[%add3A_677] : memref<1200xi32, #tpu.memory_space<vmem>>[vector<16xi32>], vector<16xi32>,
        %gather3A_679 = tpu.vector_load_idx %arg8[%add3A_671, %and3A_143] : memref<800x56xf32, #tpu.memory_space<vmem>>[vector<16xi32>, vector<16xi32>], vector<16xf32>,
        %gather3A_680 = tpu.vector_load_idx %arg8[%add3A_674, %and3A_143] : memref<800x56xf32, #tpu.memory_space<vmem>>[vector<16xi32>, vector<16xi32>], vector<16xf32>,
        %gather3A_681 = tpu.vector_load_idx %arg10[%gather3A_678, %and3A_143] : memref<237x56xf32, #tpu.memory_space<vmem>>[vector<16xi32>, vector<16xi32>], vector<16xf32>,
        %mul3A_682 = arith.mulf %gather3A_679, %gather3A_681 : vector<16xf32>
        %mul3A_683 = arith.mulf %mul3A_682, %gather3A_680 : vector<16xf32>
        %add3A_684 = arith.addf %broadcast_in_dim3A_137, %mul3A_683 : vector<16xf32>
        %add3A_685 = arith.constant 4 : i32
        %add3A_686 = vector.broadcast %add3A_685 : i32 to vector<16xi32>
        %add3A_687 = arith.addi %and3A_143, %add3A_686 : vector<16xi32>
        %gather3A_688 = tpu.vector_load_idx %arg8[%add3A_671, %add3A_687] : memref<800x56xf32, #tpu.memory_space<vmem>>[vector<16xi32>, vector<16xi32>], vector<16xf32>,
        %gather3A_689 = tpu.vector_load_idx %arg8[%add3A_674, %add3A_687] : memref<800x56xf32, #tpu.memory_space<vmem>>[vector<16xi32>, vector<16xi32>], vector<16xf32>,
        %gather3A_690 = tpu.vector_load_idx %arg10[%gather3A_678, %add3A_687] : memref<237x56xf32, #tpu.memory_space<vmem>>[vector<16xi32>, vector<16xi32>], vector<16xf32>,
        %mul3A_691 = arith.mulf %gather3A_688, %gather3A_690 : vector<16xf32>
        %mul3A_692 = arith.mulf %mul3A_691, %gather3A_689 : vector<16xf32>
        %add3A_693 = arith.addf %broadcast_in_dim3A_137, %mul3A_692 : vector<16xf32>
        %add3A_694 = arith.constant 4 : i32
        %add3A_695 = vector.broadcast %add3A_694 : i32 to vector<16xi32>
        %add3A_696 = arith.addi %add3A_687, %add3A_695 : vector<16xi32>
        %gather3A_697 = tpu.vector_load_idx %arg8[%add3A_671, %add3A_696] : memref<800x56xf32, #tpu.memory_space<vmem>>[vector<16xi32>, vector<16xi32>], vector<16xf32>,
        %gather3A_698 = tpu.vector_load_idx %arg8[%add3A_674, %add3A_696] : memref<800x56xf32, #tpu.memory_space<vmem>>[vector<16xi32>, vector<16xi32>], vector<16xf32>,
        %gather3A_699 = tpu.vector_load_idx %arg10[%gather3A_678, %add3A_696] : memref<237x56xf32, #tpu.memory_space<vmem>>[vector<16xi32>, vector<16xi32>], vector<16xf32>,
        %mul3A_700 = arith.mulf %gather3A_697, %gather3A_699 : vector<16xf32>
        %mul3A_701 = arith.mulf %mul3A_700, %gather3A_698 : vector<16xf32>
        %add3A_702 = arith.addf %add3A_684, %mul3A_701 : vector<16xf32>
        %add3A_703 = arith.constant 4 : i32
        %add3A_704 = vector.broadcast %add3A_703 : i32 to vector<16xi32>
        %add3A_705 = arith.addi %add3A_696, %add3A_704 : vector<16xi32>
        %gather3A_706 = tpu.vector_load_idx %arg8[%add3A_671, %add3A_705] : memref<800x56xf32, #tpu.memory_space<vmem>>[vector<16xi32>, vector<16xi32>], vector<16xf32>,
        %gather3A_707 = tpu.vector_load_idx %arg8[%add3A_674, %add3A_705] : memref<800x56xf32, #tpu.memory_space<vmem>>[vector<16xi32>, vector<16xi32>], vector<16xf32>,
        %gather3A_708 = tpu.vector_load_idx %arg10[%gather3A_678, %add3A_705] : memref<237x56xf32, #tpu.memory_space<vmem>>[vector<16xi32>, vector<16xi32>], vector<16xf32>,
        %mul3A_709 = arith.mulf %gather3A_706, %gather3A_708 : vector<16xf32>
        %mul3A_710 = arith.mulf %mul3A_709, %gather3A_707 : vector<16xf32>
        %add3A_711 = arith.addf %add3A_693, %mul3A_710 : vector<16xf32>
        %add3A_712 = arith.constant 4 : i32
        %add3A_713 = vector.broadcast %add3A_712 : i32 to vector<16xi32>
        %add3A_714 = arith.addi %add3A_705, %add3A_713 : vector<16xi32>
        %gather3A_715 = tpu.vector_load_idx %arg8[%add3A_671, %add3A_714] : memref<800x56xf32, #tpu.memory_space<vmem>>[vector<16xi32>, vector<16xi32>], vector<16xf32>,
        %gather3A_716 = tpu.vector_load_idx %arg8[%add3A_674, %add3A_714] : memref<800x56xf32, #tpu.memory_space<vmem>>[vector<16xi32>, vector<16xi32>], vector<16xf32>,
        %gather3A_717 = tpu.vector_load_idx %arg10[%gather3A_678, %add3A_714] : memref<237x56xf32, #tpu.memory_space<vmem>>[vector<16xi32>, vector<16xi32>], vector<16xf32>,
        %mul3A_718 = arith.mulf %gather3A_715, %gather3A_717 : vector<16xf32>
        %mul3A_719 = arith.mulf %mul3A_718, %gather3A_716 : vector<16xf32>
        %add3A_720 = arith.addf %add3A_702, %mul3A_719 : vector<16xf32>
        %add3A_721 = arith.constant 4 : i32
        %add3A_722 = vector.broadcast %add3A_721 : i32 to vector<16xi32>
        %add3A_723 = arith.addi %add3A_714, %add3A_722 : vector<16xi32>
        %gather3A_724 = tpu.vector_load_idx %arg8[%add3A_671, %add3A_723] : memref<800x56xf32, #tpu.memory_space<vmem>>[vector<16xi32>, vector<16xi32>], vector<16xf32>,
        %gather3A_725 = tpu.vector_load_idx %arg8[%add3A_674, %add3A_723] : memref<800x56xf32, #tpu.memory_space<vmem>>[vector<16xi32>, vector<16xi32>], vector<16xf32>,
        %gather3A_726 = tpu.vector_load_idx %arg10[%gather3A_678, %add3A_723] : memref<237x56xf32, #tpu.memory_space<vmem>>[vector<16xi32>, vector<16xi32>], vector<16xf32>,
        %mul3A_727 = arith.mulf %gather3A_724, %gather3A_726 : vector<16xf32>
        %mul3A_728 = arith.mulf %mul3A_727, %gather3A_725 : vector<16xf32>
        %add3A_729 = arith.addf %add3A_711, %mul3A_728 : vector<16xf32>
        %add3A_730 = arith.constant 4 : i32
        %add3A_731 = vector.broadcast %add3A_730 : i32 to vector<16xi32>
        %add3A_732 = arith.addi %add3A_723, %add3A_731 : vector<16xi32>
        %gather3A_733 = tpu.vector_load_idx %arg8[%add3A_671, %add3A_732] : memref<800x56xf32, #tpu.memory_space<vmem>>[vector<16xi32>, vector<16xi32>], vector<16xf32>,
        %gather3A_734 = tpu.vector_load_idx %arg8[%add3A_674, %add3A_732] : memref<800x56xf32, #tpu.memory_space<vmem>>[vector<16xi32>, vector<16xi32>], vector<16xf32>,
        %gather3A_735 = tpu.vector_load_idx %arg10[%gather3A_678, %add3A_732] : memref<237x56xf32, #tpu.memory_space<vmem>>[vector<16xi32>, vector<16xi32>], vector<16xf32>,
        %mul3A_736 = arith.mulf %gather3A_733, %gather3A_735 : vector<16xf32>
        %mul3A_737 = arith.mulf %mul3A_736, %gather3A_734 : vector<16xf32>
        %add3A_738 = arith.addf %add3A_720, %mul3A_737 : vector<16xf32>
        %add3A_739 = arith.constant 4 : i32
        %add3A_740 = vector.broadcast %add3A_739 : i32 to vector<16xi32>
        %add3A_741 = arith.addi %add3A_732, %add3A_740 : vector<16xi32>
        %gather3A_742 = tpu.vector_load_idx %arg8[%add3A_671, %add3A_741] : memref<800x56xf32, #tpu.memory_space<vmem>>[vector<16xi32>, vector<16xi32>], vector<16xf32>,
        %gather3A_743 = tpu.vector_load_idx %arg8[%add3A_674, %add3A_741] : memref<800x56xf32, #tpu.memory_space<vmem>>[vector<16xi32>, vector<16xi32>], vector<16xf32>,
        %gather3A_744 = tpu.vector_load_idx %arg10[%gather3A_678, %add3A_741] : memref<237x56xf32, #tpu.memory_space<vmem>>[vector<16xi32>, vector<16xi32>], vector<16xf32>,
        %mul3A_745 = arith.mulf %gather3A_742, %gather3A_744 : vector<16xf32>
        %mul3A_746 = arith.mulf %mul3A_745, %gather3A_743 : vector<16xf32>
        %add3A_747 = arith.addf %add3A_729, %mul3A_746 : vector<16xf32>
        %add3A_748 = arith.constant 4 : i32
        %add3A_749 = vector.broadcast %add3A_748 : i32 to vector<16xi32>
        %add3A_750 = arith.addi %add3A_741, %add3A_749 : vector<16xi32>
        %gather3A_751 = tpu.vector_load_idx %arg8[%add3A_671, %add3A_750] : memref<800x56xf32, #tpu.memory_space<vmem>>[vector<16xi32>, vector<16xi32>], vector<16xf32>,
        %gather3A_752 = tpu.vector_load_idx %arg8[%add3A_674, %add3A_750] : memref<800x56xf32, #tpu.memory_space<vmem>>[vector<16xi32>, vector<16xi32>], vector<16xf32>,
        %gather3A_753 = tpu.vector_load_idx %arg10[%gather3A_678, %add3A_750] : memref<237x56xf32, #tpu.memory_space<vmem>>[vector<16xi32>, vector<16xi32>], vector<16xf32>,
        %mul3A_754 = arith.mulf %gather3A_751, %gather3A_753 : vector<16xf32>
        %mul3A_755 = arith.mulf %mul3A_754, %gather3A_752 : vector<16xf32>
        %add3A_756 = arith.addf %add3A_738, %mul3A_755 : vector<16xf32>
        %add3A_757 = arith.constant 4 : i32
        %add3A_758 = vector.broadcast %add3A_757 : i32 to vector<16xi32>
        %add3A_759 = arith.addi %add3A_750, %add3A_758 : vector<16xi32>
        %gather3A_760 = tpu.vector_load_idx %arg8[%add3A_671, %add3A_759] : memref<800x56xf32, #tpu.memory_space<vmem>>[vector<16xi32>, vector<16xi32>], vector<16xf32>,
        %gather3A_761 = tpu.vector_load_idx %arg8[%add3A_674, %add3A_759] : memref<800x56xf32, #tpu.memory_space<vmem>>[vector<16xi32>, vector<16xi32>], vector<16xf32>,
        %gather3A_762 = tpu.vector_load_idx %arg10[%gather3A_678, %add3A_759] : memref<237x56xf32, #tpu.memory_space<vmem>>[vector<16xi32>, vector<16xi32>], vector<16xf32>,
        %mul3A_763 = arith.mulf %gather3A_760, %gather3A_762 : vector<16xf32>
        %mul3A_764 = arith.mulf %mul3A_763, %gather3A_761 : vector<16xf32>
        %add3A_765 = arith.addf %add3A_747, %mul3A_764 : vector<16xf32>
        %add3A_766 = arith.constant 4 : i32
        %add3A_767 = vector.broadcast %add3A_766 : i32 to vector<16xi32>
        %add3A_768 = arith.addi %add3A_759, %add3A_767 : vector<16xi32>
        %gather3A_769 = tpu.vector_load_idx %arg8[%add3A_671, %add3A_768] : memref<800x56xf32, #tpu.memory_space<vmem>>[vector<16xi32>, vector<16xi32>], vector<16xf32>,
        %gather3A_770 = tpu.vector_load_idx %arg8[%add3A_674, %add3A_768] : memref<800x56xf32, #tpu.memory_space<vmem>>[vector<16xi32>, vector<16xi32>], vector<16xf32>,
        %gather3A_771 = tpu.vector_load_idx %arg10[%gather3A_678, %add3A_768] : memref<237x56xf32, #tpu.memory_space<vmem>>[vector<16xi32>, vector<16xi32>], vector<16xf32>,
        %mul3A_772 = arith.mulf %gather3A_769, %gather3A_771 : vector<16xf32>
        %mul3A_773 = arith.mulf %mul3A_772, %gather3A_770 : vector<16xf32>
        %add3A_774 = arith.addf %add3A_756, %mul3A_773 : vector<16xf32>
        %add3A_775 = arith.constant 4 : i32
        %add3A_776 = vector.broadcast %add3A_775 : i32 to vector<16xi32>
        %add3A_777 = arith.addi %add3A_768, %add3A_776 : vector<16xi32>
        %gather3A_778 = tpu.vector_load_idx %arg8[%add3A_671, %add3A_777] : memref<800x56xf32, #tpu.memory_space<vmem>>[vector<16xi32>, vector<16xi32>], vector<16xf32>,
        %gather3A_779 = tpu.vector_load_idx %arg8[%add3A_674, %add3A_777] : memref<800x56xf32, #tpu.memory_space<vmem>>[vector<16xi32>, vector<16xi32>], vector<16xf32>,
        %gather3A_780 = tpu.vector_load_idx %arg10[%gather3A_678, %add3A_777] : memref<237x56xf32, #tpu.memory_space<vmem>>[vector<16xi32>, vector<16xi32>], vector<16xf32>,
        %mul3A_781 = arith.mulf %gather3A_778, %gather3A_780 : vector<16xf32>
        %mul3A_782 = arith.mulf %mul3A_781, %gather3A_779 : vector<16xf32>
        %add3A_783 = arith.addf %add3A_765, %mul3A_782 : vector<16xf32>
        %add3A_784 = arith.constant 4 : i32
        %add3A_785 = vector.broadcast %add3A_784 : i32 to vector<16xi32>
        %add3A_786 = arith.addi %add3A_777, %add3A_785 : vector<16xi32>
        %gather3A_787 = tpu.vector_load_idx %arg8[%add3A_671, %add3A_786] : memref<800x56xf32, #tpu.memory_space<vmem>>[vector<16xi32>, vector<16xi32>], vector<16xf32>,
        %gather3A_788 = tpu.vector_load_idx %arg8[%add3A_674, %add3A_786] : memref<800x56xf32, #tpu.memory_space<vmem>>[vector<16xi32>, vector<16xi32>], vector<16xf32>,
        %gather3A_789 = tpu.vector_load_idx %arg10[%gather3A_678, %add3A_786] : memref<237x56xf32, #tpu.memory_space<vmem>>[vector<16xi32>, vector<16xi32>], vector<16xf32>,
        %mul3A_790 = arith.mulf %gather3A_787, %gather3A_789 : vector<16xf32>
        %mul3A_791 = arith.mulf %mul3A_790, %gather3A_788 : vector<16xf32>
        %add3A_792 = arith.addf %add3A_774, %mul3A_791 : vector<16xf32>
        %add3A_793 = arith.constant 4 : i32
        %add3A_794 = vector.broadcast %add3A_793 : i32 to vector<16xi32>
        %add3A_795 = arith.addi %add3A_786, %add3A_794 : vector<16xi32>
        %gather3A_796 = tpu.vector_load_idx %arg8[%add3A_671, %add3A_795] : memref<800x56xf32, #tpu.memory_space<vmem>>[vector<16xi32>, vector<16xi32>], vector<16xf32>,
        %gather3A_797 = tpu.vector_load_idx %arg8[%add3A_674, %add3A_795] : memref<800x56xf32, #tpu.memory_space<vmem>>[vector<16xi32>, vector<16xi32>], vector<16xf32>,
        %gather3A_798 = tpu.vector_load_idx %arg10[%gather3A_678, %add3A_795] : memref<237x56xf32, #tpu.memory_space<vmem>>[vector<16xi32>, vector<16xi32>], vector<16xf32>,
        %mul3A_799 = arith.mulf %gather3A_796, %gather3A_798 : vector<16xf32>
        %mul3A_800 = arith.mulf %mul3A_799, %gather3A_797 : vector<16xf32>
        %add3A_801 = arith.addf %add3A_783, %mul3A_800 : vector<16xf32>
        %add3A_802 = arith.constant 4 : i32
        %add3A_803 = vector.broadcast %add3A_802 : i32 to vector<16xi32>
        %add3A_804 = arith.addi %add3A_795, %add3A_803 : vector<16xi32>
        %add3A_805 = arith.addf %add3A_792, %add3A_801 : vector<16xf32>
        %swap3A_806 = arith.constant 48 : index
        %swap3A_807 = tpu.vector_load %arg11[%swap3A_806] {strides = array<i32>} : memref<64xf32, #tpu.memory_space<vmem>>, vector<16xf32>,
        tpu.vector_store %arg11[%swap3A_806], %add3A_805 {strides = array<i32>} : memref<64xf32, #tpu.memory_space<vmem>>, vector<16xf32>,
        %mul3A_808 = arith.constant 4 : i32
        %mul3A_809 = vector.broadcast %mul3A_808 : i32 to vector<16xi32>
        %mul3A_810 = arith.muli %iota3A, %mul3A_809 : vector<16xi32>
        %add3A_811 = arith.constant 0 : i32
        %add3A_812 = vector.broadcast %add3A_811 : i32 to vector<16xi32>
        %add3A_813 = arith.addi %mul3A_810, %add3A_812 : vector<16xi32>
        %gather3A_814 = tpu.vector_load_idx %arg11[%add3A_813] : memref<64xf32, #tpu.memory_space<vmem>>[vector<16xi32>], vector<16xf32>,
        %add3A_815 = arith.addf %broadcast_in_dim3A_137, %gather3A_814 : vector<16xf32>
        %add3A_816 = arith.constant 1 : i32
        %add3A_817 = vector.broadcast %add3A_816 : i32 to vector<16xi32>
        %add3A_818 = arith.addi %mul3A_810, %add3A_817 : vector<16xi32>
        %gather3A_819 = tpu.vector_load_idx %arg11[%add3A_818] : memref<64xf32, #tpu.memory_space<vmem>>[vector<16xi32>], vector<16xf32>,
        %add3A_820 = arith.addf %add3A_815, %gather3A_819 : vector<16xf32>
        %add3A_821 = arith.constant 2 : i32
        %add3A_822 = vector.broadcast %add3A_821 : i32 to vector<16xi32>
        %add3A_823 = arith.addi %mul3A_810, %add3A_822 : vector<16xi32>
        %gather3A_824 = tpu.vector_load_idx %arg11[%add3A_823] : memref<64xf32, #tpu.memory_space<vmem>>[vector<16xi32>], vector<16xf32>,
        %add3A_825 = arith.addf %add3A_820, %gather3A_824 : vector<16xf32>
        %add3A_826 = arith.constant 3 : i32
        %add3A_827 = vector.broadcast %add3A_826 : i32 to vector<16xi32>
        %add3A_828 = arith.addi %mul3A_810, %add3A_827 : vector<16xi32>
        %gather3A_829 = tpu.vector_load_idx %arg11[%add3A_828] : memref<64xf32, #tpu.memory_space<vmem>>[vector<16xi32>], vector<16xf32>,
        %add3A_830 = arith.addf %add3A_825, %gather3A_829 : vector<16xf32>
        %mul3A_831 = arith.constant 16 : i32
        %mul3A_832 = arith.muli %scan3A_241, %mul3A_831 : i32
        %swap3A_833 = arith.index_cast %mul3A_832 : i32 to index
        %swap3A_834 = tpu.vector_load %arg12[%swap3A_833] {strides = array<i32>} : memref<400xf32, #tpu.memory_space<vmem>>, vector<16xf32>,
        tpu.vector_store %arg12[%swap3A_833], %add3A_830 {strides = array<i32>} : memref<400xf32, #tpu.memory_space<vmem>>, vector<16xf32>,
      }
      %scan3A_149 = arith.constant 25 : i32
      %mul3A_150 = arith.constant 50000 : i32
      %mul3A_151 = arith.muli %add3A, %mul3A_150 : i32
      %mul3A_152 = arith.constant 400 : i32
      %mul3A_153 = arith.muli %mul3A_94, %mul3A_152 : i32
      %add3A_154 = arith.addi %mul3A_151, %mul3A_153 : i32
      %dma_start3A_155 = tpu.memref_slice %arg5[%add3A_154] : memref<1600000xf32, #tpu.memory_space<hbm>> -> memref<400xf32, #tpu.memory_space<hbm>>
      %dma_start3A_156 = tpu.memref_slice %arg5[%add3A_154] : memref<1600000xf32, #tpu.memory_space<hbm>> -> memref<400xf32, #tpu.memory_space<hbm>>
      tpu.enqueue_dma source(%arg12 : memref<400xf32, #tpu.memory_space<vmem>>) target(%dma_start3A_156 : memref<400xf32, #tpu.memory_space<hbm>>) target_semaphore(%arg18 : memref<!tpu.dma_semaphore, #tpu.memory_space<semaphore_mem>>)
      %add3A_157 = arith.constant 2 : i32
      %add3A_158 = arith.addi %mul3A_94, %add3A_157 : i32
      %mul3A_159 = arith.constant 125 : i32
      %mul3A_160 = arith.muli %add3A, %mul3A_159 : i32
      %add3A_161 = arith.addi %mul3A_160, %add3A_158 : i32
      %dma_start3A_162 = arith.constant 0 : i32
      %dma_start3A_163 = tpu.memref_slice %arg2[%add3A_161, %dma_start3A_162] : memref<4000x1200xi32, #tpu.memory_space<hbm>> -> memref<1x1200xi32, #tpu.memory_space<hbm>>
      %dma_start3A_164 = tpu.memref_squeeze %dma_start3A_163 : memref<1x1200xi32, #tpu.memory_space<hbm>> -> memref<1200xi32, #tpu.memory_space<hbm>>
      %dma_start3A_165 = arith.constant 0 : i32
      %dma_start3A_166 = tpu.memref_slice %arg2[%add3A_161, %dma_start3A_165] : memref<4000x1200xi32, #tpu.memory_space<hbm>> -> memref<1x1200xi32, #tpu.memory_space<hbm>>
      %dma_start3A_167 = tpu.memref_squeeze %dma_start3A_166 : memref<1x1200xi32, #tpu.memory_space<hbm>> -> memref<1200xi32, #tpu.memory_space<hbm>>
      tpu.enqueue_dma source(%dma_start3A_167 : memref<1200xi32, #tpu.memory_space<hbm>>) target(%arg6 : memref<1200xi32, #tpu.memory_space<vmem>>) target_semaphore(%arg14 : memref<!tpu.dma_semaphore, #tpu.memory_space<semaphore_mem>>)
      %dma_wait3A_168 = arith.constant 0 : i32
      %dma_wait3A_169 = arith.constant 0 : i32
      %dma_wait3A_170 = tpu.memref_slice %arg9[%dma_wait3A_168, %dma_wait3A_169] : memref<800x56xf32, #tpu.memory_space<vmem>> -> memref<400x56xf32, #tpu.memory_space<vmem>>
      %dma_wait3A_171 = arith.constant 0 : i32
      %dma_wait3A_172 = tpu.memref_slice %arg7[%dma_wait3A_171] : memref<1200xi32, #tpu.memory_space<vmem>> -> memref<400xi32, #tpu.memory_space<vmem>>
      %dma_wait3A_173 = arith.constant 0 : i32
      %dma_wait3A_174 = arith.constant 0 : i32
      %dma_wait3A_175 = tpu.memref_slice %arg3[%dma_wait3A_173, %dma_wait3A_174] : memref<100000x56xf32, #tpu.memory_space<hbm>> -> memref<100000x56xf32, #tpu.memory_space<hbm>>
      tpu.wait_indirect_dma semaphore(%arg17 : memref<!tpu.dma_semaphore, #tpu.memory_space<semaphore_mem>>) src(%dma_wait3A_175 : memref<100000x56xf32, #tpu.memory_space<hbm>>) dst(%dma_wait3A_170 : memref<400x56xf32, #tpu.memory_space<vmem>>)
      %dma_wait3A_176 = arith.constant 400 : i32
      %dma_wait3A_177 = arith.constant 0 : i32
      %dma_wait3A_178 = tpu.memref_slice %arg9[%dma_wait3A_176, %dma_wait3A_177] : memref<800x56xf32, #tpu.memory_space<vmem>> -> memref<400x56xf32, #tpu.memory_space<vmem>>
      %dma_wait3A_179 = arith.constant 400 : i32
      %dma_wait3A_180 = tpu.memref_slice %arg7[%dma_wait3A_179] : memref<1200xi32, #tpu.memory_space<vmem>> -> memref<400xi32, #tpu.memory_space<vmem>>
      %dma_wait3A_181 = arith.constant 0 : i32
      %dma_wait3A_182 = arith.constant 0 : i32
      %dma_wait3A_183 = tpu.memref_slice %arg3[%dma_wait3A_181, %dma_wait3A_182] : memref<100000x56xf32, #tpu.memory_space<hbm>> -> memref<100000x56xf32, #tpu.memory_space<hbm>>
      tpu.wait_indirect_dma semaphore(%arg17 : memref<!tpu.dma_semaphore, #tpu.memory_space<semaphore_mem>>) src(%dma_wait3A_183 : memref<100000x56xf32, #tpu.memory_space<hbm>>) dst(%dma_wait3A_178 : memref<400x56xf32, #tpu.memory_space<vmem>>)
      %dma_wait3A_184 = arith.constant 0 : i32
      %dma_wait3A_185 = arith.constant 0 : i32
      %dma_wait3A_186 = tpu.memref_slice %arg2[%dma_wait3A_184, %dma_wait3A_185] : memref<4000x1200xi32, #tpu.memory_space<hbm>> -> memref<1x1200xi32, #tpu.memory_space<hbm>>
      %dma_wait3A_187 = tpu.memref_squeeze %dma_wait3A_186 : memref<1x1200xi32, #tpu.memory_space<hbm>> -> memref<1200xi32, #tpu.memory_space<hbm>>
      %dma_wait3A_188 = arith.constant 0 : i32
      %dma_wait3A_189 = tpu.memref_slice %arg2[%dma_wait3A_184, %dma_wait3A_188] : memref<4000x1200xi32, #tpu.memory_space<hbm>> -> memref<1x1200xi32, #tpu.memory_space<hbm>>
      %dma_wait3A_190 = tpu.memref_squeeze %dma_wait3A_189 : memref<1x1200xi32, #tpu.memory_space<hbm>> -> memref<1200xi32, #tpu.memory_space<hbm>>
      tpu.wait_dma2 semaphore(%arg14 : memref<!tpu.dma_semaphore, #tpu.memory_space<semaphore_mem>>) src(%dma_wait3A_190 : memref<1200xi32, #tpu.memory_space<hbm>>) dst(%arg6 : memref<1200xi32, #tpu.memory_space<vmem>>)
      %dma_start3A_191 = arith.constant 0 : i32
      %dma_start3A_192 = arith.constant 0 : i32
      %dma_start3A_193 = tpu.memref_slice %arg8[%dma_start3A_191, %dma_start3A_192] : memref<800x56xf32, #tpu.memory_space<vmem>> -> memref<400x56xf32, #tpu.memory_space<vmem>>
      %dma_start3A_194 = arith.constant 0 : i32
      %dma_start3A_195 = tpu.memref_slice %arg6[%dma_start3A_194] : memref<1200xi32, #tpu.memory_space<vmem>> -> memref<400xi32, #tpu.memory_space<vmem>>
      %dma_start3A_196 = arith.constant 0 : i32
      %dma_start3A_197 = arith.constant 0 : i32
      %dma_start3A_198 = tpu.memref_slice %arg3[%dma_start3A_196, %dma_start3A_197] : memref<100000x56xf32, #tpu.memory_space<hbm>> -> memref<100000x56xf32, #tpu.memory_space<hbm>>
      tpu.enqueue_indirect_dma source(%dma_start3A_198 : memref<100000x56xf32, #tpu.memory_space<hbm>>) target(%dma_start3A_193 : memref<400x56xf32, #tpu.memory_space<vmem>>) offsets(%dma_start3A_195 : memref<400xi32, #tpu.memory_space<vmem>>) semaphore(%arg16 : memref<!tpu.dma_semaphore, #tpu.memory_space<semaphore_mem>>)
      %dma_start3A_199 = arith.constant 400 : i32
      %dma_start3A_200 = arith.constant 0 : i32
      %dma_start3A_201 = tpu.memref_slice %arg8[%dma_start3A_199, %dma_start3A_200] : memref<800x56xf32, #tpu.memory_space<vmem>> -> memref<400x56xf32, #tpu.memory_space<vmem>>
      %dma_start3A_202 = arith.constant 400 : i32
      %dma_start3A_203 = tpu.memref_slice %arg6[%dma_start3A_202] : memref<1200xi32, #tpu.memory_space<vmem>> -> memref<400xi32, #tpu.memory_space<vmem>>
      %dma_start3A_204 = arith.constant 0 : i32
      %dma_start3A_205 = arith.constant 0 : i32
      %dma_start3A_206 = tpu.memref_slice %arg3[%dma_start3A_204, %dma_start3A_205] : memref<100000x56xf32, #tpu.memory_space<hbm>> -> memref<100000x56xf32, #tpu.memory_space<hbm>>
      tpu.enqueue_indirect_dma source(%dma_start3A_206 : memref<100000x56xf32, #tpu.memory_space<hbm>>) target(%dma_start3A_201 : memref<400x56xf32, #tpu.memory_space<vmem>>) offsets(%dma_start3A_203 : memref<400xi32, #tpu.memory_space<vmem>>) semaphore(%arg16 : memref<!tpu.dma_semaphore, #tpu.memory_space<semaphore_mem>>)
      %gt3A_207 = arith.constant 0 : i32
      %gt3A_208 = arith.cmpi sgt, %scan3A_92, %gt3A_207 : i32
      %convert_element_type3A_209 = arith.extui %gt3A_208 : i1 to i32
      %cond3A_210 = arith.constant 0 : i32
      %cond3A_211 = arith.cmpi ne, %convert_element_type3A_209, %cond3A_210 : i32
      scf.if %cond3A_211 {
        %dma_wait3A_241 = arith.constant 0 : i32
        %dma_wait3A_242 = tpu.memref_slice %arg5[%dma_wait3A_241] : memref<1600000xf32, #tpu.memory_space<hbm>> -> memref<400xf32, #tpu.memory_space<hbm>>
        %dma_wait3A_243 = arith.constant 0 : i32
        %dma_wait3A_244 = tpu.memref_slice %arg5[%dma_wait3A_243] : memref<1600000xf32, #tpu.memory_space<hbm>> -> memref<400xf32, #tpu.memory_space<hbm>>
        tpu.wait_dma2 semaphore(%arg19 : memref<!tpu.dma_semaphore, #tpu.memory_space<semaphore_mem>>) src(%arg13 : memref<400xf32, #tpu.memory_space<vmem>>) dst(%dma_wait3A_244 : memref<400xf32, #tpu.memory_space<hbm>>)
      } else {
      }
      %broadcast_in_dim3A_212 = arith.constant 0.000000e+00 : f32
      %broadcast_in_dim3A_213 = vector.broadcast %broadcast_in_dim3A_212 : f32 to vector<16xf32>
      %shift_right_arithmetic3A_214 = arith.constant 2 : i32
      %shift_right_arithmetic3A_215 = vector.broadcast %shift_right_arithmetic3A_214 : i32 to vector<16xi32>
      %shift_right_arithmetic3A_216 = arith.shrsi %iota3A, %shift_right_arithmetic3A_215 : vector<16xi32>
      %and3A_217 = arith.constant 3 : i32
      %and3A_218 = vector.broadcast %and3A_217 : i32 to vector<16xi32>
      %and3A_219 = arith.andi %iota3A, %and3A_218 : vector<16xi32>
      %scan3A_220 = arith.constant 0 : i32
      %scan3A_221 = arith.constant 0 : i32
      %scan3A_222 = arith.constant 25 : i32
      %scan3A_223 = arith.addi %scan3A_221, %scan3A_222 : i32
      %scan3A_224 = arith.constant 1 : i32
      scf.for %scan3A_241 = %scan3A_221 to %scan3A_223 step %scan3A_224  : i32 {
        %mul3A_242 = arith.constant 16 : i32
        %mul3A_243 = arith.muli %scan3A_241, %mul3A_242 : i32
        %add3A_244 = arith.constant 0 : i32
        %add3A_245 = arith.addi %mul3A_243, %add3A_244 : i32
        %add3A_246 = vector.broadcast %add3A_245 : i32 to vector<16xi32>
        %add3A_247 = arith.addi %add3A_246, %shift_right_arithmetic3A_216 : vector<16xi32>
        %add3A_248 = arith.constant 400 : i32
        %add3A_249 = vector.broadcast %add3A_248 : i32 to vector<16xi32>
        %add3A_250 = arith.addi %add3A_249, %add3A_247 : vector<16xi32>
        %add3A_251 = arith.constant 800 : i32
        %add3A_252 = vector.broadcast %add3A_251 : i32 to vector<16xi32>
        %add3A_253 = arith.addi %add3A_252, %add3A_247 : vector<16xi32>
        %gather3A = tpu.vector_load_idx %arg7[%add3A_253] : memref<1200xi32, #tpu.memory_space<vmem>>[vector<16xi32>], vector<16xi32>,
        %gather3A_254 = tpu.vector_load_idx %arg9[%add3A_247, %and3A_219] : memref<800x56xf32, #tpu.memory_space<vmem>>[vector<16xi32>, vector<16xi32>], vector<16xf32>,
        %gather3A_255 = tpu.vector_load_idx %arg9[%add3A_250, %and3A_219] : memref<800x56xf32, #tpu.memory_space<vmem>>[vector<16xi32>, vector<16xi32>], vector<16xf32>,
        %gather3A_256 = tpu.vector_load_idx %arg10[%gather3A, %and3A_219] : memref<237x56xf32, #tpu.memory_space<vmem>>[vector<16xi32>, vector<16xi32>], vector<16xf32>,
        %mul3A_257 = arith.mulf %gather3A_254, %gather3A_256 : vector<16xf32>
        %mul3A_258 = arith.mulf %mul3A_257, %gather3A_255 : vector<16xf32>
        %add3A_259 = arith.addf %broadcast_in_dim3A_213, %mul3A_258 : vector<16xf32>
        %add3A_260 = arith.constant 4 : i32
        %add3A_261 = vector.broadcast %add3A_260 : i32 to vector<16xi32>
        %add3A_262 = arith.addi %and3A_219, %add3A_261 : vector<16xi32>
        %gather3A_263 = tpu.vector_load_idx %arg9[%add3A_247, %add3A_262] : memref<800x56xf32, #tpu.memory_space<vmem>>[vector<16xi32>, vector<16xi32>], vector<16xf32>,
        %gather3A_264 = tpu.vector_load_idx %arg9[%add3A_250, %add3A_262] : memref<800x56xf32, #tpu.memory_space<vmem>>[vector<16xi32>, vector<16xi32>], vector<16xf32>,
        %gather3A_265 = tpu.vector_load_idx %arg10[%gather3A, %add3A_262] : memref<237x56xf32, #tpu.memory_space<vmem>>[vector<16xi32>, vector<16xi32>], vector<16xf32>,
        %mul3A_266 = arith.mulf %gather3A_263, %gather3A_265 : vector<16xf32>
        %mul3A_267 = arith.mulf %mul3A_266, %gather3A_264 : vector<16xf32>
        %add3A_268 = arith.addf %broadcast_in_dim3A_213, %mul3A_267 : vector<16xf32>
        %add3A_269 = arith.constant 4 : i32
        %add3A_270 = vector.broadcast %add3A_269 : i32 to vector<16xi32>
        %add3A_271 = arith.addi %add3A_262, %add3A_270 : vector<16xi32>
        %gather3A_272 = tpu.vector_load_idx %arg9[%add3A_247, %add3A_271] : memref<800x56xf32, #tpu.memory_space<vmem>>[vector<16xi32>, vector<16xi32>], vector<16xf32>,
        %gather3A_273 = tpu.vector_load_idx %arg9[%add3A_250, %add3A_271] : memref<800x56xf32, #tpu.memory_space<vmem>>[vector<16xi32>, vector<16xi32>], vector<16xf32>,
        %gather3A_274 = tpu.vector_load_idx %arg10[%gather3A, %add3A_271] : memref<237x56xf32, #tpu.memory_space<vmem>>[vector<16xi32>, vector<16xi32>], vector<16xf32>,
        %mul3A_275 = arith.mulf %gather3A_272, %gather3A_274 : vector<16xf32>
        %mul3A_276 = arith.mulf %mul3A_275, %gather3A_273 : vector<16xf32>
        %add3A_277 = arith.addf %add3A_259, %mul3A_276 : vector<16xf32>
        %add3A_278 = arith.constant 4 : i32
        %add3A_279 = vector.broadcast %add3A_278 : i32 to vector<16xi32>
        %add3A_280 = arith.addi %add3A_271, %add3A_279 : vector<16xi32>
        %gather3A_281 = tpu.vector_load_idx %arg9[%add3A_247, %add3A_280] : memref<800x56xf32, #tpu.memory_space<vmem>>[vector<16xi32>, vector<16xi32>], vector<16xf32>,
        %gather3A_282 = tpu.vector_load_idx %arg9[%add3A_250, %add3A_280] : memref<800x56xf32, #tpu.memory_space<vmem>>[vector<16xi32>, vector<16xi32>], vector<16xf32>,
        %gather3A_283 = tpu.vector_load_idx %arg10[%gather3A, %add3A_280] : memref<237x56xf32, #tpu.memory_space<vmem>>[vector<16xi32>, vector<16xi32>], vector<16xf32>,
        %mul3A_284 = arith.mulf %gather3A_281, %gather3A_283 : vector<16xf32>
        %mul3A_285 = arith.mulf %mul3A_284, %gather3A_282 : vector<16xf32>
        %add3A_286 = arith.addf %add3A_268, %mul3A_285 : vector<16xf32>
        %add3A_287 = arith.constant 4 : i32
        %add3A_288 = vector.broadcast %add3A_287 : i32 to vector<16xi32>
        %add3A_289 = arith.addi %add3A_280, %add3A_288 : vector<16xi32>
        %gather3A_290 = tpu.vector_load_idx %arg9[%add3A_247, %add3A_289] : memref<800x56xf32, #tpu.memory_space<vmem>>[vector<16xi32>, vector<16xi32>], vector<16xf32>,
        %gather3A_291 = tpu.vector_load_idx %arg9[%add3A_250, %add3A_289] : memref<800x56xf32, #tpu.memory_space<vmem>>[vector<16xi32>, vector<16xi32>], vector<16xf32>,
        %gather3A_292 = tpu.vector_load_idx %arg10[%gather3A, %add3A_289] : memref<237x56xf32, #tpu.memory_space<vmem>>[vector<16xi32>, vector<16xi32>], vector<16xf32>,
        %mul3A_293 = arith.mulf %gather3A_290, %gather3A_292 : vector<16xf32>
        %mul3A_294 = arith.mulf %mul3A_293, %gather3A_291 : vector<16xf32>
        %add3A_295 = arith.addf %add3A_277, %mul3A_294 : vector<16xf32>
        %add3A_296 = arith.constant 4 : i32
        %add3A_297 = vector.broadcast %add3A_296 : i32 to vector<16xi32>
        %add3A_298 = arith.addi %add3A_289, %add3A_297 : vector<16xi32>
        %gather3A_299 = tpu.vector_load_idx %arg9[%add3A_247, %add3A_298] : memref<800x56xf32, #tpu.memory_space<vmem>>[vector<16xi32>, vector<16xi32>], vector<16xf32>,
        %gather3A_300 = tpu.vector_load_idx %arg9[%add3A_250, %add3A_298] : memref<800x56xf32, #tpu.memory_space<vmem>>[vector<16xi32>, vector<16xi32>], vector<16xf32>,
        %gather3A_301 = tpu.vector_load_idx %arg10[%gather3A, %add3A_298] : memref<237x56xf32, #tpu.memory_space<vmem>>[vector<16xi32>, vector<16xi32>], vector<16xf32>,
        %mul3A_302 = arith.mulf %gather3A_299, %gather3A_301 : vector<16xf32>
        %mul3A_303 = arith.mulf %mul3A_302, %gather3A_300 : vector<16xf32>
        %add3A_304 = arith.addf %add3A_286, %mul3A_303 : vector<16xf32>
        %add3A_305 = arith.constant 4 : i32
        %add3A_306 = vector.broadcast %add3A_305 : i32 to vector<16xi32>
        %add3A_307 = arith.addi %add3A_298, %add3A_306 : vector<16xi32>
        %gather3A_308 = tpu.vector_load_idx %arg9[%add3A_247, %add3A_307] : memref<800x56xf32, #tpu.memory_space<vmem>>[vector<16xi32>, vector<16xi32>], vector<16xf32>,
        %gather3A_309 = tpu.vector_load_idx %arg9[%add3A_250, %add3A_307] : memref<800x56xf32, #tpu.memory_space<vmem>>[vector<16xi32>, vector<16xi32>], vector<16xf32>,
        %gather3A_310 = tpu.vector_load_idx %arg10[%gather3A, %add3A_307] : memref<237x56xf32, #tpu.memory_space<vmem>>[vector<16xi32>, vector<16xi32>], vector<16xf32>,
        %mul3A_311 = arith.mulf %gather3A_308, %gather3A_310 : vector<16xf32>
        %mul3A_312 = arith.mulf %mul3A_311, %gather3A_309 : vector<16xf32>
        %add3A_313 = arith.addf %add3A_295, %mul3A_312 : vector<16xf32>
        %add3A_314 = arith.constant 4 : i32
        %add3A_315 = vector.broadcast %add3A_314 : i32 to vector<16xi32>
        %add3A_316 = arith.addi %add3A_307, %add3A_315 : vector<16xi32>
        %gather3A_317 = tpu.vector_load_idx %arg9[%add3A_247, %add3A_316] : memref<800x56xf32, #tpu.memory_space<vmem>>[vector<16xi32>, vector<16xi32>], vector<16xf32>,
        %gather3A_318 = tpu.vector_load_idx %arg9[%add3A_250, %add3A_316] : memref<800x56xf32, #tpu.memory_space<vmem>>[vector<16xi32>, vector<16xi32>], vector<16xf32>,
        %gather3A_319 = tpu.vector_load_idx %arg10[%gather3A, %add3A_316] : memref<237x56xf32, #tpu.memory_space<vmem>>[vector<16xi32>, vector<16xi32>], vector<16xf32>,
        %mul3A_320 = arith.mulf %gather3A_317, %gather3A_319 : vector<16xf32>
        %mul3A_321 = arith.mulf %mul3A_320, %gather3A_318 : vector<16xf32>
        %add3A_322 = arith.addf %add3A_304, %mul3A_321 : vector<16xf32>
        %add3A_323 = arith.constant 4 : i32
        %add3A_324 = vector.broadcast %add3A_323 : i32 to vector<16xi32>
        %add3A_325 = arith.addi %add3A_316, %add3A_324 : vector<16xi32>
        %gather3A_326 = tpu.vector_load_idx %arg9[%add3A_247, %add3A_325] : memref<800x56xf32, #tpu.memory_space<vmem>>[vector<16xi32>, vector<16xi32>], vector<16xf32>,
        %gather3A_327 = tpu.vector_load_idx %arg9[%add3A_250, %add3A_325] : memref<800x56xf32, #tpu.memory_space<vmem>>[vector<16xi32>, vector<16xi32>], vector<16xf32>,
        %gather3A_328 = tpu.vector_load_idx %arg10[%gather3A, %add3A_325] : memref<237x56xf32, #tpu.memory_space<vmem>>[vector<16xi32>, vector<16xi32>], vector<16xf32>,
        %mul3A_329 = arith.mulf %gather3A_326, %gather3A_328 : vector<16xf32>
        %mul3A_330 = arith.mulf %mul3A_329, %gather3A_327 : vector<16xf32>
        %add3A_331 = arith.addf %add3A_313, %mul3A_330 : vector<16xf32>
        %add3A_332 = arith.constant 4 : i32
        %add3A_333 = vector.broadcast %add3A_332 : i32 to vector<16xi32>
        %add3A_334 = arith.addi %add3A_325, %add3A_333 : vector<16xi32>
        %gather3A_335 = tpu.vector_load_idx %arg9[%add3A_247, %add3A_334] : memref<800x56xf32, #tpu.memory_space<vmem>>[vector<16xi32>, vector<16xi32>], vector<16xf32>,
        %gather3A_336 = tpu.vector_load_idx %arg9[%add3A_250, %add3A_334] : memref<800x56xf32, #tpu.memory_space<vmem>>[vector<16xi32>, vector<16xi32>], vector<16xf32>,
        %gather3A_337 = tpu.vector_load_idx %arg10[%gather3A, %add3A_334] : memref<237x56xf32, #tpu.memory_space<vmem>>[vector<16xi32>, vector<16xi32>], vector<16xf32>,
        %mul3A_338 = arith.mulf %gather3A_335, %gather3A_337 : vector<16xf32>
        %mul3A_339 = arith.mulf %mul3A_338, %gather3A_336 : vector<16xf32>
        %add3A_340 = arith.addf %add3A_322, %mul3A_339 : vector<16xf32>
        %add3A_341 = arith.constant 4 : i32
        %add3A_342 = vector.broadcast %add3A_341 : i32 to vector<16xi32>
        %add3A_343 = arith.addi %add3A_334, %add3A_342 : vector<16xi32>
        %gather3A_344 = tpu.vector_load_idx %arg9[%add3A_247, %add3A_343] : memref<800x56xf32, #tpu.memory_space<vmem>>[vector<16xi32>, vector<16xi32>], vector<16xf32>,
        %gather3A_345 = tpu.vector_load_idx %arg9[%add3A_250, %add3A_343] : memref<800x56xf32, #tpu.memory_space<vmem>>[vector<16xi32>, vector<16xi32>], vector<16xf32>,
        %gather3A_346 = tpu.vector_load_idx %arg10[%gather3A, %add3A_343] : memref<237x56xf32, #tpu.memory_space<vmem>>[vector<16xi32>, vector<16xi32>], vector<16xf32>,
        %mul3A_347 = arith.mulf %gather3A_344, %gather3A_346 : vector<16xf32>
        %mul3A_348 = arith.mulf %mul3A_347, %gather3A_345 : vector<16xf32>
        %add3A_349 = arith.addf %add3A_331, %mul3A_348 : vector<16xf32>
        %add3A_350 = arith.constant 4 : i32
        %add3A_351 = vector.broadcast %add3A_350 : i32 to vector<16xi32>
        %add3A_352 = arith.addi %add3A_343, %add3A_351 : vector<16xi32>
        %gather3A_353 = tpu.vector_load_idx %arg9[%add3A_247, %add3A_352] : memref<800x56xf32, #tpu.memory_space<vmem>>[vector<16xi32>, vector<16xi32>], vector<16xf32>,
        %gather3A_354 = tpu.vector_load_idx %arg9[%add3A_250, %add3A_352] : memref<800x56xf32, #tpu.memory_space<vmem>>[vector<16xi32>, vector<16xi32>], vector<16xf32>,
        %gather3A_355 = tpu.vector_load_idx %arg10[%gather3A, %add3A_352] : memref<237x56xf32, #tpu.memory_space<vmem>>[vector<16xi32>, vector<16xi32>], vector<16xf32>,
        %mul3A_356 = arith.mulf %gather3A_353, %gather3A_355 : vector<16xf32>
        %mul3A_357 = arith.mulf %mul3A_356, %gather3A_354 : vector<16xf32>
        %add3A_358 = arith.addf %add3A_340, %mul3A_357 : vector<16xf32>
        %add3A_359 = arith.constant 4 : i32
        %add3A_360 = vector.broadcast %add3A_359 : i32 to vector<16xi32>
        %add3A_361 = arith.addi %add3A_352, %add3A_360 : vector<16xi32>
        %gather3A_362 = tpu.vector_load_idx %arg9[%add3A_247, %add3A_361] : memref<800x56xf32, #tpu.memory_space<vmem>>[vector<16xi32>, vector<16xi32>], vector<16xf32>,
        %gather3A_363 = tpu.vector_load_idx %arg9[%add3A_250, %add3A_361] : memref<800x56xf32, #tpu.memory_space<vmem>>[vector<16xi32>, vector<16xi32>], vector<16xf32>,
        %gather3A_364 = tpu.vector_load_idx %arg10[%gather3A, %add3A_361] : memref<237x56xf32, #tpu.memory_space<vmem>>[vector<16xi32>, vector<16xi32>], vector<16xf32>,
        %mul3A_365 = arith.mulf %gather3A_362, %gather3A_364 : vector<16xf32>
        %mul3A_366 = arith.mulf %mul3A_365, %gather3A_363 : vector<16xf32>
        %add3A_367 = arith.addf %add3A_349, %mul3A_366 : vector<16xf32>
        %add3A_368 = arith.constant 4 : i32
        %add3A_369 = vector.broadcast %add3A_368 : i32 to vector<16xi32>
        %add3A_370 = arith.addi %add3A_361, %add3A_369 : vector<16xi32>
        %gather3A_371 = tpu.vector_load_idx %arg9[%add3A_247, %add3A_370] : memref<800x56xf32, #tpu.memory_space<vmem>>[vector<16xi32>, vector<16xi32>], vector<16xf32>,
        %gather3A_372 = tpu.vector_load_idx %arg9[%add3A_250, %add3A_370] : memref<800x56xf32, #tpu.memory_space<vmem>>[vector<16xi32>, vector<16xi32>], vector<16xf32>,
        %gather3A_373 = tpu.vector_load_idx %arg10[%gather3A, %add3A_370] : memref<237x56xf32, #tpu.memory_space<vmem>>[vector<16xi32>, vector<16xi32>], vector<16xf32>,
        %mul3A_374 = arith.mulf %gather3A_371, %gather3A_373 : vector<16xf32>
        %mul3A_375 = arith.mulf %mul3A_374, %gather3A_372 : vector<16xf32>
        %add3A_376 = arith.addf %add3A_358, %mul3A_375 : vector<16xf32>
        %add3A_377 = arith.constant 4 : i32
        %add3A_378 = vector.broadcast %add3A_377 : i32 to vector<16xi32>
        %add3A_379 = arith.addi %add3A_370, %add3A_378 : vector<16xi32>
        %add3A_380 = arith.addf %add3A_367, %add3A_376 : vector<16xf32>
        %swap3A = arith.constant 0 : index
        %swap3A_381 = tpu.vector_load %arg11[%swap3A] {strides = array<i32>} : memref<64xf32, #tpu.memory_space<vmem>>, vector<16xf32>,
        tpu.vector_store %arg11[%swap3A], %add3A_380 {strides = array<i32>} : memref<64xf32, #tpu.memory_space<vmem>>, vector<16xf32>,
        %mul3A_382 = arith.constant 16 : i32
        %mul3A_383 = arith.muli %scan3A_241, %mul3A_382 : i32
        %add3A_384 = arith.constant 4 : i32
        %add3A_385 = arith.addi %mul3A_383, %add3A_384 : i32
        %add3A_386 = vector.broadcast %add3A_385 : i32 to vector<16xi32>
        %add3A_387 = arith.addi %add3A_386, %shift_right_arithmetic3A_216 : vector<16xi32>
        %add3A_388 = arith.constant 400 : i32
        %add3A_389 = vector.broadcast %add3A_388 : i32 to vector<16xi32>
        %add3A_390 = arith.addi %add3A_389, %add3A_387 : vector<16xi32>
        %add3A_391 = arith.constant 800 : i32
        %add3A_392 = vector.broadcast %add3A_391 : i32 to vector<16xi32>
        %add3A_393 = arith.addi %add3A_392, %add3A_387 : vector<16xi32>
        %gather3A_394 = tpu.vector_load_idx %arg7[%add3A_393] : memref<1200xi32, #tpu.memory_space<vmem>>[vector<16xi32>], vector<16xi32>,
        %gather3A_395 = tpu.vector_load_idx %arg9[%add3A_387, %and3A_219] : memref<800x56xf32, #tpu.memory_space<vmem>>[vector<16xi32>, vector<16xi32>], vector<16xf32>,
        %gather3A_396 = tpu.vector_load_idx %arg9[%add3A_390, %and3A_219] : memref<800x56xf32, #tpu.memory_space<vmem>>[vector<16xi32>, vector<16xi32>], vector<16xf32>,
        %gather3A_397 = tpu.vector_load_idx %arg10[%gather3A_394, %and3A_219] : memref<237x56xf32, #tpu.memory_space<vmem>>[vector<16xi32>, vector<16xi32>], vector<16xf32>,
        %mul3A_398 = arith.mulf %gather3A_395, %gather3A_397 : vector<16xf32>
        %mul3A_399 = arith.mulf %mul3A_398, %gather3A_396 : vector<16xf32>
        %add3A_400 = arith.addf %broadcast_in_dim3A_213, %mul3A_399 : vector<16xf32>
        %add3A_401 = arith.constant 4 : i32
        %add3A_402 = vector.broadcast %add3A_401 : i32 to vector<16xi32>
        %add3A_403 = arith.addi %and3A_219, %add3A_402 : vector<16xi32>
        %gather3A_404 = tpu.vector_load_idx %arg9[%add3A_387, %add3A_403] : memref<800x56xf32, #tpu.memory_space<vmem>>[vector<16xi32>, vector<16xi32>], vector<16xf32>,
        %gather3A_405 = tpu.vector_load_idx %arg9[%add3A_390, %add3A_403] : memref<800x56xf32, #tpu.memory_space<vmem>>[vector<16xi32>, vector<16xi32>], vector<16xf32>,
        %gather3A_406 = tpu.vector_load_idx %arg10[%gather3A_394, %add3A_403] : memref<237x56xf32, #tpu.memory_space<vmem>>[vector<16xi32>, vector<16xi32>], vector<16xf32>,
        %mul3A_407 = arith.mulf %gather3A_404, %gather3A_406 : vector<16xf32>
        %mul3A_408 = arith.mulf %mul3A_407, %gather3A_405 : vector<16xf32>
        %add3A_409 = arith.addf %broadcast_in_dim3A_213, %mul3A_408 : vector<16xf32>
        %add3A_410 = arith.constant 4 : i32
        %add3A_411 = vector.broadcast %add3A_410 : i32 to vector<16xi32>
        %add3A_412 = arith.addi %add3A_403, %add3A_411 : vector<16xi32>
        %gather3A_413 = tpu.vector_load_idx %arg9[%add3A_387, %add3A_412] : memref<800x56xf32, #tpu.memory_space<vmem>>[vector<16xi32>, vector<16xi32>], vector<16xf32>,
        %gather3A_414 = tpu.vector_load_idx %arg9[%add3A_390, %add3A_412] : memref<800x56xf32, #tpu.memory_space<vmem>>[vector<16xi32>, vector<16xi32>], vector<16xf32>,
        %gather3A_415 = tpu.vector_load_idx %arg10[%gather3A_394, %add3A_412] : memref<237x56xf32, #tpu.memory_space<vmem>>[vector<16xi32>, vector<16xi32>], vector<16xf32>,
        %mul3A_416 = arith.mulf %gather3A_413, %gather3A_415 : vector<16xf32>
        %mul3A_417 = arith.mulf %mul3A_416, %gather3A_414 : vector<16xf32>
        %add3A_418 = arith.addf %add3A_400, %mul3A_417 : vector<16xf32>
        %add3A_419 = arith.constant 4 : i32
        %add3A_420 = vector.broadcast %add3A_419 : i32 to vector<16xi32>
        %add3A_421 = arith.addi %add3A_412, %add3A_420 : vector<16xi32>
        %gather3A_422 = tpu.vector_load_idx %arg9[%add3A_387, %add3A_421] : memref<800x56xf32, #tpu.memory_space<vmem>>[vector<16xi32>, vector<16xi32>], vector<16xf32>,
        %gather3A_423 = tpu.vector_load_idx %arg9[%add3A_390, %add3A_421] : memref<800x56xf32, #tpu.memory_space<vmem>>[vector<16xi32>, vector<16xi32>], vector<16xf32>,
        %gather3A_424 = tpu.vector_load_idx %arg10[%gather3A_394, %add3A_421] : memref<237x56xf32, #tpu.memory_space<vmem>>[vector<16xi32>, vector<16xi32>], vector<16xf32>,
        %mul3A_425 = arith.mulf %gather3A_422, %gather3A_424 : vector<16xf32>
        %mul3A_426 = arith.mulf %mul3A_425, %gather3A_423 : vector<16xf32>
        %add3A_427 = arith.addf %add3A_409, %mul3A_426 : vector<16xf32>
        %add3A_428 = arith.constant 4 : i32
        %add3A_429 = vector.broadcast %add3A_428 : i32 to vector<16xi32>
        %add3A_430 = arith.addi %add3A_421, %add3A_429 : vector<16xi32>
        %gather3A_431 = tpu.vector_load_idx %arg9[%add3A_387, %add3A_430] : memref<800x56xf32, #tpu.memory_space<vmem>>[vector<16xi32>, vector<16xi32>], vector<16xf32>,
        %gather3A_432 = tpu.vector_load_idx %arg9[%add3A_390, %add3A_430] : memref<800x56xf32, #tpu.memory_space<vmem>>[vector<16xi32>, vector<16xi32>], vector<16xf32>,
        %gather3A_433 = tpu.vector_load_idx %arg10[%gather3A_394, %add3A_430] : memref<237x56xf32, #tpu.memory_space<vmem>>[vector<16xi32>, vector<16xi32>], vector<16xf32>,
        %mul3A_434 = arith.mulf %gather3A_431, %gather3A_433 : vector<16xf32>
        %mul3A_435 = arith.mulf %mul3A_434, %gather3A_432 : vector<16xf32>
        %add3A_436 = arith.addf %add3A_418, %mul3A_435 : vector<16xf32>
        %add3A_437 = arith.constant 4 : i32
        %add3A_438 = vector.broadcast %add3A_437 : i32 to vector<16xi32>
        %add3A_439 = arith.addi %add3A_430, %add3A_438 : vector<16xi32>
        %gather3A_440 = tpu.vector_load_idx %arg9[%add3A_387, %add3A_439] : memref<800x56xf32, #tpu.memory_space<vmem>>[vector<16xi32>, vector<16xi32>], vector<16xf32>,
        %gather3A_441 = tpu.vector_load_idx %arg9[%add3A_390, %add3A_439] : memref<800x56xf32, #tpu.memory_space<vmem>>[vector<16xi32>, vector<16xi32>], vector<16xf32>,
        %gather3A_442 = tpu.vector_load_idx %arg10[%gather3A_394, %add3A_439] : memref<237x56xf32, #tpu.memory_space<vmem>>[vector<16xi32>, vector<16xi32>], vector<16xf32>,
        %mul3A_443 = arith.mulf %gather3A_440, %gather3A_442 : vector<16xf32>
        %mul3A_444 = arith.mulf %mul3A_443, %gather3A_441 : vector<16xf32>
        %add3A_445 = arith.addf %add3A_427, %mul3A_444 : vector<16xf32>
        %add3A_446 = arith.constant 4 : i32
        %add3A_447 = vector.broadcast %add3A_446 : i32 to vector<16xi32>
        %add3A_448 = arith.addi %add3A_439, %add3A_447 : vector<16xi32>
        %gather3A_449 = tpu.vector_load_idx %arg9[%add3A_387, %add3A_448] : memref<800x56xf32, #tpu.memory_space<vmem>>[vector<16xi32>, vector<16xi32>], vector<16xf32>,
        %gather3A_450 = tpu.vector_load_idx %arg9[%add3A_390, %add3A_448] : memref<800x56xf32, #tpu.memory_space<vmem>>[vector<16xi32>, vector<16xi32>], vector<16xf32>,
        %gather3A_451 = tpu.vector_load_idx %arg10[%gather3A_394, %add3A_448] : memref<237x56xf32, #tpu.memory_space<vmem>>[vector<16xi32>, vector<16xi32>], vector<16xf32>,
        %mul3A_452 = arith.mulf %gather3A_449, %gather3A_451 : vector<16xf32>
        %mul3A_453 = arith.mulf %mul3A_452, %gather3A_450 : vector<16xf32>
        %add3A_454 = arith.addf %add3A_436, %mul3A_453 : vector<16xf32>
        %add3A_455 = arith.constant 4 : i32
        %add3A_456 = vector.broadcast %add3A_455 : i32 to vector<16xi32>
        %add3A_457 = arith.addi %add3A_448, %add3A_456 : vector<16xi32>
        %gather3A_458 = tpu.vector_load_idx %arg9[%add3A_387, %add3A_457] : memref<800x56xf32, #tpu.memory_space<vmem>>[vector<16xi32>, vector<16xi32>], vector<16xf32>,
        %gather3A_459 = tpu.vector_load_idx %arg9[%add3A_390, %add3A_457] : memref<800x56xf32, #tpu.memory_space<vmem>>[vector<16xi32>, vector<16xi32>], vector<16xf32>,
        %gather3A_460 = tpu.vector_load_idx %arg10[%gather3A_394, %add3A_457] : memref<237x56xf32, #tpu.memory_space<vmem>>[vector<16xi32>, vector<16xi32>], vector<16xf32>,
        %mul3A_461 = arith.mulf %gather3A_458, %gather3A_460 : vector<16xf32>
        %mul3A_462 = arith.mulf %mul3A_461, %gather3A_459 : vector<16xf32>
        %add3A_463 = arith.addf %add3A_445, %mul3A_462 : vector<16xf32>
        %add3A_464 = arith.constant 4 : i32
        %add3A_465 = vector.broadcast %add3A_464 : i32 to vector<16xi32>
        %add3A_466 = arith.addi %add3A_457, %add3A_465 : vector<16xi32>
        %gather3A_467 = tpu.vector_load_idx %arg9[%add3A_387, %add3A_466] : memref<800x56xf32, #tpu.memory_space<vmem>>[vector<16xi32>, vector<16xi32>], vector<16xf32>,
        %gather3A_468 = tpu.vector_load_idx %arg9[%add3A_390, %add3A_466] : memref<800x56xf32, #tpu.memory_space<vmem>>[vector<16xi32>, vector<16xi32>], vector<16xf32>,
        %gather3A_469 = tpu.vector_load_idx %arg10[%gather3A_394, %add3A_466] : memref<237x56xf32, #tpu.memory_space<vmem>>[vector<16xi32>, vector<16xi32>], vector<16xf32>,
        %mul3A_470 = arith.mulf %gather3A_467, %gather3A_469 : vector<16xf32>
        %mul3A_471 = arith.mulf %mul3A_470, %gather3A_468 : vector<16xf32>
        %add3A_472 = arith.addf %add3A_454, %mul3A_471 : vector<16xf32>
        %add3A_473 = arith.constant 4 : i32
        %add3A_474 = vector.broadcast %add3A_473 : i32 to vector<16xi32>
        %add3A_475 = arith.addi %add3A_466, %add3A_474 : vector<16xi32>
        %gather3A_476 = tpu.vector_load_idx %arg9[%add3A_387, %add3A_475] : memref<800x56xf32, #tpu.memory_space<vmem>>[vector<16xi32>, vector<16xi32>], vector<16xf32>,
        %gather3A_477 = tpu.vector_load_idx %arg9[%add3A_390, %add3A_475] : memref<800x56xf32, #tpu.memory_space<vmem>>[vector<16xi32>, vector<16xi32>], vector<16xf32>,
        %gather3A_478 = tpu.vector_load_idx %arg10[%gather3A_394, %add3A_475] : memref<237x56xf32, #tpu.memory_space<vmem>>[vector<16xi32>, vector<16xi32>], vector<16xf32>,
        %mul3A_479 = arith.mulf %gather3A_476, %gather3A_478 : vector<16xf32>
        %mul3A_480 = arith.mulf %mul3A_479, %gather3A_477 : vector<16xf32>
        %add3A_481 = arith.addf %add3A_463, %mul3A_480 : vector<16xf32>
        %add3A_482 = arith.constant 4 : i32
        %add3A_483 = vector.broadcast %add3A_482 : i32 to vector<16xi32>
        %add3A_484 = arith.addi %add3A_475, %add3A_483 : vector<16xi32>
        %gather3A_485 = tpu.vector_load_idx %arg9[%add3A_387, %add3A_484] : memref<800x56xf32, #tpu.memory_space<vmem>>[vector<16xi32>, vector<16xi32>], vector<16xf32>,
        %gather3A_486 = tpu.vector_load_idx %arg9[%add3A_390, %add3A_484] : memref<800x56xf32, #tpu.memory_space<vmem>>[vector<16xi32>, vector<16xi32>], vector<16xf32>,
        %gather3A_487 = tpu.vector_load_idx %arg10[%gather3A_394, %add3A_484] : memref<237x56xf32, #tpu.memory_space<vmem>>[vector<16xi32>, vector<16xi32>], vector<16xf32>,
        %mul3A_488 = arith.mulf %gather3A_485, %gather3A_487 : vector<16xf32>
        %mul3A_489 = arith.mulf %mul3A_488, %gather3A_486 : vector<16xf32>
        %add3A_490 = arith.addf %add3A_472, %mul3A_489 : vector<16xf32>
        %add3A_491 = arith.constant 4 : i32
        %add3A_492 = vector.broadcast %add3A_491 : i32 to vector<16xi32>
        %add3A_493 = arith.addi %add3A_484, %add3A_492 : vector<16xi32>
        %gather3A_494 = tpu.vector_load_idx %arg9[%add3A_387, %add3A_493] : memref<800x56xf32, #tpu.memory_space<vmem>>[vector<16xi32>, vector<16xi32>], vector<16xf32>,
        %gather3A_495 = tpu.vector_load_idx %arg9[%add3A_390, %add3A_493] : memref<800x56xf32, #tpu.memory_space<vmem>>[vector<16xi32>, vector<16xi32>], vector<16xf32>,
        %gather3A_496 = tpu.vector_load_idx %arg10[%gather3A_394, %add3A_493] : memref<237x56xf32, #tpu.memory_space<vmem>>[vector<16xi32>, vector<16xi32>], vector<16xf32>,
        %mul3A_497 = arith.mulf %gather3A_494, %gather3A_496 : vector<16xf32>
        %mul3A_498 = arith.mulf %mul3A_497, %gather3A_495 : vector<16xf32>
        %add3A_499 = arith.addf %add3A_481, %mul3A_498 : vector<16xf32>
        %add3A_500 = arith.constant 4 : i32
        %add3A_501 = vector.broadcast %add3A_500 : i32 to vector<16xi32>
        %add3A_502 = arith.addi %add3A_493, %add3A_501 : vector<16xi32>
        %gather3A_503 = tpu.vector_load_idx %arg9[%add3A_387, %add3A_502] : memref<800x56xf32, #tpu.memory_space<vmem>>[vector<16xi32>, vector<16xi32>], vector<16xf32>,
        %gather3A_504 = tpu.vector_load_idx %arg9[%add3A_390, %add3A_502] : memref<800x56xf32, #tpu.memory_space<vmem>>[vector<16xi32>, vector<16xi32>], vector<16xf32>,
        %gather3A_505 = tpu.vector_load_idx %arg10[%gather3A_394, %add3A_502] : memref<237x56xf32, #tpu.memory_space<vmem>>[vector<16xi32>, vector<16xi32>], vector<16xf32>,
        %mul3A_506 = arith.mulf %gather3A_503, %gather3A_505 : vector<16xf32>
        %mul3A_507 = arith.mulf %mul3A_506, %gather3A_504 : vector<16xf32>
        %add3A_508 = arith.addf %add3A_490, %mul3A_507 : vector<16xf32>
        %add3A_509 = arith.constant 4 : i32
        %add3A_510 = vector.broadcast %add3A_509 : i32 to vector<16xi32>
        %add3A_511 = arith.addi %add3A_502, %add3A_510 : vector<16xi32>
        %gather3A_512 = tpu.vector_load_idx %arg9[%add3A_387, %add3A_511] : memref<800x56xf32, #tpu.memory_space<vmem>>[vector<16xi32>, vector<16xi32>], vector<16xf32>,
        %gather3A_513 = tpu.vector_load_idx %arg9[%add3A_390, %add3A_511] : memref<800x56xf32, #tpu.memory_space<vmem>>[vector<16xi32>, vector<16xi32>], vector<16xf32>,
        %gather3A_514 = tpu.vector_load_idx %arg10[%gather3A_394, %add3A_511] : memref<237x56xf32, #tpu.memory_space<vmem>>[vector<16xi32>, vector<16xi32>], vector<16xf32>,
        %mul3A_515 = arith.mulf %gather3A_512, %gather3A_514 : vector<16xf32>
        %mul3A_516 = arith.mulf %mul3A_515, %gather3A_513 : vector<16xf32>
        %add3A_517 = arith.addf %add3A_499, %mul3A_516 : vector<16xf32>
        %add3A_518 = arith.constant 4 : i32
        %add3A_519 = vector.broadcast %add3A_518 : i32 to vector<16xi32>
        %add3A_520 = arith.addi %add3A_511, %add3A_519 : vector<16xi32>
        %add3A_521 = arith.addf %add3A_508, %add3A_517 : vector<16xf32>
        %swap3A_522 = arith.constant 16 : index
        %swap3A_523 = tpu.vector_load %arg11[%swap3A_522] {strides = array<i32>} : memref<64xf32, #tpu.memory_space<vmem>>, vector<16xf32>,
        tpu.vector_store %arg11[%swap3A_522], %add3A_521 {strides = array<i32>} : memref<64xf32, #tpu.memory_space<vmem>>, vector<16xf32>,
        %mul3A_524 = arith.constant 16 : i32
        %mul3A_525 = arith.muli %scan3A_241, %mul3A_524 : i32
        %add3A_526 = arith.constant 8 : i32
        %add3A_527 = arith.addi %mul3A_525, %add3A_526 : i32
        %add3A_528 = vector.broadcast %add3A_527 : i32 to vector<16xi32>
        %add3A_529 = arith.addi %add3A_528, %shift_right_arithmetic3A_216 : vector<16xi32>
        %add3A_530 = arith.constant 400 : i32
        %add3A_531 = vector.broadcast %add3A_530 : i32 to vector<16xi32>
        %add3A_532 = arith.addi %add3A_531, %add3A_529 : vector<16xi32>
        %add3A_533 = arith.constant 800 : i32
        %add3A_534 = vector.broadcast %add3A_533 : i32 to vector<16xi32>
        %add3A_535 = arith.addi %add3A_534, %add3A_529 : vector<16xi32>
        %gather3A_536 = tpu.vector_load_idx %arg7[%add3A_535] : memref<1200xi32, #tpu.memory_space<vmem>>[vector<16xi32>], vector<16xi32>,
        %gather3A_537 = tpu.vector_load_idx %arg9[%add3A_529, %and3A_219] : memref<800x56xf32, #tpu.memory_space<vmem>>[vector<16xi32>, vector<16xi32>], vector<16xf32>,
        %gather3A_538 = tpu.vector_load_idx %arg9[%add3A_532, %and3A_219] : memref<800x56xf32, #tpu.memory_space<vmem>>[vector<16xi32>, vector<16xi32>], vector<16xf32>,
        %gather3A_539 = tpu.vector_load_idx %arg10[%gather3A_536, %and3A_219] : memref<237x56xf32, #tpu.memory_space<vmem>>[vector<16xi32>, vector<16xi32>], vector<16xf32>,
        %mul3A_540 = arith.mulf %gather3A_537, %gather3A_539 : vector<16xf32>
        %mul3A_541 = arith.mulf %mul3A_540, %gather3A_538 : vector<16xf32>
        %add3A_542 = arith.addf %broadcast_in_dim3A_213, %mul3A_541 : vector<16xf32>
        %add3A_543 = arith.constant 4 : i32
        %add3A_544 = vector.broadcast %add3A_543 : i32 to vector<16xi32>
        %add3A_545 = arith.addi %and3A_219, %add3A_544 : vector<16xi32>
        %gather3A_546 = tpu.vector_load_idx %arg9[%add3A_529, %add3A_545] : memref<800x56xf32, #tpu.memory_space<vmem>>[vector<16xi32>, vector<16xi32>], vector<16xf32>,
        %gather3A_547 = tpu.vector_load_idx %arg9[%add3A_532, %add3A_545] : memref<800x56xf32, #tpu.memory_space<vmem>>[vector<16xi32>, vector<16xi32>], vector<16xf32>,
        %gather3A_548 = tpu.vector_load_idx %arg10[%gather3A_536, %add3A_545] : memref<237x56xf32, #tpu.memory_space<vmem>>[vector<16xi32>, vector<16xi32>], vector<16xf32>,
        %mul3A_549 = arith.mulf %gather3A_546, %gather3A_548 : vector<16xf32>
        %mul3A_550 = arith.mulf %mul3A_549, %gather3A_547 : vector<16xf32>
        %add3A_551 = arith.addf %broadcast_in_dim3A_213, %mul3A_550 : vector<16xf32>
        %add3A_552 = arith.constant 4 : i32
        %add3A_553 = vector.broadcast %add3A_552 : i32 to vector<16xi32>
        %add3A_554 = arith.addi %add3A_545, %add3A_553 : vector<16xi32>
        %gather3A_555 = tpu.vector_load_idx %arg9[%add3A_529, %add3A_554] : memref<800x56xf32, #tpu.memory_space<vmem>>[vector<16xi32>, vector<16xi32>], vector<16xf32>,
        %gather3A_556 = tpu.vector_load_idx %arg9[%add3A_532, %add3A_554] : memref<800x56xf32, #tpu.memory_space<vmem>>[vector<16xi32>, vector<16xi32>], vector<16xf32>,
        %gather3A_557 = tpu.vector_load_idx %arg10[%gather3A_536, %add3A_554] : memref<237x56xf32, #tpu.memory_space<vmem>>[vector<16xi32>, vector<16xi32>], vector<16xf32>,
        %mul3A_558 = arith.mulf %gather3A_555, %gather3A_557 : vector<16xf32>
        %mul3A_559 = arith.mulf %mul3A_558, %gather3A_556 : vector<16xf32>
        %add3A_560 = arith.addf %add3A_542, %mul3A_559 : vector<16xf32>
        %add3A_561 = arith.constant 4 : i32
        %add3A_562 = vector.broadcast %add3A_561 : i32 to vector<16xi32>
        %add3A_563 = arith.addi %add3A_554, %add3A_562 : vector<16xi32>
        %gather3A_564 = tpu.vector_load_idx %arg9[%add3A_529, %add3A_563] : memref<800x56xf32, #tpu.memory_space<vmem>>[vector<16xi32>, vector<16xi32>], vector<16xf32>,
        %gather3A_565 = tpu.vector_load_idx %arg9[%add3A_532, %add3A_563] : memref<800x56xf32, #tpu.memory_space<vmem>>[vector<16xi32>, vector<16xi32>], vector<16xf32>,
        %gather3A_566 = tpu.vector_load_idx %arg10[%gather3A_536, %add3A_563] : memref<237x56xf32, #tpu.memory_space<vmem>>[vector<16xi32>, vector<16xi32>], vector<16xf32>,
        %mul3A_567 = arith.mulf %gather3A_564, %gather3A_566 : vector<16xf32>
        %mul3A_568 = arith.mulf %mul3A_567, %gather3A_565 : vector<16xf32>
        %add3A_569 = arith.addf %add3A_551, %mul3A_568 : vector<16xf32>
        %add3A_570 = arith.constant 4 : i32
        %add3A_571 = vector.broadcast %add3A_570 : i32 to vector<16xi32>
        %add3A_572 = arith.addi %add3A_563, %add3A_571 : vector<16xi32>
        %gather3A_573 = tpu.vector_load_idx %arg9[%add3A_529, %add3A_572] : memref<800x56xf32, #tpu.memory_space<vmem>>[vector<16xi32>, vector<16xi32>], vector<16xf32>,
        %gather3A_574 = tpu.vector_load_idx %arg9[%add3A_532, %add3A_572] : memref<800x56xf32, #tpu.memory_space<vmem>>[vector<16xi32>, vector<16xi32>], vector<16xf32>,
        %gather3A_575 = tpu.vector_load_idx %arg10[%gather3A_536, %add3A_572] : memref<237x56xf32, #tpu.memory_space<vmem>>[vector<16xi32>, vector<16xi32>], vector<16xf32>,
        %mul3A_576 = arith.mulf %gather3A_573, %gather3A_575 : vector<16xf32>
        %mul3A_577 = arith.mulf %mul3A_576, %gather3A_574 : vector<16xf32>
        %add3A_578 = arith.addf %add3A_560, %mul3A_577 : vector<16xf32>
        %add3A_579 = arith.constant 4 : i32
        %add3A_580 = vector.broadcast %add3A_579 : i32 to vector<16xi32>
        %add3A_581 = arith.addi %add3A_572, %add3A_580 : vector<16xi32>
        %gather3A_582 = tpu.vector_load_idx %arg9[%add3A_529, %add3A_581] : memref<800x56xf32, #tpu.memory_space<vmem>>[vector<16xi32>, vector<16xi32>], vector<16xf32>,
        %gather3A_583 = tpu.vector_load_idx %arg9[%add3A_532, %add3A_581] : memref<800x56xf32, #tpu.memory_space<vmem>>[vector<16xi32>, vector<16xi32>], vector<16xf32>,
        %gather3A_584 = tpu.vector_load_idx %arg10[%gather3A_536, %add3A_581] : memref<237x56xf32, #tpu.memory_space<vmem>>[vector<16xi32>, vector<16xi32>], vector<16xf32>,
        %mul3A_585 = arith.mulf %gather3A_582, %gather3A_584 : vector<16xf32>
        %mul3A_586 = arith.mulf %mul3A_585, %gather3A_583 : vector<16xf32>
        %add3A_587 = arith.addf %add3A_569, %mul3A_586 : vector<16xf32>
        %add3A_588 = arith.constant 4 : i32
        %add3A_589 = vector.broadcast %add3A_588 : i32 to vector<16xi32>
        %add3A_590 = arith.addi %add3A_581, %add3A_589 : vector<16xi32>
        %gather3A_591 = tpu.vector_load_idx %arg9[%add3A_529, %add3A_590] : memref<800x56xf32, #tpu.memory_space<vmem>>[vector<16xi32>, vector<16xi32>], vector<16xf32>,
        %gather3A_592 = tpu.vector_load_idx %arg9[%add3A_532, %add3A_590] : memref<800x56xf32, #tpu.memory_space<vmem>>[vector<16xi32>, vector<16xi32>], vector<16xf32>,
        %gather3A_593 = tpu.vector_load_idx %arg10[%gather3A_536, %add3A_590] : memref<237x56xf32, #tpu.memory_space<vmem>>[vector<16xi32>, vector<16xi32>], vector<16xf32>,
        %mul3A_594 = arith.mulf %gather3A_591, %gather3A_593 : vector<16xf32>
        %mul3A_595 = arith.mulf %mul3A_594, %gather3A_592 : vector<16xf32>
        %add3A_596 = arith.addf %add3A_578, %mul3A_595 : vector<16xf32>
        %add3A_597 = arith.constant 4 : i32
        %add3A_598 = vector.broadcast %add3A_597 : i32 to vector<16xi32>
        %add3A_599 = arith.addi %add3A_590, %add3A_598 : vector<16xi32>
        %gather3A_600 = tpu.vector_load_idx %arg9[%add3A_529, %add3A_599] : memref<800x56xf32, #tpu.memory_space<vmem>>[vector<16xi32>, vector<16xi32>], vector<16xf32>,
        %gather3A_601 = tpu.vector_load_idx %arg9[%add3A_532, %add3A_599] : memref<800x56xf32, #tpu.memory_space<vmem>>[vector<16xi32>, vector<16xi32>], vector<16xf32>,
        %gather3A_602 = tpu.vector_load_idx %arg10[%gather3A_536, %add3A_599] : memref<237x56xf32, #tpu.memory_space<vmem>>[vector<16xi32>, vector<16xi32>], vector<16xf32>,
        %mul3A_603 = arith.mulf %gather3A_600, %gather3A_602 : vector<16xf32>
        %mul3A_604 = arith.mulf %mul3A_603, %gather3A_601 : vector<16xf32>
        %add3A_605 = arith.addf %add3A_587, %mul3A_604 : vector<16xf32>
        %add3A_606 = arith.constant 4 : i32
        %add3A_607 = vector.broadcast %add3A_606 : i32 to vector<16xi32>
        %add3A_608 = arith.addi %add3A_599, %add3A_607 : vector<16xi32>
        %gather3A_609 = tpu.vector_load_idx %arg9[%add3A_529, %add3A_608] : memref<800x56xf32, #tpu.memory_space<vmem>>[vector<16xi32>, vector<16xi32>], vector<16xf32>,
        %gather3A_610 = tpu.vector_load_idx %arg9[%add3A_532, %add3A_608] : memref<800x56xf32, #tpu.memory_space<vmem>>[vector<16xi32>, vector<16xi32>], vector<16xf32>,
        %gather3A_611 = tpu.vector_load_idx %arg10[%gather3A_536, %add3A_608] : memref<237x56xf32, #tpu.memory_space<vmem>>[vector<16xi32>, vector<16xi32>], vector<16xf32>,
        %mul3A_612 = arith.mulf %gather3A_609, %gather3A_611 : vector<16xf32>
        %mul3A_613 = arith.mulf %mul3A_612, %gather3A_610 : vector<16xf32>
        %add3A_614 = arith.addf %add3A_596, %mul3A_613 : vector<16xf32>
        %add3A_615 = arith.constant 4 : i32
        %add3A_616 = vector.broadcast %add3A_615 : i32 to vector<16xi32>
        %add3A_617 = arith.addi %add3A_608, %add3A_616 : vector<16xi32>
        %gather3A_618 = tpu.vector_load_idx %arg9[%add3A_529, %add3A_617] : memref<800x56xf32, #tpu.memory_space<vmem>>[vector<16xi32>, vector<16xi32>], vector<16xf32>,
        %gather3A_619 = tpu.vector_load_idx %arg9[%add3A_532, %add3A_617] : memref<800x56xf32, #tpu.memory_space<vmem>>[vector<16xi32>, vector<16xi32>], vector<16xf32>,
        %gather3A_620 = tpu.vector_load_idx %arg10[%gather3A_536, %add3A_617] : memref<237x56xf32, #tpu.memory_space<vmem>>[vector<16xi32>, vector<16xi32>], vector<16xf32>,
        %mul3A_621 = arith.mulf %gather3A_618, %gather3A_620 : vector<16xf32>
        %mul3A_622 = arith.mulf %mul3A_621, %gather3A_619 : vector<16xf32>
        %add3A_623 = arith.addf %add3A_605, %mul3A_622 : vector<16xf32>
        %add3A_624 = arith.constant 4 : i32
        %add3A_625 = vector.broadcast %add3A_624 : i32 to vector<16xi32>
        %add3A_626 = arith.addi %add3A_617, %add3A_625 : vector<16xi32>
        %gather3A_627 = tpu.vector_load_idx %arg9[%add3A_529, %add3A_626] : memref<800x56xf32, #tpu.memory_space<vmem>>[vector<16xi32>, vector<16xi32>], vector<16xf32>,
        %gather3A_628 = tpu.vector_load_idx %arg9[%add3A_532, %add3A_626] : memref<800x56xf32, #tpu.memory_space<vmem>>[vector<16xi32>, vector<16xi32>], vector<16xf32>,
        %gather3A_629 = tpu.vector_load_idx %arg10[%gather3A_536, %add3A_626] : memref<237x56xf32, #tpu.memory_space<vmem>>[vector<16xi32>, vector<16xi32>], vector<16xf32>,
        %mul3A_630 = arith.mulf %gather3A_627, %gather3A_629 : vector<16xf32>
        %mul3A_631 = arith.mulf %mul3A_630, %gather3A_628 : vector<16xf32>
        %add3A_632 = arith.addf %add3A_614, %mul3A_631 : vector<16xf32>
        %add3A_633 = arith.constant 4 : i32
        %add3A_634 = vector.broadcast %add3A_633 : i32 to vector<16xi32>
        %add3A_635 = arith.addi %add3A_626, %add3A_634 : vector<16xi32>
        %gather3A_636 = tpu.vector_load_idx %arg9[%add3A_529, %add3A_635] : memref<800x56xf32, #tpu.memory_space<vmem>>[vector<16xi32>, vector<16xi32>], vector<16xf32>,
        %gather3A_637 = tpu.vector_load_idx %arg9[%add3A_532, %add3A_635] : memref<800x56xf32, #tpu.memory_space<vmem>>[vector<16xi32>, vector<16xi32>], vector<16xf32>,
        %gather3A_638 = tpu.vector_load_idx %arg10[%gather3A_536, %add3A_635] : memref<237x56xf32, #tpu.memory_space<vmem>>[vector<16xi32>, vector<16xi32>], vector<16xf32>,
        %mul3A_639 = arith.mulf %gather3A_636, %gather3A_638 : vector<16xf32>
        %mul3A_640 = arith.mulf %mul3A_639, %gather3A_637 : vector<16xf32>
        %add3A_641 = arith.addf %add3A_623, %mul3A_640 : vector<16xf32>
        %add3A_642 = arith.constant 4 : i32
        %add3A_643 = vector.broadcast %add3A_642 : i32 to vector<16xi32>
        %add3A_644 = arith.addi %add3A_635, %add3A_643 : vector<16xi32>
        %gather3A_645 = tpu.vector_load_idx %arg9[%add3A_529, %add3A_644] : memref<800x56xf32, #tpu.memory_space<vmem>>[vector<16xi32>, vector<16xi32>], vector<16xf32>,
        %gather3A_646 = tpu.vector_load_idx %arg9[%add3A_532, %add3A_644] : memref<800x56xf32, #tpu.memory_space<vmem>>[vector<16xi32>, vector<16xi32>], vector<16xf32>,
        %gather3A_647 = tpu.vector_load_idx %arg10[%gather3A_536, %add3A_644] : memref<237x56xf32, #tpu.memory_space<vmem>>[vector<16xi32>, vector<16xi32>], vector<16xf32>,
        %mul3A_648 = arith.mulf %gather3A_645, %gather3A_647 : vector<16xf32>
        %mul3A_649 = arith.mulf %mul3A_648, %gather3A_646 : vector<16xf32>
        %add3A_650 = arith.addf %add3A_632, %mul3A_649 : vector<16xf32>
        %add3A_651 = arith.constant 4 : i32
        %add3A_652 = vector.broadcast %add3A_651 : i32 to vector<16xi32>
        %add3A_653 = arith.addi %add3A_644, %add3A_652 : vector<16xi32>
        %gather3A_654 = tpu.vector_load_idx %arg9[%add3A_529, %add3A_653] : memref<800x56xf32, #tpu.memory_space<vmem>>[vector<16xi32>, vector<16xi32>], vector<16xf32>,
        %gather3A_655 = tpu.vector_load_idx %arg9[%add3A_532, %add3A_653] : memref<800x56xf32, #tpu.memory_space<vmem>>[vector<16xi32>, vector<16xi32>], vector<16xf32>,
        %gather3A_656 = tpu.vector_load_idx %arg10[%gather3A_536, %add3A_653] : memref<237x56xf32, #tpu.memory_space<vmem>>[vector<16xi32>, vector<16xi32>], vector<16xf32>,
        %mul3A_657 = arith.mulf %gather3A_654, %gather3A_656 : vector<16xf32>
        %mul3A_658 = arith.mulf %mul3A_657, %gather3A_655 : vector<16xf32>
        %add3A_659 = arith.addf %add3A_641, %mul3A_658 : vector<16xf32>
        %add3A_660 = arith.constant 4 : i32
        %add3A_661 = vector.broadcast %add3A_660 : i32 to vector<16xi32>
        %add3A_662 = arith.addi %add3A_653, %add3A_661 : vector<16xi32>
        %add3A_663 = arith.addf %add3A_650, %add3A_659 : vector<16xf32>
        %swap3A_664 = arith.constant 32 : index
        %swap3A_665 = tpu.vector_load %arg11[%swap3A_664] {strides = array<i32>} : memref<64xf32, #tpu.memory_space<vmem>>, vector<16xf32>,
        tpu.vector_store %arg11[%swap3A_664], %add3A_663 {strides = array<i32>} : memref<64xf32, #tpu.memory_space<vmem>>, vector<16xf32>,
        %mul3A_666 = arith.constant 16 : i32
        %mul3A_667 = arith.muli %scan3A_241, %mul3A_666 : i32
        %add3A_668 = arith.constant 12 : i32
        %add3A_669 = arith.addi %mul3A_667, %add3A_668 : i32
        %add3A_670 = vector.broadcast %add3A_669 : i32 to vector<16xi32>
        %add3A_671 = arith.addi %add3A_670, %shift_right_arithmetic3A_216 : vector<16xi32>
        %add3A_672 = arith.constant 400 : i32
        %add3A_673 = vector.broadcast %add3A_672 : i32 to vector<16xi32>
        %add3A_674 = arith.addi %add3A_673, %add3A_671 : vector<16xi32>
        %add3A_675 = arith.constant 800 : i32
        %add3A_676 = vector.broadcast %add3A_675 : i32 to vector<16xi32>
        %add3A_677 = arith.addi %add3A_676, %add3A_671 : vector<16xi32>
        %gather3A_678 = tpu.vector_load_idx %arg7[%add3A_677] : memref<1200xi32, #tpu.memory_space<vmem>>[vector<16xi32>], vector<16xi32>,
        %gather3A_679 = tpu.vector_load_idx %arg9[%add3A_671, %and3A_219] : memref<800x56xf32, #tpu.memory_space<vmem>>[vector<16xi32>, vector<16xi32>], vector<16xf32>,
        %gather3A_680 = tpu.vector_load_idx %arg9[%add3A_674, %and3A_219] : memref<800x56xf32, #tpu.memory_space<vmem>>[vector<16xi32>, vector<16xi32>], vector<16xf32>,
        %gather3A_681 = tpu.vector_load_idx %arg10[%gather3A_678, %and3A_219] : memref<237x56xf32, #tpu.memory_space<vmem>>[vector<16xi32>, vector<16xi32>], vector<16xf32>,
        %mul3A_682 = arith.mulf %gather3A_679, %gather3A_681 : vector<16xf32>
        %mul3A_683 = arith.mulf %mul3A_682, %gather3A_680 : vector<16xf32>
        %add3A_684 = arith.addf %broadcast_in_dim3A_213, %mul3A_683 : vector<16xf32>
        %add3A_685 = arith.constant 4 : i32
        %add3A_686 = vector.broadcast %add3A_685 : i32 to vector<16xi32>
        %add3A_687 = arith.addi %and3A_219, %add3A_686 : vector<16xi32>
        %gather3A_688 = tpu.vector_load_idx %arg9[%add3A_671, %add3A_687] : memref<800x56xf32, #tpu.memory_space<vmem>>[vector<16xi32>, vector<16xi32>], vector<16xf32>,
        %gather3A_689 = tpu.vector_load_idx %arg9[%add3A_674, %add3A_687] : memref<800x56xf32, #tpu.memory_space<vmem>>[vector<16xi32>, vector<16xi32>], vector<16xf32>,
        %gather3A_690 = tpu.vector_load_idx %arg10[%gather3A_678, %add3A_687] : memref<237x56xf32, #tpu.memory_space<vmem>>[vector<16xi32>, vector<16xi32>], vector<16xf32>,
        %mul3A_691 = arith.mulf %gather3A_688, %gather3A_690 : vector<16xf32>
        %mul3A_692 = arith.mulf %mul3A_691, %gather3A_689 : vector<16xf32>
        %add3A_693 = arith.addf %broadcast_in_dim3A_213, %mul3A_692 : vector<16xf32>
        %add3A_694 = arith.constant 4 : i32
        %add3A_695 = vector.broadcast %add3A_694 : i32 to vector<16xi32>
        %add3A_696 = arith.addi %add3A_687, %add3A_695 : vector<16xi32>
        %gather3A_697 = tpu.vector_load_idx %arg9[%add3A_671, %add3A_696] : memref<800x56xf32, #tpu.memory_space<vmem>>[vector<16xi32>, vector<16xi32>], vector<16xf32>,
        %gather3A_698 = tpu.vector_load_idx %arg9[%add3A_674, %add3A_696] : memref<800x56xf32, #tpu.memory_space<vmem>>[vector<16xi32>, vector<16xi32>], vector<16xf32>,
        %gather3A_699 = tpu.vector_load_idx %arg10[%gather3A_678, %add3A_696] : memref<237x56xf32, #tpu.memory_space<vmem>>[vector<16xi32>, vector<16xi32>], vector<16xf32>,
        %mul3A_700 = arith.mulf %gather3A_697, %gather3A_699 : vector<16xf32>
        %mul3A_701 = arith.mulf %mul3A_700, %gather3A_698 : vector<16xf32>
        %add3A_702 = arith.addf %add3A_684, %mul3A_701 : vector<16xf32>
        %add3A_703 = arith.constant 4 : i32
        %add3A_704 = vector.broadcast %add3A_703 : i32 to vector<16xi32>
        %add3A_705 = arith.addi %add3A_696, %add3A_704 : vector<16xi32>
        %gather3A_706 = tpu.vector_load_idx %arg9[%add3A_671, %add3A_705] : memref<800x56xf32, #tpu.memory_space<vmem>>[vector<16xi32>, vector<16xi32>], vector<16xf32>,
        %gather3A_707 = tpu.vector_load_idx %arg9[%add3A_674, %add3A_705] : memref<800x56xf32, #tpu.memory_space<vmem>>[vector<16xi32>, vector<16xi32>], vector<16xf32>,
        %gather3A_708 = tpu.vector_load_idx %arg10[%gather3A_678, %add3A_705] : memref<237x56xf32, #tpu.memory_space<vmem>>[vector<16xi32>, vector<16xi32>], vector<16xf32>,
        %mul3A_709 = arith.mulf %gather3A_706, %gather3A_708 : vector<16xf32>
        %mul3A_710 = arith.mulf %mul3A_709, %gather3A_707 : vector<16xf32>
        %add3A_711 = arith.addf %add3A_693, %mul3A_710 : vector<16xf32>
        %add3A_712 = arith.constant 4 : i32
        %add3A_713 = vector.broadcast %add3A_712 : i32 to vector<16xi32>
        %add3A_714 = arith.addi %add3A_705, %add3A_713 : vector<16xi32>
        %gather3A_715 = tpu.vector_load_idx %arg9[%add3A_671, %add3A_714] : memref<800x56xf32, #tpu.memory_space<vmem>>[vector<16xi32>, vector<16xi32>], vector<16xf32>,
        %gather3A_716 = tpu.vector_load_idx %arg9[%add3A_674, %add3A_714] : memref<800x56xf32, #tpu.memory_space<vmem>>[vector<16xi32>, vector<16xi32>], vector<16xf32>,
        %gather3A_717 = tpu.vector_load_idx %arg10[%gather3A_678, %add3A_714] : memref<237x56xf32, #tpu.memory_space<vmem>>[vector<16xi32>, vector<16xi32>], vector<16xf32>,
        %mul3A_718 = arith.mulf %gather3A_715, %gather3A_717 : vector<16xf32>
        %mul3A_719 = arith.mulf %mul3A_718, %gather3A_716 : vector<16xf32>
        %add3A_720 = arith.addf %add3A_702, %mul3A_719 : vector<16xf32>
        %add3A_721 = arith.constant 4 : i32
        %add3A_722 = vector.broadcast %add3A_721 : i32 to vector<16xi32>
        %add3A_723 = arith.addi %add3A_714, %add3A_722 : vector<16xi32>
        %gather3A_724 = tpu.vector_load_idx %arg9[%add3A_671, %add3A_723] : memref<800x56xf32, #tpu.memory_space<vmem>>[vector<16xi32>, vector<16xi32>], vector<16xf32>,
        %gather3A_725 = tpu.vector_load_idx %arg9[%add3A_674, %add3A_723] : memref<800x56xf32, #tpu.memory_space<vmem>>[vector<16xi32>, vector<16xi32>], vector<16xf32>,
        %gather3A_726 = tpu.vector_load_idx %arg10[%gather3A_678, %add3A_723] : memref<237x56xf32, #tpu.memory_space<vmem>>[vector<16xi32>, vector<16xi32>], vector<16xf32>,
        %mul3A_727 = arith.mulf %gather3A_724, %gather3A_726 : vector<16xf32>
        %mul3A_728 = arith.mulf %mul3A_727, %gather3A_725 : vector<16xf32>
        %add3A_729 = arith.addf %add3A_711, %mul3A_728 : vector<16xf32>
        %add3A_730 = arith.constant 4 : i32
        %add3A_731 = vector.broadcast %add3A_730 : i32 to vector<16xi32>
        %add3A_732 = arith.addi %add3A_723, %add3A_731 : vector<16xi32>
        %gather3A_733 = tpu.vector_load_idx %arg9[%add3A_671, %add3A_732] : memref<800x56xf32, #tpu.memory_space<vmem>>[vector<16xi32>, vector<16xi32>], vector<16xf32>,
        %gather3A_734 = tpu.vector_load_idx %arg9[%add3A_674, %add3A_732] : memref<800x56xf32, #tpu.memory_space<vmem>>[vector<16xi32>, vector<16xi32>], vector<16xf32>,
        %gather3A_735 = tpu.vector_load_idx %arg10[%gather3A_678, %add3A_732] : memref<237x56xf32, #tpu.memory_space<vmem>>[vector<16xi32>, vector<16xi32>], vector<16xf32>,
        %mul3A_736 = arith.mulf %gather3A_733, %gather3A_735 : vector<16xf32>
        %mul3A_737 = arith.mulf %mul3A_736, %gather3A_734 : vector<16xf32>
        %add3A_738 = arith.addf %add3A_720, %mul3A_737 : vector<16xf32>
        %add3A_739 = arith.constant 4 : i32
        %add3A_740 = vector.broadcast %add3A_739 : i32 to vector<16xi32>
        %add3A_741 = arith.addi %add3A_732, %add3A_740 : vector<16xi32>
        %gather3A_742 = tpu.vector_load_idx %arg9[%add3A_671, %add3A_741] : memref<800x56xf32, #tpu.memory_space<vmem>>[vector<16xi32>, vector<16xi32>], vector<16xf32>,
        %gather3A_743 = tpu.vector_load_idx %arg9[%add3A_674, %add3A_741] : memref<800x56xf32, #tpu.memory_space<vmem>>[vector<16xi32>, vector<16xi32>], vector<16xf32>,
        %gather3A_744 = tpu.vector_load_idx %arg10[%gather3A_678, %add3A_741] : memref<237x56xf32, #tpu.memory_space<vmem>>[vector<16xi32>, vector<16xi32>], vector<16xf32>,
        %mul3A_745 = arith.mulf %gather3A_742, %gather3A_744 : vector<16xf32>
        %mul3A_746 = arith.mulf %mul3A_745, %gather3A_743 : vector<16xf32>
        %add3A_747 = arith.addf %add3A_729, %mul3A_746 : vector<16xf32>
        %add3A_748 = arith.constant 4 : i32
        %add3A_749 = vector.broadcast %add3A_748 : i32 to vector<16xi32>
        %add3A_750 = arith.addi %add3A_741, %add3A_749 : vector<16xi32>
        %gather3A_751 = tpu.vector_load_idx %arg9[%add3A_671, %add3A_750] : memref<800x56xf32, #tpu.memory_space<vmem>>[vector<16xi32>, vector<16xi32>], vector<16xf32>,
        %gather3A_752 = tpu.vector_load_idx %arg9[%add3A_674, %add3A_750] : memref<800x56xf32, #tpu.memory_space<vmem>>[vector<16xi32>, vector<16xi32>], vector<16xf32>,
        %gather3A_753 = tpu.vector_load_idx %arg10[%gather3A_678, %add3A_750] : memref<237x56xf32, #tpu.memory_space<vmem>>[vector<16xi32>, vector<16xi32>], vector<16xf32>,
        %mul3A_754 = arith.mulf %gather3A_751, %gather3A_753 : vector<16xf32>
        %mul3A_755 = arith.mulf %mul3A_754, %gather3A_752 : vector<16xf32>
        %add3A_756 = arith.addf %add3A_738, %mul3A_755 : vector<16xf32>
        %add3A_757 = arith.constant 4 : i32
        %add3A_758 = vector.broadcast %add3A_757 : i32 to vector<16xi32>
        %add3A_759 = arith.addi %add3A_750, %add3A_758 : vector<16xi32>
        %gather3A_760 = tpu.vector_load_idx %arg9[%add3A_671, %add3A_759] : memref<800x56xf32, #tpu.memory_space<vmem>>[vector<16xi32>, vector<16xi32>], vector<16xf32>,
        %gather3A_761 = tpu.vector_load_idx %arg9[%add3A_674, %add3A_759] : memref<800x56xf32, #tpu.memory_space<vmem>>[vector<16xi32>, vector<16xi32>], vector<16xf32>,
        %gather3A_762 = tpu.vector_load_idx %arg10[%gather3A_678, %add3A_759] : memref<237x56xf32, #tpu.memory_space<vmem>>[vector<16xi32>, vector<16xi32>], vector<16xf32>,
        %mul3A_763 = arith.mulf %gather3A_760, %gather3A_762 : vector<16xf32>
        %mul3A_764 = arith.mulf %mul3A_763, %gather3A_761 : vector<16xf32>
        %add3A_765 = arith.addf %add3A_747, %mul3A_764 : vector<16xf32>
        %add3A_766 = arith.constant 4 : i32
        %add3A_767 = vector.broadcast %add3A_766 : i32 to vector<16xi32>
        %add3A_768 = arith.addi %add3A_759, %add3A_767 : vector<16xi32>
        %gather3A_769 = tpu.vector_load_idx %arg9[%add3A_671, %add3A_768] : memref<800x56xf32, #tpu.memory_space<vmem>>[vector<16xi32>, vector<16xi32>], vector<16xf32>,
        %gather3A_770 = tpu.vector_load_idx %arg9[%add3A_674, %add3A_768] : memref<800x56xf32, #tpu.memory_space<vmem>>[vector<16xi32>, vector<16xi32>], vector<16xf32>,
        %gather3A_771 = tpu.vector_load_idx %arg10[%gather3A_678, %add3A_768] : memref<237x56xf32, #tpu.memory_space<vmem>>[vector<16xi32>, vector<16xi32>], vector<16xf32>,
        %mul3A_772 = arith.mulf %gather3A_769, %gather3A_771 : vector<16xf32>
        %mul3A_773 = arith.mulf %mul3A_772, %gather3A_770 : vector<16xf32>
        %add3A_774 = arith.addf %add3A_756, %mul3A_773 : vector<16xf32>
        %add3A_775 = arith.constant 4 : i32
        %add3A_776 = vector.broadcast %add3A_775 : i32 to vector<16xi32>
        %add3A_777 = arith.addi %add3A_768, %add3A_776 : vector<16xi32>
        %gather3A_778 = tpu.vector_load_idx %arg9[%add3A_671, %add3A_777] : memref<800x56xf32, #tpu.memory_space<vmem>>[vector<16xi32>, vector<16xi32>], vector<16xf32>,
        %gather3A_779 = tpu.vector_load_idx %arg9[%add3A_674, %add3A_777] : memref<800x56xf32, #tpu.memory_space<vmem>>[vector<16xi32>, vector<16xi32>], vector<16xf32>,
        %gather3A_780 = tpu.vector_load_idx %arg10[%gather3A_678, %add3A_777] : memref<237x56xf32, #tpu.memory_space<vmem>>[vector<16xi32>, vector<16xi32>], vector<16xf32>,
        %mul3A_781 = arith.mulf %gather3A_778, %gather3A_780 : vector<16xf32>
        %mul3A_782 = arith.mulf %mul3A_781, %gather3A_779 : vector<16xf32>
        %add3A_783 = arith.addf %add3A_765, %mul3A_782 : vector<16xf32>
        %add3A_784 = arith.constant 4 : i32
        %add3A_785 = vector.broadcast %add3A_784 : i32 to vector<16xi32>
        %add3A_786 = arith.addi %add3A_777, %add3A_785 : vector<16xi32>
        %gather3A_787 = tpu.vector_load_idx %arg9[%add3A_671, %add3A_786] : memref<800x56xf32, #tpu.memory_space<vmem>>[vector<16xi32>, vector<16xi32>], vector<16xf32>,
        %gather3A_788 = tpu.vector_load_idx %arg9[%add3A_674, %add3A_786] : memref<800x56xf32, #tpu.memory_space<vmem>>[vector<16xi32>, vector<16xi32>], vector<16xf32>,
        %gather3A_789 = tpu.vector_load_idx %arg10[%gather3A_678, %add3A_786] : memref<237x56xf32, #tpu.memory_space<vmem>>[vector<16xi32>, vector<16xi32>], vector<16xf32>,
        %mul3A_790 = arith.mulf %gather3A_787, %gather3A_789 : vector<16xf32>
        %mul3A_791 = arith.mulf %mul3A_790, %gather3A_788 : vector<16xf32>
        %add3A_792 = arith.addf %add3A_774, %mul3A_791 : vector<16xf32>
        %add3A_793 = arith.constant 4 : i32
        %add3A_794 = vector.broadcast %add3A_793 : i32 to vector<16xi32>
        %add3A_795 = arith.addi %add3A_786, %add3A_794 : vector<16xi32>
        %gather3A_796 = tpu.vector_load_idx %arg9[%add3A_671, %add3A_795] : memref<800x56xf32, #tpu.memory_space<vmem>>[vector<16xi32>, vector<16xi32>], vector<16xf32>,
        %gather3A_797 = tpu.vector_load_idx %arg9[%add3A_674, %add3A_795] : memref<800x56xf32, #tpu.memory_space<vmem>>[vector<16xi32>, vector<16xi32>], vector<16xf32>,
        %gather3A_798 = tpu.vector_load_idx %arg10[%gather3A_678, %add3A_795] : memref<237x56xf32, #tpu.memory_space<vmem>>[vector<16xi32>, vector<16xi32>], vector<16xf32>,
        %mul3A_799 = arith.mulf %gather3A_796, %gather3A_798 : vector<16xf32>
        %mul3A_800 = arith.mulf %mul3A_799, %gather3A_797 : vector<16xf32>
        %add3A_801 = arith.addf %add3A_783, %mul3A_800 : vector<16xf32>
        %add3A_802 = arith.constant 4 : i32
        %add3A_803 = vector.broadcast %add3A_802 : i32 to vector<16xi32>
        %add3A_804 = arith.addi %add3A_795, %add3A_803 : vector<16xi32>
        %add3A_805 = arith.addf %add3A_792, %add3A_801 : vector<16xf32>
        %swap3A_806 = arith.constant 48 : index
        %swap3A_807 = tpu.vector_load %arg11[%swap3A_806] {strides = array<i32>} : memref<64xf32, #tpu.memory_space<vmem>>, vector<16xf32>,
        tpu.vector_store %arg11[%swap3A_806], %add3A_805 {strides = array<i32>} : memref<64xf32, #tpu.memory_space<vmem>>, vector<16xf32>,
        %mul3A_808 = arith.constant 4 : i32
        %mul3A_809 = vector.broadcast %mul3A_808 : i32 to vector<16xi32>
        %mul3A_810 = arith.muli %iota3A, %mul3A_809 : vector<16xi32>
        %add3A_811 = arith.constant 0 : i32
        %add3A_812 = vector.broadcast %add3A_811 : i32 to vector<16xi32>
        %add3A_813 = arith.addi %mul3A_810, %add3A_812 : vector<16xi32>
        %gather3A_814 = tpu.vector_load_idx %arg11[%add3A_813] : memref<64xf32, #tpu.memory_space<vmem>>[vector<16xi32>], vector<16xf32>,
        %add3A_815 = arith.addf %broadcast_in_dim3A_213, %gather3A_814 : vector<16xf32>
        %add3A_816 = arith.constant 1 : i32
        %add3A_817 = vector.broadcast %add3A_816 : i32 to vector<16xi32>
        %add3A_818 = arith.addi %mul3A_810, %add3A_817 : vector<16xi32>
        %gather3A_819 = tpu.vector_load_idx %arg11[%add3A_818] : memref<64xf32, #tpu.memory_space<vmem>>[vector<16xi32>], vector<16xf32>,
        %add3A_820 = arith.addf %add3A_815, %gather3A_819 : vector<16xf32>
        %add3A_821 = arith.constant 2 : i32
        %add3A_822 = vector.broadcast %add3A_821 : i32 to vector<16xi32>
        %add3A_823 = arith.addi %mul3A_810, %add3A_822 : vector<16xi32>
        %gather3A_824 = tpu.vector_load_idx %arg11[%add3A_823] : memref<64xf32, #tpu.memory_space<vmem>>[vector<16xi32>], vector<16xf32>,
        %add3A_825 = arith.addf %add3A_820, %gather3A_824 : vector<16xf32>
        %add3A_826 = arith.constant 3 : i32
        %add3A_827 = vector.broadcast %add3A_826 : i32 to vector<16xi32>
        %add3A_828 = arith.addi %mul3A_810, %add3A_827 : vector<16xi32>
        %gather3A_829 = tpu.vector_load_idx %arg11[%add3A_828] : memref<64xf32, #tpu.memory_space<vmem>>[vector<16xi32>], vector<16xf32>,
        %add3A_830 = arith.addf %add3A_825, %gather3A_829 : vector<16xf32>
        %mul3A_831 = arith.constant 16 : i32
        %mul3A_832 = arith.muli %scan3A_241, %mul3A_831 : i32
        %swap3A_833 = arith.index_cast %mul3A_832 : i32 to index
        %swap3A_834 = tpu.vector_load %arg13[%swap3A_833] {strides = array<i32>} : memref<400xf32, #tpu.memory_space<vmem>>, vector<16xf32>,
        tpu.vector_store %arg13[%swap3A_833], %add3A_830 {strides = array<i32>} : memref<400xf32, #tpu.memory_space<vmem>>, vector<16xf32>,
      }
      %scan3A_225 = arith.constant 25 : i32
      %add3A_226 = arith.constant 1 : i32
      %add3A_227 = arith.addi %mul3A_94, %add3A_226 : i32
      %mul3A_228 = arith.constant 50000 : i32
      %mul3A_229 = arith.muli %add3A, %mul3A_228 : i32
      %mul3A_230 = arith.constant 400 : i32
      %mul3A_231 = arith.muli %add3A_227, %mul3A_230 : i32
      %add3A_232 = arith.addi %mul3A_229, %mul3A_231 : i32
      %dma_start3A_233 = tpu.memref_slice %arg5[%add3A_232] : memref<1600000xf32, #tpu.memory_space<hbm>> -> memref<400xf32, #tpu.memory_space<hbm>>
      %dma_start3A_234 = tpu.memref_slice %arg5[%add3A_232] : memref<1600000xf32, #tpu.memory_space<hbm>> -> memref<400xf32, #tpu.memory_space<hbm>>
      tpu.enqueue_dma source(%arg13 : memref<400xf32, #tpu.memory_space<vmem>>) target(%dma_start3A_234 : memref<400xf32, #tpu.memory_space<hbm>>) target_semaphore(%arg19 : memref<!tpu.dma_semaphore, #tpu.memory_space<semaphore_mem>>)
      %add3A_235 = arith.constant 3 : i32
      %add3A_236 = arith.addi %mul3A_94, %add3A_235 : i32
      %lt3A = arith.constant 125 : i32
      %lt3A_237 = arith.cmpi slt, %add3A_236, %lt3A : i32
      %convert_element_type3A_238 = arith.extui %lt3A_237 : i1 to i32
      %cond3A_239 = arith.constant 0 : i32
      %cond3A_240 = arith.cmpi ne, %convert_element_type3A_238, %cond3A_239 : i32
      scf.if %cond3A_240 {
        %add3A_241 = arith.constant 3 : i32
        %add3A_242 = arith.addi %mul3A_94, %add3A_241 : i32
        %mul3A_243 = arith.constant 125 : i32
        %mul3A_244 = arith.muli %add3A, %mul3A_243 : i32
        %add3A_245 = arith.addi %mul3A_244, %add3A_242 : i32
        %dma_start3A_246 = arith.constant 0 : i32
        %dma_start3A_247 = tpu.memref_slice %arg2[%add3A_245, %dma_start3A_246] : memref<4000x1200xi32, #tpu.memory_space<hbm>> -> memref<1x1200xi32, #tpu.memory_space<hbm>>
        %dma_start3A_248 = tpu.memref_squeeze %dma_start3A_247 : memref<1x1200xi32, #tpu.memory_space<hbm>> -> memref<1200xi32, #tpu.memory_space<hbm>>
        %dma_start3A_249 = arith.constant 0 : i32
        %dma_start3A_250 = tpu.memref_slice %arg2[%add3A_245, %dma_start3A_249] : memref<4000x1200xi32, #tpu.memory_space<hbm>> -> memref<1x1200xi32, #tpu.memory_space<hbm>>
        %dma_start3A_251 = tpu.memref_squeeze %dma_start3A_250 : memref<1x1200xi32, #tpu.memory_space<hbm>> -> memref<1200xi32, #tpu.memory_space<hbm>>
        tpu.enqueue_dma source(%dma_start3A_251 : memref<1200xi32, #tpu.memory_space<hbm>>) target(%arg7 : memref<1200xi32, #tpu.memory_space<vmem>>) target_semaphore(%arg15 : memref<!tpu.dma_semaphore, #tpu.memory_space<semaphore_mem>>)
      } else {
      }
    }
    %scan3A_46 = arith.constant 62 : i32
    %dma_wait3A_47 = arith.constant 0 : i32
    %dma_wait3A_48 = arith.constant 0 : i32
    %dma_wait3A_49 = tpu.memref_slice %arg8[%dma_wait3A_47, %dma_wait3A_48] : memref<800x56xf32, #tpu.memory_space<vmem>> -> memref<400x56xf32, #tpu.memory_space<vmem>>
    %dma_wait3A_50 = arith.constant 0 : i32
    %dma_wait3A_51 = tpu.memref_slice %arg6[%dma_wait3A_50] : memref<1200xi32, #tpu.memory_space<vmem>> -> memref<400xi32, #tpu.memory_space<vmem>>
    %dma_wait3A_52 = arith.constant 0 : i32
    %dma_wait3A_53 = arith.constant 0 : i32
    %dma_wait3A_54 = tpu.memref_slice %arg3[%dma_wait3A_52, %dma_wait3A_53] : memref<100000x56xf32, #tpu.memory_space<hbm>> -> memref<100000x56xf32, #tpu.memory_space<hbm>>
    tpu.wait_indirect_dma semaphore(%arg16 : memref<!tpu.dma_semaphore, #tpu.memory_space<semaphore_mem>>) src(%dma_wait3A_54 : memref<100000x56xf32, #tpu.memory_space<hbm>>) dst(%dma_wait3A_49 : memref<400x56xf32, #tpu.memory_space<vmem>>)
    %dma_wait3A_55 = arith.constant 400 : i32
    %dma_wait3A_56 = arith.constant 0 : i32
    %dma_wait3A_57 = tpu.memref_slice %arg8[%dma_wait3A_55, %dma_wait3A_56] : memref<800x56xf32, #tpu.memory_space<vmem>> -> memref<400x56xf32, #tpu.memory_space<vmem>>
    %dma_wait3A_58 = arith.constant 400 : i32
    %dma_wait3A_59 = tpu.memref_slice %arg6[%dma_wait3A_58] : memref<1200xi32, #tpu.memory_space<vmem>> -> memref<400xi32, #tpu.memory_space<vmem>>
    %dma_wait3A_60 = arith.constant 0 : i32
    %dma_wait3A_61 = arith.constant 0 : i32
    %dma_wait3A_62 = tpu.memref_slice %arg3[%dma_wait3A_60, %dma_wait3A_61] : memref<100000x56xf32, #tpu.memory_space<hbm>> -> memref<100000x56xf32, #tpu.memory_space<hbm>>
    tpu.wait_indirect_dma semaphore(%arg16 : memref<!tpu.dma_semaphore, #tpu.memory_space<semaphore_mem>>) src(%dma_wait3A_62 : memref<100000x56xf32, #tpu.memory_space<hbm>>) dst(%dma_wait3A_57 : memref<400x56xf32, #tpu.memory_space<vmem>>)
    %dma_wait3A_63 = arith.constant 0 : i32
    %dma_wait3A_64 = tpu.memref_slice %arg5[%dma_wait3A_63] : memref<1600000xf32, #tpu.memory_space<hbm>> -> memref<400xf32, #tpu.memory_space<hbm>>
    %dma_wait3A_65 = arith.constant 0 : i32
    %dma_wait3A_66 = tpu.memref_slice %arg5[%dma_wait3A_65] : memref<1600000xf32, #tpu.memory_space<hbm>> -> memref<400xf32, #tpu.memory_space<hbm>>
    tpu.wait_dma2 semaphore(%arg18 : memref<!tpu.dma_semaphore, #tpu.memory_space<semaphore_mem>>) src(%arg12 : memref<400xf32, #tpu.memory_space<vmem>>) dst(%dma_wait3A_66 : memref<400xf32, #tpu.memory_space<hbm>>)
    %broadcast_in_dim3A = arith.constant 0.000000e+00 : f32
    %broadcast_in_dim3A_67 = vector.broadcast %broadcast_in_dim3A : f32 to vector<16xf32>
    %shift_right_arithmetic3A = arith.constant 2 : i32
    %shift_right_arithmetic3A_68 = vector.broadcast %shift_right_arithmetic3A : i32 to vector<16xi32>
    %shift_right_arithmetic3A_69 = arith.shrsi %iota3A, %shift_right_arithmetic3A_68 : vector<16xi32>
    %and3A = arith.constant 3 : i32
    %and3A_70 = vector.broadcast %and3A : i32 to vector<16xi32>
    %and3A_71 = arith.andi %iota3A, %and3A_70 : vector<16xi32>
    %scan3A_72 = arith.constant 0 : i32
    %scan3A_73 = arith.constant 0 : i32
    %scan3A_74 = arith.constant 25 : i32
    %scan3A_75 = arith.addi %scan3A_73, %scan3A_74 : i32
    %scan3A_76 = arith.constant 1 : i32
    scf.for %scan3A_92 = %scan3A_73 to %scan3A_75 step %scan3A_76  : i32 {
      %mul3A_93 = arith.constant 16 : i32
      %mul3A_94 = arith.muli %scan3A_92, %mul3A_93 : i32
      %add3A_95 = arith.constant 0 : i32
      %add3A_96 = arith.addi %mul3A_94, %add3A_95 : i32
      %add3A_97 = vector.broadcast %add3A_96 : i32 to vector<16xi32>
      %add3A_98 = arith.addi %add3A_97, %shift_right_arithmetic3A_69 : vector<16xi32>
      %add3A_99 = arith.constant 400 : i32
      %add3A_100 = vector.broadcast %add3A_99 : i32 to vector<16xi32>
      %add3A_101 = arith.addi %add3A_100, %add3A_98 : vector<16xi32>
      %add3A_102 = arith.constant 800 : i32
      %add3A_103 = vector.broadcast %add3A_102 : i32 to vector<16xi32>
      %add3A_104 = arith.addi %add3A_103, %add3A_98 : vector<16xi32>
      %gather3A = tpu.vector_load_idx %arg6[%add3A_104] : memref<1200xi32, #tpu.memory_space<vmem>>[vector<16xi32>], vector<16xi32>,
      %gather3A_105 = tpu.vector_load_idx %arg8[%add3A_98, %and3A_71] : memref<800x56xf32, #tpu.memory_space<vmem>>[vector<16xi32>, vector<16xi32>], vector<16xf32>,
      %gather3A_106 = tpu.vector_load_idx %arg8[%add3A_101, %and3A_71] : memref<800x56xf32, #tpu.memory_space<vmem>>[vector<16xi32>, vector<16xi32>], vector<16xf32>,
      %gather3A_107 = tpu.vector_load_idx %arg10[%gather3A, %and3A_71] : memref<237x56xf32, #tpu.memory_space<vmem>>[vector<16xi32>, vector<16xi32>], vector<16xf32>,
      %mul3A_108 = arith.mulf %gather3A_105, %gather3A_107 : vector<16xf32>
      %mul3A_109 = arith.mulf %mul3A_108, %gather3A_106 : vector<16xf32>
      %add3A_110 = arith.addf %broadcast_in_dim3A_67, %mul3A_109 : vector<16xf32>
      %add3A_111 = arith.constant 4 : i32
      %add3A_112 = vector.broadcast %add3A_111 : i32 to vector<16xi32>
      %add3A_113 = arith.addi %and3A_71, %add3A_112 : vector<16xi32>
      %gather3A_114 = tpu.vector_load_idx %arg8[%add3A_98, %add3A_113] : memref<800x56xf32, #tpu.memory_space<vmem>>[vector<16xi32>, vector<16xi32>], vector<16xf32>,
      %gather3A_115 = tpu.vector_load_idx %arg8[%add3A_101, %add3A_113] : memref<800x56xf32, #tpu.memory_space<vmem>>[vector<16xi32>, vector<16xi32>], vector<16xf32>,
      %gather3A_116 = tpu.vector_load_idx %arg10[%gather3A, %add3A_113] : memref<237x56xf32, #tpu.memory_space<vmem>>[vector<16xi32>, vector<16xi32>], vector<16xf32>,
      %mul3A_117 = arith.mulf %gather3A_114, %gather3A_116 : vector<16xf32>
      %mul3A_118 = arith.mulf %mul3A_117, %gather3A_115 : vector<16xf32>
      %add3A_119 = arith.addf %broadcast_in_dim3A_67, %mul3A_118 : vector<16xf32>
      %add3A_120 = arith.constant 4 : i32
      %add3A_121 = vector.broadcast %add3A_120 : i32 to vector<16xi32>
      %add3A_122 = arith.addi %add3A_113, %add3A_121 : vector<16xi32>
      %gather3A_123 = tpu.vector_load_idx %arg8[%add3A_98, %add3A_122] : memref<800x56xf32, #tpu.memory_space<vmem>>[vector<16xi32>, vector<16xi32>], vector<16xf32>,
      %gather3A_124 = tpu.vector_load_idx %arg8[%add3A_101, %add3A_122] : memref<800x56xf32, #tpu.memory_space<vmem>>[vector<16xi32>, vector<16xi32>], vector<16xf32>,
      %gather3A_125 = tpu.vector_load_idx %arg10[%gather3A, %add3A_122] : memref<237x56xf32, #tpu.memory_space<vmem>>[vector<16xi32>, vector<16xi32>], vector<16xf32>,
      %mul3A_126 = arith.mulf %gather3A_123, %gather3A_125 : vector<16xf32>
      %mul3A_127 = arith.mulf %mul3A_126, %gather3A_124 : vector<16xf32>
      %add3A_128 = arith.addf %add3A_110, %mul3A_127 : vector<16xf32>
      %add3A_129 = arith.constant 4 : i32
      %add3A_130 = vector.broadcast %add3A_129 : i32 to vector<16xi32>
      %add3A_131 = arith.addi %add3A_122, %add3A_130 : vector<16xi32>
      %gather3A_132 = tpu.vector_load_idx %arg8[%add3A_98, %add3A_131] : memref<800x56xf32, #tpu.memory_space<vmem>>[vector<16xi32>, vector<16xi32>], vector<16xf32>,
      %gather3A_133 = tpu.vector_load_idx %arg8[%add3A_101, %add3A_131] : memref<800x56xf32, #tpu.memory_space<vmem>>[vector<16xi32>, vector<16xi32>], vector<16xf32>,
      %gather3A_134 = tpu.vector_load_idx %arg10[%gather3A, %add3A_131] : memref<237x56xf32, #tpu.memory_space<vmem>>[vector<16xi32>, vector<16xi32>], vector<16xf32>,
      %mul3A_135 = arith.mulf %gather3A_132, %gather3A_134 : vector<16xf32>
      %mul3A_136 = arith.mulf %mul3A_135, %gather3A_133 : vector<16xf32>
      %add3A_137 = arith.addf %add3A_119, %mul3A_136 : vector<16xf32>
      %add3A_138 = arith.constant 4 : i32
      %add3A_139 = vector.broadcast %add3A_138 : i32 to vector<16xi32>
      %add3A_140 = arith.addi %add3A_131, %add3A_139 : vector<16xi32>
      %gather3A_141 = tpu.vector_load_idx %arg8[%add3A_98, %add3A_140] : memref<800x56xf32, #tpu.memory_space<vmem>>[vector<16xi32>, vector<16xi32>], vector<16xf32>,
      %gather3A_142 = tpu.vector_load_idx %arg8[%add3A_101, %add3A_140] : memref<800x56xf32, #tpu.memory_space<vmem>>[vector<16xi32>, vector<16xi32>], vector<16xf32>,
      %gather3A_143 = tpu.vector_load_idx %arg10[%gather3A, %add3A_140] : memref<237x56xf32, #tpu.memory_space<vmem>>[vector<16xi32>, vector<16xi32>], vector<16xf32>,
      %mul3A_144 = arith.mulf %gather3A_141, %gather3A_143 : vector<16xf32>
      %mul3A_145 = arith.mulf %mul3A_144, %gather3A_142 : vector<16xf32>
      %add3A_146 = arith.addf %add3A_128, %mul3A_145 : vector<16xf32>
      %add3A_147 = arith.constant 4 : i32
      %add3A_148 = vector.broadcast %add3A_147 : i32 to vector<16xi32>
      %add3A_149 = arith.addi %add3A_140, %add3A_148 : vector<16xi32>
      %gather3A_150 = tpu.vector_load_idx %arg8[%add3A_98, %add3A_149] : memref<800x56xf32, #tpu.memory_space<vmem>>[vector<16xi32>, vector<16xi32>], vector<16xf32>,
      %gather3A_151 = tpu.vector_load_idx %arg8[%add3A_101, %add3A_149] : memref<800x56xf32, #tpu.memory_space<vmem>>[vector<16xi32>, vector<16xi32>], vector<16xf32>,
      %gather3A_152 = tpu.vector_load_idx %arg10[%gather3A, %add3A_149] : memref<237x56xf32, #tpu.memory_space<vmem>>[vector<16xi32>, vector<16xi32>], vector<16xf32>,
      %mul3A_153 = arith.mulf %gather3A_150, %gather3A_152 : vector<16xf32>
      %mul3A_154 = arith.mulf %mul3A_153, %gather3A_151 : vector<16xf32>
      %add3A_155 = arith.addf %add3A_137, %mul3A_154 : vector<16xf32>
      %add3A_156 = arith.constant 4 : i32
      %add3A_157 = vector.broadcast %add3A_156 : i32 to vector<16xi32>
      %add3A_158 = arith.addi %add3A_149, %add3A_157 : vector<16xi32>
      %gather3A_159 = tpu.vector_load_idx %arg8[%add3A_98, %add3A_158] : memref<800x56xf32, #tpu.memory_space<vmem>>[vector<16xi32>, vector<16xi32>], vector<16xf32>,
      %gather3A_160 = tpu.vector_load_idx %arg8[%add3A_101, %add3A_158] : memref<800x56xf32, #tpu.memory_space<vmem>>[vector<16xi32>, vector<16xi32>], vector<16xf32>,
      %gather3A_161 = tpu.vector_load_idx %arg10[%gather3A, %add3A_158] : memref<237x56xf32, #tpu.memory_space<vmem>>[vector<16xi32>, vector<16xi32>], vector<16xf32>,
      %mul3A_162 = arith.mulf %gather3A_159, %gather3A_161 : vector<16xf32>
      %mul3A_163 = arith.mulf %mul3A_162, %gather3A_160 : vector<16xf32>
      %add3A_164 = arith.addf %add3A_146, %mul3A_163 : vector<16xf32>
      %add3A_165 = arith.constant 4 : i32
      %add3A_166 = vector.broadcast %add3A_165 : i32 to vector<16xi32>
      %add3A_167 = arith.addi %add3A_158, %add3A_166 : vector<16xi32>
      %gather3A_168 = tpu.vector_load_idx %arg8[%add3A_98, %add3A_167] : memref<800x56xf32, #tpu.memory_space<vmem>>[vector<16xi32>, vector<16xi32>], vector<16xf32>,
      %gather3A_169 = tpu.vector_load_idx %arg8[%add3A_101, %add3A_167] : memref<800x56xf32, #tpu.memory_space<vmem>>[vector<16xi32>, vector<16xi32>], vector<16xf32>,
      %gather3A_170 = tpu.vector_load_idx %arg10[%gather3A, %add3A_167] : memref<237x56xf32, #tpu.memory_space<vmem>>[vector<16xi32>, vector<16xi32>], vector<16xf32>,
      %mul3A_171 = arith.mulf %gather3A_168, %gather3A_170 : vector<16xf32>
      %mul3A_172 = arith.mulf %mul3A_171, %gather3A_169 : vector<16xf32>
      %add3A_173 = arith.addf %add3A_155, %mul3A_172 : vector<16xf32>
      %add3A_174 = arith.constant 4 : i32
      %add3A_175 = vector.broadcast %add3A_174 : i32 to vector<16xi32>
      %add3A_176 = arith.addi %add3A_167, %add3A_175 : vector<16xi32>
      %gather3A_177 = tpu.vector_load_idx %arg8[%add3A_98, %add3A_176] : memref<800x56xf32, #tpu.memory_space<vmem>>[vector<16xi32>, vector<16xi32>], vector<16xf32>,
      %gather3A_178 = tpu.vector_load_idx %arg8[%add3A_101, %add3A_176] : memref<800x56xf32, #tpu.memory_space<vmem>>[vector<16xi32>, vector<16xi32>], vector<16xf32>,
      %gather3A_179 = tpu.vector_load_idx %arg10[%gather3A, %add3A_176] : memref<237x56xf32, #tpu.memory_space<vmem>>[vector<16xi32>, vector<16xi32>], vector<16xf32>,
      %mul3A_180 = arith.mulf %gather3A_177, %gather3A_179 : vector<16xf32>
      %mul3A_181 = arith.mulf %mul3A_180, %gather3A_178 : vector<16xf32>
      %add3A_182 = arith.addf %add3A_164, %mul3A_181 : vector<16xf32>
      %add3A_183 = arith.constant 4 : i32
      %add3A_184 = vector.broadcast %add3A_183 : i32 to vector<16xi32>
      %add3A_185 = arith.addi %add3A_176, %add3A_184 : vector<16xi32>
      %gather3A_186 = tpu.vector_load_idx %arg8[%add3A_98, %add3A_185] : memref<800x56xf32, #tpu.memory_space<vmem>>[vector<16xi32>, vector<16xi32>], vector<16xf32>,
      %gather3A_187 = tpu.vector_load_idx %arg8[%add3A_101, %add3A_185] : memref<800x56xf32, #tpu.memory_space<vmem>>[vector<16xi32>, vector<16xi32>], vector<16xf32>,
      %gather3A_188 = tpu.vector_load_idx %arg10[%gather3A, %add3A_185] : memref<237x56xf32, #tpu.memory_space<vmem>>[vector<16xi32>, vector<16xi32>], vector<16xf32>,
      %mul3A_189 = arith.mulf %gather3A_186, %gather3A_188 : vector<16xf32>
      %mul3A_190 = arith.mulf %mul3A_189, %gather3A_187 : vector<16xf32>
      %add3A_191 = arith.addf %add3A_173, %mul3A_190 : vector<16xf32>
      %add3A_192 = arith.constant 4 : i32
      %add3A_193 = vector.broadcast %add3A_192 : i32 to vector<16xi32>
      %add3A_194 = arith.addi %add3A_185, %add3A_193 : vector<16xi32>
      %gather3A_195 = tpu.vector_load_idx %arg8[%add3A_98, %add3A_194] : memref<800x56xf32, #tpu.memory_space<vmem>>[vector<16xi32>, vector<16xi32>], vector<16xf32>,
      %gather3A_196 = tpu.vector_load_idx %arg8[%add3A_101, %add3A_194] : memref<800x56xf32, #tpu.memory_space<vmem>>[vector<16xi32>, vector<16xi32>], vector<16xf32>,
      %gather3A_197 = tpu.vector_load_idx %arg10[%gather3A, %add3A_194] : memref<237x56xf32, #tpu.memory_space<vmem>>[vector<16xi32>, vector<16xi32>], vector<16xf32>,
      %mul3A_198 = arith.mulf %gather3A_195, %gather3A_197 : vector<16xf32>
      %mul3A_199 = arith.mulf %mul3A_198, %gather3A_196 : vector<16xf32>
      %add3A_200 = arith.addf %add3A_182, %mul3A_199 : vector<16xf32>
      %add3A_201 = arith.constant 4 : i32
      %add3A_202 = vector.broadcast %add3A_201 : i32 to vector<16xi32>
      %add3A_203 = arith.addi %add3A_194, %add3A_202 : vector<16xi32>
      %gather3A_204 = tpu.vector_load_idx %arg8[%add3A_98, %add3A_203] : memref<800x56xf32, #tpu.memory_space<vmem>>[vector<16xi32>, vector<16xi32>], vector<16xf32>,
      %gather3A_205 = tpu.vector_load_idx %arg8[%add3A_101, %add3A_203] : memref<800x56xf32, #tpu.memory_space<vmem>>[vector<16xi32>, vector<16xi32>], vector<16xf32>,
      %gather3A_206 = tpu.vector_load_idx %arg10[%gather3A, %add3A_203] : memref<237x56xf32, #tpu.memory_space<vmem>>[vector<16xi32>, vector<16xi32>], vector<16xf32>,
      %mul3A_207 = arith.mulf %gather3A_204, %gather3A_206 : vector<16xf32>
      %mul3A_208 = arith.mulf %mul3A_207, %gather3A_205 : vector<16xf32>
      %add3A_209 = arith.addf %add3A_191, %mul3A_208 : vector<16xf32>
      %add3A_210 = arith.constant 4 : i32
      %add3A_211 = vector.broadcast %add3A_210 : i32 to vector<16xi32>
      %add3A_212 = arith.addi %add3A_203, %add3A_211 : vector<16xi32>
      %gather3A_213 = tpu.vector_load_idx %arg8[%add3A_98, %add3A_212] : memref<800x56xf32, #tpu.memory_space<vmem>>[vector<16xi32>, vector<16xi32>], vector<16xf32>,
      %gather3A_214 = tpu.vector_load_idx %arg8[%add3A_101, %add3A_212] : memref<800x56xf32, #tpu.memory_space<vmem>>[vector<16xi32>, vector<16xi32>], vector<16xf32>,
      %gather3A_215 = tpu.vector_load_idx %arg10[%gather3A, %add3A_212] : memref<237x56xf32, #tpu.memory_space<vmem>>[vector<16xi32>, vector<16xi32>], vector<16xf32>,
      %mul3A_216 = arith.mulf %gather3A_213, %gather3A_215 : vector<16xf32>
      %mul3A_217 = arith.mulf %mul3A_216, %gather3A_214 : vector<16xf32>
      %add3A_218 = arith.addf %add3A_200, %mul3A_217 : vector<16xf32>
      %add3A_219 = arith.constant 4 : i32
      %add3A_220 = vector.broadcast %add3A_219 : i32 to vector<16xi32>
      %add3A_221 = arith.addi %add3A_212, %add3A_220 : vector<16xi32>
      %gather3A_222 = tpu.vector_load_idx %arg8[%add3A_98, %add3A_221] : memref<800x56xf32, #tpu.memory_space<vmem>>[vector<16xi32>, vector<16xi32>], vector<16xf32>,
      %gather3A_223 = tpu.vector_load_idx %arg8[%add3A_101, %add3A_221] : memref<800x56xf32, #tpu.memory_space<vmem>>[vector<16xi32>, vector<16xi32>], vector<16xf32>,
      %gather3A_224 = tpu.vector_load_idx %arg10[%gather3A, %add3A_221] : memref<237x56xf32, #tpu.memory_space<vmem>>[vector<16xi32>, vector<16xi32>], vector<16xf32>,
      %mul3A_225 = arith.mulf %gather3A_222, %gather3A_224 : vector<16xf32>
      %mul3A_226 = arith.mulf %mul3A_225, %gather3A_223 : vector<16xf32>
      %add3A_227 = arith.addf %add3A_209, %mul3A_226 : vector<16xf32>
      %add3A_228 = arith.constant 4 : i32
      %add3A_229 = vector.broadcast %add3A_228 : i32 to vector<16xi32>
      %add3A_230 = arith.addi %add3A_221, %add3A_229 : vector<16xi32>
      %add3A_231 = arith.addf %add3A_218, %add3A_227 : vector<16xf32>
      %swap3A = arith.constant 0 : index
      %swap3A_232 = tpu.vector_load %arg11[%swap3A] {strides = array<i32>} : memref<64xf32, #tpu.memory_space<vmem>>, vector<16xf32>,
      tpu.vector_store %arg11[%swap3A], %add3A_231 {strides = array<i32>} : memref<64xf32, #tpu.memory_space<vmem>>, vector<16xf32>,
      %mul3A_233 = arith.constant 16 : i32
      %mul3A_234 = arith.muli %scan3A_92, %mul3A_233 : i32
      %add3A_235 = arith.constant 4 : i32
      %add3A_236 = arith.addi %mul3A_234, %add3A_235 : i32
      %add3A_237 = vector.broadcast %add3A_236 : i32 to vector<16xi32>
      %add3A_238 = arith.addi %add3A_237, %shift_right_arithmetic3A_69 : vector<16xi32>
      %add3A_239 = arith.constant 400 : i32
      %add3A_240 = vector.broadcast %add3A_239 : i32 to vector<16xi32>
      %add3A_241 = arith.addi %add3A_240, %add3A_238 : vector<16xi32>
      %add3A_242 = arith.constant 800 : i32
      %add3A_243 = vector.broadcast %add3A_242 : i32 to vector<16xi32>
      %add3A_244 = arith.addi %add3A_243, %add3A_238 : vector<16xi32>
      %gather3A_245 = tpu.vector_load_idx %arg6[%add3A_244] : memref<1200xi32, #tpu.memory_space<vmem>>[vector<16xi32>], vector<16xi32>,
      %gather3A_246 = tpu.vector_load_idx %arg8[%add3A_238, %and3A_71] : memref<800x56xf32, #tpu.memory_space<vmem>>[vector<16xi32>, vector<16xi32>], vector<16xf32>,
      %gather3A_247 = tpu.vector_load_idx %arg8[%add3A_241, %and3A_71] : memref<800x56xf32, #tpu.memory_space<vmem>>[vector<16xi32>, vector<16xi32>], vector<16xf32>,
      %gather3A_248 = tpu.vector_load_idx %arg10[%gather3A_245, %and3A_71] : memref<237x56xf32, #tpu.memory_space<vmem>>[vector<16xi32>, vector<16xi32>], vector<16xf32>,
      %mul3A_249 = arith.mulf %gather3A_246, %gather3A_248 : vector<16xf32>
      %mul3A_250 = arith.mulf %mul3A_249, %gather3A_247 : vector<16xf32>
      %add3A_251 = arith.addf %broadcast_in_dim3A_67, %mul3A_250 : vector<16xf32>
      %add3A_252 = arith.constant 4 : i32
      %add3A_253 = vector.broadcast %add3A_252 : i32 to vector<16xi32>
      %add3A_254 = arith.addi %and3A_71, %add3A_253 : vector<16xi32>
      %gather3A_255 = tpu.vector_load_idx %arg8[%add3A_238, %add3A_254] : memref<800x56xf32, #tpu.memory_space<vmem>>[vector<16xi32>, vector<16xi32>], vector<16xf32>,
      %gather3A_256 = tpu.vector_load_idx %arg8[%add3A_241, %add3A_254] : memref<800x56xf32, #tpu.memory_space<vmem>>[vector<16xi32>, vector<16xi32>], vector<16xf32>,
      %gather3A_257 = tpu.vector_load_idx %arg10[%gather3A_245, %add3A_254] : memref<237x56xf32, #tpu.memory_space<vmem>>[vector<16xi32>, vector<16xi32>], vector<16xf32>,
      %mul3A_258 = arith.mulf %gather3A_255, %gather3A_257 : vector<16xf32>
      %mul3A_259 = arith.mulf %mul3A_258, %gather3A_256 : vector<16xf32>
      %add3A_260 = arith.addf %broadcast_in_dim3A_67, %mul3A_259 : vector<16xf32>
      %add3A_261 = arith.constant 4 : i32
      %add3A_262 = vector.broadcast %add3A_261 : i32 to vector<16xi32>
      %add3A_263 = arith.addi %add3A_254, %add3A_262 : vector<16xi32>
      %gather3A_264 = tpu.vector_load_idx %arg8[%add3A_238, %add3A_263] : memref<800x56xf32, #tpu.memory_space<vmem>>[vector<16xi32>, vector<16xi32>], vector<16xf32>,
      %gather3A_265 = tpu.vector_load_idx %arg8[%add3A_241, %add3A_263] : memref<800x56xf32, #tpu.memory_space<vmem>>[vector<16xi32>, vector<16xi32>], vector<16xf32>,
      %gather3A_266 = tpu.vector_load_idx %arg10[%gather3A_245, %add3A_263] : memref<237x56xf32, #tpu.memory_space<vmem>>[vector<16xi32>, vector<16xi32>], vector<16xf32>,
      %mul3A_267 = arith.mulf %gather3A_264, %gather3A_266 : vector<16xf32>
      %mul3A_268 = arith.mulf %mul3A_267, %gather3A_265 : vector<16xf32>
      %add3A_269 = arith.addf %add3A_251, %mul3A_268 : vector<16xf32>
      %add3A_270 = arith.constant 4 : i32
      %add3A_271 = vector.broadcast %add3A_270 : i32 to vector<16xi32>
      %add3A_272 = arith.addi %add3A_263, %add3A_271 : vector<16xi32>
      %gather3A_273 = tpu.vector_load_idx %arg8[%add3A_238, %add3A_272] : memref<800x56xf32, #tpu.memory_space<vmem>>[vector<16xi32>, vector<16xi32>], vector<16xf32>,
      %gather3A_274 = tpu.vector_load_idx %arg8[%add3A_241, %add3A_272] : memref<800x56xf32, #tpu.memory_space<vmem>>[vector<16xi32>, vector<16xi32>], vector<16xf32>,
      %gather3A_275 = tpu.vector_load_idx %arg10[%gather3A_245, %add3A_272] : memref<237x56xf32, #tpu.memory_space<vmem>>[vector<16xi32>, vector<16xi32>], vector<16xf32>,
      %mul3A_276 = arith.mulf %gather3A_273, %gather3A_275 : vector<16xf32>
      %mul3A_277 = arith.mulf %mul3A_276, %gather3A_274 : vector<16xf32>
      %add3A_278 = arith.addf %add3A_260, %mul3A_277 : vector<16xf32>
      %add3A_279 = arith.constant 4 : i32
      %add3A_280 = vector.broadcast %add3A_279 : i32 to vector<16xi32>
      %add3A_281 = arith.addi %add3A_272, %add3A_280 : vector<16xi32>
      %gather3A_282 = tpu.vector_load_idx %arg8[%add3A_238, %add3A_281] : memref<800x56xf32, #tpu.memory_space<vmem>>[vector<16xi32>, vector<16xi32>], vector<16xf32>,
      %gather3A_283 = tpu.vector_load_idx %arg8[%add3A_241, %add3A_281] : memref<800x56xf32, #tpu.memory_space<vmem>>[vector<16xi32>, vector<16xi32>], vector<16xf32>,
      %gather3A_284 = tpu.vector_load_idx %arg10[%gather3A_245, %add3A_281] : memref<237x56xf32, #tpu.memory_space<vmem>>[vector<16xi32>, vector<16xi32>], vector<16xf32>,
      %mul3A_285 = arith.mulf %gather3A_282, %gather3A_284 : vector<16xf32>
      %mul3A_286 = arith.mulf %mul3A_285, %gather3A_283 : vector<16xf32>
      %add3A_287 = arith.addf %add3A_269, %mul3A_286 : vector<16xf32>
      %add3A_288 = arith.constant 4 : i32
      %add3A_289 = vector.broadcast %add3A_288 : i32 to vector<16xi32>
      %add3A_290 = arith.addi %add3A_281, %add3A_289 : vector<16xi32>
      %gather3A_291 = tpu.vector_load_idx %arg8[%add3A_238, %add3A_290] : memref<800x56xf32, #tpu.memory_space<vmem>>[vector<16xi32>, vector<16xi32>], vector<16xf32>,
      %gather3A_292 = tpu.vector_load_idx %arg8[%add3A_241, %add3A_290] : memref<800x56xf32, #tpu.memory_space<vmem>>[vector<16xi32>, vector<16xi32>], vector<16xf32>,
      %gather3A_293 = tpu.vector_load_idx %arg10[%gather3A_245, %add3A_290] : memref<237x56xf32, #tpu.memory_space<vmem>>[vector<16xi32>, vector<16xi32>], vector<16xf32>,
      %mul3A_294 = arith.mulf %gather3A_291, %gather3A_293 : vector<16xf32>
      %mul3A_295 = arith.mulf %mul3A_294, %gather3A_292 : vector<16xf32>
      %add3A_296 = arith.addf %add3A_278, %mul3A_295 : vector<16xf32>
      %add3A_297 = arith.constant 4 : i32
      %add3A_298 = vector.broadcast %add3A_297 : i32 to vector<16xi32>
      %add3A_299 = arith.addi %add3A_290, %add3A_298 : vector<16xi32>
      %gather3A_300 = tpu.vector_load_idx %arg8[%add3A_238, %add3A_299] : memref<800x56xf32, #tpu.memory_space<vmem>>[vector<16xi32>, vector<16xi32>], vector<16xf32>,
      %gather3A_301 = tpu.vector_load_idx %arg8[%add3A_241, %add3A_299] : memref<800x56xf32, #tpu.memory_space<vmem>>[vector<16xi32>, vector<16xi32>], vector<16xf32>,
      %gather3A_302 = tpu.vector_load_idx %arg10[%gather3A_245, %add3A_299] : memref<237x56xf32, #tpu.memory_space<vmem>>[vector<16xi32>, vector<16xi32>], vector<16xf32>,
      %mul3A_303 = arith.mulf %gather3A_300, %gather3A_302 : vector<16xf32>
      %mul3A_304 = arith.mulf %mul3A_303, %gather3A_301 : vector<16xf32>
      %add3A_305 = arith.addf %add3A_287, %mul3A_304 : vector<16xf32>
      %add3A_306 = arith.constant 4 : i32
      %add3A_307 = vector.broadcast %add3A_306 : i32 to vector<16xi32>
      %add3A_308 = arith.addi %add3A_299, %add3A_307 : vector<16xi32>
      %gather3A_309 = tpu.vector_load_idx %arg8[%add3A_238, %add3A_308] : memref<800x56xf32, #tpu.memory_space<vmem>>[vector<16xi32>, vector<16xi32>], vector<16xf32>,
      %gather3A_310 = tpu.vector_load_idx %arg8[%add3A_241, %add3A_308] : memref<800x56xf32, #tpu.memory_space<vmem>>[vector<16xi32>, vector<16xi32>], vector<16xf32>,
      %gather3A_311 = tpu.vector_load_idx %arg10[%gather3A_245, %add3A_308] : memref<237x56xf32, #tpu.memory_space<vmem>>[vector<16xi32>, vector<16xi32>], vector<16xf32>,
      %mul3A_312 = arith.mulf %gather3A_309, %gather3A_311 : vector<16xf32>
      %mul3A_313 = arith.mulf %mul3A_312, %gather3A_310 : vector<16xf32>
      %add3A_314 = arith.addf %add3A_296, %mul3A_313 : vector<16xf32>
      %add3A_315 = arith.constant 4 : i32
      %add3A_316 = vector.broadcast %add3A_315 : i32 to vector<16xi32>
      %add3A_317 = arith.addi %add3A_308, %add3A_316 : vector<16xi32>
      %gather3A_318 = tpu.vector_load_idx %arg8[%add3A_238, %add3A_317] : memref<800x56xf32, #tpu.memory_space<vmem>>[vector<16xi32>, vector<16xi32>], vector<16xf32>,
      %gather3A_319 = tpu.vector_load_idx %arg8[%add3A_241, %add3A_317] : memref<800x56xf32, #tpu.memory_space<vmem>>[vector<16xi32>, vector<16xi32>], vector<16xf32>,
      %gather3A_320 = tpu.vector_load_idx %arg10[%gather3A_245, %add3A_317] : memref<237x56xf32, #tpu.memory_space<vmem>>[vector<16xi32>, vector<16xi32>], vector<16xf32>,
      %mul3A_321 = arith.mulf %gather3A_318, %gather3A_320 : vector<16xf32>
      %mul3A_322 = arith.mulf %mul3A_321, %gather3A_319 : vector<16xf32>
      %add3A_323 = arith.addf %add3A_305, %mul3A_322 : vector<16xf32>
      %add3A_324 = arith.constant 4 : i32
      %add3A_325 = vector.broadcast %add3A_324 : i32 to vector<16xi32>
      %add3A_326 = arith.addi %add3A_317, %add3A_325 : vector<16xi32>
      %gather3A_327 = tpu.vector_load_idx %arg8[%add3A_238, %add3A_326] : memref<800x56xf32, #tpu.memory_space<vmem>>[vector<16xi32>, vector<16xi32>], vector<16xf32>,
      %gather3A_328 = tpu.vector_load_idx %arg8[%add3A_241, %add3A_326] : memref<800x56xf32, #tpu.memory_space<vmem>>[vector<16xi32>, vector<16xi32>], vector<16xf32>,
      %gather3A_329 = tpu.vector_load_idx %arg10[%gather3A_245, %add3A_326] : memref<237x56xf32, #tpu.memory_space<vmem>>[vector<16xi32>, vector<16xi32>], vector<16xf32>,
      %mul3A_330 = arith.mulf %gather3A_327, %gather3A_329 : vector<16xf32>
      %mul3A_331 = arith.mulf %mul3A_330, %gather3A_328 : vector<16xf32>
      %add3A_332 = arith.addf %add3A_314, %mul3A_331 : vector<16xf32>
      %add3A_333 = arith.constant 4 : i32
      %add3A_334 = vector.broadcast %add3A_333 : i32 to vector<16xi32>
      %add3A_335 = arith.addi %add3A_326, %add3A_334 : vector<16xi32>
      %gather3A_336 = tpu.vector_load_idx %arg8[%add3A_238, %add3A_335] : memref<800x56xf32, #tpu.memory_space<vmem>>[vector<16xi32>, vector<16xi32>], vector<16xf32>,
      %gather3A_337 = tpu.vector_load_idx %arg8[%add3A_241, %add3A_335] : memref<800x56xf32, #tpu.memory_space<vmem>>[vector<16xi32>, vector<16xi32>], vector<16xf32>,
      %gather3A_338 = tpu.vector_load_idx %arg10[%gather3A_245, %add3A_335] : memref<237x56xf32, #tpu.memory_space<vmem>>[vector<16xi32>, vector<16xi32>], vector<16xf32>,
      %mul3A_339 = arith.mulf %gather3A_336, %gather3A_338 : vector<16xf32>
      %mul3A_340 = arith.mulf %mul3A_339, %gather3A_337 : vector<16xf32>
      %add3A_341 = arith.addf %add3A_323, %mul3A_340 : vector<16xf32>
      %add3A_342 = arith.constant 4 : i32
      %add3A_343 = vector.broadcast %add3A_342 : i32 to vector<16xi32>
      %add3A_344 = arith.addi %add3A_335, %add3A_343 : vector<16xi32>
      %gather3A_345 = tpu.vector_load_idx %arg8[%add3A_238, %add3A_344] : memref<800x56xf32, #tpu.memory_space<vmem>>[vector<16xi32>, vector<16xi32>], vector<16xf32>,
      %gather3A_346 = tpu.vector_load_idx %arg8[%add3A_241, %add3A_344] : memref<800x56xf32, #tpu.memory_space<vmem>>[vector<16xi32>, vector<16xi32>], vector<16xf32>,
      %gather3A_347 = tpu.vector_load_idx %arg10[%gather3A_245, %add3A_344] : memref<237x56xf32, #tpu.memory_space<vmem>>[vector<16xi32>, vector<16xi32>], vector<16xf32>,
      %mul3A_348 = arith.mulf %gather3A_345, %gather3A_347 : vector<16xf32>
      %mul3A_349 = arith.mulf %mul3A_348, %gather3A_346 : vector<16xf32>
      %add3A_350 = arith.addf %add3A_332, %mul3A_349 : vector<16xf32>
      %add3A_351 = arith.constant 4 : i32
      %add3A_352 = vector.broadcast %add3A_351 : i32 to vector<16xi32>
      %add3A_353 = arith.addi %add3A_344, %add3A_352 : vector<16xi32>
      %gather3A_354 = tpu.vector_load_idx %arg8[%add3A_238, %add3A_353] : memref<800x56xf32, #tpu.memory_space<vmem>>[vector<16xi32>, vector<16xi32>], vector<16xf32>,
      %gather3A_355 = tpu.vector_load_idx %arg8[%add3A_241, %add3A_353] : memref<800x56xf32, #tpu.memory_space<vmem>>[vector<16xi32>, vector<16xi32>], vector<16xf32>,
      %gather3A_356 = tpu.vector_load_idx %arg10[%gather3A_245, %add3A_353] : memref<237x56xf32, #tpu.memory_space<vmem>>[vector<16xi32>, vector<16xi32>], vector<16xf32>,
      %mul3A_357 = arith.mulf %gather3A_354, %gather3A_356 : vector<16xf32>
      %mul3A_358 = arith.mulf %mul3A_357, %gather3A_355 : vector<16xf32>
      %add3A_359 = arith.addf %add3A_341, %mul3A_358 : vector<16xf32>
      %add3A_360 = arith.constant 4 : i32
      %add3A_361 = vector.broadcast %add3A_360 : i32 to vector<16xi32>
      %add3A_362 = arith.addi %add3A_353, %add3A_361 : vector<16xi32>
      %gather3A_363 = tpu.vector_load_idx %arg8[%add3A_238, %add3A_362] : memref<800x56xf32, #tpu.memory_space<vmem>>[vector<16xi32>, vector<16xi32>], vector<16xf32>,
      %gather3A_364 = tpu.vector_load_idx %arg8[%add3A_241, %add3A_362] : memref<800x56xf32, #tpu.memory_space<vmem>>[vector<16xi32>, vector<16xi32>], vector<16xf32>,
      %gather3A_365 = tpu.vector_load_idx %arg10[%gather3A_245, %add3A_362] : memref<237x56xf32, #tpu.memory_space<vmem>>[vector<16xi32>, vector<16xi32>], vector<16xf32>,
      %mul3A_366 = arith.mulf %gather3A_363, %gather3A_365 : vector<16xf32>
      %mul3A_367 = arith.mulf %mul3A_366, %gather3A_364 : vector<16xf32>
      %add3A_368 = arith.addf %add3A_350, %mul3A_367 : vector<16xf32>
      %add3A_369 = arith.constant 4 : i32
      %add3A_370 = vector.broadcast %add3A_369 : i32 to vector<16xi32>
      %add3A_371 = arith.addi %add3A_362, %add3A_370 : vector<16xi32>
      %add3A_372 = arith.addf %add3A_359, %add3A_368 : vector<16xf32>
      %swap3A_373 = arith.constant 16 : index
      %swap3A_374 = tpu.vector_load %arg11[%swap3A_373] {strides = array<i32>} : memref<64xf32, #tpu.memory_space<vmem>>, vector<16xf32>,
      tpu.vector_store %arg11[%swap3A_373], %add3A_372 {strides = array<i32>} : memref<64xf32, #tpu.memory_space<vmem>>, vector<16xf32>,
      %mul3A_375 = arith.constant 16 : i32
      %mul3A_376 = arith.muli %scan3A_92, %mul3A_375 : i32
      %add3A_377 = arith.constant 8 : i32
      %add3A_378 = arith.addi %mul3A_376, %add3A_377 : i32
      %add3A_379 = vector.broadcast %add3A_378 : i32 to vector<16xi32>
      %add3A_380 = arith.addi %add3A_379, %shift_right_arithmetic3A_69 : vector<16xi32>
      %add3A_381 = arith.constant 400 : i32
      %add3A_382 = vector.broadcast %add3A_381 : i32 to vector<16xi32>
      %add3A_383 = arith.addi %add3A_382, %add3A_380 : vector<16xi32>
      %add3A_384 = arith.constant 800 : i32
      %add3A_385 = vector.broadcast %add3A_384 : i32 to vector<16xi32>
      %add3A_386 = arith.addi %add3A_385, %add3A_380 : vector<16xi32>
      %gather3A_387 = tpu.vector_load_idx %arg6[%add3A_386] : memref<1200xi32, #tpu.memory_space<vmem>>[vector<16xi32>], vector<16xi32>,
      %gather3A_388 = tpu.vector_load_idx %arg8[%add3A_380, %and3A_71] : memref<800x56xf32, #tpu.memory_space<vmem>>[vector<16xi32>, vector<16xi32>], vector<16xf32>,
      %gather3A_389 = tpu.vector_load_idx %arg8[%add3A_383, %and3A_71] : memref<800x56xf32, #tpu.memory_space<vmem>>[vector<16xi32>, vector<16xi32>], vector<16xf32>,
      %gather3A_390 = tpu.vector_load_idx %arg10[%gather3A_387, %and3A_71] : memref<237x56xf32, #tpu.memory_space<vmem>>[vector<16xi32>, vector<16xi32>], vector<16xf32>,
      %mul3A_391 = arith.mulf %gather3A_388, %gather3A_390 : vector<16xf32>
      %mul3A_392 = arith.mulf %mul3A_391, %gather3A_389 : vector<16xf32>
      %add3A_393 = arith.addf %broadcast_in_dim3A_67, %mul3A_392 : vector<16xf32>
      %add3A_394 = arith.constant 4 : i32
      %add3A_395 = vector.broadcast %add3A_394 : i32 to vector<16xi32>
      %add3A_396 = arith.addi %and3A_71, %add3A_395 : vector<16xi32>
      %gather3A_397 = tpu.vector_load_idx %arg8[%add3A_380, %add3A_396] : memref<800x56xf32, #tpu.memory_space<vmem>>[vector<16xi32>, vector<16xi32>], vector<16xf32>,
      %gather3A_398 = tpu.vector_load_idx %arg8[%add3A_383, %add3A_396] : memref<800x56xf32, #tpu.memory_space<vmem>>[vector<16xi32>, vector<16xi32>], vector<16xf32>,
      %gather3A_399 = tpu.vector_load_idx %arg10[%gather3A_387, %add3A_396] : memref<237x56xf32, #tpu.memory_space<vmem>>[vector<16xi32>, vector<16xi32>], vector<16xf32>,
      %mul3A_400 = arith.mulf %gather3A_397, %gather3A_399 : vector<16xf32>
      %mul3A_401 = arith.mulf %mul3A_400, %gather3A_398 : vector<16xf32>
      %add3A_402 = arith.addf %broadcast_in_dim3A_67, %mul3A_401 : vector<16xf32>
      %add3A_403 = arith.constant 4 : i32
      %add3A_404 = vector.broadcast %add3A_403 : i32 to vector<16xi32>
      %add3A_405 = arith.addi %add3A_396, %add3A_404 : vector<16xi32>
      %gather3A_406 = tpu.vector_load_idx %arg8[%add3A_380, %add3A_405] : memref<800x56xf32, #tpu.memory_space<vmem>>[vector<16xi32>, vector<16xi32>], vector<16xf32>,
      %gather3A_407 = tpu.vector_load_idx %arg8[%add3A_383, %add3A_405] : memref<800x56xf32, #tpu.memory_space<vmem>>[vector<16xi32>, vector<16xi32>], vector<16xf32>,
      %gather3A_408 = tpu.vector_load_idx %arg10[%gather3A_387, %add3A_405] : memref<237x56xf32, #tpu.memory_space<vmem>>[vector<16xi32>, vector<16xi32>], vector<16xf32>,
      %mul3A_409 = arith.mulf %gather3A_406, %gather3A_408 : vector<16xf32>
      %mul3A_410 = arith.mulf %mul3A_409, %gather3A_407 : vector<16xf32>
      %add3A_411 = arith.addf %add3A_393, %mul3A_410 : vector<16xf32>
      %add3A_412 = arith.constant 4 : i32
      %add3A_413 = vector.broadcast %add3A_412 : i32 to vector<16xi32>
      %add3A_414 = arith.addi %add3A_405, %add3A_413 : vector<16xi32>
      %gather3A_415 = tpu.vector_load_idx %arg8[%add3A_380, %add3A_414] : memref<800x56xf32, #tpu.memory_space<vmem>>[vector<16xi32>, vector<16xi32>], vector<16xf32>,
      %gather3A_416 = tpu.vector_load_idx %arg8[%add3A_383, %add3A_414] : memref<800x56xf32, #tpu.memory_space<vmem>>[vector<16xi32>, vector<16xi32>], vector<16xf32>,
      %gather3A_417 = tpu.vector_load_idx %arg10[%gather3A_387, %add3A_414] : memref<237x56xf32, #tpu.memory_space<vmem>>[vector<16xi32>, vector<16xi32>], vector<16xf32>,
      %mul3A_418 = arith.mulf %gather3A_415, %gather3A_417 : vector<16xf32>
      %mul3A_419 = arith.mulf %mul3A_418, %gather3A_416 : vector<16xf32>
      %add3A_420 = arith.addf %add3A_402, %mul3A_419 : vector<16xf32>
      %add3A_421 = arith.constant 4 : i32
      %add3A_422 = vector.broadcast %add3A_421 : i32 to vector<16xi32>
      %add3A_423 = arith.addi %add3A_414, %add3A_422 : vector<16xi32>
      %gather3A_424 = tpu.vector_load_idx %arg8[%add3A_380, %add3A_423] : memref<800x56xf32, #tpu.memory_space<vmem>>[vector<16xi32>, vector<16xi32>], vector<16xf32>,
      %gather3A_425 = tpu.vector_load_idx %arg8[%add3A_383, %add3A_423] : memref<800x56xf32, #tpu.memory_space<vmem>>[vector<16xi32>, vector<16xi32>], vector<16xf32>,
      %gather3A_426 = tpu.vector_load_idx %arg10[%gather3A_387, %add3A_423] : memref<237x56xf32, #tpu.memory_space<vmem>>[vector<16xi32>, vector<16xi32>], vector<16xf32>,
      %mul3A_427 = arith.mulf %gather3A_424, %gather3A_426 : vector<16xf32>
      %mul3A_428 = arith.mulf %mul3A_427, %gather3A_425 : vector<16xf32>
      %add3A_429 = arith.addf %add3A_411, %mul3A_428 : vector<16xf32>
      %add3A_430 = arith.constant 4 : i32
      %add3A_431 = vector.broadcast %add3A_430 : i32 to vector<16xi32>
      %add3A_432 = arith.addi %add3A_423, %add3A_431 : vector<16xi32>
      %gather3A_433 = tpu.vector_load_idx %arg8[%add3A_380, %add3A_432] : memref<800x56xf32, #tpu.memory_space<vmem>>[vector<16xi32>, vector<16xi32>], vector<16xf32>,
      %gather3A_434 = tpu.vector_load_idx %arg8[%add3A_383, %add3A_432] : memref<800x56xf32, #tpu.memory_space<vmem>>[vector<16xi32>, vector<16xi32>], vector<16xf32>,
      %gather3A_435 = tpu.vector_load_idx %arg10[%gather3A_387, %add3A_432] : memref<237x56xf32, #tpu.memory_space<vmem>>[vector<16xi32>, vector<16xi32>], vector<16xf32>,
      %mul3A_436 = arith.mulf %gather3A_433, %gather3A_435 : vector<16xf32>
      %mul3A_437 = arith.mulf %mul3A_436, %gather3A_434 : vector<16xf32>
      %add3A_438 = arith.addf %add3A_420, %mul3A_437 : vector<16xf32>
      %add3A_439 = arith.constant 4 : i32
      %add3A_440 = vector.broadcast %add3A_439 : i32 to vector<16xi32>
      %add3A_441 = arith.addi %add3A_432, %add3A_440 : vector<16xi32>
      %gather3A_442 = tpu.vector_load_idx %arg8[%add3A_380, %add3A_441] : memref<800x56xf32, #tpu.memory_space<vmem>>[vector<16xi32>, vector<16xi32>], vector<16xf32>,
      %gather3A_443 = tpu.vector_load_idx %arg8[%add3A_383, %add3A_441] : memref<800x56xf32, #tpu.memory_space<vmem>>[vector<16xi32>, vector<16xi32>], vector<16xf32>,
      %gather3A_444 = tpu.vector_load_idx %arg10[%gather3A_387, %add3A_441] : memref<237x56xf32, #tpu.memory_space<vmem>>[vector<16xi32>, vector<16xi32>], vector<16xf32>,
      %mul3A_445 = arith.mulf %gather3A_442, %gather3A_444 : vector<16xf32>
      %mul3A_446 = arith.mulf %mul3A_445, %gather3A_443 : vector<16xf32>
      %add3A_447 = arith.addf %add3A_429, %mul3A_446 : vector<16xf32>
      %add3A_448 = arith.constant 4 : i32
      %add3A_449 = vector.broadcast %add3A_448 : i32 to vector<16xi32>
      %add3A_450 = arith.addi %add3A_441, %add3A_449 : vector<16xi32>
      %gather3A_451 = tpu.vector_load_idx %arg8[%add3A_380, %add3A_450] : memref<800x56xf32, #tpu.memory_space<vmem>>[vector<16xi32>, vector<16xi32>], vector<16xf32>,
      %gather3A_452 = tpu.vector_load_idx %arg8[%add3A_383, %add3A_450] : memref<800x56xf32, #tpu.memory_space<vmem>>[vector<16xi32>, vector<16xi32>], vector<16xf32>,
      %gather3A_453 = tpu.vector_load_idx %arg10[%gather3A_387, %add3A_450] : memref<237x56xf32, #tpu.memory_space<vmem>>[vector<16xi32>, vector<16xi32>], vector<16xf32>,
      %mul3A_454 = arith.mulf %gather3A_451, %gather3A_453 : vector<16xf32>
      %mul3A_455 = arith.mulf %mul3A_454, %gather3A_452 : vector<16xf32>
      %add3A_456 = arith.addf %add3A_438, %mul3A_455 : vector<16xf32>
      %add3A_457 = arith.constant 4 : i32
      %add3A_458 = vector.broadcast %add3A_457 : i32 to vector<16xi32>
      %add3A_459 = arith.addi %add3A_450, %add3A_458 : vector<16xi32>
      %gather3A_460 = tpu.vector_load_idx %arg8[%add3A_380, %add3A_459] : memref<800x56xf32, #tpu.memory_space<vmem>>[vector<16xi32>, vector<16xi32>], vector<16xf32>,
      %gather3A_461 = tpu.vector_load_idx %arg8[%add3A_383, %add3A_459] : memref<800x56xf32, #tpu.memory_space<vmem>>[vector<16xi32>, vector<16xi32>], vector<16xf32>,
      %gather3A_462 = tpu.vector_load_idx %arg10[%gather3A_387, %add3A_459] : memref<237x56xf32, #tpu.memory_space<vmem>>[vector<16xi32>, vector<16xi32>], vector<16xf32>,
      %mul3A_463 = arith.mulf %gather3A_460, %gather3A_462 : vector<16xf32>
      %mul3A_464 = arith.mulf %mul3A_463, %gather3A_461 : vector<16xf32>
      %add3A_465 = arith.addf %add3A_447, %mul3A_464 : vector<16xf32>
      %add3A_466 = arith.constant 4 : i32
      %add3A_467 = vector.broadcast %add3A_466 : i32 to vector<16xi32>
      %add3A_468 = arith.addi %add3A_459, %add3A_467 : vector<16xi32>
      %gather3A_469 = tpu.vector_load_idx %arg8[%add3A_380, %add3A_468] : memref<800x56xf32, #tpu.memory_space<vmem>>[vector<16xi32>, vector<16xi32>], vector<16xf32>,
      %gather3A_470 = tpu.vector_load_idx %arg8[%add3A_383, %add3A_468] : memref<800x56xf32, #tpu.memory_space<vmem>>[vector<16xi32>, vector<16xi32>], vector<16xf32>,
      %gather3A_471 = tpu.vector_load_idx %arg10[%gather3A_387, %add3A_468] : memref<237x56xf32, #tpu.memory_space<vmem>>[vector<16xi32>, vector<16xi32>], vector<16xf32>,
      %mul3A_472 = arith.mulf %gather3A_469, %gather3A_471 : vector<16xf32>
      %mul3A_473 = arith.mulf %mul3A_472, %gather3A_470 : vector<16xf32>
      %add3A_474 = arith.addf %add3A_456, %mul3A_473 : vector<16xf32>
      %add3A_475 = arith.constant 4 : i32
      %add3A_476 = vector.broadcast %add3A_475 : i32 to vector<16xi32>
      %add3A_477 = arith.addi %add3A_468, %add3A_476 : vector<16xi32>
      %gather3A_478 = tpu.vector_load_idx %arg8[%add3A_380, %add3A_477] : memref<800x56xf32, #tpu.memory_space<vmem>>[vector<16xi32>, vector<16xi32>], vector<16xf32>,
      %gather3A_479 = tpu.vector_load_idx %arg8[%add3A_383, %add3A_477] : memref<800x56xf32, #tpu.memory_space<vmem>>[vector<16xi32>, vector<16xi32>], vector<16xf32>,
      %gather3A_480 = tpu.vector_load_idx %arg10[%gather3A_387, %add3A_477] : memref<237x56xf32, #tpu.memory_space<vmem>>[vector<16xi32>, vector<16xi32>], vector<16xf32>,
      %mul3A_481 = arith.mulf %gather3A_478, %gather3A_480 : vector<16xf32>
      %mul3A_482 = arith.mulf %mul3A_481, %gather3A_479 : vector<16xf32>
      %add3A_483 = arith.addf %add3A_465, %mul3A_482 : vector<16xf32>
      %add3A_484 = arith.constant 4 : i32
      %add3A_485 = vector.broadcast %add3A_484 : i32 to vector<16xi32>
      %add3A_486 = arith.addi %add3A_477, %add3A_485 : vector<16xi32>
      %gather3A_487 = tpu.vector_load_idx %arg8[%add3A_380, %add3A_486] : memref<800x56xf32, #tpu.memory_space<vmem>>[vector<16xi32>, vector<16xi32>], vector<16xf32>,
      %gather3A_488 = tpu.vector_load_idx %arg8[%add3A_383, %add3A_486] : memref<800x56xf32, #tpu.memory_space<vmem>>[vector<16xi32>, vector<16xi32>], vector<16xf32>,
      %gather3A_489 = tpu.vector_load_idx %arg10[%gather3A_387, %add3A_486] : memref<237x56xf32, #tpu.memory_space<vmem>>[vector<16xi32>, vector<16xi32>], vector<16xf32>,
      %mul3A_490 = arith.mulf %gather3A_487, %gather3A_489 : vector<16xf32>
      %mul3A_491 = arith.mulf %mul3A_490, %gather3A_488 : vector<16xf32>
      %add3A_492 = arith.addf %add3A_474, %mul3A_491 : vector<16xf32>
      %add3A_493 = arith.constant 4 : i32
      %add3A_494 = vector.broadcast %add3A_493 : i32 to vector<16xi32>
      %add3A_495 = arith.addi %add3A_486, %add3A_494 : vector<16xi32>
      %gather3A_496 = tpu.vector_load_idx %arg8[%add3A_380, %add3A_495] : memref<800x56xf32, #tpu.memory_space<vmem>>[vector<16xi32>, vector<16xi32>], vector<16xf32>,
      %gather3A_497 = tpu.vector_load_idx %arg8[%add3A_383, %add3A_495] : memref<800x56xf32, #tpu.memory_space<vmem>>[vector<16xi32>, vector<16xi32>], vector<16xf32>,
      %gather3A_498 = tpu.vector_load_idx %arg10[%gather3A_387, %add3A_495] : memref<237x56xf32, #tpu.memory_space<vmem>>[vector<16xi32>, vector<16xi32>], vector<16xf32>,
      %mul3A_499 = arith.mulf %gather3A_496, %gather3A_498 : vector<16xf32>
      %mul3A_500 = arith.mulf %mul3A_499, %gather3A_497 : vector<16xf32>
      %add3A_501 = arith.addf %add3A_483, %mul3A_500 : vector<16xf32>
      %add3A_502 = arith.constant 4 : i32
      %add3A_503 = vector.broadcast %add3A_502 : i32 to vector<16xi32>
      %add3A_504 = arith.addi %add3A_495, %add3A_503 : vector<16xi32>
      %gather3A_505 = tpu.vector_load_idx %arg8[%add3A_380, %add3A_504] : memref<800x56xf32, #tpu.memory_space<vmem>>[vector<16xi32>, vector<16xi32>], vector<16xf32>,
      %gather3A_506 = tpu.vector_load_idx %arg8[%add3A_383, %add3A_504] : memref<800x56xf32, #tpu.memory_space<vmem>>[vector<16xi32>, vector<16xi32>], vector<16xf32>,
      %gather3A_507 = tpu.vector_load_idx %arg10[%gather3A_387, %add3A_504] : memref<237x56xf32, #tpu.memory_space<vmem>>[vector<16xi32>, vector<16xi32>], vector<16xf32>,
      %mul3A_508 = arith.mulf %gather3A_505, %gather3A_507 : vector<16xf32>
      %mul3A_509 = arith.mulf %mul3A_508, %gather3A_506 : vector<16xf32>
      %add3A_510 = arith.addf %add3A_492, %mul3A_509 : vector<16xf32>
      %add3A_511 = arith.constant 4 : i32
      %add3A_512 = vector.broadcast %add3A_511 : i32 to vector<16xi32>
      %add3A_513 = arith.addi %add3A_504, %add3A_512 : vector<16xi32>
      %add3A_514 = arith.addf %add3A_501, %add3A_510 : vector<16xf32>
      %swap3A_515 = arith.constant 32 : index
      %swap3A_516 = tpu.vector_load %arg11[%swap3A_515] {strides = array<i32>} : memref<64xf32, #tpu.memory_space<vmem>>, vector<16xf32>,
      tpu.vector_store %arg11[%swap3A_515], %add3A_514 {strides = array<i32>} : memref<64xf32, #tpu.memory_space<vmem>>, vector<16xf32>,
      %mul3A_517 = arith.constant 16 : i32
      %mul3A_518 = arith.muli %scan3A_92, %mul3A_517 : i32
      %add3A_519 = arith.constant 12 : i32
      %add3A_520 = arith.addi %mul3A_518, %add3A_519 : i32
      %add3A_521 = vector.broadcast %add3A_520 : i32 to vector<16xi32>
      %add3A_522 = arith.addi %add3A_521, %shift_right_arithmetic3A_69 : vector<16xi32>
      %add3A_523 = arith.constant 400 : i32
      %add3A_524 = vector.broadcast %add3A_523 : i32 to vector<16xi32>
      %add3A_525 = arith.addi %add3A_524, %add3A_522 : vector<16xi32>
      %add3A_526 = arith.constant 800 : i32
      %add3A_527 = vector.broadcast %add3A_526 : i32 to vector<16xi32>
      %add3A_528 = arith.addi %add3A_527, %add3A_522 : vector<16xi32>
      %gather3A_529 = tpu.vector_load_idx %arg6[%add3A_528] : memref<1200xi32, #tpu.memory_space<vmem>>[vector<16xi32>], vector<16xi32>,
      %gather3A_530 = tpu.vector_load_idx %arg8[%add3A_522, %and3A_71] : memref<800x56xf32, #tpu.memory_space<vmem>>[vector<16xi32>, vector<16xi32>], vector<16xf32>,
      %gather3A_531 = tpu.vector_load_idx %arg8[%add3A_525, %and3A_71] : memref<800x56xf32, #tpu.memory_space<vmem>>[vector<16xi32>, vector<16xi32>], vector<16xf32>,
      %gather3A_532 = tpu.vector_load_idx %arg10[%gather3A_529, %and3A_71] : memref<237x56xf32, #tpu.memory_space<vmem>>[vector<16xi32>, vector<16xi32>], vector<16xf32>,
      %mul3A_533 = arith.mulf %gather3A_530, %gather3A_532 : vector<16xf32>
      %mul3A_534 = arith.mulf %mul3A_533, %gather3A_531 : vector<16xf32>
      %add3A_535 = arith.addf %broadcast_in_dim3A_67, %mul3A_534 : vector<16xf32>
      %add3A_536 = arith.constant 4 : i32
      %add3A_537 = vector.broadcast %add3A_536 : i32 to vector<16xi32>
      %add3A_538 = arith.addi %and3A_71, %add3A_537 : vector<16xi32>
      %gather3A_539 = tpu.vector_load_idx %arg8[%add3A_522, %add3A_538] : memref<800x56xf32, #tpu.memory_space<vmem>>[vector<16xi32>, vector<16xi32>], vector<16xf32>,
      %gather3A_540 = tpu.vector_load_idx %arg8[%add3A_525, %add3A_538] : memref<800x56xf32, #tpu.memory_space<vmem>>[vector<16xi32>, vector<16xi32>], vector<16xf32>,
      %gather3A_541 = tpu.vector_load_idx %arg10[%gather3A_529, %add3A_538] : memref<237x56xf32, #tpu.memory_space<vmem>>[vector<16xi32>, vector<16xi32>], vector<16xf32>,
      %mul3A_542 = arith.mulf %gather3A_539, %gather3A_541 : vector<16xf32>
      %mul3A_543 = arith.mulf %mul3A_542, %gather3A_540 : vector<16xf32>
      %add3A_544 = arith.addf %broadcast_in_dim3A_67, %mul3A_543 : vector<16xf32>
      %add3A_545 = arith.constant 4 : i32
      %add3A_546 = vector.broadcast %add3A_545 : i32 to vector<16xi32>
      %add3A_547 = arith.addi %add3A_538, %add3A_546 : vector<16xi32>
      %gather3A_548 = tpu.vector_load_idx %arg8[%add3A_522, %add3A_547] : memref<800x56xf32, #tpu.memory_space<vmem>>[vector<16xi32>, vector<16xi32>], vector<16xf32>,
      %gather3A_549 = tpu.vector_load_idx %arg8[%add3A_525, %add3A_547] : memref<800x56xf32, #tpu.memory_space<vmem>>[vector<16xi32>, vector<16xi32>], vector<16xf32>,
      %gather3A_550 = tpu.vector_load_idx %arg10[%gather3A_529, %add3A_547] : memref<237x56xf32, #tpu.memory_space<vmem>>[vector<16xi32>, vector<16xi32>], vector<16xf32>,
      %mul3A_551 = arith.mulf %gather3A_548, %gather3A_550 : vector<16xf32>
      %mul3A_552 = arith.mulf %mul3A_551, %gather3A_549 : vector<16xf32>
      %add3A_553 = arith.addf %add3A_535, %mul3A_552 : vector<16xf32>
      %add3A_554 = arith.constant 4 : i32
      %add3A_555 = vector.broadcast %add3A_554 : i32 to vector<16xi32>
      %add3A_556 = arith.addi %add3A_547, %add3A_555 : vector<16xi32>
      %gather3A_557 = tpu.vector_load_idx %arg8[%add3A_522, %add3A_556] : memref<800x56xf32, #tpu.memory_space<vmem>>[vector<16xi32>, vector<16xi32>], vector<16xf32>,
      %gather3A_558 = tpu.vector_load_idx %arg8[%add3A_525, %add3A_556] : memref<800x56xf32, #tpu.memory_space<vmem>>[vector<16xi32>, vector<16xi32>], vector<16xf32>,
      %gather3A_559 = tpu.vector_load_idx %arg10[%gather3A_529, %add3A_556] : memref<237x56xf32, #tpu.memory_space<vmem>>[vector<16xi32>, vector<16xi32>], vector<16xf32>,
      %mul3A_560 = arith.mulf %gather3A_557, %gather3A_559 : vector<16xf32>
      %mul3A_561 = arith.mulf %mul3A_560, %gather3A_558 : vector<16xf32>
      %add3A_562 = arith.addf %add3A_544, %mul3A_561 : vector<16xf32>
      %add3A_563 = arith.constant 4 : i32
      %add3A_564 = vector.broadcast %add3A_563 : i32 to vector<16xi32>
      %add3A_565 = arith.addi %add3A_556, %add3A_564 : vector<16xi32>
      %gather3A_566 = tpu.vector_load_idx %arg8[%add3A_522, %add3A_565] : memref<800x56xf32, #tpu.memory_space<vmem>>[vector<16xi32>, vector<16xi32>], vector<16xf32>,
      %gather3A_567 = tpu.vector_load_idx %arg8[%add3A_525, %add3A_565] : memref<800x56xf32, #tpu.memory_space<vmem>>[vector<16xi32>, vector<16xi32>], vector<16xf32>,
      %gather3A_568 = tpu.vector_load_idx %arg10[%gather3A_529, %add3A_565] : memref<237x56xf32, #tpu.memory_space<vmem>>[vector<16xi32>, vector<16xi32>], vector<16xf32>,
      %mul3A_569 = arith.mulf %gather3A_566, %gather3A_568 : vector<16xf32>
      %mul3A_570 = arith.mulf %mul3A_569, %gather3A_567 : vector<16xf32>
      %add3A_571 = arith.addf %add3A_553, %mul3A_570 : vector<16xf32>
      %add3A_572 = arith.constant 4 : i32
      %add3A_573 = vector.broadcast %add3A_572 : i32 to vector<16xi32>
      %add3A_574 = arith.addi %add3A_565, %add3A_573 : vector<16xi32>
      %gather3A_575 = tpu.vector_load_idx %arg8[%add3A_522, %add3A_574] : memref<800x56xf32, #tpu.memory_space<vmem>>[vector<16xi32>, vector<16xi32>], vector<16xf32>,
      %gather3A_576 = tpu.vector_load_idx %arg8[%add3A_525, %add3A_574] : memref<800x56xf32, #tpu.memory_space<vmem>>[vector<16xi32>, vector<16xi32>], vector<16xf32>,
      %gather3A_577 = tpu.vector_load_idx %arg10[%gather3A_529, %add3A_574] : memref<237x56xf32, #tpu.memory_space<vmem>>[vector<16xi32>, vector<16xi32>], vector<16xf32>,
      %mul3A_578 = arith.mulf %gather3A_575, %gather3A_577 : vector<16xf32>
      %mul3A_579 = arith.mulf %mul3A_578, %gather3A_576 : vector<16xf32>
      %add3A_580 = arith.addf %add3A_562, %mul3A_579 : vector<16xf32>
      %add3A_581 = arith.constant 4 : i32
      %add3A_582 = vector.broadcast %add3A_581 : i32 to vector<16xi32>
      %add3A_583 = arith.addi %add3A_574, %add3A_582 : vector<16xi32>
      %gather3A_584 = tpu.vector_load_idx %arg8[%add3A_522, %add3A_583] : memref<800x56xf32, #tpu.memory_space<vmem>>[vector<16xi32>, vector<16xi32>], vector<16xf32>,
      %gather3A_585 = tpu.vector_load_idx %arg8[%add3A_525, %add3A_583] : memref<800x56xf32, #tpu.memory_space<vmem>>[vector<16xi32>, vector<16xi32>], vector<16xf32>,
      %gather3A_586 = tpu.vector_load_idx %arg10[%gather3A_529, %add3A_583] : memref<237x56xf32, #tpu.memory_space<vmem>>[vector<16xi32>, vector<16xi32>], vector<16xf32>,
      %mul3A_587 = arith.mulf %gather3A_584, %gather3A_586 : vector<16xf32>
      %mul3A_588 = arith.mulf %mul3A_587, %gather3A_585 : vector<16xf32>
      %add3A_589 = arith.addf %add3A_571, %mul3A_588 : vector<16xf32>
      %add3A_590 = arith.constant 4 : i32
      %add3A_591 = vector.broadcast %add3A_590 : i32 to vector<16xi32>
      %add3A_592 = arith.addi %add3A_583, %add3A_591 : vector<16xi32>
      %gather3A_593 = tpu.vector_load_idx %arg8[%add3A_522, %add3A_592] : memref<800x56xf32, #tpu.memory_space<vmem>>[vector<16xi32>, vector<16xi32>], vector<16xf32>,
      %gather3A_594 = tpu.vector_load_idx %arg8[%add3A_525, %add3A_592] : memref<800x56xf32, #tpu.memory_space<vmem>>[vector<16xi32>, vector<16xi32>], vector<16xf32>,
      %gather3A_595 = tpu.vector_load_idx %arg10[%gather3A_529, %add3A_592] : memref<237x56xf32, #tpu.memory_space<vmem>>[vector<16xi32>, vector<16xi32>], vector<16xf32>,
      %mul3A_596 = arith.mulf %gather3A_593, %gather3A_595 : vector<16xf32>
      %mul3A_597 = arith.mulf %mul3A_596, %gather3A_594 : vector<16xf32>
      %add3A_598 = arith.addf %add3A_580, %mul3A_597 : vector<16xf32>
      %add3A_599 = arith.constant 4 : i32
      %add3A_600 = vector.broadcast %add3A_599 : i32 to vector<16xi32>
      %add3A_601 = arith.addi %add3A_592, %add3A_600 : vector<16xi32>
      %gather3A_602 = tpu.vector_load_idx %arg8[%add3A_522, %add3A_601] : memref<800x56xf32, #tpu.memory_space<vmem>>[vector<16xi32>, vector<16xi32>], vector<16xf32>,
      %gather3A_603 = tpu.vector_load_idx %arg8[%add3A_525, %add3A_601] : memref<800x56xf32, #tpu.memory_space<vmem>>[vector<16xi32>, vector<16xi32>], vector<16xf32>,
      %gather3A_604 = tpu.vector_load_idx %arg10[%gather3A_529, %add3A_601] : memref<237x56xf32, #tpu.memory_space<vmem>>[vector<16xi32>, vector<16xi32>], vector<16xf32>,
      %mul3A_605 = arith.mulf %gather3A_602, %gather3A_604 : vector<16xf32>
      %mul3A_606 = arith.mulf %mul3A_605, %gather3A_603 : vector<16xf32>
      %add3A_607 = arith.addf %add3A_589, %mul3A_606 : vector<16xf32>
      %add3A_608 = arith.constant 4 : i32
      %add3A_609 = vector.broadcast %add3A_608 : i32 to vector<16xi32>
      %add3A_610 = arith.addi %add3A_601, %add3A_609 : vector<16xi32>
      %gather3A_611 = tpu.vector_load_idx %arg8[%add3A_522, %add3A_610] : memref<800x56xf32, #tpu.memory_space<vmem>>[vector<16xi32>, vector<16xi32>], vector<16xf32>,
      %gather3A_612 = tpu.vector_load_idx %arg8[%add3A_525, %add3A_610] : memref<800x56xf32, #tpu.memory_space<vmem>>[vector<16xi32>, vector<16xi32>], vector<16xf32>,
      %gather3A_613 = tpu.vector_load_idx %arg10[%gather3A_529, %add3A_610] : memref<237x56xf32, #tpu.memory_space<vmem>>[vector<16xi32>, vector<16xi32>], vector<16xf32>,
      %mul3A_614 = arith.mulf %gather3A_611, %gather3A_613 : vector<16xf32>
      %mul3A_615 = arith.mulf %mul3A_614, %gather3A_612 : vector<16xf32>
      %add3A_616 = arith.addf %add3A_598, %mul3A_615 : vector<16xf32>
      %add3A_617 = arith.constant 4 : i32
      %add3A_618 = vector.broadcast %add3A_617 : i32 to vector<16xi32>
      %add3A_619 = arith.addi %add3A_610, %add3A_618 : vector<16xi32>
      %gather3A_620 = tpu.vector_load_idx %arg8[%add3A_522, %add3A_619] : memref<800x56xf32, #tpu.memory_space<vmem>>[vector<16xi32>, vector<16xi32>], vector<16xf32>,
      %gather3A_621 = tpu.vector_load_idx %arg8[%add3A_525, %add3A_619] : memref<800x56xf32, #tpu.memory_space<vmem>>[vector<16xi32>, vector<16xi32>], vector<16xf32>,
      %gather3A_622 = tpu.vector_load_idx %arg10[%gather3A_529, %add3A_619] : memref<237x56xf32, #tpu.memory_space<vmem>>[vector<16xi32>, vector<16xi32>], vector<16xf32>,
      %mul3A_623 = arith.mulf %gather3A_620, %gather3A_622 : vector<16xf32>
      %mul3A_624 = arith.mulf %mul3A_623, %gather3A_621 : vector<16xf32>
      %add3A_625 = arith.addf %add3A_607, %mul3A_624 : vector<16xf32>
      %add3A_626 = arith.constant 4 : i32
      %add3A_627 = vector.broadcast %add3A_626 : i32 to vector<16xi32>
      %add3A_628 = arith.addi %add3A_619, %add3A_627 : vector<16xi32>
      %gather3A_629 = tpu.vector_load_idx %arg8[%add3A_522, %add3A_628] : memref<800x56xf32, #tpu.memory_space<vmem>>[vector<16xi32>, vector<16xi32>], vector<16xf32>,
      %gather3A_630 = tpu.vector_load_idx %arg8[%add3A_525, %add3A_628] : memref<800x56xf32, #tpu.memory_space<vmem>>[vector<16xi32>, vector<16xi32>], vector<16xf32>,
      %gather3A_631 = tpu.vector_load_idx %arg10[%gather3A_529, %add3A_628] : memref<237x56xf32, #tpu.memory_space<vmem>>[vector<16xi32>, vector<16xi32>], vector<16xf32>,
      %mul3A_632 = arith.mulf %gather3A_629, %gather3A_631 : vector<16xf32>
      %mul3A_633 = arith.mulf %mul3A_632, %gather3A_630 : vector<16xf32>
      %add3A_634 = arith.addf %add3A_616, %mul3A_633 : vector<16xf32>
      %add3A_635 = arith.constant 4 : i32
      %add3A_636 = vector.broadcast %add3A_635 : i32 to vector<16xi32>
      %add3A_637 = arith.addi %add3A_628, %add3A_636 : vector<16xi32>
      %gather3A_638 = tpu.vector_load_idx %arg8[%add3A_522, %add3A_637] : memref<800x56xf32, #tpu.memory_space<vmem>>[vector<16xi32>, vector<16xi32>], vector<16xf32>,
      %gather3A_639 = tpu.vector_load_idx %arg8[%add3A_525, %add3A_637] : memref<800x56xf32, #tpu.memory_space<vmem>>[vector<16xi32>, vector<16xi32>], vector<16xf32>,
      %gather3A_640 = tpu.vector_load_idx %arg10[%gather3A_529, %add3A_637] : memref<237x56xf32, #tpu.memory_space<vmem>>[vector<16xi32>, vector<16xi32>], vector<16xf32>,
      %mul3A_641 = arith.mulf %gather3A_638, %gather3A_640 : vector<16xf32>
      %mul3A_642 = arith.mulf %mul3A_641, %gather3A_639 : vector<16xf32>
      %add3A_643 = arith.addf %add3A_625, %mul3A_642 : vector<16xf32>
      %add3A_644 = arith.constant 4 : i32
      %add3A_645 = vector.broadcast %add3A_644 : i32 to vector<16xi32>
      %add3A_646 = arith.addi %add3A_637, %add3A_645 : vector<16xi32>
      %gather3A_647 = tpu.vector_load_idx %arg8[%add3A_522, %add3A_646] : memref<800x56xf32, #tpu.memory_space<vmem>>[vector<16xi32>, vector<16xi32>], vector<16xf32>,
      %gather3A_648 = tpu.vector_load_idx %arg8[%add3A_525, %add3A_646] : memref<800x56xf32, #tpu.memory_space<vmem>>[vector<16xi32>, vector<16xi32>], vector<16xf32>,
      %gather3A_649 = tpu.vector_load_idx %arg10[%gather3A_529, %add3A_646] : memref<237x56xf32, #tpu.memory_space<vmem>>[vector<16xi32>, vector<16xi32>], vector<16xf32>,
      %mul3A_650 = arith.mulf %gather3A_647, %gather3A_649 : vector<16xf32>
      %mul3A_651 = arith.mulf %mul3A_650, %gather3A_648 : vector<16xf32>
      %add3A_652 = arith.addf %add3A_634, %mul3A_651 : vector<16xf32>
      %add3A_653 = arith.constant 4 : i32
      %add3A_654 = vector.broadcast %add3A_653 : i32 to vector<16xi32>
      %add3A_655 = arith.addi %add3A_646, %add3A_654 : vector<16xi32>
      %add3A_656 = arith.addf %add3A_643, %add3A_652 : vector<16xf32>
      %swap3A_657 = arith.constant 48 : index
      %swap3A_658 = tpu.vector_load %arg11[%swap3A_657] {strides = array<i32>} : memref<64xf32, #tpu.memory_space<vmem>>, vector<16xf32>,
      tpu.vector_store %arg11[%swap3A_657], %add3A_656 {strides = array<i32>} : memref<64xf32, #tpu.memory_space<vmem>>, vector<16xf32>,
      %mul3A_659 = arith.constant 4 : i32
      %mul3A_660 = vector.broadcast %mul3A_659 : i32 to vector<16xi32>
      %mul3A_661 = arith.muli %iota3A, %mul3A_660 : vector<16xi32>
      %add3A_662 = arith.constant 0 : i32
      %add3A_663 = vector.broadcast %add3A_662 : i32 to vector<16xi32>
      %add3A_664 = arith.addi %mul3A_661, %add3A_663 : vector<16xi32>
      %gather3A_665 = tpu.vector_load_idx %arg11[%add3A_664] : memref<64xf32, #tpu.memory_space<vmem>>[vector<16xi32>], vector<16xf32>,
      %add3A_666 = arith.addf %broadcast_in_dim3A_67, %gather3A_665 : vector<16xf32>
      %add3A_667 = arith.constant 1 : i32
      %add3A_668 = vector.broadcast %add3A_667 : i32 to vector<16xi32>
      %add3A_669 = arith.addi %mul3A_661, %add3A_668 : vector<16xi32>
      %gather3A_670 = tpu.vector_load_idx %arg11[%add3A_669] : memref<64xf32, #tpu.memory_space<vmem>>[vector<16xi32>], vector<16xf32>,
      %add3A_671 = arith.addf %add3A_666, %gather3A_670 : vector<16xf32>
      %add3A_672 = arith.constant 2 : i32
      %add3A_673 = vector.broadcast %add3A_672 : i32 to vector<16xi32>
      %add3A_674 = arith.addi %mul3A_661, %add3A_673 : vector<16xi32>
      %gather3A_675 = tpu.vector_load_idx %arg11[%add3A_674] : memref<64xf32, #tpu.memory_space<vmem>>[vector<16xi32>], vector<16xf32>,
      %add3A_676 = arith.addf %add3A_671, %gather3A_675 : vector<16xf32>
      %add3A_677 = arith.constant 3 : i32
      %add3A_678 = vector.broadcast %add3A_677 : i32 to vector<16xi32>
      %add3A_679 = arith.addi %mul3A_661, %add3A_678 : vector<16xi32>
      %gather3A_680 = tpu.vector_load_idx %arg11[%add3A_679] : memref<64xf32, #tpu.memory_space<vmem>>[vector<16xi32>], vector<16xf32>,
      %add3A_681 = arith.addf %add3A_676, %gather3A_680 : vector<16xf32>
      %mul3A_682 = arith.constant 16 : i32
      %mul3A_683 = arith.muli %scan3A_92, %mul3A_682 : i32
      %swap3A_684 = arith.index_cast %mul3A_683 : i32 to index
      %swap3A_685 = tpu.vector_load %arg12[%swap3A_684] {strides = array<i32>} : memref<400xf32, #tpu.memory_space<vmem>>, vector<16xf32>,
      tpu.vector_store %arg12[%swap3A_684], %add3A_681 {strides = array<i32>} : memref<400xf32, #tpu.memory_space<vmem>>, vector<16xf32>,
    }
    %scan3A_77 = arith.constant 25 : i32
    %mul3A_78 = arith.constant 50000 : i32
    %mul3A_79 = arith.muli %add3A, %mul3A_78 : i32
    %add3A_80 = arith.constant 49600 : i32
    %add3A_81 = arith.addi %mul3A_79, %add3A_80 : i32
    %dma_start3A_82 = tpu.memref_slice %arg5[%add3A_81] : memref<1600000xf32, #tpu.memory_space<hbm>> -> memref<400xf32, #tpu.memory_space<hbm>>
    %dma_start3A_83 = tpu.memref_slice %arg5[%add3A_81] : memref<1600000xf32, #tpu.memory_space<hbm>> -> memref<400xf32, #tpu.memory_space<hbm>>
    tpu.enqueue_dma source(%arg12 : memref<400xf32, #tpu.memory_space<vmem>>) target(%dma_start3A_83 : memref<400xf32, #tpu.memory_space<hbm>>) target_semaphore(%arg18 : memref<!tpu.dma_semaphore, #tpu.memory_space<semaphore_mem>>)
    %dma_wait3A_84 = arith.constant 0 : i32
    %dma_wait3A_85 = tpu.memref_slice %arg5[%dma_wait3A_84] : memref<1600000xf32, #tpu.memory_space<hbm>> -> memref<400xf32, #tpu.memory_space<hbm>>
    %dma_wait3A_86 = arith.constant 0 : i32
    %dma_wait3A_87 = tpu.memref_slice %arg5[%dma_wait3A_86] : memref<1600000xf32, #tpu.memory_space<hbm>> -> memref<400xf32, #tpu.memory_space<hbm>>
    tpu.wait_dma2 semaphore(%arg18 : memref<!tpu.dma_semaphore, #tpu.memory_space<semaphore_mem>>) src(%arg12 : memref<400xf32, #tpu.memory_space<vmem>>) dst(%dma_wait3A_87 : memref<400xf32, #tpu.memory_space<hbm>>)
    %dma_wait3A_88 = arith.constant 0 : i32
    %dma_wait3A_89 = tpu.memref_slice %arg5[%dma_wait3A_88] : memref<1600000xf32, #tpu.memory_space<hbm>> -> memref<400xf32, #tpu.memory_space<hbm>>
    %dma_wait3A_90 = arith.constant 0 : i32
    %dma_wait3A_91 = tpu.memref_slice %arg5[%dma_wait3A_90] : memref<1600000xf32, #tpu.memory_space<hbm>> -> memref<400xf32, #tpu.memory_space<hbm>>
    tpu.wait_dma2 semaphore(%arg19 : memref<!tpu.dma_semaphore, #tpu.memory_space<semaphore_mem>>) src(%arg13 : memref<400xf32, #tpu.memory_space<vmem>>) dst(%dma_wait3A_91 : memref<400xf32, #tpu.memory_space<hbm>>)
    return
  }
}

</mosaic_0001>

<sc_bundles>
// kernel: _dist_mult.3.cloned.1.call-start
scs
__scs_entry_jumppad:
0x0: {  	(pc) =	sbr.rel $0x88, $3  }
0x1: {  	(tag) =	ssettag $0x0;
	lr =	simm.s32 $0x1  }
0x2: {  	[smem:$0x3F9E] =	sst lr;
	_ =	strace $0xD0000000  }
0x3: {  	_ = 	snop  }
0x4: {  	_ = 	snop  }
0x5: {  	_ = 	snop  }
0x6: {  	_ = 	snop  }
0x7: {  	_ = 	snop  }
__scs_overlays_trampoline_lowered:
0x8: {  	[smem:$0x3FAD] =	sst s0  }
0x9: {  	[smem:$0x3FAE] =	sst s1  }
0xa: {  	[smem:$0x3FAF] =	sst s2  }
0xb: {  	[smem:$0x3FB0] =	sst s3  }
0xc: {  	[smem:$0x3FB1] =	sst s4  }
0xd: {  	[smem:$0x3FB2] =	sst s5  }
0xe: {  	[smem:$0x3FB3] =	sst s6  }
0xf: {  	[smem:$0x3FB4] =	sst s7  }
0x10: {  	[smem:$0x3FB5] =	sst s8  }
0x11: {  	[smem:$0x3FB6] =	sst s9;
	s0 =	simm.s32 @!p0 $0x0  }
0x12: {  	s1 =	sld [smem:$0x3F9C];
	s0 =	simm.s32 @p0 $0x1  }
0x13: {  	[smem:$0x3FB7] =	sst s0;
	s0 =	simm.s32 @!p1 $0x0  }
0x14: {  	s2 =	sld [smem:$0x3F9B];
	s0 =	simm.s32 @p1 $0x1  }
0x15: {  	[smem:$0x3FB8] =	sst s0;
	s0 =	simm.s32 @!p2 $0x0  }
0x16: {  	s3 =	sld [smem:$0x3FDB];
	s0 =	simm.s32 @p2 $0x1  }
0x17: {  	s4 =	simm.s32 $0x1BF5;
	[smem:$0x3FBA] =	sst s0  }
0x18: {  	s0 =	sld [smem:$0x3F9D];
	_ =	swait.ge [sflag:s4], $0x0  }
0x19: {  	s7 =	sld [smem:$0x3F9E]  }
0x1a: {  	s8 =	sadd.s32 $0xFFFFE003, lr  }
0x1b: {  	s9 =	sadd.s32 $0xFFFFFEF7, lr;
	s5 =	simm.s32 $0xFFFFFFFF;
	p2 =	slt.u32 s8, $0xFFFFF086  }
0x1c: {  	p1 =	slt.u32 s9, $0xF7A;
	s5 =	simm.s32 @!p2 $0x0  }
0x1d: {  	s5 =	simm.s32 @p1 $0x1;
	p0 =	seq.s32 s7, s2  }
0x1e: {  	s7 =	smul.u32 @!p0 $0xF7A, s2;
	p2 =	seq.s32 @!p0 s5, $0x0  }
0x1f: {  	s9 =	smul.u32 $0xF7A, s1;
	s8 =	simm.s32 @!p0 $0x1BF5;
	p2 =	por !p2, p0  }
0x20: {  	[sflag:s8] =	ssyncset.s32 @!p0 $0xFFFFF086;
	s6 =	sadd.s32 @!p0 s3, s7;
	s7 =	simm.s32 @!p0 $0x108  }
0x21: {  	s3 =	sadd.s32 s3, s9;
	s6 =	sadd.s32 @!p0 $0x88, s6;
	s7 =	simm.s32 @p2 $0x1082  }
0x22: {  	[simem:s7], [sflag:s8] =	dma.local @!p0 [hbm:s6], $0xF7A  }
0x23: {  	s9 =	sor.u32 $0xD0000000, s2;
	s6 =	simm.s32 $0x108;
	_ =	swait.ge @!p0 [sflag:s8], $0x0  }
0x24: {  	s3 =	sadd.s32 $0x88, s3;
	s6 =	simm.s32 @!p1 $0x1082;
	[sflag:s4] =	ssyncset.s32 $0xFFFFF086  }
0x25: {  	[simem:s6], [sflag:s4] =	dma.local [hbm:s3], $0xF7A  }
0x26: {  	[smem:$0x3F9E] =	sst s1;
	(tag) =	ssettag s2;
	_ =	strace s9  }
0x27: {  	s1 =	sld [smem:$0x3FAE]  }
0x28: {  	s2 =	sld [smem:$0x3FAF]  }
0x29: {  	s4 =	sld [smem:$0x3FB1]  }
0x2a: {  	p0 =	seq.s32 s5, $0x0;
	s5 =	sld [smem:$0x3FB2]  }
0x2b: {  	s6 =	sld [smem:$0x3FB3]  }
0x2c: {  	s7 =	sld [smem:$0x3FB4]  }
0x2d: {  	s3 =	simm.s32 $0x108;
	s8 =	sld [smem:$0x3FB5]  }
0x2e: {  	s3 =	simm.s32 @!p0 $0x1082;
	s9 =	sld [smem:$0x3FB6]  }
0x2f: {  	lr =	sadd.s32 s0, s3;
	s0 =	sld [smem:$0x3FAD]  }
0x30: {  	s3 =	sld [smem:$0x3FB0]  }
0x31: {  	[smem:$0x3FB9] =	sst s10  }
0x32: {  	s10 =	sld [smem:$0x3FB7];
	_ =	sdelay $0x3  }
0x33: {  	p0 =	seq.s32 s10, $0x1;
	s10 =	sld [smem:$0x3FB9];
	_ =	sdelay $0x3  }
0x34: {  	[smem:$0x3FB9] =	sst s10  }
0x35: {  	s10 =	sld [smem:$0x3FB8];
	_ =	sdelay $0x3  }
0x36: {  	p1 =	seq.s32 s10, $0x1;
	s10 =	sld [smem:$0x3FB9];
	_ =	sdelay $0x3  }
0x37: {  	[smem:$0x3FB9] =	sst s10  }
0x38: {  	s10 =	sld [smem:$0x3FBA]  }
0x39: {  	_ = 	snop;
	(pc) =	sbr.ind lr, $3  }
0x3a: {  	_ = 	snop  }
0x3b: {  	_ = 	snop  }
0x3c: {  	p2 =	seq.s32 s10, $0x1;
	s10 =	sld [smem:$0x3FB9]  }
0x3d: {  	_ =	shalt  }
0x3e: {  	_ =	shalt  }
0x3f: {  	_ =	shalt  }
0x40: {  	_ =	shalt  }
0x41: {  	_ =	shalt  }
0x42: {  	_ =	shalt  }
0x43: {  	_ =	shalt  }
0x44: {  	_ =	shalt  }
0x45: {  	_ =	shalt  }
0x46: {  	_ =	shalt  }
0x47: {  	_ =	shalt  }
0x48: {  	_ =	shalt  }
0x49: {  	_ =	shalt  }
0x4a: {  	_ =	shalt  }
0x4b: {  	_ =	shalt  }
0x4c: {  	_ =	shalt  }
0x4d: {  	_ =	shalt  }
0x4e: {  	_ =	shalt  }
0x4f: {  	_ =	shalt  }
0x50: {  	_ =	shalt  }
0x51: {  	_ =	shalt  }
0x52: {  	_ =	shalt  }
0x53: {  	_ =	shalt  }
0x54: {  	_ =	shalt  }
0x55: {  	_ =	shalt  }
0x56: {  	_ =	shalt  }
0x57: {  	_ =	shalt  }
0x58: {  	_ =	shalt  }
0x59: {  	_ =	shalt  }
0x5a: {  	_ =	shalt  }
0x5b: {  	_ =	shalt  }
0x5c: {  	_ =	shalt  }
0x5d: {  	_ =	shalt  }
0x5e: {  	_ =	shalt  }
0x5f: {  	_ =	shalt  }
0x60: {  	_ =	shalt  }
0x61: {  	_ =	shalt  }
0x62: {  	_ =	shalt  }
0x63: {  	_ =	shalt  }
0x64: {  	_ =	shalt  }
0x65: {  	_ =	shalt  }
0x66: {  	_ =	shalt  }
0x67: {  	_ =	shalt  }
0x68: {  	_ =	shalt  }
0x69: {  	_ =	shalt  }
0x6a: {  	_ =	shalt  }
0x6b: {  	_ =	shalt  }
0x6c: {  	_ =	shalt  }
0x6d: {  	_ =	shalt  }
0x6e: {  	_ =	shalt  }
0x6f: {  	_ =	shalt  }
0x70: {  	_ =	shalt  }
0x71: {  	_ =	shalt  }
0x72: {  	_ =	shalt  }
0x73: {  	_ =	shalt  }
0x74: {  	_ =	shalt  }
0x75: {  	_ =	shalt  }
0x76: {  	_ =	shalt  }
0x77: {  	_ =	shalt  }
0x78: {  	_ =	shalt  }
0x79: {  	_ =	shalt  }
0x7a: {  	_ =	shalt  }
0x7b: {  	_ =	shalt  }
0x7c: {  	_ =	shalt  }
0x7d: {  	_ =	shalt  }
0x7e: {  	_ =	shalt  }
0x7f: {  	_ =	shalt  }
0x80: {  	_ =	shalt  }
0x81: {  	_ =	shalt  }
0x82: {  	_ =	shalt  }
0x83: {  	_ =	shalt  }
0x84: {  	_ =	shalt  }
0x85: {  	_ =	shalt  }
0x86: {  	_ =	shalt  }
0x87: {  	_ =	shalt  }
.Lfunc_end0:
.L_simem_size_0:
called_computation_lowered:
.L_overlay_start_0:
0x88: {  	s2 =	sld [smem:$0x3FD9]  }
0x89: {  	s3 =	sld [smem:$0x3FFE];
	_ =	sdelay $0x1  }
0x8a: {  	s1 =	srdreg.scid  }
0x8b: {  	s0 =	sand.u32 $0x1, s1  }
0x8c: {  	s17 =	sshll.u32 s0, $0xA;
	s2 =	sadd.s32 s3, s2  }
0x8d: {  	s2 =	sadd.s32 s2, s17  }
0x8e: {  	[smem:$0x3FC5] =	sst s2  }
0x8f: {  	_ = 	snop  }
0x90: {  	s2 =	sld [smem:$0x3FD0];
	(tm) =	ssettm $0x1  }
0x91: {  	s18 =	sld [smem:$0x3FFB];
	_ =	sdelay $0x3  }
0x92: {  	_ =	strace s18  }
0x93: {  	s3 =	sld [smem:$0x3FFC];
	_ =	sdelay $0x3  }
0x94: {  	_ =	strace s3  }
0x95: {  	s3 =	sld [smem:$0x3FFD];
	_ =	sdelay $0x3  }
0x96: {  	_ =	strace s3  }
0x97: {  	_ =	strace $0x8FFFFFFF  }
0x98: {  	s19 =	sld [smem:$0x3FDB];
	_ =	sdelay $0x1  }
0x99: {  	s4 =	simm.s32 $_scs_section_size  }
0x9a: {  	s5 =	simm.s32 $_size__tile_overlayer_lowered;
	s6 =	simm.s32 $_tile_overlayer_lowered  }
0x9b: {  	s22 =	simm.s32 $0x1BFF;
	s21 =	sshll.u32 s6, $0x1;
	s3 =	sadd.s32 s4, s19  }
0x9c: {  	s7 =	simm.s32 $0x0;
	s20 =	sshll.u32 s5, $0x1;
	s5 =	sadd.s32 s21, s3  }
0x9d: {  	[timem:s7], [sflag:s22] =	dma.local [hbm:s5], s20  }
0x9e: {  	_ =	swait.ge [sflag:s22], s20  }
0x9f: {  	s4 =	ssub.s32 $0x0, s20;
	[sflag:s22] =	ssyncset.done $0x0  }
0xa0: {  	[sflag:s22] =	ssyncadd.s32 s4;
	_ =	sdelay $0x1  }
0xa1: {  	s23 =	simm.s32 $0x1B8B  }
0xa2: {  	_ =	swait.ge [sflag:s23], $0x1  }
0xa3: {  	[sflag:s23] =	ssyncset.done $0x0  }
0xa4: {  	s25 =	simm.s32 $0x1B8E;
	s24 =	sld [smem:$0x3FFE];
	[sflag:s23] =	ssyncadd.s32 $0xFFFFFFFF  }
0xa5: {  	s26 =	simm.s32 $execute0_lowered;
	[smem:$0x3FD2] =	sst s25  }
0xa6: {  	s5 =	sshll.u32 s26, $0x1;
	_ =	strace $0x80000046;
	[dreg:$0x1] =	wrdreg $0xFFFFFFFF  }
0xa7: {  	s28 =	simm.s32 $_size_execute0_lowered;
	s3 =	sadd.s32 s3, s5;
	[dreg:$0x0] =	wrdreg $0x0  }
0xa8: {  	s5 =	sshll.u32 s28, $0x1;
	[dreg:$0x2] =	wrdreg s3  }
0xa9: {  	[dreg:$0x3] =	wrdreg s5  }
0xaa: {  	[dreg:$0x4] =	wrdreg $0xC0  }
0xab: {  	_ =	task [dreg:s7], $0x5FFFF  }
0xac: {  	[dreg:$0x1] =	wrdreg $0xFFFFFFFF  }
0xad: {  	[dreg:$0x0] =	wrdreg $0x60  }
0xae: {  	[dreg:$0x2] =	wrdreg s24  }
0xaf: {  	[dreg:$0x3] =	wrdreg s2  }
0xb0: {  	[dreg:$0x4] =	wrdreg $0x9  }
0xb1: {  	_ =	task.clear_ibuf [dreg:s7], $0x5FFFF;
	_ =	strace $0x90000046  }
0xb2: {  	s29 =	simm.s32 $0x9;
	_ =	strace $0x80000048  }
0xb3: {  	_ =	swait.ge [sflag:s29], $0x1  }
0xb4: {  	[sflag:s29] =	ssyncadd.s32 $0xFFFFFFFF  }
0xb5: {  	_ =	strace $0x90000048  }
0xb6: {  	_ =	sfence  }
0xb7: {  	s30 =	sld [smem:$0x0];
	_ =	sdelay $0x2  }
0xb8: {  	s31 =	sshll.u32 s1, $0xD;
	s1 =	sshrl.u32 s1, $0x2  }
0xb9: {  	s3 =	sand.u32 $0x4000, s31;
	s1 =	sadd.s32 s1, s30  }
0xba: {  	s0 =	sor.u32 s3, s0;
	s1 =	sshll.u32 s1, $0x11  }
0xbb: {  	s0 =	sor.u32 s1, s0  }
0xbc: {  	s0 =	sadd.s32 $0x8F2B, s0  }
0xbd: {  	[sflag:s0] =	ssyncadd.remote.s32 $0x1  }
0xbe: {  	_ =	sfence.sel $0xFFFF  }
0xbf: {  	[dreg:$0x0] =	wrdreg $0xFFFFFFFF;
	(pc) =	sbr.abs _section_cstart, $3  }
0xc0: {  	[dreg:$0x1] =	wrdreg $0xFFFFFFFF  }
0xc1: {  	_ =	task.clear_ibuf [dreg:s7], $0x2FFFF;
	_ =	strace $0x9FFFFFFF  }
0xc2: {  	(tm) =	ssettm $0x7FFFFFFF  }
0xc3: {  	_ =	shalt  }
tec
execute0_lowered:
.L_overlay_start_1:
0x0: {  	(tag) =	ssettag $0x1  }
0x1: {  	v41 =	vlaneseq.u32;
	v1 =	vimm.s32 $0x73727170;
	v2 =	vimm.s32 $0xABAAA9A8  }
0x2: {  	vm0 =	vcmask $0x1F10;
	v3 =	vimm.s32 $0x582B;
	vm15 =	vcmask $0x300  }
0x3: {  	v4 =	vimm.s32 $0x3020100;
	vm14 =	vcmask $0x704;
	vm13 =	vcmask $0xB08  }
0x4: {  	v5 =	vimm.s32 $0x3B3A3938;
	vm12 =	vcmask $0xF0C;
	vm11 =	vcmask $0x1310  }
0x5: {  	vm10 =	vcmask $0x1714;
	vm9 =	vcmask $0x1B18;
	vm8 =	vcmask $0x1F1C  }
0x6: {  	vm7 =	vcmask $0x2320;
	vm6 =	vcmask $0x2724;
	vm5 =	vcmask $0x2B28  }
0x7: {  	v27 =	vimm.s32 $0x582F;
	vm4 =	vcmask $0x2F2C;
	vm2 =	vcmask $0x3330  }
0x8: {  	vm3 =	vcmask $0x3734;
	vm1 =	vcmask $0x3B38;
	v28 =	vimm.s32 $0x77767574  }
0x9: {  	v6 =	vimm.s32 $0xAFAEADAC;
	v7 =	vimm.s32 $0x7060504;
	v8 =	vimm.s32 $0x3F3E3D3C  }
0xa: {  	v9 =	vimm.s32 $0x5833;
	v32 =	vimm.s32 $0x7B7A7978;
	v33 =	vimm.s32 $0xB3B2B1B0  }
0xb: {  	v10 =	vimm.s32 $0xB0A0908;
	v11 =	vimm.s32 $0x43424140;
	v12 =	vimm.s32 $0x5837  }
0xc: {  	v38 =	vimm.s32 $0x7F7E7D7C;
	v39 =	vimm.s32 $0xB7B6B5B4;
	v13 =	vimm.s32 $0xF0E0D0C  }
0xd: {  	v14 =	vimm.s32 $0x47464544;
	v40 =	vimm.s32 $0x583B;
	v44 =	vimm.s32 $0x83828180  }
0xe: {  	v15 =	vimm.s32 $0xBBBAB9B8;
	v16 =	vimm.s32 $0x13121110;
	v17 =	vimm.s32 $0x4B4A4948  }
0xf: {  	v18 =	vimm.s32 $0x583F;
	v50 =	vimm.s32 $0x87868584;
	v51 =	vimm.s32 $0xBFBEBDBC  }
0x10: {  	v19 =	vimm.s32 $0x17161514;
	v20 =	vimm.s32 $0x4F4E4D4C;
	v21 =	vimm.s32 $0x5843  }
0x11: {  	v56 =	vimm.s32 $0x8B8A8988;
	v57 =	vimm.s32 $0xC3C2C1C0;
	v22 =	vimm.s32 $0x1B1A1918  }
0x12: {  	v23 =	vimm.s32 $0x53525150;
	v58 =	vimm.s32 $0x5847;
	v61 =	vimm.s32 $0x8F8E8D8C  }
0x13: {  	v24 =	vimm.s32 $0xC7C6C5C4;
	v25 =	vimm.s32 $0x1F1E1D1C;
	v0 =	vshrl.u32 v41, $0x2  }
0x14: {  	v1 =	vunpack.c.0.s8.s32 v1;
	v2 =	vunpack.c.0.s8.s32 v2;
	v3 =	vsel vm15, $0x5780, v3  }
0x15: {  	v4 =	vunpack.c.0.s8.s32 v4;
	v5 =	vunpack.c.0.s8.s32 v5;
	v6 =	vunpack.c.0.s8.s32 v6  }
0x16: {  	v7 =	vunpack.c.0.s8.s32 v7;
	v8 =	vunpack.c.0.s8.s32 v8;
	v29 =	vsel vm15, $0x5788, v9  }
0x17: {  	v9 =	vunpack.c.0.s8.s32 v33;
	v10 =	vunpack.c.0.s8.s32 v10;
	v11 =	vunpack.c.0.s8.s32 v11  }
0x18: {  	v34 =	vsel vm15, $0x578C, v12;
	v12 =	vunpack.c.0.s8.s32 v39;
	v13 =	vunpack.c.0.s8.s32 v13  }
0x19: {  	v14 =	vunpack.c.0.s8.s32 v14;
	v15 =	vunpack.c.0.s8.s32 v15;
	v16 =	vunpack.c.0.s8.s32 v16  }
0x1a: {  	v17 =	vunpack.c.0.s8.s32 v17;
	v45 =	vsel vm15, $0x5794, v18;
	v18 =	vunpack.c.0.s8.s32 v51  }
0x1b: {  	v19 =	vunpack.c.0.s8.s32 v19;
	v20 =	vunpack.c.0.s8.s32 v20;
	v52 =	vsel vm15, $0x5798, v21  }
0x1c: {  	v21 =	vunpack.c.0.s8.s32 v57;
	v22 =	vunpack.c.0.s8.s32 v22;
	v23 =	vunpack.c.0.s8.s32 v23  }
0x1d: {  	v24 =	vunpack.c.0.s8.s32 v24;
	v33 =	vimm.s32 $0xD3D2D1D0;
	v3 =	vsel vm14, $0x5781, v3  }
0x1e: {  	v25 =	vunpack.c.0.s8.s32 v25;
	v33 =	vunpack.c.0.s8.s32 v33;
	v3 =	vsel vm13, $0x5782, v3  }
0x1f: {  	v1 =	vsel vm0, v2, v1;
	v7 =	vsel vm0, v8, v7;
	v10 =	vsel vm0, v11, v10  }
0x20: {  	v11 =	vunpack.c.0.s8.s32 v38;
	v13 =	vsel vm0, v14, v13;
	v16 =	vsel vm0, v17, v16  }
0x21: {  	v19 =	vsel vm0, v20, v19;
	v20 =	vunpack.c.0.s8.s32 v56;
	v38 =	vimm.s32 $0x67666564  }
0x22: {  	v22 =	vsel vm0, v23, v22;
	v3 =	vsel vm12, $0x5783, v3;
	v38 =	vunpack.c.0.s8.s32 v38  }
0x23: {  	v2 =	vsel vm11, $0x57B8, v3;
	v3 =	vsel vm0, v5, v4;
	v4 =	vsel vm15, $0x5784, v27  }
0x24: {  	v5 =	vunpack.c.0.s8.s32 v28;
	v11 =	vsel vm0, v12, v11;
	v12 =	vsel vm15, $0x5790, v40  }
0x25: {  	v20 =	vsel vm0, v21, v20;
	v21 =	vsel vm15, $0x579C, v58;
	v27 =	vimm.s32 $0x584B  }
0x26: {  	v28 =	vimm.s32 $0x23222120;
	v40 =	vimm.s32 $0xDBDAD9D8;
	v2 =	vsel vm10, $0x57B9, v2  }
0x27: {  	v3 =	vcombine.low v3, v1;
	v4 =	vsel vm14, $0x5785, v4;
	v11 =	vcombine.low v13, v11  }
0x28: {  	v12 =	vsel vm14, $0x5791, v12;
	v20 =	vcombine.low v22, v20;
	v21 =	vsel vm14, $0x579D, v21  }
0x29: {  	v62 =	vsel vm15, $0x57A0, v27;
	v28 =	vunpack.c.0.s8.s32 v28;
	v4 =	vsel vm13, $0x5786, v4  }
0x2a: {  	v40 =	vunpack.c.0.s8.s32 v40;
	v2 =	vsel vm9, $0x57BA, v2;
	v4 =	vsel vm12, $0x5787, v4  }
0x2b: {  	v5 =	vsel vm0, v6, v5;
	v6 =	vsel vm14, $0x5789, v29;
	v4 =	vsel vm11, $0x57BC, v4  }
0x2c: {  	v12 =	vsel vm13, $0x5792, v12;
	v21 =	vsel vm13, $0x579E, v21;
	v4 =	vsel vm10, $0x57BD, v4  }
0x2d: {  	v29 =	vimm.s32 $0x5B5A5958;
	v26 =	vsel vm8, $0x57BB, v2;
	v4 =	vsel vm9, $0x57BE, v4  }
0x2e: {  	v47 =	vand.u32 $0xFF, v3;
	v5 =	vcombine.low v7, v5;
	v4 =	vsel vm8, $0x57BF, v4  }
0x2f: {  	v6 =	vsel vm13, $0x578A, v6;
	v43 =	vsel vm12, $0x5793, v12;
	v4 =	vsel vm7, $0x57F4, v4  }
0x30: {  	v60 =	vsel vm12, $0x579F, v21;
	v29 =	vunpack.c.0.s8.s32 v29;
	v4 =	vsel vm6, $0x57F5, v4  }
0x31: {  	v3 =	vsel vm7, $0x57F0, v26;
	v6 =	vsel vm12, $0x578B, v6;
	v4 =	vsel vm5, $0x57F6, v4  }
0x32: {  	v14 =	vsel vm11, $0x57C8, v43;
	v23 =	vsel vm11, $0x57D4, v60;
	v30 =	vsel vm4, $0x57F7, v4  }
0x33: {  	v3 =	vsel vm6, $0x57F1, v3;
	v2 =	vand.u32 $0xFF, v5;
	v7 =	vsel vm2, $0x582C, v30  }
0x34: {  	v31 =	vsel vm11, $0x57C0, v6;
	v3 =	vsel vm5, $0x57F2, v3;
	v7 =	vsel vm3, $0x582D, v7  }
0x35: {  	[tilespmem:$0x1FD10] =	vst v2;
	v3 =	vsel vm4, $0x57F3, v3;
	v2 =	vsel vm1, $0x582E, v7;
	v7 =	vunpack.c.0.s8.s32 v32  }
0x36: {  	v26 =	vimm.s32 $0x57565554;
	v8 =	vsel vm10, $0x57C1, v31;
	v3 =	vsel vm2, $0x5828, v3  }
0x37: {  	v3 =	vsel vm3, $0x5829, v3;
	v7 =	vsel vm0, v9, v7;
	v9 =	vsel vm14, $0x578D, v34  }
0x38: {  	v8 =	vsel vm9, $0x57C2, v8;
	v1 =	vsel vm1, $0x582A, v3;
	v9 =	vsel vm13, $0x578E, v9  }
0x39: {  	[tilespmem:$0x1FD00] =	vst v1;
	v1 =	vand.u32 $0x3, v41;
	v10 =	vcombine.low v10, v7;
	v36 =	vsel vm12, $0x578F, v9  }
0x3a: {  	v8 =	vsel vm8, $0x57C3, v8;
	[tilespmem:$0x1FD20] =	vst v2;
	v2 =	vor.u32 $0x4, v1;
	v37 =	vsel vm11, $0x57C4, v36  }
0x3b: {  	v8 =	vsel vm7, $0x57F8, v8;
	[tilespmem:$0x1FD30] =	vst v2;
	v2 =	vand.u32 $0xFF, v10;
	v10 =	vsel vm10, $0x57C5, v37  }
0x3c: {  	v43 =	vimm.s32 $0x585F;
	v8 =	vsel vm6, $0x57F9, v8;
	v10 =	vsel vm9, $0x57C6, v10  }
0x3d: {  	v14 =	vsel vm10, $0x57C9, v14;
	v8 =	vsel vm5, $0x57FA, v8;
	v10 =	vsel vm8, $0x57C7, v10  }
0x3e: {  	v23 =	vsel vm10, $0x57D5, v23;
	v8 =	vsel vm4, $0x57FB, v8;
	v10 =	vsel vm7, $0x57FC, v10  }
0x3f: {  	v26 =	vunpack.c.0.s8.s32 v26;
	v8 =	vsel vm2, $0x5830, v8;
	v10 =	vsel vm6, $0x57FD, v10  }
0x40: {  	v28 =	vsel vm0, v29, v28;
	v35 =	vsel vm3, $0x5831, v8;
	v10 =	vsel vm5, $0x57FE, v10  }
0x41: {  	v14 =	vsel vm9, $0x57CA, v14;
	[tilespmem:$0x1FD40] =	vst v2;
	v2 =	vsel vm1, $0x5832, v35;
	v42 =	vsel vm4, $0x57FF, v10  }
0x42: {  	v23 =	vsel vm9, $0x57D6, v23;
	[tilespmem:$0x1FD50] =	vst v2;
	v2 =	vor.u32 $0x8, v1;
	v13 =	vsel vm2, $0x5834, v42  }
0x43: {  	v14 =	vsel vm8, $0x57CB, v14;
	[tilespmem:$0x1FD60] =	vst v2;
	v2 =	vand.u32 $0xFF, v11;
	v13 =	vsel vm3, $0x5835, v13  }
0x44: {  	v14 =	vsel vm7, $0x5800, v14;
	[tilespmem:$0x1FD70] =	vst v2;
	v2 =	vsel vm1, $0x5836, v13;
	v13 =	vunpack.c.0.s8.s32 v44  }
0x45: {  	v31 =	vimm.s32 $0x27262524;
	v23 =	vsel vm8, $0x57D7, v23;
	v14 =	vsel vm6, $0x5801, v14  }
0x46: {  	v14 =	vsel vm5, $0x5802, v14;
	v13 =	vsel vm0, v15, v13;
	v15 =	vsel vm14, $0x5795, v45  }
0x47: {  	v14 =	vsel vm4, $0x5803, v14;
	v16 =	vcombine.low v16, v13;
	v15 =	vsel vm13, $0x5796, v15  }
0x48: {  	v46 =	vsel vm2, $0x5838, v14;
	[tilespmem:$0x1FD80] =	vst v2;
	v2 =	vor.u32 $0xC, v1;
	v15 =	vsel vm12, $0x5797, v15  }
0x49: {  	[tilespmem:$0x1FD90] =	vst v2;
	v2 =	vand.u32 $0xFF, v16;
	v49 =	vsel vm11, $0x57CC, v15;
	v16 =	vunpack.c.0.s8.s32 v50  }
0x4a: {  	v25 =	vsel vm0, v26, v25;
	v48 =	vsel vm3, $0x5839, v46;
	v17 =	vsel vm10, $0x57CD, v49  }
0x4b: {  	v17 =	vsel vm9, $0x57CE, v17;
	v16 =	vsel vm0, v18, v16;
	v18 =	vsel vm14, $0x5799, v52  }
0x4c: {  	[tilespmem:$0x1FDA0] =	vst v2;
	v2 =	vsel vm1, $0x583A, v48;
	v17 =	vsel vm8, $0x57CF, v17;
	v18 =	vsel vm13, $0x579A, v18  }
0x4d: {  	v19 =	vcombine.low v19, v16;
	v17 =	vsel vm7, $0x5804, v17;
	v54 =	vsel vm12, $0x579B, v18  }
0x4e: {  	[tilespmem:$0x1FDB0] =	vst v2;
	v2 =	vor.u32 $0x10, v1;
	v17 =	vsel vm6, $0x5805, v17;
	v55 =	vsel vm11, $0x57D0, v54  }
0x4f: {  	[tilespmem:$0x1FDC0] =	vst v2;
	v2 =	vand.u32 $0xFF, v19;
	v17 =	vsel vm5, $0x5806, v17;
	v19 =	vsel vm10, $0x57D1, v55  }
0x50: {  	v23 =	vsel vm7, $0x580C, v23;
	v17 =	vsel vm4, $0x5807, v17;
	v19 =	vsel vm9, $0x57D2, v19  }
0x51: {  	v23 =	vsel vm6, $0x580D, v23;
	v17 =	vsel vm2, $0x583C, v17;
	v19 =	vsel vm8, $0x57D3, v19  }
0x52: {  	v23 =	vsel vm5, $0x580E, v23;
	v53 =	vsel vm3, $0x583D, v17;
	v19 =	vsel vm7, $0x5808, v19  }
0x53: {  	v23 =	vsel vm4, $0x580F, v23;
	[tilespmem:$0x1FDD0] =	vst v2;
	v2 =	vsel vm1, $0x583E, v53;
	v19 =	vsel vm6, $0x5809, v19  }
0x54: {  	v31 =	vunpack.c.0.s8.s32 v31;
	v4 =	vsel vm2, $0x5844, v23;
	v19 =	vsel vm5, $0x580A, v19  }
0x55: {  	v30 =	vimm.s32 $0x584F;
	v14 =	vimm.s32 $0xCFCECDCC;
	v59 =	vsel vm4, $0x580B, v19  }
0x56: {  	v23 =	vimm.s32 $0x9F9E9D9C;
	[tilespmem:$0x1FDE0] =	vst v2;
	v2 =	vmovc v1;
	v1 =	vor.u32 $0x14, v1;
	v22 =	vsel vm2, $0x5840, v59  }
0x57: {  	v8 =	vimm.s32 $0xCBCAC9C8;
	[tilespmem:$0x1FDF0] =	vst v1;
	v1 =	vand.u32 $0xFF, v20;
	v22 =	vsel vm3, $0x5841, v22  }
0x58: {  	v32 =	vimm.s32 $0x5F5E5D5C;
	[tilespmem:$0x1FE00] =	vst v1;
	v1 =	vsel vm1, $0x5842, v22;
	v22 =	vunpack.c.0.s8.s32 v61  }
0x59: {  	v5 =	vsel vm3, $0x5845, v4;
	v27 =	vunpack.c.0.s8.s32 v8;
	v32 =	vunpack.c.0.s8.s32 v32  }
0x5a: {  	v34 =	vimm.s32 $0x2B2A2928;
	v7 =	vimm.s32 $0x93929190;
	v22 =	vsel vm0, v24, v22  }
0x5b: {  	v31 =	vsel vm0, v32, v31;
	v34 =	vunpack.c.0.s8.s32 v34;
	v25 =	vcombine.low v25, v22  }
0x5c: {  	v9 =	vsel vm15, $0x57A4, v30;
	v30 =	vunpack.c.0.s8.s32 v14;
	[tilespmem:$0x1FE10] =	vst v1;
	v1 =	vor.u32 $0x18, v2  }
0x5d: {  	v35 =	vimm.s32 $0x63626160;
	[tilespmem:$0x1FE20] =	vst v1;
	v1 =	vand.u32 $0xFF, v25;
	v25 =	vunpack.c.0.s8.s32 v7  }
0x5e: {  	v36 =	vimm.s32 $0x5857;
	v37 =	vimm.s32 $0x2F2E2D2C;
	v35 =	vunpack.c.0.s8.s32 v35  }
0x5f: {  	v37 =	vunpack.c.0.s8.s32 v37;
	v25 =	vsel vm0, v27, v25;
	v27 =	vsel vm14, $0x57A5, v9  }
0x60: {  	v34 =	vsel vm0, v35, v34;
	v35 =	vunpack.c.0.s8.s32 v23;
	v27 =	vsel vm13, $0x57A6, v27  }
0x61: {  	[tilespmem:$0x1FE30] =	vst v1;
	v1 =	vsel vm1, $0x5846, v5;
	v28 =	vcombine.low v28, v25;
	v11 =	vsel vm12, $0x57A7, v27  }
0x62: {  	v13 =	vimm.s32 $0x97969594;
	[tilespmem:$0x1FE40] =	vst v1;
	v1 =	vor.u32 $0x1C, v2;
	v12 =	vsel vm11, $0x57DC, v11  }
0x63: {  	v29 =	vunpack.c.0.s8.s32 v13;
	[tilespmem:$0x1FE50] =	vst v1;
	v1 =	vand.u32 $0xFF, v28;
	v28 =	vsel vm10, $0x57DD, v12  }
0x64: {  	v42 =	vimm.s32 $0x33323130;
	v15 =	vimm.s32 $0x5853;
	v28 =	vsel vm9, $0x57DE, v28  }
0x65: {  	v29 =	vsel vm0, v30, v29;
	v30 =	vsel vm15, $0x57A8, v15;
	v28 =	vsel vm8, $0x57DF, v28  }
0x66: {  	v42 =	vunpack.c.0.s8.s32 v42;
	v30 =	vsel vm14, $0x57A9, v30;
	v28 =	vsel vm7, $0x5814, v28  }
0x67: {  	v44 =	vimm.s32 $0x6B6A6968;
	v30 =	vsel vm13, $0x57AA, v30;
	v28 =	vsel vm6, $0x5815, v28  }
0x68: {  	v44 =	vunpack.c.0.s8.s32 v44;
	v17 =	vsel vm12, $0x57AB, v30;
	v28 =	vsel vm5, $0x5816, v28  }
0x69: {  	v29 =	vcombine.low v31, v29;
	v32 =	vsel vm11, $0x57E0, v17;
	v16 =	vsel vm4, $0x5817, v28  }
0x6a: {  	v32 =	vsel vm10, $0x57E1, v32;
	v24 =	vsel vm14, $0x57A1, v62;
	v31 =	vsel vm2, $0x584C, v16  }
0x6b: {  	v19 =	vimm.s32 $0x9B9A9998;
	v24 =	vsel vm13, $0x57A2, v24;
	v31 =	vsel vm3, $0x584D, v31  }
0x6c: {  	v24 =	vsel vm12, $0x57A3, v24;
	v18 =	vsel vm1, $0x584E, v31;
	v31 =	vunpack.c.0.s8.s32 v19  }
0x6d: {  	v32 =	vsel vm9, $0x57E2, v32;
	v20 =	vsel vm15, $0x57AC, v36;
	v6 =	vsel vm11, $0x57D8, v24  }
0x6e: {  	v26 =	vsel vm10, $0x57D9, v6;
	v31 =	vsel vm0, v33, v31;
	v33 =	vsel vm14, $0x57AD, v20  }
0x6f: {  	v32 =	vsel vm8, $0x57E3, v32;
	v26 =	vsel vm9, $0x57DA, v26;
	v33 =	vsel vm13, $0x57AE, v33  }
0x70: {  	v32 =	vsel vm7, $0x5818, v32;
	v26 =	vsel vm8, $0x57DB, v26;
	v33 =	vsel vm12, $0x57AF, v33  }
0x71: {  	v32 =	vsel vm6, $0x5819, v32;
	v26 =	vsel vm7, $0x5810, v26;
	v33 =	vsel vm11, $0x57E4, v33  }
0x72: {  	v32 =	vsel vm5, $0x581A, v32;
	v26 =	vsel vm6, $0x5811, v26;
	v33 =	vsel vm10, $0x57E5, v33  }
0x73: {  	v32 =	vsel vm4, $0x581B, v32;
	v26 =	vsel vm5, $0x5812, v26;
	v33 =	vsel vm9, $0x57E6, v33  }
0x74: {  	v24 =	vimm.s32 $0xD7D6D5D4;
	v26 =	vsel vm4, $0x5813, v26;
	v33 =	vsel vm8, $0x57E7, v33  }
0x75: {  	v36 =	vunpack.c.0.s8.s32 v24;
	v26 =	vsel vm2, $0x5848, v26;
	v39 =	vsel vm7, $0x581C, v33  }
0x76: {  	v21 =	vsel vm2, $0x5850, v32;
	v10 =	vsel vm3, $0x5849, v26;
	v26 =	vsel vm6, $0x581D, v39  }
0x77: {  	v32 =	vimm.s32 $0xA3A2A1A0;
	v25 =	vsel vm0, v36, v35;
	v35 =	vsel vm5, $0x581E, v26  }
0x78: {  	v42 =	vsel vm0, v44, v42;
	v39 =	vunpack.c.0.s8.s32 v32;
	v35 =	vsel vm4, $0x581F, v35  }
0x79: {  	v48 =	vand.u32 $0xFF, v29;
	[tilespmem:$0x1FE60] =	vst v1;
	v1 =	vsel vm1, $0x584A, v10;
	v29 =	vsel vm2, $0x5854, v35  }
0x7a: {  	[tilespmem:$0x1FE70] =	vst v1;
	v1 =	vor.u32 $0x20, v2;
	v39 =	vsel vm0, v40, v39;
	v30 =	vsel vm3, $0x5855, v29  }
0x7b: {  	[tilespmem:$0x1FE80] =	vst v1;
	v28 =	vimm.s32 $0x585B;
	v39 =	vcombine.low v42, v39;
	v1 =	vsel vm1, $0x5856, v30  }
0x7c: {  	s0 =	rddreg [dreg:$0x0];
	s3 =	simm.s32 $0x0;
	v27 =	vsel vm0, v38, v37;
	v37 =	vsel vm15, $0x57B0, v28;
	[tilespmem:$0x1FE90] =	vst v1;
	v1 =	vor.u32 $0x2C, v2  }
0x7d: {  	[smem:$0x7FF] =	sst s3;
	v43 =	vsel vm15, $0x57B4, v43;
	v37 =	vsel vm14, $0x57B1, v37;
	[tilespmem:$0x1FEA0] =	vst v1;
	v1 =	vand.u32 $0xFF, v39  }
0x7e: {  	s1 =	rddreg [dreg:$0x1];
	v63 =	vmovc v0;
	v43 =	vsel vm14, $0x57B5, v43;
	v34 =	vcombine.low v34, v31;
	v31 =	vsel vm13, $0x57B2, v37;
	_ =	strace $0x80000047;
	[tilespmem:$0x1FEB0] =	vst v1  }
0x7f: {  	v0 =	vor.u32 $0x320, v0;
	v43 =	vsel vm13, $0x57B6, v43;
	v38 =	vsel vm12, $0x57B3, v31;
	[tilespmem:$0x1FF10] =	vst v63  }
0x80: {  	v46 =	vimm.s32 $0xDFDEDDDC;
	v55 =	vmul.u32 $0x4, v41;
	v38 =	vsel vm11, $0x57E8, v38;
	[tilespmem:$0x1FF20] =	vst v47  }
0x81: {  	v45 =	vimm.s32 $0xA7A6A5A4;
	v50 =	vimm.s32 $0x37363534;
	v38 =	vsel vm10, $0x57E9, v38;
	[tilespmem:$0x1FF30] =	vst v2  }
0x82: {  	v44 =	vunpack.c.0.s8.s32 v50;
	v56 =	vor.u32 $0x1, v55;
	v38 =	vsel vm9, $0x57EA, v38;
	[tilespmem:$0x1FF40] =	vst v48  }
0x83: {  	s2 =	srdreg.scid;
	s4 =	stileid.u32;
	s15 =	simm.s32 $0x16760;
	v58 =	vor.u32 $0x24, v2;
	v22 =	vsel vm3, $0x5851, v21;
	v38 =	vsel vm8, $0x57EB, v38;
	[tilespmem:$0x1FF50] =	vst v18  }
0x84: {  	s17 =	simm.s32 $0x1;
	s18 =	simm.s32 $0x190;
	s19 =	simm.s32 $0x960;
	v60 =	vsel vm1, $0x5852, v22;
	v49 =	vand.u32 $0xFF, v34;
	v38 =	vsel vm7, $0x5820, v38;
	[tilespmem:$0x1FF60] =	vst v58  }
0x85: {  	s20 =	simm.s32 $0x60E0;
	s21 =	simm.s32 $0x4B0;
	s22 =	simm.s32 $0x3;
	v36 =	vcombine.low v27, v25;
	v33 =	vsel vm12, $0x57B7, v43;
	v38 =	vsel vm6, $0x5821, v38;
	[tilespmem:$0x1FF70] =	vst v49  }
0x86: {  	s28 =	simm.s32 $0x19B38;
	s2 =	sand.u32 $0x1, s2;
	s4 =	sshll.u32 s4, $0x1;
	v61 =	vor.u32 $0x28, v2;
	v38 =	vsel vm5, $0x5822, v38;
	v40 =	vsel vm11, $0x57EC, v33;
	[tilespmem:$0x1FF80] =	vst v60  }
0x87: {  	s29 =	simm.s32 $0x19B78;
	s30 =	simm.s32 $0x4;
	s6 =	sor.u32 s2, s4;
	v62 =	vand.u32 $0xFF, v36;
	v38 =	vsel vm4, $0x5823, v38;
	v35 =	vsel vm10, $0x57ED, v40;
	[tilespmem:$0x1FF90] =	vst v61  }
0x88: {  	s31 =	simm.s32 $0x19D08;
	s5 =	sadd.s32 $0x187000, s0;
	s7 =	smul.u32 $0x249F0, s6;
	v57 =	vor.u32 $0x2, v55;
	v34 =	vsel vm2, $0x5858, v38;
	v38 =	vsel vm9, $0x57EE, v35;
	[tilespmem:$0x1FFA0] =	vst v62  }
0x89: {  	s4 =	sadd.s32 $0x600, s0;
	s23 =	ssub.s32 $0x2, s2;
	s24 =	smul.u32 $0x493E, s6;
	v40 =	vunpack.c.0.s8.s32 v45;
	v45 =	vimm.s32 $0x6F6E6D6C;
	v38 =	vsel vm8, $0x57EF, v38;
	[tilespmem:$0x1FFB0] =	vst v55  }
0x8a: {  	s0 =	sadd.s32 $0x92E00, s0;
	s8 =	smul.u32 $0x7D, s6;
	s9 =	sshrl.u32 s23, $0x1;
	v43 =	vunpack.c.0.s8.s32 v46;
	v45 =	vunpack.c.0.s8.s32 v45;
	v38 =	vsel vm7, $0x5824, v38;
	[tilespmem:$0x1FFC0] =	vst v56  }
0x8b: {  	s10 =	sshrl.u32 s7, $0x3;
	s7 =	smul.u32 $0xC350, s6;
	s2 =	sadd.s32 s4, s24;
	v59 =	vor.u32 $0x3, v55;
	v51 =	vsel vm3, $0x5859, v34;
	v46 =	vsel vm6, $0x5825, v38;
	[tilespmem:$0x1FFD0] =	vst v57  }
0x8c: {  	s11 =	sadd.s32 $0x2, s8;
	s12 =	sadd.s32 $0x3, s8;
	s24 =	simm.s32 $0xB860;
	v40 =	vsel vm0, v43, v40;
	v53 =	vsel vm0, v45, v44;
	v52 =	vsel vm5, $0x5826, v46;
	[tilespmem:$0x1FFE0] =	vst v59  }
0x8d: {  	s6 =	simm.s32 $0x0;
	s25 =	sadd.s32 s4, s10;
	s10 =	sadd.s32 $0x190, s7;
	v43 =	vcombine.low v53, v40;
	v1 =	vsel vm1, $0x585A, v51;
	[tilespmem:$0x1FFF0] =	vst v0;
	v42 =	vsel vm4, $0x5827, v52  }
0x8e: {  	s26 =	sshrl.u32 s7, $0x3;
	[dreg:$0x3] =	wrdreg s0;
	s0 =	ssub.s32 s23, s9;
	[tilespmem:$0x1FEC0] =	vst v1;
	v1 =	vor.u32 $0x30, v2;
	v42 =	vsel vm2, $0x585C, v42  }
0x8f: {  	[dreg:$0x4] =	wrdreg s2;
	s2 =	sadd.s32 $0x96, s25;
	s23 =	simm.s32 $0x2;
	[tilespmem:$0x1FED0] =	vst v1;
	v1 =	vand.u32 $0xFF, v43;
	v54 =	vsel vm3, $0x585D, v42  }
0x90: {  	[dreg:$0x5] =	wrdreg s2;
	s2 =	sadd.s32 s1, s26;
	s0 =	smax.u32 s0, $0x1;
	[tilespmem:$0x1FEE0] =	vst v1;
	v1 =	vsel vm1, $0x585E, v54  }
0x91: {  	s25 =	simm.s32 $0x640;
	s2 =	sadd.s32 $0x1838, s2;
	[dreg:$0x7] =	wrdreg s0;
	[tilespmem:$0x1FEF0] =	vst v1;
	v1 =	vor.u32 $0x34, v2  }
0x92: {  	s26 =	simm.s32 $0x10FE0;
	s0 =	simm.s32 $0x5;
	[dreg:$0x6] =	wrdreg s2;
	[tilespmem:$0x1FF00] =	vst v1  }
.LBB2_1:
0x93: {  	s2 =	rddreg [dreg:$0x3];
	s13 =	simm.s32 $0x7  }
0x94: {  	[tilespmem:s15], [sflag:$0x7] =	stream.linear.gather [hbm4b:s2+s3], $0x33D8, $0x38;
	[tilespmem:$0x19E98] =	vst v63  }
0x95: {  	_ =	swait.ge [sflag:s13], $0x33D8  }
0x96: {  	[sflag:s13] =	ssyncset.done $0x0  }
0x97: {  	s14 =	rddreg [dreg:$0x4];
	[sflag:s13] =	ssyncadd.s32 $0xFFFFCC28  }
0x98: {  	[tilespmem:s3], [sflag:$0x1] =	stream.linear.gather [hbm4b:s14+s3], $0x4B0, $0x38;
	[tilespmem:$0x19E98] =	vst v63  }
0x99: {  	_ =	swait.ge [sflag:s17], $0x4B0  }
0x9a: {  	[sflag:s17] =	ssyncset.done $0x0  }
0x9b: {  	[sflag:s17] =	ssyncadd.s32 $0xFFFFFB50  }
0x9c: {  	[tilespmem:s19], [sflag:$0x3] =	stream.indirect.gather [hbm4b:s5+s18], $0x38, s3, s18, $0xb8;
	[tilespmem:$0x19E98] =	vst v63  }
0x9d: {  	_ = 	snop  }
0x9e: {  	[tilespmem:s20], [sflag:$0x3] =	stream.indirect.gather [hbm4b:s5+s18], $0x38, s18, s18, $0xb8;
	[tilespmem:$0x19E98] =	vst v63  }
0x9f: {  	s8 =	simm.s32 $0x0;
	s16 =	rddreg [dreg:$0x5]  }
0xa0: {  	[tilespmem:s21], [sflag:$0x2] =	stream.linear.gather [hbm4b:s16+s3], $0x4B0, $0x38;
	[tilespmem:$0x19E98] =	vst v63  }
.LBB2_2:
0xa1: {  	_ =	swait.ge [sflag:s22], $0x5780  }
0xa2: {  	[sflag:s22] =	ssyncset.done $0x0  }
0xa3: {  	[sflag:s22] =	ssyncadd.s32 $0xFFFFA880  }
0xa4: {  	_ =	swait.ge [sflag:s22], $0x5780  }
0xa5: {  	[sflag:s22] =	ssyncset.done $0x0  }
0xa6: {  	[sflag:s22] =	ssyncadd.s32 $0xFFFFA880  }
0xa7: {  	_ =	swait.ge [sflag:s23], $0x4B0  }
0xa8: {  	[sflag:s23] =	ssyncset.done $0x0  }
0xa9: {  	p0 =	seq.s32 s8, $0x0;
	[sflag:s23] =	ssyncadd.s32 $0xFFFFFB50  }
0xaa: {  	[tilespmem:s24], [sflag:$0x4] =	stream.indirect.gather [hbm4b:s5+s18], $0x38, s21, s18, $0xb8;
	[tilespmem:$0x19E98] =	vst v63  }
0xab: {  	s13 =	simm.s32 @!p0 $0x5  }
0xac: {  	[tilespmem:s26], [sflag:$0x4] =	stream.indirect.gather [hbm4b:s5+s18], $0x38, s25, s18, $0xb8;
	[tilespmem:$0x19E98] =	vst v63  }
0xad: {  	_ =	swait.ge @!p0 [sflag:s13], $0x190  }
0xae: {  	s9 =	sshll.u32 s8, $0x1;
	[sflag:s13] =	ssyncset.done @!p0 $0x0  }
0xaf: {  	s14 =	simm.s32 $0x19B78;
	v47 =	vld [tilespmem:$0x1FF20];
	[sflag:s13] =	ssyncadd.s32 @!p0 $0xFFFFFE70;
	s13 =	simm.s32 $0xC  }
.LBB2_3:
0xb0: {  	v17 =	vld [tilespmem:$0x1FD00]  }
0xb1: {  	v16 =	vld [tilespmem:$0x1FF30]  }
0xb2: {  	v39 =	vld [tilespmem:$0x1FD10]  }
0xb3: {  	v40 =	vld [tilespmem:$0x1FD20]  }
0xb4: {  	v42 =	vld [tilespmem:$0x1FD30]  }
0xb5: {  	v43 =	vld [tilespmem:$0x1FD40]  }
0xb6: {  	v38 =	vld [tilespmem:$0x1FD50]  }
0xb7: {  	v37 =	vld [tilespmem:$0x1FD60]  }
0xb8: {  	v44 =	vld [tilespmem:$0x1FD70]  }
0xb9: {  	v36 =	vld [tilespmem:$0x1FD80]  }
0xba: {  	v26 =	vld [tilespmem:$0x1FD90]  }
0xbb: {  	v24 =	vld [tilespmem:$0x1FDA0]  }
0xbc: {  	v27 =	vld [tilespmem:$0x1FDB0]  }
0xbd: {  	v23 =	vld [tilespmem:$0x1FDC0]  }
0xbe: {  	v28 =	vld [tilespmem:$0x1FDD0]  }
0xbf: {  	v22 =	vld [tilespmem:$0x1FDE0]  }
0xc0: {  	v29 =	vld [tilespmem:$0x1FDF0]  }
0xc1: {  	v21 =	vld [tilespmem:$0x1FE00]  }
0xc2: {  	v30 =	vld [tilespmem:$0x1FE10]  }
0xc3: {  	v20 =	vld [tilespmem:$0x1FE20]  }
0xc4: {  	v31 =	vld [tilespmem:$0x1FE30]  }
0xc5: {  	v19 =	vld [tilespmem:$0x1FE40]  }
0xc6: {  	v32 =	vld [tilespmem:$0x1FE50]  }
0xc7: {  	v18 =	vld [tilespmem:$0x1FE60]  }
0xc8: {  	s16 =	sadd.s32 $0xFFFFFFF4, s13;
	v35 =	vld [tilespmem:$0x1FE70]  }
0xc9: {  	v8 =	vld [tilespmem:$0x1FE80];
	v49 =	vmov s16  }
0xca: {  	v9 =	vld [tilespmem:$0x1FF40];
	v49 =	vmul.u32 $0x38, v49  }
0xcb: {  	v10 =	vld [tilespmem:$0x1FF50]  }
0xcc: {  	v11 =	vld [tilespmem:$0x1FF60];
	v50 =	vadd.s32 v47, v49  }
0xcd: {  	v12 =	vld [tilespmem:$0x1FF70];
	v51 =	vadd.s32 v17, v49  }
0xce: {  	v13 =	vld [tilespmem:$0x1FF80];
	v53 =	vadd.s32 v39, v49  }
0xcf: {  	v34 =	vld [tilespmem:$0x1FE90];
	v54 =	vadd.s32 v40, v49  }
0xd0: {  	v25 =	vld [tilespmem:$0x1FEA0];
	v56 =	vadd.s32 v43, v49  }
0xd1: {  	v57 =	vadd.s32 v38, v49;
	v50 =	vld.idx.msk [tilespmem:v50+s19+$0x0], $0xffff  }
0xd2: {  	v59 =	vadd.s32 v44, v49;
	v51 =	vld.idx.msk [tilespmem:v51+s19+$0x0], $0xffff  }
0xd3: {  	v60 =	vadd.s32 v36, v49;
	v53 =	vld.idx.msk [tilespmem:v53+s19+$0x0], $0xffff  }
0xd4: {  	v62 =	vadd.s32 v24, v49;
	v54 =	vld.idx.msk [tilespmem:v54+s19+$0x0], $0xffff  }
0xd5: {  	v48 =	vadd.s32 s16, v0;
	v14 =	vadd.s32 v27, v49;
	v56 =	vld.idx.msk [tilespmem:v56+s19+$0x0], $0xffff  }
0xd6: {  	v48 =	vand.u32 $0x7F0, v48;
	v45 =	vadd.s32 v28, v49;
	v57 =	vld.idx.msk [tilespmem:v57+s19+$0x0], $0xffff  }
0xd7: {  	v48 =	vor.u32 v63, v48;
	v59 =	vld.idx.msk [tilespmem:v59+s19+$0x0], $0xffff  }
0xd8: {  	v46 =	vadd.s32 v22, v49;
	v60 =	vld.idx.msk [tilespmem:v60+s19+$0x0], $0xffff  }
0xd9: {  	v0 =	vadd.s32 v21, v49;
	v62 =	vld.idx.msk [tilespmem:v62+s19+$0x0], $0xffff  }
0xda: {  	v1 =	vadd.s32 v30, v49;
	v63 =	vld.idx.msk [tilespmem:v14+s19+$0x0], $0xffff  }
0xdb: {  	v3 =	vadd.s32 v31, v49;
	v45 =	vld.idx.msk [tilespmem:v45+s19+$0x0], $0xffff  }
0xdc: {  	v4 =	vadd.s32 v19, v49;
	v48 =	vld.idx.msk [tilespmem:v48+s3+$0x0], $0xffff  }
0xdd: {  	v6 =	vadd.s32 v18, v49;
	v46 =	vld.idx.msk [tilespmem:v46+s19+$0x0], $0xffff  }
0xde: {  	v7 =	vadd.s32 v35, v49;
	v0 =	vld.idx.msk [tilespmem:v0+s19+$0x0], $0xffff  }
0xdf: {  	v9 =	vadd.s32 v9, v49;
	v1 =	vld.idx.msk [tilespmem:v1+s19+$0x0], $0xffff  }
0xe0: {  	v3 =	vld.idx.msk [tilespmem:v3+s19+$0x0], $0xffff  }
0xe1: {  	v10 =	vadd.s32 v10, v49;
	v4 =	vld.idx.msk [tilespmem:v4+s19+$0x0], $0xffff;
	v48 =	vmul.u32 $0x38, v48  }
0xe2: {  	v12 =	vadd.s32 v12, v49;
	v6 =	vld.idx.msk [tilespmem:v6+s19+$0x0], $0xffff  }
0xe3: {  	v7 =	vld.idx.msk [tilespmem:v7+s19+$0x0], $0xffff;
	v52 =	vor.u32 v16, v48  }
0xe4: {  	v9 =	vld.idx.msk [tilespmem:v9+s19+$0x0], $0xffff;
	v55 =	vor.u32 v42, v48  }
0xe5: {  	v14 =	vld [tilespmem:$0x1FF90];
	v58 =	vadd.s32 v37, v48  }
0xe6: {  	v10 =	vld.idx.msk [tilespmem:v10+s19+$0x0], $0xffff;
	v61 =	vadd.s32 v26, v48  }
0xe7: {  	v12 =	vld.idx.msk [tilespmem:v12+s19+$0x0], $0xffff;
	v41 =	vadd.s32 v23, v48  }
0xe8: {  	v15 =	vadd.s32 v29, v48;
	v52 =	vld.idx.msk [tilespmem:v52+s15+$0x0], $0xffff  }
0xe9: {  	v2 =	vadd.s32 v20, v48;
	v55 =	vld.idx.msk [tilespmem:v55+s15+$0x0], $0xffff  }
0xea: {  	v5 =	vadd.s32 v32, v48;
	v58 =	vld.idx.msk [tilespmem:v58+s15+$0x0], $0xffff  }
0xeb: {  	v61 =	vld.idx.msk [tilespmem:v61+s15+$0x0], $0xffff  }
0xec: {  	v41 =	vld.idx.msk [tilespmem:v41+s15+$0x0], $0xffff  }
0xed: {  	v33 =	vmov v47;
	v8 =	vadd.s32 v8, v48;
	v47 =	vld.idx.msk [tilespmem:v15+s15+$0x0], $0xffff  }
0xee: {  	v11 =	vadd.s32 v11, v48;
	v2 =	vld.idx.msk [tilespmem:v2+s15+$0x0], $0xffff  }
0xef: {  	v5 =	vld.idx.msk [tilespmem:v5+s15+$0x0], $0xffff;
	v50 =	vmul.f32 v52, v50  }
0xf0: {  	v15 =	vld [tilespmem:$0x1FFA0]  }
0xf1: {  	v50 =	vmul.f32 v50, v51;
	v51 =	vmul.f32 v55, v53;
	v53 =	vadd.s32 v25, v48;
	v25 =	vld [tilespmem:$0x1FEB0]  }
0xf2: {  	v8 =	vld.idx.msk [tilespmem:v8+s15+$0x0], $0xffff  }
0xf3: {  	v11 =	vld.idx.msk [tilespmem:v11+s15+$0x0], $0xffff  }
0xf4: {  	v14 =	vadd.s32 v14, v48;
	v51 =	vmul.f32 v51, v54;
	v54 =	vld [tilespmem:$0x1FED0]  }
0xf5: {  	v52 =	vadd.s32 v15, v49;
	v41 =	vmul.f32 v41, v62;
	v62 =	vld [tilespmem:$0x1FF00]  }
0xf6: {  	v15 =	vadd.s32 v34, v49;
	v55 =	vadd.s32 v25, v49;
	v25 =	vld [tilespmem:$0x1FEE0]  }
0xf7: {  	v56 =	vmul.f32 v58, v56;
	v58 =	vmul.f32 v61, v59;
	v61 =	vld [tilespmem:$0x1FEC0]  }
0xf8: {  	v41 =	vmul.f32 v41, v63;
	v63 =	vld [tilespmem:$0x1FEF0]  }
0xf9: {  	v14 =	vld.idx.msk [tilespmem:v14+s15+$0x0], $0xffff;
	v54 =	vadd.s32 v54, v48  }
0xfa: {  	v13 =	vadd.s32 v13, v49;
	v45 =	vmul.f32 v47, v45;
	v52 =	vld.idx.msk [tilespmem:v52+s19+$0x0], $0xffff;
	v48 =	vadd.s32 v62, v48  }
0xfb: {  	v0 =	vmul.f32 v2, v0;
	v2 =	vmul.f32 v5, v3;
	v15 =	vld.idx.msk [tilespmem:v15+s19+$0x0], $0xffff;
	v59 =	vadd.s32 v25, v49  }
0xfc: {  	v56 =	vmul.f32 v56, v57;
	v60 =	vmul.f32 v58, v60;
	v50 =	vadd.f32 $0.0e+00, v50;
	v53 =	vld.idx.msk [tilespmem:v53+s15+$0x0], $0xffff  }
0xfd: {  	v58 =	vadd.s32 v61, v49;
	v51 =	vadd.f32 $0.0e+00, v51;
	v47 =	vld.idx.msk [tilespmem:v55+s19+$0x0], $0xffff;
	v49 =	vadd.s32 v63, v49  }
0xfe: {  	v45 =	vmul.f32 v45, v46;
	v50 =	vadd.f32 v56, v50;
	v3 =	vld.idx.msk [tilespmem:v54+s15+$0x0], $0xffff  }
0xff: {  	v0 =	vmul.f32 v0, v1;
	v1 =	vmul.f32 v2, v4;
	v54 =	vadd.f32 v60, v51;
	v2 =	vld.idx.msk [tilespmem:v48+s15+$0x0], $0xffff  }
0x100: {  	v41 =	vadd.f32 v41, v50;
	v55 =	vld.idx.msk [tilespmem:v59+s19+$0x0], $0xffff  }
0x101: {  	v13 =	vld.idx.msk [tilespmem:v13+s19+$0x0], $0xffff;
	v56 =	vadd.f32 v45, v54;
	v59 =	vmul.f32 v11, v9  }
0x102: {  	v6 =	vmul.f32 v8, v6;
	v0 =	vadd.f32 v0, v41;
	v25 =	vld.idx.msk [tilespmem:v49+s19+$0x0], $0xffff  }
0x103: {  	v63 =	vmul.f32 v53, v52;
	v60 =	vld.idx.msk [tilespmem:v58+s19+$0x0], $0xffff;
	v1 =	vadd.f32 v1, v56;
	v41 =	vmul.f32 v59, v10  }
0x104: {  	v57 =	vmul.f32 v6, v7;
	v61 =	vmul.f32 v14, v12  }
0x105: {  	v46 =	vmul.f32 v63, v15;
	v1 =	vadd.f32 v41, v1;
	v2 =	vmul.f32 v2, v55  }
0x106: {  	v0 =	vadd.f32 v57, v0;
	v45 =	vmul.f32 v61, v13;
	v3 =	vmul.f32 v3, v47  }
0x107: {  	v1 =	vadd.f32 v46, v1;
	v2 =	vmul.f32 v2, v25  }
0x108: {  	v0 =	vadd.f32 v45, v0;
	v3 =	vmul.f32 v3, v60  }
0x109: {  	v1 =	vadd.f32 v2, v1;
	v2 =	vld [tilespmem:$0x1FFF0]  }
0x10a: {  	v0 =	vadd.f32 v3, v0  }
0x10b: {  	s2 =	sadd.s32 $0xFFFFFFF8, s13  }
0x10c: {  	v0 =	vadd.f32 v1, v0;
	v1 =	vmov s2  }
0x10d: {  	v1 =	vmul.u32 $0x38, v1  }
0x10e: {  	v2 =	vadd.s32 s2, v2  }
0x10f: {  	v3 =	vadd.s32 v17, v1  }
0x110: {  	v48 =	vadd.s32 v39, v1  }
0x111: {  	v49 =	vadd.s32 v40, v1  }
0x112: {  	[tilespmem:$0x19B38] =	vst v0;
	v51 =	vadd.s32 v43, v1  }
0x113: {  	v52 =	vadd.s32 v38, v1;
	v0 =	vld.idx.msk [tilespmem:v2+s3+$0x0], $0xffff  }
0x114: {  	v54 =	vadd.s32 v44, v1;
	v3 =	vld.idx.msk [tilespmem:v3+s19+$0x0], $0xffff  }
0x115: {  	v55 =	vadd.s32 v36, v1;
	v5 =	vld.idx.msk [tilespmem:v48+s19+$0x0], $0xffff  }
0x116: {  	v57 =	vadd.s32 v24, v1;
	v6 =	vld.idx.msk [tilespmem:v49+s19+$0x0], $0xffff  }
0x117: {  	v60 =	vadd.s32 v28, v1;
	v8 =	vld.idx.msk [tilespmem:v51+s19+$0x0], $0xffff  }
0x118: {  	v17 =	vadd.s32 v21, v1;
	v9 =	vld.idx.msk [tilespmem:v52+s19+$0x0], $0xffff  }
0x119: {  	v11 =	vld.idx.msk [tilespmem:v54+s19+$0x0], $0xffff  }
0x11a: {  	v2 =	vadd.s32 v33, v1;
	v12 =	vld.idx.msk [tilespmem:v55+s19+$0x0], $0xffff;
	v0 =	vmul.u32 $0x38, v0  }
0x11b: {  	v14 =	vld.idx.msk [tilespmem:v57+s19+$0x0], $0xffff  }
0x11c: {  	v45 =	vld.idx.msk [tilespmem:v60+s19+$0x0], $0xffff;
	v47 =	vor.u32 v16, v0  }
0x11d: {  	v48 =	vld.idx.msk [tilespmem:v17+s19+$0x0], $0xffff;
	v50 =	vor.u32 v42, v0  }
0x11e: {  	v44 =	vmov v24;
	v58 =	vadd.s32 v27, v1;
	v17 =	vld [tilespmem:$0x1FEB0];
	v53 =	vadd.s32 v37, v0  }
0x11f: {  	v24 =	vmovc v27;
	v2 =	vld.idx.msk [tilespmem:v2+s19+$0x0], $0xffff;
	v56 =	vadd.s32 v26, v0;
	v59 =	vadd.s32 v23, v0;
	v23 =	vmov v28  }
0x120: {  	v27 =	vadd.s32 v20, v0;
	v20 =	vmovc v31;
	v28 =	vadd.s32 v31, v1;
	v31 =	vadd.s32 v18, v1;
	v18 =	vld [tilespmem:$0x1FFA0]  }
0x121: {  	v63 =	vadd.s32 v29, v0;
	v4 =	vld.idx.msk [tilespmem:v47+s15+$0x0], $0xffff  }
0x122: {  	v25 =	vmov v26;
	v26 =	vadd.s32 v30, v1;
	v7 =	vld.idx.msk [tilespmem:v50+s15+$0x0], $0xffff  }
0x123: {  	v10 =	vld.idx.msk [tilespmem:v53+s15+$0x0], $0xffff  }
0x124: {  	v13 =	vld.idx.msk [tilespmem:v56+s15+$0x0], $0xffff  }
0x125: {  	v41 =	vld.idx.msk [tilespmem:v59+s15+$0x0], $0xffff  }
0x126: {  	v61 =	vadd.s32 v22, v1;
	v22 =	vmov v29;
	v29 =	vadd.s32 v19, v1;
	v47 =	vld.idx.msk [tilespmem:v63+s15+$0x0], $0xffff  }
0x127: {  	v49 =	vld.idx.msk [tilespmem:v26+s19+$0x0], $0xffff  }
0x128: {  	v21 =	vmov v30;
	v30 =	vadd.s32 v32, v0;
	v50 =	vld.idx.msk [tilespmem:v27+s15+$0x0], $0xffff  }
0x129: {  	v51 =	vld.idx.msk [tilespmem:v28+s19+$0x0], $0xffff  }
0x12a: {  	v63 =	vld [tilespmem:$0x1FE80]  }
0x12b: {  	v52 =	vld.idx.msk [tilespmem:v29+s19+$0x0], $0xffff  }
0x12c: {  	v19 =	vmov v32;
	v32 =	vadd.s32 v35, v1;
	v26 =	vld [tilespmem:$0x1FF40]  }
0x12d: {  	v53 =	vld.idx.msk [tilespmem:v30+s15+$0x0], $0xffff  }
0x12e: {  	v27 =	vld [tilespmem:$0x1FF50]  }
0x12f: {  	v16 =	vmov v35;
	v30 =	vld [tilespmem:$0x1FF80];
	v35 =	vadd.s32 v63, v0  }
0x130: {  	v28 =	vld [tilespmem:$0x1FF60]  }
0x131: {  	v55 =	vld.idx.msk [tilespmem:v32+s19+$0x0], $0xffff  }
0x132: {  	v32 =	vld [tilespmem:$0x1FEA0]  }
0x133: {  	v29 =	vld [tilespmem:$0x1FF70];
	v36 =	vadd.s32 v26, v1  }
0x134: {  	v56 =	vld.idx.msk [tilespmem:v35+s15+$0x0], $0xffff;
	v35 =	vadd.s32 v30, v1  }
0x135: {  	v54 =	vld.idx.msk [tilespmem:v31+s19+$0x0], $0xffff;
	v2 =	vmul.f32 v4, v2  }
0x136: {  	v31 =	vld [tilespmem:$0x1FF90];
	v37 =	vadd.s32 v27, v1;
	v38 =	vadd.s32 v28, v0  }
0x137: {  	v59 =	vadd.s32 v32, v0;
	v32 =	vld [tilespmem:$0x1FED0];
	v2 =	vmul.f32 v2, v3;
	v3 =	vmul.f32 v10, v8  }
0x138: {  	v33 =	vmov v42;
	v42 =	vadd.s32 v29, v1;
	v4 =	vld.idx.msk [tilespmem:v36+s19+$0x0], $0xffff  }
0x139: {  	v3 =	vmul.f32 v3, v9;
	v9 =	vld.idx.msk [tilespmem:v35+s19+$0x0], $0xffff  }
0x13a: {  	v35 =	vld [tilespmem:$0x1FEE0]  }
0x13b: {  	v5 =	vmul.f32 v7, v5;
	v7 =	vld.idx.msk [tilespmem:v37+s19+$0x0], $0xffff  }
0x13c: {  	v8 =	vld.idx.msk [tilespmem:v38+s15+$0x0], $0xffff  }
0x13d: {  	v5 =	vmul.f32 v5, v6;
	v2 =	vadd.f32 $0.0e+00, v2;
	v36 =	vadd.s32 v31, v0;
	v6 =	vld.idx.msk [tilespmem:v42+s19+$0x0], $0xffff  }
0x13e: {  	v37 =	vadd.s32 v18, v1;
	v38 =	vadd.s32 v34, v1;
	v42 =	vld [tilespmem:$0x1FEC0]  }
0x13f: {  	v2 =	vadd.f32 v3, v2;
	v3 =	vmul.f32 v13, v11;
	v13 =	vadd.s32 v35, v1;
	v35 =	vld [tilespmem:$0x1FEF0]  }
0x140: {  	v15 =	vld.idx.msk [tilespmem:v58+s19+$0x0], $0xffff  }
0x141: {  	v46 =	vld.idx.msk [tilespmem:v61+s19+$0x0], $0xffff;
	v61 =	vadd.s32 v32, v0;
	v0 =	vadd.s32 v62, v0  }
0x142: {  	v57 =	vld.idx.msk [tilespmem:v36+s15+$0x0], $0xffff  }
0x143: {  	v60 =	vadd.s32 v17, v1;
	v5 =	vadd.f32 $0.0e+00, v5;
	v3 =	vmul.f32 v3, v12;
	v11 =	vld.idx.msk [tilespmem:v37+s19+$0x0], $0xffff  }
0x144: {  	v36 =	vmul.f32 v47, v45;
	v10 =	vld.idx.msk [tilespmem:v38+s19+$0x0], $0xffff;
	v47 =	vadd.s32 v42, v1;
	v1 =	vadd.s32 v35, v1  }
0x145: {  	v37 =	vmul.f32 v50, v48;
	v38 =	vld.idx.msk [tilespmem:v59+s15+$0x0], $0xffff  }
0x146: {  	v3 =	vadd.f32 v3, v5;
	v59 =	vmul.f32 v53, v51;
	v0 =	vld.idx.msk [tilespmem:v0+s15+$0x0], $0xffff;
	v48 =	vmul.f32 v36, v46  }
0x147: {  	v62 =	vld.idx.msk [tilespmem:v13+s19+$0x0], $0xffff  }
0x148: {  	v4 =	vmul.f32 v8, v4;
	v12 =	vmul.f32 v59, v52;
	v3 =	vadd.f32 v48, v3  }
0x149: {  	v14 =	vmul.f32 v41, v14;
	v1 =	vld.idx.msk [tilespmem:v1+s19+$0x0], $0xffff  }
0x14a: {  	v4 =	vmul.f32 v4, v7;
	v11 =	vmul.f32 v38, v11;
	v3 =	vadd.f32 v12, v3  }
0x14b: {  	v14 =	vmul.f32 v14, v15;
	v50 =	vld.idx.msk [tilespmem:v60+s19+$0x0], $0xffff  }
0x14c: {  	v60 =	vld.idx.msk [tilespmem:v61+s15+$0x0], $0xffff;
	v38 =	vmul.f32 v11, v10;
	v3 =	vadd.f32 v4, v3;
	v0 =	vmul.f32 v0, v62  }
0x14d: {  	v2 =	vadd.f32 v14, v2;
	v61 =	vmul.f32 v56, v54;
	v58 =	vmul.f32 v37, v49;
	v36 =	vld.idx.msk [tilespmem:v47+s19+$0x0], $0xffff  }
0x14e: {  	v3 =	vadd.f32 v38, v3;
	v0 =	vmul.f32 v0, v1;
	v1 =	vld [tilespmem:$0x1FFF0]  }
0x14f: {  	v15 =	vmul.f32 v61, v55;
	v2 =	vadd.f32 v58, v2;
	v6 =	vmul.f32 v57, v6  }
0x150: {  	v0 =	vadd.f32 v0, v3;
	v3 =	vld [tilespmem:$0x1FF10]  }
0x151: {  	v41 =	vmul.f32 v60, v50;
	v2 =	vadd.f32 v15, v2;
	v37 =	vmul.f32 v6, v9  }
0x152: {  	s2 =	sadd.s32 $0xFFFFFFFC, s13  }
0x153: {  	v2 =	vadd.f32 v37, v2;
	v42 =	vmul.f32 v41, v36;
	v1 =	vadd.s32 s2, v1  }
0x154: {  	v1 =	vand.u32 $0x7F8, v1  }
0x155: {  	v2 =	vadd.f32 v42, v2;
	v1 =	vor.u32 v3, v1;
	_ =	sdelay $0x1  }
0x156: {  	v0 =	vadd.f32 v0, v2  }
0x157: {  	v38 =	vld [tilespmem:$0x1FF20]  }
0x158: {  	v36 =	vld [tilespmem:$0x1FD00];
	[tilespmem:$0x19B48] =	vst v0  }
0x159: {  	v0 =	vld.idx.msk [tilespmem:v1+s3+$0x0], $0xffff  }
0x15a: {  	v53 =	vld [tilespmem:$0x1FD80];
	v1 =	vmov s2  }
0x15b: {  	v52 =	vld [tilespmem:$0x1FD70];
	v1 =	vmul.u32 $0x38, v1  }
0x15c: {  	v37 =	vld [tilespmem:$0x1FD50]  }
0x15d: {  	v42 =	vld [tilespmem:$0x1FF30];
	v2 =	vadd.s32 v38, v1;
	v3 =	vadd.s32 v36, v1  }
0x15e: {  	v55 =	vadd.s32 v44, v1;
	v56 =	vadd.s32 v24, v1;
	v44 =	vmovc v24;
	v24 =	vld [tilespmem:$0x1FDC0];
	v0 =	vmul.u32 $0x38, v0  }
0x15f: {  	v46 =	vadd.s32 v39, v1;
	v58 =	vadd.s32 v23, v1;
	v23 =	vld [tilespmem:$0x1FDE0]  }
0x160: {  	v47 =	vadd.s32 v40, v1;
	v39 =	vmov v33;
	v48 =	vor.u32 v33, v0;
	v33 =	vld [tilespmem:$0x1FD60]  }
0x161: {  	v49 =	vadd.s32 v43, v1;
	v60 =	vadd.s32 v22, v0;
	v22 =	vld [tilespmem:$0x1FE00]  }
0x162: {  	v50 =	vadd.s32 v37, v1;
	v2 =	vld.idx.msk [tilespmem:v2+s19+$0x0], $0xffff  }
0x163: {  	v11 =	vadd.s32 v52, v1;
	v3 =	vld.idx.msk [tilespmem:v3+s19+$0x0], $0xffff  }
0x164: {  	v12 =	vadd.s32 v53, v1;
	v5 =	vld.idx.msk [tilespmem:v46+s19+$0x0], $0xffff  }
0x165: {  	v6 =	vld.idx.msk [tilespmem:v47+s19+$0x0], $0xffff  }
0x166: {  	v8 =	vld.idx.msk [tilespmem:v49+s19+$0x0], $0xffff  }
0x167: {  	v9 =	vld.idx.msk [tilespmem:v50+s19+$0x0], $0xffff  }
0x168: {  	v62 =	vadd.s32 v21, v1;
	v11 =	vld.idx.msk [tilespmem:v11+s19+$0x0], $0xffff  }
0x169: {  	v12 =	vld.idx.msk [tilespmem:v12+s19+$0x0], $0xffff  }
0x16a: {  	v14 =	vld.idx.msk [tilespmem:v55+s19+$0x0], $0xffff  }
0x16b: {  	v45 =	vor.u32 v42, v0;
	v15 =	vld.idx.msk [tilespmem:v56+s19+$0x0], $0xffff  }
0x16c: {  	v56 =	vld [tilespmem:$0x1FE20]  }
0x16d: {  	v54 =	vadd.s32 v25, v0;
	v49 =	vld.idx.msk [tilespmem:v62+s19+$0x0], $0xffff  }
0x16e: {  	v47 =	vld.idx.msk [tilespmem:v60+s15+$0x0], $0xffff  }
0x16f: {  	v61 =	vadd.s32 v22, v1;
	v60 =	vld [tilespmem:$0x1FE60]  }
0x170: {  	v53 =	vadd.s32 v19, v0;
	v4 =	vld.idx.msk [tilespmem:v45+s15+$0x0], $0xffff  }
0x171: {  	v57 =	vadd.s32 v24, v0;
	v7 =	vld.idx.msk [tilespmem:v48+s15+$0x0], $0xffff  }
0x172: {  	v51 =	vadd.s32 v33, v0;
	v13 =	vld.idx.msk [tilespmem:v54+s15+$0x0], $0xffff  }
0x173: {  	v45 =	vld.idx.msk [tilespmem:v58+s19+$0x0], $0xffff;
	v58 =	vadd.s32 v20, v1  }
0x174: {  	v48 =	vld.idx.msk [tilespmem:v61+s19+$0x0], $0xffff;
	v61 =	vadd.s32 v60, v1  }
0x175: {  	v53 =	vld.idx.msk [tilespmem:v53+s15+$0x0], $0xffff;
	v60 =	vadd.s32 v29, v1  }
0x176: {  	v41 =	vld.idx.msk [tilespmem:v57+s15+$0x0], $0xffff  }
0x177: {  	v59 =	vadd.s32 v23, v1;
	v10 =	vld.idx.msk [tilespmem:v51+s15+$0x0], $0xffff  }
0x178: {  	v51 =	vld.idx.msk [tilespmem:v58+s19+$0x0], $0xffff;
	v2 =	vmul.f32 v4, v2  }
0x179: {  	v62 =	vadd.s32 v16, v1;
	v54 =	vld.idx.msk [tilespmem:v61+s19+$0x0], $0xffff  }
0x17a: {  	v58 =	vadd.s32 v27, v1;
	v2 =	vmul.f32 v2, v3;
	v3 =	vmul.f32 v7, v5;
	v5 =	vld.idx.msk [tilespmem:v60+s19+$0x0], $0xffff  }
0x17b: {  	v61 =	vadd.s32 v30, v1;
	v60 =	vld [tilespmem:$0x1FEA0]  }
0x17c: {  	v46 =	vld.idx.msk [tilespmem:v59+s19+$0x0], $0xffff  }
0x17d: {  	v57 =	vadd.s32 v56, v0;
	v59 =	vld [tilespmem:$0x1FE40]  }
0x17e: {  	v56 =	vadd.s32 v63, v0;
	v55 =	vld.idx.msk [tilespmem:v62+s19+$0x0], $0xffff  }
0x17f: {  	v21 =	vmovc v20;
	v20 =	vmov v19;
	v19 =	vmov v63;
	v63 =	vadd.s32 v34, v1;
	v4 =	vld.idx.msk [tilespmem:v58+s19+$0x0], $0xffff  }
0x180: {  	v58 =	vadd.s32 v18, v1;
	v7 =	vadd.s32 v60, v0;
	v60 =	vld.idx.msk [tilespmem:v61+s19+$0x0], $0xffff  }
0x181: {  	v61 =	vadd.s32 v17, v1;
	v17 =	vld [tilespmem:$0x1FEE0]  }
0x182: {  	v50 =	vld.idx.msk [tilespmem:v57+s15+$0x0], $0xffff  }
0x183: {  	v62 =	vadd.s32 v31, v0;
	v56 =	vld.idx.msk [tilespmem:v56+s15+$0x0], $0xffff  }
0x184: {  	v52 =	vadd.s32 v59, v1;
	v14 =	vmul.f32 v41, v14;
	v41 =	vld.idx.msk [tilespmem:v63+s19+$0x0], $0xffff  }
0x185: {  	v57 =	vadd.s32 v26, v1;
	v8 =	vmul.f32 v10, v8;
	v10 =	vmul.f32 v13, v11;
	v11 =	vld.idx.msk [tilespmem:v58+s19+$0x0], $0xffff  }
0x186: {  	v59 =	vadd.s32 v28, v0;
	v13 =	vadd.s32 v17, v1;
	v17 =	vld [tilespmem:$0x1FF00]  }
0x187: {  	v58 =	vld [tilespmem:$0x1FEC0]  }
0x188: {  	v3 =	vmul.f32 v3, v6;
	v6 =	vld.idx.msk [tilespmem:v62+s15+$0x0], $0xffff  }
0x189: {  	v62 =	vadd.s32 v32, v0;
	v52 =	vld.idx.msk [tilespmem:v52+s19+$0x0], $0xffff  }
0x18a: {  	v57 =	vld.idx.msk [tilespmem:v57+s19+$0x0], $0xffff  }
0x18b: {  	v63 =	vmul.f32 v47, v45;
	v2 =	vadd.f32 $0.0e+00, v2;
	v59 =	vld.idx.msk [tilespmem:v59+s15+$0x0], $0xffff;
	v0 =	vadd.s32 v17, v0  }
0x18c: {  	v8 =	vmul.f32 v8, v9;
	v9 =	vmul.f32 v10, v12;
	v7 =	vld.idx.msk [tilespmem:v7+s15+$0x0], $0xffff;
	v10 =	vadd.s32 v58, v1  }
0x18d: {  	v3 =	vadd.f32 $0.0e+00, v3;
	v12 =	vmul.f32 v14, v15;
	v15 =	vld.idx.msk [tilespmem:v61+s19+$0x0], $0xffff;
	v1 =	vadd.s32 v35, v1  }
0x18e: {  	v50 =	vmul.f32 v50, v48;
	v2 =	vadd.f32 v8, v2;
	v58 =	vld.idx.msk [tilespmem:v62+s15+$0x0], $0xffff  }
0x18f: {  	v53 =	vmul.f32 v53, v51;
	v3 =	vadd.f32 v9, v3;
	v61 =	vmul.f32 v63, v46;
	v13 =	vld.idx.msk [tilespmem:v13+s19+$0x0], $0xffff  }
0x190: {  	v8 =	vmul.f32 v50, v49;
	v2 =	vadd.f32 v12, v2;
	v62 =	vmul.f32 v56, v54;
	v0 =	vld.idx.msk [tilespmem:v0+s15+$0x0], $0xffff  }
0x191: {  	v63 =	vmul.f32 v53, v52;
	v46 =	vmul.f32 v59, v57;
	v3 =	vadd.f32 v61, v3;
	v10 =	vld.idx.msk [tilespmem:v10+s19+$0x0], $0xffff  }
0x192: {  	v5 =	vmul.f32 v6, v5;
	v2 =	vadd.f32 v8, v2;
	v45 =	vmul.f32 v62, v55;
	v1 =	vld.idx.msk [tilespmem:v1+s19+$0x0], $0xffff  }
0x193: {  	v4 =	vmul.f32 v46, v4;
	v3 =	vadd.f32 v63, v3;
	v48 =	vmul.f32 v7, v11  }
0x194: {  	v5 =	vmul.f32 v5, v60;
	v2 =	vadd.f32 v45, v2;
	v49 =	vmul.f32 v58, v15  }
0x195: {  	v3 =	vadd.f32 v4, v3;
	v6 =	vmul.f32 v48, v41;
	v0 =	vmul.f32 v0, v13  }
0x196: {  	v2 =	vadd.f32 v5, v2;
	v4 =	vmul.f32 v49, v10  }
0x197: {  	v3 =	vadd.f32 v6, v3;
	v0 =	vmul.f32 v0, v1  }
0x198: {  	v1 =	vadd.f32 v4, v2;
	v2 =	vld [tilespmem:$0x1FFF0]  }
0x199: {  	v51 =	vld [tilespmem:$0x1FD10];
	v0 =	vadd.f32 v0, v3  }
0x19a: {  	v57 =	vld [tilespmem:$0x1FD70]  }
0x19b: {  	v60 =	vld [tilespmem:$0x1FDA0];
	v0 =	vadd.f32 v0, v1;
	v1 =	vmov s13  }
0x19c: {  	v63 =	vld [tilespmem:$0x1FDD0];
	v1 =	vmul.u32 $0x38, v1  }
0x19d: {  	v58 =	vld [tilespmem:$0x1FD80];
	v2 =	vadd.s32 s13, v2  }
0x19e: {  	v3 =	vadd.s32 v36, v1;
	v36 =	vld [tilespmem:$0x1FDF0]  }
0x19f: {  	v11 =	vadd.s32 v57, v1;
	v57 =	vld [tilespmem:$0x1FE20]  }
0x1a0: {  	v5 =	vadd.s32 v51, v1;
	v14 =	vadd.s32 v60, v1;
	v60 =	vld [tilespmem:$0x1FE40]  }
0x1a1: {  	[tilespmem:$0x19B58] =	vst v0;
	v52 =	vadd.s32 v40, v1;
	v54 =	vadd.s32 v43, v1;
	v43 =	vld [tilespmem:$0x1FEA0]  }
0x1a2: {  	v0 =	vld.idx.msk [tilespmem:v2+s3+$0x0], $0xffff  }
0x1a3: {  	v55 =	vadd.s32 v37, v1;
	v2 =	vadd.s32 v38, v1;
	v38 =	vadd.s32 v22, v1;
	v22 =	vld [tilespmem:$0x1FEC0]  }
0x1a4: {  	v3 =	vld.idx.msk [tilespmem:v3+s19+$0x0], $0xffff  }
0x1a5: {  	v12 =	vadd.s32 v58, v1;
	v5 =	vld.idx.msk [tilespmem:v5+s19+$0x0], $0xffff  }
0x1a6: {  	v6 =	vld.idx.msk [tilespmem:v52+s19+$0x0], $0xffff  }
0x1a7: {  	v61 =	vadd.s32 v44, v1;
	v8 =	vld.idx.msk [tilespmem:v54+s19+$0x0], $0xffff  }
0x1a8: {  	v9 =	vld.idx.msk [tilespmem:v55+s19+$0x0], $0xffff  }
0x1a9: {  	v11 =	vld.idx.msk [tilespmem:v11+s19+$0x0], $0xffff  }
0x1aa: {  	v12 =	vld.idx.msk [tilespmem:v12+s19+$0x0], $0xffff  }
0x1ab: {  	v14 =	vld.idx.msk [tilespmem:v14+s19+$0x0], $0xffff  }
0x1ac: {  	v15 =	vld.idx.msk [tilespmem:v61+s19+$0x0], $0xffff;
	v61 =	vadd.s32 v60, v1  }
0x1ad: {  	v44 =	vadd.s32 v34, v1;
	v55 =	vld [tilespmem:$0x1FE10];
	v0 =	vmul.u32 $0x38, v0  }
0x1ae: {  	v48 =	vld.idx.msk [tilespmem:v38+s19+$0x0], $0xffff;
	v38 =	vadd.s32 v29, v1  }
0x1af: {  	v2 =	vld.idx.msk [tilespmem:v2+s19+$0x0], $0xffff;
	v50 =	vor.u32 v42, v0  }
0x1b0: {  	v53 =	vor.u32 v39, v0;
	v59 =	vadd.s32 v25, v0;
	v25 =	vadd.s32 v63, v1;
	v63 =	vld [tilespmem:$0x1FE60]  }
0x1b1: {  	v56 =	vadd.s32 v33, v0;
	v52 =	vld.idx.msk [tilespmem:v61+s19+$0x0], $0xffff  }
0x1b2: {  	v37 =	vadd.s32 v36, v0;
	v36 =	vadd.s32 v27, v1;
	v27 =	vadd.s32 v32, v0;
	v32 =	vld.idx.msk [tilespmem:v44+s19+$0x0], $0xffff  }
0x1b3: {  	v62 =	vadd.s32 v24, v0;
	v60 =	vld.idx.msk [tilespmem:v38+s19+$0x0], $0xffff  }
0x1b4: {  	v4 =	vld.idx.msk [tilespmem:v50+s15+$0x0], $0xffff  }
0x1b5: {  	v33 =	vadd.s32 v23, v1;
	v7 =	vld.idx.msk [tilespmem:v53+s15+$0x0], $0xffff  }
0x1b6: {  	v10 =	vld.idx.msk [tilespmem:v56+s15+$0x0], $0xffff  }
0x1b7: {  	v58 =	vadd.s32 v57, v0;
	v13 =	vld.idx.msk [tilespmem:v59+s15+$0x0], $0xffff  }
0x1b8: {  	v24 =	vadd.s32 v16, v1;
	v41 =	vld.idx.msk [tilespmem:v62+s15+$0x0], $0xffff  }
0x1b9: {  	v45 =	vld.idx.msk [tilespmem:v25+s19+$0x0], $0xffff  }
0x1ba: {  	v39 =	vadd.s32 v30, v1;
	v46 =	vld.idx.msk [tilespmem:v33+s19+$0x0], $0xffff  }
0x1bb: {  	v47 =	vld.idx.msk [tilespmem:v37+s15+$0x0], $0xffff  }
0x1bc: {  	v42 =	vadd.s32 v18, v1;
	v50 =	vld.idx.msk [tilespmem:v58+s15+$0x0], $0xffff  }
0x1bd: {  	v56 =	vadd.s32 v55, v1;
	v55 =	vld.idx.msk [tilespmem:v24+s19+$0x0], $0xffff  }
0x1be: {  	v59 =	vadd.s32 v21, v1;
	v58 =	vld.idx.msk [tilespmem:v36+s19+$0x0], $0xffff  }
0x1bf: {  	v23 =	vadd.s32 v63, v1;
	v21 =	vld.idx.msk [tilespmem:v39+s19+$0x0], $0xffff  }
0x1c0: {  	v33 =	vadd.s32 v26, v1;
	v26 =	vld [tilespmem:$0x1FEE0]  }
0x1c1: {  	v62 =	vadd.s32 v20, v0;
	v29 =	vld.idx.msk [tilespmem:v42+s19+$0x0], $0xffff  }
0x1c2: {  	v25 =	vadd.s32 v19, v0;
	v49 =	vld.idx.msk [tilespmem:v56+s19+$0x0], $0xffff  }
0x1c3: {  	v51 =	vld.idx.msk [tilespmem:v59+s19+$0x0], $0xffff  }
0x1c4: {  	v37 =	vadd.s32 v28, v0;
	v54 =	vld.idx.msk [tilespmem:v23+s19+$0x0], $0xffff  }
0x1c5: {  	v40 =	vadd.s32 v31, v0;
	v23 =	vld [tilespmem:$0x1FEB0]  }
0x1c6: {  	v20 =	vadd.s32 v43, v0;
	v53 =	vld.idx.msk [tilespmem:v62+s15+$0x0], $0xffff;
	v2 =	vmul.f32 v4, v2  }
0x1c7: {  	v34 =	vadd.s32 v22, v1;
	v56 =	vld.idx.msk [tilespmem:v25+s15+$0x0], $0xffff;
	v8 =	vmul.f32 v10, v8  }
0x1c8: {  	v0 =	vadd.s32 v17, v0;
	v57 =	vld.idx.msk [tilespmem:v33+s19+$0x0], $0xffff;
	v2 =	vmul.f32 v2, v3;
	v3 =	vmul.f32 v7, v5  }
0x1c9: {  	v4 =	vld.idx.msk [tilespmem:v37+s15+$0x0], $0xffff;
	v24 =	vmul.f32 v13, v11;
	v28 =	vmul.f32 v41, v14;
	v30 =	vadd.s32 v26, v1  }
0x1ca: {  	v25 =	vld.idx.msk [tilespmem:v40+s15+$0x0], $0xffff;
	v36 =	vmul.f32 v47, v45;
	v3 =	vmul.f32 v3, v6;
	v7 =	vadd.s32 v23, v1  }
0x1cb: {  	v33 =	vld.idx.msk [tilespmem:v20+s15+$0x0], $0xffff;
	v37 =	vmul.f32 v50, v48;
	v8 =	vmul.f32 v8, v9;
	v2 =	vadd.f32 $0.0e+00, v2  }
0x1cc: {  	v13 =	vld.idx.msk [tilespmem:v27+s15+$0x0], $0xffff;
	v31 =	vmul.f32 v24, v12;
	v1 =	vadd.s32 v35, v1;
	v3 =	vadd.f32 $0.0e+00, v3  }
0x1cd: {  	v0 =	vld.idx.msk [tilespmem:v0+s15+$0x0], $0xffff;
	v48 =	vmul.f32 v36, v46;
	v6 =	vmul.f32 v28, v15;
	v2 =	vadd.f32 v8, v2  }
0x1ce: {  	v38 =	vmul.f32 v53, v51;
	v50 =	vmul.f32 v56, v54;
	v41 =	vld.idx.msk [tilespmem:v30+s19+$0x0], $0xffff;
	v3 =	vadd.f32 v31, v3  }
0x1cf: {  	v51 =	vmul.f32 v37, v49;
	v4 =	vmul.f32 v4, v57;
	v2 =	vadd.f32 v6, v2;
	v7 =	vld.idx.msk [tilespmem:v7+s19+$0x0], $0xffff  }
0x1d0: {  	v15 =	vld.idx.msk [tilespmem:v34+s19+$0x0], $0xffff;
	v56 =	vmul.f32 v33, v29;
	v53 =	vmul.f32 v38, v52;
	v3 =	vadd.f32 v48, v3  }
0x1d1: {  	v54 =	vmul.f32 v50, v55;
	v55 =	vmul.f32 v25, v60;
	v2 =	vadd.f32 v51, v2;
	v1 =	vld.idx.msk [tilespmem:v1+s19+$0x0], $0xffff  }
0x1d2: {  	v4 =	vmul.f32 v4, v58;
	v3 =	vadd.f32 v53, v3  }
0x1d3: {  	v57 =	vmul.f32 v56, v32;
	v5 =	vmul.f32 v55, v21;
	v2 =	vadd.f32 v54, v2  }
0x1d4: {  	v0 =	vmul.f32 v0, v41;
	v3 =	vadd.f32 v4, v3;
	v58 =	vmul.f32 v13, v7  }
0x1d5: {  	v62 =	vld [tilespmem:$0x1FFB0];
	v2 =	vadd.f32 v5, v2  }
0x1d6: {  	v0 =	vmul.f32 v0, v1;
	v3 =	vadd.f32 v57, v3;
	v4 =	vmul.f32 v58, v15  }
0x1d7: {  	v60 =	vld [tilespmem:$0x1FFC0]  }
0x1d8: {  	v0 =	vadd.f32 v0, v3;
	v1 =	vadd.f32 v4, v2  }
0x1d9: {  	v61 =	vld [tilespmem:$0x1FFD0]  }
0x1da: {  	v0 =	vadd.f32 v0, v1  }
0x1db: {  	v59 =	vld [tilespmem:$0x1FFE0]  }
0x1dc: {  	[tilespmem:$0x19B68] =	vst v0  }
0x1dd: {  	v0 =	vld.idx.msk [tilespmem:v62+s28+$0x0], $0xffff;
	_ =	sdelay $0x1  }
0x1de: {  	v1 =	vld.idx.msk [tilespmem:v60+s28+$0x0], $0xffff;
	_ =	sdelay $0x1  }
0x1df: {  	v2 =	vld.idx.msk [tilespmem:v61+s28+$0x0], $0xffff  }
0x1e0: {  	v0 =	vadd.f32 $0.0e+00, v0  }
0x1e1: {  	v3 =	vld.idx.msk [tilespmem:v59+s28+$0x0], $0xffff  }
0x1e2: {  	v0 =	vadd.f32 v1, v0  }
0x1e3: {  	p1 =	sne.s32 s13, $0x18C  }
.Ltmp0:
0x1e4: {  	v0 =	vadd.f32 v2, v0;
	(pc) =	sbr.rel @p1 .LBB2_3-.Ltmp0, $4  }
0x1e5: {  	_ = 	snop  }
0x1e6: {  	v63 =	vld [tilespmem:$0x1FF10];
	v0 =	vadd.f32 v3, v0  }
0x1e7: {  	v47 =	vld [tilespmem:$0x1FF20]  }
0x1e8: {  	s13 =	sadd.s32 $0x10, s13;
	[tilespmem:s14+$0x0] =	vst v0;
	v0 =	vld [tilespmem:$0x1FFF0];
	s14 =	sadd.s32 $0x10, s14  }
0x1e9: {  	s13 =	smul.u32 $0x320, s8;
	_ =	sdelay $0x1  }
0x1ea: {  	s14 =	sadd.s32 s7, s13  }
0x1eb: {  	s16 =	sadd.s32 s9, s11;
	s14 =	sshrl.u32 s14, $0x3  }
0x1ec: {  	s16 =	smul.u32 $0x96, s16;
	s14 =	sadd.s32 s1, s14  }
0x1ed: {  	[hbm4b:s14+s3] =	stream.linear.scatter [tilespmem:s29], [sflag:$0x5], $0x190, $0x38;
	[tilespmem:$0x19E98] =	vst v63  }
0x1ee: {  	s16 =	sadd.s32 s4, s16  }
0x1ef: {  	[tilespmem:s3], [sflag:$0x1] =	stream.linear.gather [hbm4b:s16+s3], $0x4B0, $0x38;
	[tilespmem:$0x19E98] =	vst v63  }
0x1f0: {  	_ =	swait.ge [sflag:s30], $0x5780  }
0x1f1: {  	[sflag:s30] =	ssyncset.done $0x0  }
0x1f2: {  	[sflag:s30] =	ssyncadd.s32 $0xFFFFA880  }
0x1f3: {  	_ =	swait.ge [sflag:s30], $0x5780  }
0x1f4: {  	[sflag:s30] =	ssyncset.done $0x0  }
0x1f5: {  	[sflag:s30] =	ssyncadd.s32 $0xFFFFA880  }
0x1f6: {  	_ =	swait.ge [sflag:s17], $0x4B0  }
0x1f7: {  	[sflag:s17] =	ssyncset.done $0x0  }
0x1f8: {  	[sflag:s17] =	ssyncadd.s32 $0xFFFFFB50  }
0x1f9: {  	[tilespmem:s19], [sflag:$0x3] =	stream.indirect.gather [hbm4b:s5+s18], $0x38, s3, s18, $0xb8;
	[tilespmem:$0x19E98] =	vst v63  }
0x1fa: {  	s14 =	simm.s32 @!p0 $0x6  }
0x1fb: {  	[tilespmem:s20], [sflag:$0x3] =	stream.indirect.gather [hbm4b:s5+s18], $0x38, s18, s18, $0xb8;
	[tilespmem:$0x19E98] =	vst v63  }
0x1fc: {  	_ =	swait.ge @!p0 [sflag:s14], $0x190  }
0x1fd: {  	[sflag:s14] =	ssyncset.done @!p0 $0x0  }
0x1fe: {  	s16 =	simm.s32 $0x19D08;
	[sflag:s14] =	ssyncadd.s32 @!p0 $0xFFFFFE70;
	s14 =	simm.s32 $0xC  }
.LBB2_5:
0x1ff: {  	v28 =	vld [tilespmem:$0x1FE30]  }
0x200: {  	v29 =	vld [tilespmem:$0x1FE40]  }
0x201: {  	v30 =	vld [tilespmem:$0x1FE50]  }
0x202: {  	v31 =	vld [tilespmem:$0x1FE60]  }
0x203: {  	v32 =	vld [tilespmem:$0x1FE70]  }
0x204: {  	v17 =	vld [tilespmem:$0x1FE80]  }
0x205: {  	v0 =	vld [tilespmem:$0x1FFF0]  }
0x206: {  	v33 =	vld [tilespmem:$0x1FD00]  }
0x207: {  	v34 =	vld [tilespmem:$0x1FF30]  }
0x208: {  	v35 =	vld [tilespmem:$0x1FD10]  }
0x209: {  	v36 =	vld [tilespmem:$0x1FD20]  }
0x20a: {  	v39 =	vld [tilespmem:$0x1FD30]  }
0x20b: {  	v38 =	vld [tilespmem:$0x1FD40]  }
0x20c: {  	v42 =	vld [tilespmem:$0x1FD50]  }
0x20d: {  	v40 =	vld [tilespmem:$0x1FD60]  }
0x20e: {  	v44 =	vld [tilespmem:$0x1FD70]  }
0x20f: {  	v43 =	vld [tilespmem:$0x1FD80]  }
0x210: {  	v18 =	vld [tilespmem:$0x1FD90]  }
0x211: {  	v19 =	vld [tilespmem:$0x1FDA0]  }
0x212: {  	v20 =	vld [tilespmem:$0x1FDB0]  }
0x213: {  	v21 =	vld [tilespmem:$0x1FDC0]  }
0x214: {  	v22 =	vld [tilespmem:$0x1FDD0]  }
0x215: {  	v23 =	vld [tilespmem:$0x1FDE0]  }
0x216: {  	s2 =	sadd.s32 $0xFFFFFFF4, s14;
	v24 =	vld [tilespmem:$0x1FDF0]  }
0x217: {  	v25 =	vld [tilespmem:$0x1FE00];
	v1 =	vmov s2  }
0x218: {  	v26 =	vld [tilespmem:$0x1FE10];
	v1 =	vmul.u32 $0x38, v1  }
0x219: {  	v27 =	vld [tilespmem:$0x1FE20]  }
0x21a: {  	v50 =	vadd.s32 v28, v1;
	v28 =	vld [tilespmem:$0x1FF50]  }
0x21b: {  	v2 =	vadd.s32 v47, v1;
	v54 =	vadd.s32 v32, v1;
	v32 =	vld [tilespmem:$0x1FF60]  }
0x21c: {  	v3 =	vadd.s32 v33, v1;
	v53 =	vadd.s32 v31, v1;
	v31 =	vld [tilespmem:$0x1FF70]  }
0x21d: {  	v0 =	vadd.s32 s2, v0;
	v5 =	vadd.s32 v35, v1;
	v51 =	vadd.s32 v29, v1;
	v29 =	vld [tilespmem:$0x1FF90]  }
0x21e: {  	v6 =	vadd.s32 v36, v1;
	v8 =	vadd.s32 v38, v1;
	v37 =	vmovc v35;
	v35 =	vmovc v33;
	v33 =	vld [tilespmem:$0x1FE90];
	v0 =	vand.u32 $0x7F0, v0  }
0x21f: {  	v15 =	vadd.s32 v20, v1;
	v0 =	vor.u32 v63, v0;
	v63 =	vadd.s32 v25, v1;
	v25 =	vmovc v20;
	v20 =	vld [tilespmem:$0x1FEE0]  }
0x220: {  	v9 =	vadd.s32 v42, v1;
	v2 =	vld.idx.msk [tilespmem:v2+s24+$0x0], $0xffff  }
0x221: {  	v11 =	vadd.s32 v44, v1;
	v3 =	vld.idx.msk [tilespmem:v3+s24+$0x0], $0xffff  }
0x222: {  	v12 =	vadd.s32 v43, v1;
	v5 =	vld.idx.msk [tilespmem:v5+s24+$0x0], $0xffff  }
0x223: {  	v14 =	vadd.s32 v19, v1;
	v6 =	vld.idx.msk [tilespmem:v6+s24+$0x0], $0xffff  }
0x224: {  	v8 =	vld.idx.msk [tilespmem:v8+s24+$0x0], $0xffff  }
0x225: {  	v41 =	vadd.s32 v22, v1;
	v9 =	vld.idx.msk [tilespmem:v9+s24+$0x0], $0xffff  }
0x226: {  	v45 =	vadd.s32 v23, v1;
	v11 =	vld.idx.msk [tilespmem:v11+s24+$0x0], $0xffff  }
0x227: {  	v12 =	vld.idx.msk [tilespmem:v12+s24+$0x0], $0xffff  }
0x228: {  	v14 =	vld.idx.msk [tilespmem:v14+s24+$0x0], $0xffff  }
0x229: {  	v15 =	vld.idx.msk [tilespmem:v15+s24+$0x0], $0xffff  }
0x22a: {  	v48 =	vadd.s32 v26, v1;
	v41 =	vld.idx.msk [tilespmem:v41+s24+$0x0], $0xffff  }
0x22b: {  	v45 =	vld.idx.msk [tilespmem:v45+s24+$0x0], $0xffff  }
0x22c: {  	v0 =	vld.idx.msk [tilespmem:v0+s21+$0x0], $0xffff  }
0x22d: {  	v47 =	vld.idx.msk [tilespmem:v63+s24+$0x0], $0xffff  }
0x22e: {  	v63 =	vld [tilespmem:$0x1FF40]  }
0x22f: {  	v48 =	vld.idx.msk [tilespmem:v48+s24+$0x0], $0xffff  }
0x230: {  	v50 =	vld.idx.msk [tilespmem:v50+s24+$0x0], $0xffff  }
0x231: {  	v51 =	vld.idx.msk [tilespmem:v51+s24+$0x0], $0xffff;
	v0 =	vmul.u32 $0x38, v0  }
0x232: {  	v53 =	vld.idx.msk [tilespmem:v53+s24+$0x0], $0xffff  }
0x233: {  	v54 =	vld.idx.msk [tilespmem:v54+s24+$0x0], $0xffff;
	v56 =	vadd.s32 v63, v1;
	v4 =	vor.u32 v34, v0  }
0x234: {  	v10 =	vadd.s32 v40, v0;
	v49 =	vadd.s32 v27, v0;
	v52 =	vadd.s32 v30, v0;
	v30 =	vld [tilespmem:$0x1FF80];
	v27 =	vmovc v22  }
0x235: {  	v22 =	vmovc v43;
	v43 =	vmovc v40;
	v40 =	vmov v38;
	v38 =	vmov v36;
	v36 =	vmov v34;
	v34 =	vld [tilespmem:$0x1FFA0]  }
0x236: {  	v7 =	vor.u32 v39, v0;
	v46 =	vadd.s32 v24, v0;
	v24 =	vmov v19;
	v19 =	vld [tilespmem:$0x1FEA0]  }
0x237: {  	v26 =	vmov v21;
	v16 =	vadd.s32 v21, v0;
	v21 =	vld [tilespmem:$0x1FEB0]  }
0x238: {  	v13 =	vadd.s32 v18, v0;
	v55 =	vadd.s32 v17, v0;
	v17 =	vld [tilespmem:$0x1FED0]  }
0x239: {  	v56 =	vld.idx.msk [tilespmem:v56+s24+$0x0], $0xffff  }
0x23a: {  	v4 =	vld.idx.msk [tilespmem:v4+s15+$0x0], $0xffff  }
0x23b: {  	v7 =	vld.idx.msk [tilespmem:v7+s15+$0x0], $0xffff  }
0x23c: {  	v10 =	vld.idx.msk [tilespmem:v10+s15+$0x0], $0xffff  }
0x23d: {  	v57 =	vadd.s32 v28, v1;
	v13 =	vld.idx.msk [tilespmem:v13+s15+$0x0], $0xffff  }
0x23e: {  	v16 =	vld.idx.msk [tilespmem:v16+s15+$0x0], $0xffff  }
0x23f: {  	v58 =	vadd.s32 v32, v0;
	v46 =	vld.idx.msk [tilespmem:v46+s15+$0x0], $0xffff  }
0x240: {  	v49 =	vld.idx.msk [tilespmem:v49+s15+$0x0], $0xffff  }
0x241: {  	v52 =	vld.idx.msk [tilespmem:v52+s15+$0x0], $0xffff  }
0x242: {  	v2 =	vmul.f32 v4, v2;
	v4 =	vld.idx.msk [tilespmem:v57+s24+$0x0], $0xffff;
	v57 =	vadd.s32 v34, v1  }
0x243: {  	v55 =	vld.idx.msk [tilespmem:v55+s15+$0x0], $0xffff  }
0x244: {  	v59 =	vadd.s32 v31, v1;
	v61 =	vadd.s32 v29, v0;
	v60 =	vadd.s32 v30, v1;
	v58 =	vld.idx.msk [tilespmem:v58+s15+$0x0], $0xffff  }
0x245: {  	v8 =	vmul.f32 v10, v8;
	v10 =	vmul.f32 v13, v11;
	v13 =	vadd.s32 v20, v1;
	v20 =	vld [tilespmem:$0x1FEF0]  }
0x246: {  	v2 =	vmul.f32 v2, v3;
	v3 =	vmul.f32 v7, v5;
	v7 =	vadd.s32 v19, v0;
	v19 =	vld [tilespmem:$0x1FF00]  }
0x247: {  	v62 =	vadd.s32 v33, v1;
	v11 =	vld.idx.msk [tilespmem:v57+s24+$0x0], $0xffff  }
0x248: {  	v57 =	vld [tilespmem:$0x1FEC0]  }
0x249: {  	v5 =	vld.idx.msk [tilespmem:v59+s24+$0x0], $0xffff  }
0x24a: {  	v59 =	vld.idx.msk [tilespmem:v60+s24+$0x0], $0xffff;
	v60 =	vadd.s32 v21, v1  }
0x24b: {  	v14 =	vmul.f32 v16, v14;
	v3 =	vmul.f32 v3, v6;
	v6 =	vld.idx.msk [tilespmem:v61+s15+$0x0], $0xffff;
	v61 =	vadd.s32 v17, v0  }
0x24c: {  	v16 =	vld.idx.msk [tilespmem:v62+s24+$0x0], $0xffff;
	v8 =	vmul.f32 v8, v9;
	v2 =	vadd.f32 $0.0e+00, v2;
	v0 =	vadd.s32 v19, v0  }
0x24d: {  	v62 =	vmul.f32 v46, v41;
	v9 =	vmul.f32 v10, v12;
	v13 =	vld.idx.msk [tilespmem:v13+s24+$0x0], $0xffff;
	v10 =	vadd.s32 v57, v1  }
0x24e: {  	v49 =	vmul.f32 v49, v47;
	v12 =	vmul.f32 v14, v15;
	v2 =	vadd.f32 v8, v2;
	v7 =	vld.idx.msk [tilespmem:v7+s15+$0x0], $0xffff  }
0x24f: {  	v50 =	vmul.f32 v52, v50;
	v3 =	vadd.f32 $0.0e+00, v3;
	v15 =	vld.idx.msk [tilespmem:v60+s24+$0x0], $0xffff;
	v1 =	vadd.s32 v20, v1  }
0x250: {  	v8 =	vmul.f32 v49, v48;
	v60 =	vmul.f32 v55, v53;
	v2 =	vadd.f32 v12, v2;
	v52 =	vld.idx.msk [tilespmem:v61+s15+$0x0], $0xffff  }
0x251: {  	v3 =	vadd.f32 v9, v3;
	v57 =	vmul.f32 v62, v45;
	v0 =	vld.idx.msk [tilespmem:v0+s15+$0x0], $0xffff  }
0x252: {  	v5 =	vmul.f32 v6, v5;
	v62 =	vmul.f32 v60, v54;
	v2 =	vadd.f32 v8, v2;
	v10 =	vld.idx.msk [tilespmem:v10+s24+$0x0], $0xffff  }
0x253: {  	v41 =	vmul.f32 v58, v56;
	v61 =	vmul.f32 v50, v51;
	v3 =	vadd.f32 v57, v3  }
0x254: {  	v5 =	vmul.f32 v5, v59;
	v45 =	vmul.f32 v7, v11;
	v2 =	vadd.f32 v62, v2;
	v1 =	vld.idx.msk [tilespmem:v1+s24+$0x0], $0xffff  }
0x255: {  	v4 =	vmul.f32 v41, v4;
	v3 =	vadd.f32 v61, v3;
	v46 =	vmul.f32 v52, v15  }
0x256: {  	v6 =	vmul.f32 v45, v16;
	v2 =	vadd.f32 v5, v2  }
0x257: {  	v3 =	vadd.f32 v4, v3;
	v0 =	vmul.f32 v0, v13;
	v4 =	vmul.f32 v46, v10;
	_ =	sdelay $0x1  }
0x258: {  	v3 =	vadd.f32 v6, v3;
	v0 =	vmul.f32 v0, v1;
	v1 =	vadd.f32 v4, v2;
	v2 =	vld [tilespmem:$0x1FFF0];
	_ =	sdelay $0x1  }
0x259: {  	v0 =	vadd.f32 v0, v3  }
0x25a: {  	s2 =	sadd.s32 $0xFFFFFFF8, s14  }
0x25b: {  	v61 =	vld [tilespmem:$0x1FDE0];
	v0 =	vadd.f32 v0, v1;
	v1 =	vmov s2  }
0x25c: {  	v1 =	vmul.u32 $0x38, v1;
	v2 =	vadd.s32 s2, v2;
	_ =	sdelay $0x1  }
0x25d: {  	v3 =	vadd.s32 v35, v1  }
0x25e: {  	v48 =	vadd.s32 v37, v1  }
0x25f: {  	[tilespmem:$0x19B38] =	vst v0;
	v49 =	vadd.s32 v38, v1;
	v62 =	vadd.s32 v61, v1;
	v61 =	vld [tilespmem:$0x1FE70]  }
0x260: {  	v51 =	vadd.s32 v40, v1;
	v0 =	vld.idx.msk [tilespmem:v2+s21+$0x0], $0xffff  }
0x261: {  	v52 =	vadd.s32 v42, v1;
	v2 =	vld [tilespmem:$0x1FF20]  }
0x262: {  	v54 =	vadd.s32 v44, v1;
	v3 =	vld.idx.msk [tilespmem:v3+s24+$0x0], $0xffff  }
0x263: {  	v55 =	vadd.s32 v22, v1;
	v5 =	vld.idx.msk [tilespmem:v48+s24+$0x0], $0xffff  }
0x264: {  	v57 =	vadd.s32 v24, v1;
	v6 =	vld.idx.msk [tilespmem:v49+s24+$0x0], $0xffff  }
0x265: {  	v8 =	vld.idx.msk [tilespmem:v51+s24+$0x0], $0xffff  }
0x266: {  	v9 =	vld.idx.msk [tilespmem:v52+s24+$0x0], $0xffff  }
0x267: {  	v58 =	vadd.s32 v25, v1;
	v11 =	vld.idx.msk [tilespmem:v54+s24+$0x0], $0xffff  }
0x268: {  	v60 =	vadd.s32 v27, v1;
	v12 =	vld.idx.msk [tilespmem:v55+s24+$0x0], $0xffff  }
0x269: {  	v14 =	vld.idx.msk [tilespmem:v57+s24+$0x0], $0xffff  }
0x26a: {  	v55 =	vld [tilespmem:$0x1FE10]  }
0x26b: {  	v51 =	vld [tilespmem:$0x1FDF0]  }
0x26c: {  	v15 =	vld.idx.msk [tilespmem:v58+s24+$0x0], $0xffff  }
0x26d: {  	v41 =	vld.idx.msk [tilespmem:v60+s24+$0x0], $0xffff  }
0x26e: {  	v45 =	vld.idx.msk [tilespmem:v62+s24+$0x0], $0xffff;
	v2 =	vadd.s32 v2, v1;
	v0 =	vmul.u32 $0x38, v0  }
0x26f: {  	v57 =	vld [tilespmem:$0x1FE30];
	v48 =	vadd.s32 v55, v1  }
0x270: {  	v58 =	vld [tilespmem:$0x1FE40];
	v47 =	vor.u32 v36, v0  }
0x271: {  	v60 =	vld [tilespmem:$0x1FE60];
	v50 =	vor.u32 v39, v0  }
0x272: {  	v62 =	vld [tilespmem:$0x1FE80];
	v53 =	vadd.s32 v43, v0  }
0x273: {  	v56 =	vadd.s32 v18, v0;
	v2 =	vld.idx.msk [tilespmem:v2+s24+$0x0], $0xffff  }
0x274: {  	v48 =	vld.idx.msk [tilespmem:v48+s24+$0x0], $0xffff  }
0x275: {  	v59 =	vadd.s32 v26, v0;
	v4 =	vld.idx.msk [tilespmem:v47+s15+$0x0], $0xffff  }
0x276: {  	v7 =	vld.idx.msk [tilespmem:v50+s15+$0x0], $0xffff  }
0x277: {  	v52 =	vadd.s32 v51, v0;
	v10 =	vld.idx.msk [tilespmem:v53+s15+$0x0], $0xffff  }
0x278: {  	v13 =	vld.idx.msk [tilespmem:v56+s15+$0x0], $0xffff  }
0x279: {  	v51 =	vadd.s32 v58, v1;
	v53 =	vld [tilespmem:$0x1FE00]  }
0x27a: {  	v55 =	vadd.s32 v62, v0;
	v16 =	vld.idx.msk [tilespmem:v59+s15+$0x0], $0xffff  }
0x27b: {  	v56 =	vld [tilespmem:$0x1FE20];
	v50 =	vadd.s32 v57, v1  }
0x27c: {  	v46 =	vld.idx.msk [tilespmem:v52+s15+$0x0], $0xffff;
	v57 =	vadd.s32 v28, v1  }
0x27d: {  	v23 =	vmov v18;
	v18 =	vadd.s32 v31, v1;
	v59 =	vld [tilespmem:$0x1FE50]  }
0x27e: {  	v51 =	vld.idx.msk [tilespmem:v51+s24+$0x0], $0xffff  }
0x27f: {  	v55 =	vld.idx.msk [tilespmem:v55+s15+$0x0], $0xffff;
	v54 =	vadd.s32 v53, v1  }
0x280: {  	v50 =	vld.idx.msk [tilespmem:v50+s24+$0x0], $0xffff;
	v5 =	vmul.f32 v7, v5  }
0x281: {  	v58 =	vadd.s32 v32, v0;
	v7 =	vld.idx.msk [tilespmem:v57+s24+$0x0], $0xffff  }
0x282: {  	v49 =	vadd.s32 v56, v0;
	v5 =	vmul.f32 v5, v6;
	v6 =	vld.idx.msk [tilespmem:v18+s24+$0x0], $0xffff  }
0x283: {  	v52 =	vadd.s32 v59, v0;
	v2 =	vmul.f32 v4, v2;
	v18 =	vld [tilespmem:$0x1FEA0]  }
0x284: {  	v56 =	vadd.s32 v63, v1;
	v47 =	vld.idx.msk [tilespmem:v54+s24+$0x0], $0xffff  }
0x285: {  	v2 =	vmul.f32 v2, v3;
	v3 =	vmul.f32 v10, v8;
	v54 =	vadd.s32 v61, v1;
	v61 =	vld [tilespmem:$0x1FEE0]  }
0x286: {  	v53 =	vadd.s32 v60, v1;
	v60 =	vadd.s32 v30, v1;
	v8 =	vld.idx.msk [tilespmem:v58+s15+$0x0], $0xffff  }
0x287: {  	v62 =	vadd.s32 v29, v0;
	v2 =	vadd.f32 $0.0e+00, v2;
	v3 =	vmul.f32 v3, v9;
	v49 =	vld.idx.msk [tilespmem:v49+s15+$0x0], $0xffff  }
0x288: {  	v57 =	vadd.s32 v34, v1;
	v52 =	vld.idx.msk [tilespmem:v52+s15+$0x0], $0xffff  }
0x289: {  	v10 =	vadd.s32 v33, v1;
	v4 =	vld.idx.msk [tilespmem:v56+s24+$0x0], $0xffff;
	v2 =	vadd.f32 v3, v2  }
0x28a: {  	v3 =	vmul.f32 v13, v11;
	v58 =	vadd.s32 v18, v0;
	v13 =	vadd.s32 v61, v1;
	v61 =	vld [tilespmem:$0x1FEC0]  }
0x28b: {  	v9 =	vld.idx.msk [tilespmem:v60+s24+$0x0], $0xffff;
	v60 =	vadd.s32 v17, v0  }
0x28c: {  	v56 =	vld.idx.msk [tilespmem:v62+s15+$0x0], $0xffff;
	v0 =	vadd.s32 v19, v0  }
0x28d: {  	v59 =	vadd.s32 v21, v1;
	v11 =	vld.idx.msk [tilespmem:v57+s24+$0x0], $0xffff  }
0x28e: {  	v5 =	vadd.f32 $0.0e+00, v5;
	v62 =	vmul.f32 v46, v41;
	v10 =	vld.idx.msk [tilespmem:v10+s24+$0x0], $0xffff;
	v3 =	vmul.f32 v3, v12  }
0x28f: {  	v57 =	vmul.f32 v49, v47;
	v41 =	vld.idx.msk [tilespmem:v58+s15+$0x0], $0xffff;
	v46 =	vadd.s32 v61, v1;
	v1 =	vadd.s32 v20, v1  }
0x290: {  	v62 =	vmul.f32 v62, v45;
	v58 =	vld.idx.msk [tilespmem:v60+s15+$0x0], $0xffff  }
0x291: {  	v3 =	vadd.f32 v3, v5;
	v49 =	vmul.f32 v57, v48;
	v57 =	vmul.f32 v52, v50;
	v0 =	vld.idx.msk [tilespmem:v0+s15+$0x0], $0xffff  }
0x292: {  	v60 =	vld.idx.msk [tilespmem:v13+s24+$0x0], $0xffff  }
0x293: {  	v53 =	vld.idx.msk [tilespmem:v53+s24+$0x0], $0xffff;
	v4 =	vmul.f32 v8, v4;
	v3 =	vadd.f32 v62, v3;
	v12 =	vmul.f32 v57, v51  }
0x294: {  	v14 =	vmul.f32 v16, v14;
	v1 =	vld.idx.msk [tilespmem:v1+s24+$0x0], $0xffff  }
0x295: {  	v54 =	vld.idx.msk [tilespmem:v54+s24+$0x0], $0xffff;
	v4 =	vmul.f32 v4, v7;
	v3 =	vadd.f32 v12, v3;
	v11 =	vmul.f32 v41, v11  }
0x296: {  	v14 =	vmul.f32 v14, v15  }
0x297: {  	v16 =	vld.idx.msk [tilespmem:v59+s24+$0x0], $0xffff;
	v3 =	vadd.f32 v4, v3;
	v10 =	vmul.f32 v11, v10;
	v0 =	vmul.f32 v0, v60  }
0x298: {  	v2 =	vadd.f32 v14, v2;
	v59 =	vmul.f32 v55, v53;
	v62 =	vld.idx.msk [tilespmem:v46+s24+$0x0], $0xffff  }
0x299: {  	v3 =	vadd.f32 v10, v3;
	v0 =	vmul.f32 v0, v1;
	v1 =	vld [tilespmem:$0x1FFF0]  }
0x29a: {  	v6 =	vmul.f32 v56, v6;
	v2 =	vadd.f32 v49, v2;
	v61 =	vmul.f32 v59, v54  }
0x29b: {  	v0 =	vadd.f32 v0, v3;
	v3 =	vld [tilespmem:$0x1FF10]  }
0x29c: {  	v9 =	vmul.f32 v6, v9;
	v2 =	vadd.f32 v61, v2;
	v11 =	vmul.f32 v58, v16  }
0x29d: {  	s2 =	sadd.s32 $0xFFFFFFFC, s14  }
0x29e: {  	v2 =	vadd.f32 v9, v2;
	v12 =	vmul.f32 v11, v62;
	v1 =	vadd.s32 s2, v1  }
0x29f: {  	v1 =	vand.u32 $0x7F8, v1  }
0x2a0: {  	v2 =	vadd.f32 v12, v2;
	v1 =	vor.u32 v3, v1;
	_ =	sdelay $0x1  }
0x2a1: {  	v0 =	vadd.f32 v0, v2  }
0x2a2: {  	v2 =	vld [tilespmem:$0x1FF20]  }
0x2a3: {  	v59 =	vld [tilespmem:$0x1FE00];
	[tilespmem:$0x19B48] =	vst v0  }
0x2a4: {  	v0 =	vld.idx.msk [tilespmem:v1+s21+$0x0], $0xffff;
	v1 =	vmov s2  }
0x2a5: {  	v61 =	vld [tilespmem:$0x1FE10];
	v1 =	vmul.u32 $0x38, v1  }
0x2a6: {  	v57 =	vld [tilespmem:$0x1FDF0]  }
0x2a7: {  	v53 =	vld [tilespmem:$0x1FDE0];
	v2 =	vadd.s32 v2, v1  }
0x2a8: {  	v55 =	vld [tilespmem:$0x1FE20];
	v3 =	vadd.s32 v35, v1  }
0x2a9: {  	v14 =	vadd.s32 v37, v1;
	v60 =	vadd.s32 v59, v1;
	v59 =	vld [tilespmem:$0x1FE50];
	v0 =	vmul.u32 $0x38, v0  }
0x2aa: {  	v15 =	vadd.s32 v38, v1;
	v62 =	vadd.s32 v61, v1;
	v61 =	vld [tilespmem:$0x1FE70]  }
0x2ab: {  	v18 =	vmov v17;
	v17 =	vadd.s32 v40, v1;
	v58 =	vadd.s32 v57, v0;
	v57 =	vld [tilespmem:$0x1FE30]  }
0x2ac: {  	v41 =	vadd.s32 v42, v1;
	v2 =	vld.idx.msk [tilespmem:v2+s24+$0x0], $0xffff  }
0x2ad: {  	v46 =	vadd.s32 v44, v1;
	v3 =	vld.idx.msk [tilespmem:v3+s24+$0x0], $0xffff  }
0x2ae: {  	v47 =	vadd.s32 v22, v1;
	v5 =	vld.idx.msk [tilespmem:v14+s24+$0x0], $0xffff  }
0x2af: {  	v49 =	vadd.s32 v24, v1;
	v6 =	vld.idx.msk [tilespmem:v15+s24+$0x0], $0xffff  }
0x2b0: {  	v50 =	vadd.s32 v25, v1;
	v8 =	vld.idx.msk [tilespmem:v17+s24+$0x0], $0xffff  }
0x2b1: {  	v52 =	vadd.s32 v27, v1;
	v9 =	vld.idx.msk [tilespmem:v41+s24+$0x0], $0xffff  }
0x2b2: {  	v11 =	vld.idx.msk [tilespmem:v46+s24+$0x0], $0xffff  }
0x2b3: {  	v12 =	vld.idx.msk [tilespmem:v47+s24+$0x0], $0xffff  }
0x2b4: {  	v13 =	vor.u32 v36, v0;
	v14 =	vld.idx.msk [tilespmem:v49+s24+$0x0], $0xffff  }
0x2b5: {  	v16 =	vor.u32 v39, v0;
	v15 =	vld.idx.msk [tilespmem:v50+s24+$0x0], $0xffff  }
0x2b6: {  	v45 =	vadd.s32 v43, v0;
	v41 =	vld.idx.msk [tilespmem:v52+s24+$0x0], $0xffff  }
0x2b7: {  	v48 =	vadd.s32 v23, v0;
	v47 =	vld.idx.msk [tilespmem:v60+s24+$0x0], $0xffff  }
0x2b8: {  	v51 =	vadd.s32 v26, v0;
	v60 =	vld [tilespmem:$0x1FE60]  }
0x2b9: {  	v54 =	vadd.s32 v53, v1;
	v4 =	vld.idx.msk [tilespmem:v13+s15+$0x0], $0xffff  }
0x2ba: {  	v7 =	vld.idx.msk [tilespmem:v16+s15+$0x0], $0xffff  }
0x2bb: {  	v10 =	vld.idx.msk [tilespmem:v45+s15+$0x0], $0xffff  }
0x2bc: {  	v13 =	vld.idx.msk [tilespmem:v48+s15+$0x0], $0xffff  }
0x2bd: {  	v56 =	vadd.s32 v55, v0;
	v16 =	vld.idx.msk [tilespmem:v51+s15+$0x0], $0xffff  }
0x2be: {  	v45 =	vld.idx.msk [tilespmem:v54+s24+$0x0], $0xffff  }
0x2bf: {  	v46 =	vld.idx.msk [tilespmem:v58+s15+$0x0], $0xffff  }
0x2c0: {  	v52 =	vadd.s32 v59, v0;
	v58 =	vld [tilespmem:$0x1FE40]  }
0x2c1: {  	v50 =	vadd.s32 v57, v1;
	v48 =	vld.idx.msk [tilespmem:v62+s24+$0x0], $0xffff  }
0x2c2: {  	v49 =	vld.idx.msk [tilespmem:v56+s15+$0x0], $0xffff;
	v54 =	vadd.s32 v61, v1  }
0x2c3: {  	v62 =	vld [tilespmem:$0x1FE80];
	v56 =	vadd.s32 v63, v1  }
0x2c4: {  	v17 =	vadd.s32 v28, v1;
	v57 =	vld [tilespmem:$0x1FEC0]  }
0x2c5: {  	v53 =	vadd.s32 v60, v1;
	v52 =	vld.idx.msk [tilespmem:v52+s15+$0x0], $0xffff  }
0x2c6: {  	v59 =	vadd.s32 v31, v1;
	v50 =	vld.idx.msk [tilespmem:v50+s24+$0x0], $0xffff  }
0x2c7: {  	v54 =	vld.idx.msk [tilespmem:v54+s24+$0x0], $0xffff  }
0x2c8: {  	v61 =	vadd.s32 v29, v0;
	v56 =	vld.idx.msk [tilespmem:v56+s24+$0x0], $0xffff  }
0x2c9: {  	v51 =	vadd.s32 v58, v1;
	v2 =	vmul.f32 v4, v2;
	v4 =	vld.idx.msk [tilespmem:v17+s24+$0x0], $0xffff  }
0x2ca: {  	v17 =	vadd.s32 v34, v1;
	v53 =	vld.idx.msk [tilespmem:v53+s24+$0x0], $0xffff  }
0x2cb: {  	v2 =	vmul.f32 v2, v3;
	v3 =	vmul.f32 v7, v5;
	v5 =	vld.idx.msk [tilespmem:v59+s24+$0x0], $0xffff  }
0x2cc: {  	v55 =	vadd.s32 v62, v0;
	v59 =	vld [tilespmem:$0x1FEA0]  }
0x2cd: {  	v58 =	vadd.s32 v32, v0;
	v3 =	vmul.f32 v3, v6;
	v6 =	vld.idx.msk [tilespmem:v61+s15+$0x0], $0xffff  }
0x2ce: {  	v60 =	vadd.s32 v30, v1;
	v8 =	vmul.f32 v10, v8;
	v10 =	vmul.f32 v13, v11;
	v51 =	vld.idx.msk [tilespmem:v51+s24+$0x0], $0xffff  }
0x2cf: {  	v62 =	vadd.s32 v33, v1;
	v11 =	vld.idx.msk [tilespmem:v17+s24+$0x0], $0xffff  }
0x2d0: {  	v8 =	vmul.f32 v8, v9;
	v9 =	vmul.f32 v10, v12;
	v10 =	vadd.s32 v57, v1;
	v17 =	vld [tilespmem:$0x1FEE0]  }
0x2d1: {  	v61 =	vadd.s32 v18, v0;
	v55 =	vld.idx.msk [tilespmem:v55+s15+$0x0], $0xffff  }
0x2d2: {  	v58 =	vld.idx.msk [tilespmem:v58+s15+$0x0], $0xffff;
	v7 =	vadd.s32 v59, v0  }
0x2d3: {  	v59 =	vld.idx.msk [tilespmem:v60+s24+$0x0], $0xffff;
	v60 =	vadd.s32 v21, v1  }
0x2d4: {  	v14 =	vmul.f32 v16, v14;
	v16 =	vld.idx.msk [tilespmem:v62+s24+$0x0], $0xffff;
	v0 =	vadd.s32 v19, v0  }
0x2d5: {  	v2 =	vadd.f32 $0.0e+00, v2;
	v62 =	vmul.f32 v46, v41;
	v10 =	vld.idx.msk [tilespmem:v10+s24+$0x0], $0xffff;
	v13 =	vadd.s32 v17, v1  }
0x2d6: {  	v3 =	vadd.f32 $0.0e+00, v3;
	v17 =	vmul.f32 v49, v47;
	v49 =	vmul.f32 v52, v50;
	v50 =	vld.idx.msk [tilespmem:v61+s15+$0x0], $0xffff  }
0x2d7: {  	v12 =	vmul.f32 v14, v15;
	v2 =	vadd.f32 v8, v2;
	v1 =	vadd.s32 v20, v1;
	v7 =	vld.idx.msk [tilespmem:v7+s15+$0x0], $0xffff  }
0x2d8: {  	v3 =	vadd.f32 v9, v3;
	v52 =	vmul.f32 v62, v45;
	v15 =	vld.idx.msk [tilespmem:v60+s24+$0x0], $0xffff  }
0x2d9: {  	v2 =	vadd.f32 v12, v2;
	v57 =	vmul.f32 v55, v53;
	v8 =	vmul.f32 v17, v48;
	v0 =	vld.idx.msk [tilespmem:v0+s15+$0x0], $0xffff  }
0x2da: {  	v62 =	vmul.f32 v58, v56;
	v60 =	vmul.f32 v49, v51;
	v3 =	vadd.f32 v52, v3;
	v13 =	vld.idx.msk [tilespmem:v13+s24+$0x0], $0xffff  }
0x2db: {  	v5 =	vmul.f32 v6, v5;
	v61 =	vmul.f32 v57, v54;
	v2 =	vadd.f32 v8, v2  }
0x2dc: {  	v4 =	vmul.f32 v62, v4;
	v3 =	vadd.f32 v60, v3;
	v1 =	vld.idx.msk [tilespmem:v1+s24+$0x0], $0xffff;
	v11 =	vmul.f32 v7, v11  }
0x2dd: {  	v5 =	vmul.f32 v5, v59;
	v2 =	vadd.f32 v61, v2;
	v17 =	vmul.f32 v50, v15  }
0x2de: {  	v3 =	vadd.f32 v4, v3;
	v6 =	vmul.f32 v11, v16  }
0x2df: {  	v2 =	vadd.f32 v5, v2;
	v4 =	vmul.f32 v17, v10;
	v0 =	vmul.f32 v0, v13;
	_ =	sdelay $0x1  }
0x2e0: {  	v3 =	vadd.f32 v6, v3;
	v0 =	vmul.f32 v0, v1;
	v1 =	vadd.f32 v4, v2;
	v2 =	vld [tilespmem:$0x1FFF0];
	_ =	sdelay $0x1  }
0x2e1: {  	v0 =	vadd.f32 v0, v3  }
0x2e2: {  	v56 =	vld [tilespmem:$0x1FDE0]  }
0x2e3: {  	v58 =	vld [tilespmem:$0x1FDF0];
	v0 =	vadd.f32 v0, v1;
	v1 =	vmov s14  }
0x2e4: {  	v62 =	vld [tilespmem:$0x1FE10];
	v2 =	vadd.s32 s14, v2;
	v1 =	vmul.u32 $0x38, v1  }
0x2e5: {  	v60 =	vld [tilespmem:$0x1FE00]  }
0x2e6: {  	v3 =	vadd.s32 v35, v1;
	v53 =	vadd.s32 v25, v1;
	v25 =	vld [tilespmem:$0x1FE30]  }
0x2e7: {  	v37 =	vadd.s32 v37, v1;
	v55 =	vadd.s32 v27, v1;
	v27 =	vld [tilespmem:$0x1FE50]  }
0x2e8: {  	[tilespmem:$0x19B58] =	vst v0;
	v41 =	vadd.s32 v38, v1;
	v35 =	vld [tilespmem:$0x1FE60]  }
0x2e9: {  	v46 =	vadd.s32 v40, v1;
	v0 =	vld.idx.msk [tilespmem:v2+s21+$0x0], $0xffff  }
0x2ea: {  	v47 =	vadd.s32 v42, v1;
	v2 =	vld [tilespmem:$0x1FF20]  }
0x2eb: {  	v49 =	vadd.s32 v44, v1;
	v3 =	vld.idx.msk [tilespmem:v3+s24+$0x0], $0xffff  }
0x2ec: {  	v50 =	vadd.s32 v22, v1;
	v5 =	vld.idx.msk [tilespmem:v37+s24+$0x0], $0xffff  }
0x2ed: {  	v52 =	vadd.s32 v24, v1;
	v6 =	vld.idx.msk [tilespmem:v41+s24+$0x0], $0xffff  }
0x2ee: {  	v8 =	vld.idx.msk [tilespmem:v46+s24+$0x0], $0xffff  }
0x2ef: {  	v9 =	vld.idx.msk [tilespmem:v47+s24+$0x0], $0xffff  }
0x2f0: {  	v61 =	vadd.s32 v60, v1;
	v11 =	vld.idx.msk [tilespmem:v49+s24+$0x0], $0xffff  }
0x2f1: {  	v12 =	vld.idx.msk [tilespmem:v50+s24+$0x0], $0xffff  }
0x2f2: {  	v38 =	vadd.s32 v63, v1;
	v14 =	vld.idx.msk [tilespmem:v52+s24+$0x0], $0xffff  }
0x2f3: {  	v17 =	vadd.s32 v34, v1;
	v15 =	vld.idx.msk [tilespmem:v53+s24+$0x0], $0xffff  }
0x2f4: {  	v41 =	vld.idx.msk [tilespmem:v55+s24+$0x0], $0xffff  }
0x2f5: {  	v47 =	vld.idx.msk [tilespmem:v61+s24+$0x0], $0xffff  }
0x2f6: {  	v50 =	vadd.s32 v25, v1;
	v37 =	vld [tilespmem:$0x1FE80]  }
0x2f7: {  	v57 =	vadd.s32 v56, v1;
	v53 =	vadd.s32 v35, v1;
	v56 =	vld.idx.msk [tilespmem:v38+s24+$0x0], $0xffff;
	v0 =	vmul.u32 $0x38, v0  }
0x2f8: {  	v42 =	vadd.s32 v31, v1;
	v31 =	vld.idx.msk [tilespmem:v17+s24+$0x0], $0xffff  }
0x2f9: {  	v2 =	vadd.s32 v2, v1;
	v51 =	vadd.s32 v23, v0;
	v23 =	vld [tilespmem:$0x1FE20]  }
0x2fa: {  	v36 =	vor.u32 v36, v0;
	v54 =	vadd.s32 v26, v0;
	v26 =	vld [tilespmem:$0x1FE40]  }
0x2fb: {  	v45 =	vor.u32 v39, v0;
	v50 =	vld.idx.msk [tilespmem:v50+s24+$0x0], $0xffff  }
0x2fc: {  	v48 =	vadd.s32 v43, v0;
	v53 =	vld.idx.msk [tilespmem:v53+s24+$0x0], $0xffff  }
0x2fd: {  	v40 =	vadd.s32 v32, v0;
	v32 =	vld [tilespmem:$0x1FEE0]  }
0x2fe: {  	v2 =	vld.idx.msk [tilespmem:v2+s24+$0x0], $0xffff  }
0x2ff: {  	v4 =	vld.idx.msk [tilespmem:v36+s15+$0x0], $0xffff  }
0x300: {  	v59 =	vadd.s32 v58, v0;
	v7 =	vld.idx.msk [tilespmem:v45+s15+$0x0], $0xffff  }
0x301: {  	v22 =	vadd.s32 v62, v1;
	v10 =	vld.idx.msk [tilespmem:v48+s15+$0x0], $0xffff  }
0x302: {  	v13 =	vld.idx.msk [tilespmem:v51+s15+$0x0], $0xffff  }
0x303: {  	v52 =	vadd.s32 v27, v0;
	v16 =	vld.idx.msk [tilespmem:v54+s15+$0x0], $0xffff  }
0x304: {  	v55 =	vadd.s32 v37, v0;
	v45 =	vld.idx.msk [tilespmem:v57+s24+$0x0], $0xffff  }
0x305: {  	v39 =	vadd.s32 v28, v1;
	v46 =	vld.idx.msk [tilespmem:v59+s15+$0x0], $0xffff  }
0x306: {  	v48 =	vld.idx.msk [tilespmem:v22+s24+$0x0], $0xffff  }
0x307: {  	v36 =	vld [tilespmem:$0x1FE70]  }
0x308: {  	v43 =	vadd.s32 v30, v1;
	v52 =	vld.idx.msk [tilespmem:v52+s15+$0x0], $0xffff  }
0x309: {  	v44 =	vadd.s32 v29, v0;
	v55 =	vld.idx.msk [tilespmem:v55+s15+$0x0], $0xffff  }
0x30a: {  	v24 =	vadd.s32 v23, v0;
	v57 =	vld.idx.msk [tilespmem:v39+s24+$0x0], $0xffff  }
0x30b: {  	v59 =	vld.idx.msk [tilespmem:v42+s24+$0x0], $0xffff  }
0x30c: {  	v51 =	vadd.s32 v26, v1;
	v23 =	vld [tilespmem:$0x1FEA0]  }
0x30d: {  	v25 =	vld.idx.msk [tilespmem:v43+s24+$0x0], $0xffff  }
0x30e: {  	v22 =	vadd.s32 v33, v1;
	v28 =	vld.idx.msk [tilespmem:v44+s15+$0x0], $0xffff  }
0x30f: {  	v29 =	vadd.s32 v18, v0;
	v49 =	vld.idx.msk [tilespmem:v24+s15+$0x0], $0xffff  }
0x310: {  	v26 =	vadd.s32 v21, v1;
	v54 =	vadd.s32 v36, v1;
	v2 =	vmul.f32 v4, v2;
	v36 =	vld [tilespmem:$0x1FEC0]  }
0x311: {  	v51 =	vld.idx.msk [tilespmem:v51+s24+$0x0], $0xffff;
	v8 =	vmul.f32 v10, v8;
	v27 =	vmul.f32 v13, v11  }
0x312: {  	v4 =	vld.idx.msk [tilespmem:v40+s15+$0x0], $0xffff;
	v24 =	vadd.s32 v23, v0;
	v2 =	vmul.f32 v2, v3;
	v3 =	vmul.f32 v7, v5  }
0x313: {  	v30 =	vmul.f32 v16, v14;
	v16 =	vadd.s32 v32, v1;
	v34 =	vld.idx.msk [tilespmem:v22+s24+$0x0], $0xffff;
	v41 =	vmul.f32 v46, v41  }
0x314: {  	v0 =	vadd.s32 v19, v0;
	v13 =	vld.idx.msk [tilespmem:v29+s15+$0x0], $0xffff;
	v8 =	vmul.f32 v8, v9;
	v3 =	vmul.f32 v3, v6  }
0x315: {  	v7 =	vld.idx.msk [tilespmem:v26+s24+$0x0], $0xffff;
	v2 =	vadd.f32 $0.0e+00, v2;
	v6 =	vmul.f32 v30, v15;
	v15 =	vadd.s32 v36, v1  }
0x316: {  	v33 =	vmul.f32 v27, v12;
	v54 =	vld.idx.msk [tilespmem:v54+s24+$0x0], $0xffff;
	v1 =	vadd.s32 v20, v1;
	v3 =	vadd.f32 $0.0e+00, v3  }
0x317: {  	v35 =	vld.idx.msk [tilespmem:v24+s15+$0x0], $0xffff;
	v37 =	vmul.f32 v49, v47;
	v2 =	vadd.f32 v8, v2  }
0x318: {  	v38 =	vmul.f32 v52, v50;
	v49 =	vmul.f32 v41, v45;
	v16 =	vld.idx.msk [tilespmem:v16+s24+$0x0], $0xffff;
	v3 =	vadd.f32 v33, v3  }
0x319: {  	v50 =	vmul.f32 v55, v53;
	v0 =	vld.idx.msk [tilespmem:v0+s15+$0x0], $0xffff;
	v52 =	vmul.f32 v37, v48;
	v2 =	vadd.f32 v6, v2  }
0x31a: {  	v53 =	vmul.f32 v38, v51;
	v4 =	vmul.f32 v4, v56;
	v3 =	vadd.f32 v49, v3;
	v15 =	vld.idx.msk [tilespmem:v15+s24+$0x0], $0xffff  }
0x31b: {  	v55 =	vmul.f32 v28, v59;
	v54 =	vmul.f32 v50, v54;
	v2 =	vadd.f32 v52, v2;
	v1 =	vld.idx.msk [tilespmem:v1+s24+$0x0], $0xffff  }
0x31c: {  	v4 =	vmul.f32 v4, v57;
	v56 =	vmul.f32 v35, v31;
	v3 =	vadd.f32 v53, v3  }
0x31d: {  	v5 =	vmul.f32 v55, v25;
	v58 =	vmul.f32 v13, v7;
	v2 =	vadd.f32 v54, v2  }
0x31e: {  	v0 =	vmul.f32 v0, v16;
	v57 =	vmul.f32 v56, v34;
	v3 =	vadd.f32 v4, v3  }
0x31f: {  	v62 =	vld [tilespmem:$0x1FFB0];
	v2 =	vadd.f32 v5, v2  }
0x320: {  	v4 =	vmul.f32 v58, v15;
	v0 =	vmul.f32 v0, v1;
	v3 =	vadd.f32 v57, v3  }
0x321: {  	v60 =	vld [tilespmem:$0x1FFC0]  }
0x322: {  	v1 =	vadd.f32 v4, v2;
	v0 =	vadd.f32 v0, v3  }
0x323: {  	v61 =	vld [tilespmem:$0x1FFD0]  }
0x324: {  	v0 =	vadd.f32 v0, v1  }
0x325: {  	v59 =	vld [tilespmem:$0x1FFE0]  }
0x326: {  	[tilespmem:$0x19B68] =	vst v0  }
0x327: {  	v0 =	vld.idx.msk [tilespmem:v62+s28+$0x0], $0xffff;
	_ =	sdelay $0x1  }
0x328: {  	v1 =	vld.idx.msk [tilespmem:v60+s28+$0x0], $0xffff;
	_ =	sdelay $0x1  }
0x329: {  	v2 =	vld.idx.msk [tilespmem:v61+s28+$0x0], $0xffff  }
0x32a: {  	v0 =	vadd.f32 $0.0e+00, v0  }
0x32b: {  	v3 =	vld.idx.msk [tilespmem:v59+s28+$0x0], $0xffff  }
0x32c: {  	v0 =	vadd.f32 v1, v0  }
0x32d: {  	p0 =	sne.s32 s14, $0x18C  }
.Ltmp1:
0x32e: {  	v0 =	vadd.f32 v2, v0;
	(pc) =	sbr.rel @p0 .LBB2_5-.Ltmp1, $4  }
0x32f: {  	_ = 	snop  }
0x330: {  	v63 =	vld [tilespmem:$0x1FF10];
	v0 =	vadd.f32 v3, v0  }
0x331: {  	v47 =	vld [tilespmem:$0x1FF20]  }
0x332: {  	s14 =	sadd.s32 $0x10, s14;
	[tilespmem:s16+$0x0] =	vst v0;
	v0 =	vld [tilespmem:$0x1FFF0];
	s16 =	sadd.s32 $0x10, s16  }
0x333: {  	p0 =	seq.s32 s8, $0x3D  }
.Ltmp2:
0x334: {  	_ = 	snop;
	(pc) =	sbr.rel @p0 .LBB2_8-.Ltmp2, $4  }
0x335: {  	s2 =	sadd.s32 s10, s13  }
0x336: {  	s2 =	sshrl.u32 s2, $0x3  }
0x337: {  	s2 =	sadd.s32 s1, s2  }
0x338: {  	v62 =	vld [tilespmem:$0x1FFA0];
	[hbm4b:s2+s3] =	stream.linear.scatter [tilespmem:s31], [sflag:$0x6], $0x190, $0x38  }
.Ltmp3:
0x339: {  	s2 =	sadd.s32 s9, s12;
	(pc) =	sbr.rel .LBB2_2-.Ltmp3, $3  }
0x33a: {  	s2 =	smul.u32 $0x96, s2;
	_ =	sdelay $0x1  }
0x33b: {  	s8 =	sadd.s32 $0x1, s8;
	s2 =	sadd.s32 s4, s2  }
0x33c: {  	[tilespmem:s21], [sflag:$0x2] =	stream.linear.gather [hbm4b:s2+s3], $0x4B0, $0x38;
	[tilespmem:$0x19E98] =	vst v63  }
.LBB2_8:
0x33d: {  	_ =	swait.ge [sflag:s22], $0x5780  }
0x33e: {  	[sflag:s22] =	ssyncset.done $0x0  }
0x33f: {  	[sflag:s22] =	ssyncadd.s32 $0xFFFFA880  }
0x340: {  	_ =	swait.ge [sflag:s22], $0x5780  }
0x341: {  	[sflag:s22] =	ssyncset.done $0x0  }
0x342: {  	[sflag:s22] =	ssyncadd.s32 $0xFFFFA880  }
0x343: {  	_ =	swait.ge [sflag:s0], $0x190  }
0x344: {  	[sflag:s0] =	ssyncset.done $0x0  }
0x345: {  	s8 =	simm.s32 $0xC;
	s9 =	simm.s32 $0x19B78;
	[sflag:s0] =	ssyncadd.s32 $0xFFFFFE70  }
.LBB2_9:
0x346: {  	v0 =	vld [tilespmem:$0x1FFF0]  }
0x347: {  	v22 =	vld [tilespmem:$0x1FD00]  }
0x348: {  	v43 =	vld [tilespmem:$0x1FF30]  }
0x349: {  	v44 =	vld [tilespmem:$0x1FD10]  }
0x34a: {  	v19 =	vld [tilespmem:$0x1FD30]  }
0x34b: {  	v20 =	vld [tilespmem:$0x1FD40]  }
0x34c: {  	v21 =	vld [tilespmem:$0x1FD50]  }
0x34d: {  	v24 =	vld [tilespmem:$0x1FD60]  }
0x34e: {  	v25 =	vld [tilespmem:$0x1FD70]  }
0x34f: {  	v27 =	vld [tilespmem:$0x1FD80]  }
0x350: {  	v38 =	vld [tilespmem:$0x1FD90]  }
0x351: {  	v26 =	vld [tilespmem:$0x1FDA0]  }
0x352: {  	v39 =	vld [tilespmem:$0x1FDB0]  }
0x353: {  	v28 =	vld [tilespmem:$0x1FDC0]  }
0x354: {  	v40 =	vld [tilespmem:$0x1FDD0]  }
0x355: {  	v29 =	vld [tilespmem:$0x1FDE0]  }
0x356: {  	v42 =	vld [tilespmem:$0x1FDF0]  }
0x357: {  	v31 =	vld [tilespmem:$0x1FE00]  }
0x358: {  	v30 =	vld [tilespmem:$0x1FE10]  }
0x359: {  	v17 =	vld [tilespmem:$0x1FE20]  }
0x35a: {  	v32 =	vld [tilespmem:$0x1FE30]  }
0x35b: {  	v33 =	vld [tilespmem:$0x1FE40]  }
0x35c: {  	v58 =	vld [tilespmem:$0x1FE50]  }
0x35d: {  	v59 =	vld [tilespmem:$0x1FE60]  }
0x35e: {  	v60 =	vld [tilespmem:$0x1FE70]  }
0x35f: {  	v61 =	vld [tilespmem:$0x1FE80]  }
0x360: {  	s2 =	sadd.s32 $0xFFFFFFF4, s8;
	v56 =	vld [tilespmem:$0x1FF40]  }
0x361: {  	v34 =	vld [tilespmem:$0x1FE90];
	v1 =	vmov s2  }
0x362: {  	v35 =	vld [tilespmem:$0x1FEB0];
	v1 =	vmul.u32 $0x38, v1  }
0x363: {  	v36 =	vld [tilespmem:$0x1FED0]  }
0x364: {  	v37 =	vld [tilespmem:$0x1FEE0];
	v2 =	vadd.s32 v47, v1  }
0x365: {  	v18 =	vld [tilespmem:$0x1FEF0];
	v3 =	vadd.s32 v22, v1  }
0x366: {  	v0 =	vadd.s32 s2, v0;
	v5 =	vadd.s32 v44, v1;
	v53 =	vadd.s32 v59, v1;
	v59 =	vld [tilespmem:$0x1FF70]  }
0x367: {  	v8 =	vadd.s32 v20, v1;
	v54 =	vadd.s32 v60, v1;
	v60 =	vld [tilespmem:$0x1FF80];
	v0 =	vand.u32 $0x7F0, v0  }
0x368: {  	v9 =	vadd.s32 v21, v1;
	v0 =	vor.u32 v63, v0;
	v63 =	vld [tilespmem:$0x1FD20]  }
0x369: {  	v11 =	vadd.s32 v25, v1;
	v2 =	vld.idx.msk [tilespmem:v2+s19+$0x0], $0xffff  }
0x36a: {  	v12 =	vadd.s32 v27, v1;
	v3 =	vld.idx.msk [tilespmem:v3+s19+$0x0], $0xffff  }
0x36b: {  	v14 =	vadd.s32 v26, v1;
	v5 =	vld.idx.msk [tilespmem:v5+s19+$0x0], $0xffff  }
0x36c: {  	v15 =	vadd.s32 v39, v1;
	v8 =	vld.idx.msk [tilespmem:v8+s19+$0x0], $0xffff  }
0x36d: {  	v41 =	vadd.s32 v40, v1;
	v9 =	vld.idx.msk [tilespmem:v9+s19+$0x0], $0xffff  }
0x36e: {  	v45 =	vadd.s32 v29, v1;
	v11 =	vld.idx.msk [tilespmem:v11+s19+$0x0], $0xffff  }
0x36f: {  	v57 =	vadd.s32 v31, v1;
	v12 =	vld.idx.msk [tilespmem:v12+s19+$0x0], $0xffff  }
0x370: {  	v14 =	vld.idx.msk [tilespmem:v14+s19+$0x0], $0xffff  }
0x371: {  	v48 =	vadd.s32 v30, v1;
	v15 =	vld.idx.msk [tilespmem:v15+s19+$0x0], $0xffff  }
0x372: {  	v50 =	vadd.s32 v32, v1;
	v41 =	vld.idx.msk [tilespmem:v41+s19+$0x0], $0xffff  }
0x373: {  	v51 =	vadd.s32 v33, v1;
	v45 =	vld.idx.msk [tilespmem:v45+s19+$0x0], $0xffff  }
0x374: {  	v47 =	vld.idx.msk [tilespmem:v57+s19+$0x0], $0xffff  }
0x375: {  	v0 =	vld.idx.msk [tilespmem:v0+s3+$0x0], $0xffff  }
0x376: {  	v48 =	vld.idx.msk [tilespmem:v48+s19+$0x0], $0xffff  }
0x377: {  	v56 =	vadd.s32 v56, v1;
	v50 =	vld.idx.msk [tilespmem:v50+s19+$0x0], $0xffff  }
0x378: {  	v51 =	vld.idx.msk [tilespmem:v51+s19+$0x0], $0xffff;
	v6 =	vadd.s32 v63, v1  }
0x379: {  	v57 =	vld [tilespmem:$0x1FF50]  }
0x37a: {  	v53 =	vld.idx.msk [tilespmem:v53+s19+$0x0], $0xffff;
	v0 =	vmul.u32 $0x38, v0  }
0x37b: {  	v54 =	vld.idx.msk [tilespmem:v54+s19+$0x0], $0xffff  }
0x37c: {  	v56 =	vld.idx.msk [tilespmem:v56+s19+$0x0], $0xffff;
	v4 =	vor.u32 v43, v0  }
0x37d: {  	v6 =	vld.idx.msk [tilespmem:v6+s19+$0x0], $0xffff;
	v7 =	vor.u32 v19, v0  }
0x37e: {  	v10 =	vadd.s32 v24, v0;
	v52 =	vadd.s32 v58, v0;
	v58 =	vld [tilespmem:$0x1FF60]  }
0x37f: {  	v13 =	vadd.s32 v38, v0;
	v55 =	vadd.s32 v61, v0;
	v61 =	vld [tilespmem:$0x1FF90]  }
0x380: {  	v16 =	vadd.s32 v28, v0;
	v49 =	vadd.s32 v17, v0;
	v17 =	vld [tilespmem:$0x1FEA0]  }
0x381: {  	v46 =	vadd.s32 v42, v0;
	v4 =	vld.idx.msk [tilespmem:v4+s15+$0x0], $0xffff  }
0x382: {  	v7 =	vld.idx.msk [tilespmem:v7+s15+$0x0], $0xffff  }
0x383: {  	v10 =	vld.idx.msk [tilespmem:v10+s15+$0x0], $0xffff  }
0x384: {  	v13 =	vld.idx.msk [tilespmem:v13+s15+$0x0], $0xffff  }
0x385: {  	v57 =	vadd.s32 v57, v1;
	v16 =	vld.idx.msk [tilespmem:v16+s15+$0x0], $0xffff  }
0x386: {  	v46 =	vld.idx.msk [tilespmem:v46+s15+$0x0], $0xffff;
	v58 =	vadd.s32 v58, v0  }
0x387: {  	v23 =	vadd.s32 v34, v1;
	v49 =	vld.idx.msk [tilespmem:v49+s15+$0x0], $0xffff  }
0x388: {  	v52 =	vld.idx.msk [tilespmem:v52+s15+$0x0], $0xffff  }
0x389: {  	v55 =	vld.idx.msk [tilespmem:v55+s15+$0x0], $0xffff  }
0x38a: {  	v59 =	vadd.s32 v59, v1;
	v2 =	vmul.f32 v4, v2;
	v4 =	vld.idx.msk [tilespmem:v57+s19+$0x0], $0xffff  }
0x38b: {  	v60 =	vadd.s32 v60, v1;
	v58 =	vld.idx.msk [tilespmem:v58+s15+$0x0], $0xffff  }
0x38c: {  	v61 =	vadd.s32 v61, v0;
	v14 =	vmul.f32 v16, v14;
	v16 =	vld.idx.msk [tilespmem:v23+s19+$0x0], $0xffff  }
0x38d: {  	v57 =	vadd.s32 v62, v1;
	v23 =	vld [tilespmem:$0x1FF00]  }
0x38e: {  	v8 =	vmul.f32 v10, v8;
	v10 =	vmul.f32 v13, v11;
	v13 =	vadd.s32 v37, v1;
	v62 =	vld [tilespmem:$0x1FEC0]  }
0x38f: {  	v2 =	vmul.f32 v2, v3;
	v3 =	vmul.f32 v7, v5;
	v5 =	vld.idx.msk [tilespmem:v59+s19+$0x0], $0xffff;
	v7 =	vadd.s32 v17, v0  }
0x390: {  	v59 =	vld.idx.msk [tilespmem:v60+s19+$0x0], $0xffff;
	v60 =	vadd.s32 v35, v1  }
0x391: {  	v3 =	vmul.f32 v3, v6;
	v6 =	vld.idx.msk [tilespmem:v61+s15+$0x0], $0xffff;
	v61 =	vadd.s32 v36, v0  }
0x392: {  	v8 =	vmul.f32 v8, v9;
	v11 =	vld.idx.msk [tilespmem:v57+s19+$0x0], $0xffff;
	v0 =	vadd.s32 v23, v0  }
0x393: {  	v9 =	vmul.f32 v10, v12;
	v2 =	vadd.f32 $0.0e+00, v2;
	v10 =	vadd.s32 v62, v1;
	v13 =	vld.idx.msk [tilespmem:v13+s19+$0x0], $0xffff  }
0x394: {  	v12 =	vmul.f32 v14, v15;
	v57 =	vmul.f32 v46, v41;
	v3 =	vadd.f32 $0.0e+00, v3;
	v7 =	vld.idx.msk [tilespmem:v7+s15+$0x0], $0xffff  }
0x395: {  	v1 =	vadd.s32 v18, v1;
	v18 =	vmul.f32 v49, v47;
	v2 =	vadd.f32 v8, v2;
	v15 =	vld.idx.msk [tilespmem:v60+s19+$0x0], $0xffff  }
0x396: {  	v49 =	vmul.f32 v52, v50;
	v52 =	vmul.f32 v57, v45;
	v3 =	vadd.f32 v9, v3;
	v50 =	vld.idx.msk [tilespmem:v61+s15+$0x0], $0xffff  }
0x397: {  	v55 =	vmul.f32 v55, v53;
	v8 =	vmul.f32 v18, v48;
	v2 =	vadd.f32 v12, v2;
	v0 =	vld.idx.msk [tilespmem:v0+s15+$0x0], $0xffff  }
0x398: {  	v57 =	vmul.f32 v49, v51;
	v61 =	vmul.f32 v58, v56;
	v3 =	vadd.f32 v52, v3;
	v10 =	vld.idx.msk [tilespmem:v10+s19+$0x0], $0xffff  }
0x399: {  	v60 =	vmul.f32 v55, v54;
	v5 =	vmul.f32 v6, v5;
	v2 =	vadd.f32 v8, v2  }
0x39a: {  	v1 =	vld.idx.msk [tilespmem:v1+s19+$0x0], $0xffff;
	v4 =	vmul.f32 v61, v4;
	v18 =	vmul.f32 v7, v11;
	v3 =	vadd.f32 v57, v3  }
0x39b: {  	v5 =	vmul.f32 v5, v59;
	v2 =	vadd.f32 v60, v2;
	v41 =	vmul.f32 v50, v15  }
0x39c: {  	v6 =	vmul.f32 v18, v16;
	v3 =	vadd.f32 v4, v3  }
0x39d: {  	v2 =	vadd.f32 v5, v2;
	v0 =	vmul.f32 v0, v13;
	v4 =	vmul.f32 v41, v10;
	_ =	sdelay $0x1  }
0x39e: {  	v3 =	vadd.f32 v6, v3;
	v0 =	vmul.f32 v0, v1;
	v1 =	vadd.f32 v4, v2;
	v2 =	vld [tilespmem:$0x1FFF0];
	_ =	sdelay $0x1  }
0x39f: {  	v0 =	vadd.f32 v0, v3  }
0x3a0: {  	s14 =	sadd.s32 $0xFFFFFFF8, s8  }
0x3a1: {  	v0 =	vadd.f32 v0, v1;
	v1 =	vmov s14  }
0x3a2: {  	v1 =	vmul.u32 $0x38, v1;
	v2 =	vadd.s32 s14, v2  }
0x3a3: {  	v18 =	vld [tilespmem:$0x1FE60]  }
0x3a4: {  	v3 =	vadd.s32 v22, v1;
	v22 =	vld [tilespmem:$0x1FE20]  }
0x3a5: {  	v46 =	vadd.s32 v44, v1;
	v50 =	vadd.s32 v21, v1;
	v21 =	vld [tilespmem:$0x1FE80]  }
0x3a6: {  	[tilespmem:$0x19B38] =	vst v0;
	v47 =	vadd.s32 v63, v1;
	v49 =	vadd.s32 v20, v1;
	v20 =	vld [tilespmem:$0x1FF40]  }
0x3a7: {  	v0 =	vld.idx.msk [tilespmem:v2+s3+$0x0], $0xffff  }
0x3a8: {  	v2 =	vld [tilespmem:$0x1FF20]  }
0x3a9: {  	v52 =	vadd.s32 v25, v1;
	v3 =	vld.idx.msk [tilespmem:v3+s19+$0x0], $0xffff  }
0x3aa: {  	v53 =	vadd.s32 v27, v1;
	v5 =	vld.idx.msk [tilespmem:v46+s19+$0x0], $0xffff  }
0x3ab: {  	v55 =	vadd.s32 v26, v1;
	v6 =	vld.idx.msk [tilespmem:v47+s19+$0x0], $0xffff  }
0x3ac: {  	v56 =	vadd.s32 v39, v1;
	v8 =	vld.idx.msk [tilespmem:v49+s19+$0x0], $0xffff  }
0x3ad: {  	v58 =	vadd.s32 v40, v1;
	v9 =	vld.idx.msk [tilespmem:v50+s19+$0x0], $0xffff  }
0x3ae: {  	v61 =	vadd.s32 v31, v1;
	v11 =	vld.idx.msk [tilespmem:v52+s19+$0x0], $0xffff  }
0x3af: {  	v12 =	vld.idx.msk [tilespmem:v53+s19+$0x0], $0xffff  }
0x3b0: {  	v59 =	vadd.s32 v29, v1;
	v29 =	vmov v31;
	v31 =	vadd.s32 v32, v1;
	v14 =	vld.idx.msk [tilespmem:v55+s19+$0x0], $0xffff  }
0x3b1: {  	v25 =	vmov v40;
	v40 =	vadd.s32 v18, v1;
	v15 =	vld.idx.msk [tilespmem:v56+s19+$0x0], $0xffff  }
0x3b2: {  	v41 =	vld.idx.msk [tilespmem:v58+s19+$0x0], $0xffff  }
0x3b3: {  	v47 =	vld.idx.msk [tilespmem:v61+s19+$0x0], $0xffff  }
0x3b4: {  	v61 =	vld [tilespmem:$0x1FE70];
	v0 =	vmul.u32 $0x38, v0  }
0x3b5: {  	v50 =	vld.idx.msk [tilespmem:v31+s19+$0x0], $0xffff;
	v2 =	vadd.s32 v2, v1  }
0x3b6: {  	v53 =	vld.idx.msk [tilespmem:v40+s19+$0x0], $0xffff;
	v45 =	vor.u32 v43, v0  }
0x3b7: {  	v31 =	vld [tilespmem:$0x1FF70];
	v48 =	vor.u32 v19, v0  }
0x3b8: {  	v51 =	vadd.s32 v24, v0;
	v19 =	vld [tilespmem:$0x1FE50]  }
0x3b9: {  	v32 =	vadd.s32 v33, v1;
	v54 =	vadd.s32 v38, v0;
	v43 =	vmov v33;
	v33 =	vld [tilespmem:$0x1FF90]  }
0x3ba: {  	v57 =	vadd.s32 v28, v0;
	v2 =	vld.idx.msk [tilespmem:v2+s19+$0x0], $0xffff  }
0x3bb: {  	v4 =	vld.idx.msk [tilespmem:v45+s15+$0x0], $0xffff  }
0x3bc: {  	v60 =	vadd.s32 v42, v0;
	v7 =	vld.idx.msk [tilespmem:v48+s15+$0x0], $0xffff  }
0x3bd: {  	v28 =	vadd.s32 v30, v1;
	v10 =	vld.idx.msk [tilespmem:v51+s15+$0x0], $0xffff  }
0x3be: {  	v30 =	vadd.s32 v22, v0;
	v13 =	vld.idx.msk [tilespmem:v54+s15+$0x0], $0xffff  }
0x3bf: {  	v16 =	vld.idx.msk [tilespmem:v57+s15+$0x0], $0xffff  }
0x3c0: {  	v45 =	vld.idx.msk [tilespmem:v59+s19+$0x0], $0xffff  }
0x3c1: {  	v46 =	vld.idx.msk [tilespmem:v60+s15+$0x0], $0xffff  }
0x3c2: {  	v48 =	vld.idx.msk [tilespmem:v28+s19+$0x0], $0xffff  }
0x3c3: {  	v24 =	vmov v42;
	v42 =	vadd.s32 v61, v1;
	v49 =	vld.idx.msk [tilespmem:v30+s15+$0x0], $0xffff  }
0x3c4: {  	v27 =	vmovc v38;
	v38 =	vmov v26;
	v26 =	vmov v39;
	v39 =	vadd.s32 v19, v0;
	v51 =	vld.idx.msk [tilespmem:v32+s19+$0x0], $0xffff  }
0x3c5: {  	v60 =	vadd.s32 v21, v0;
	v28 =	vld [tilespmem:$0x1FF50]  }
0x3c6: {  	v56 =	vadd.s32 v20, v1;
	v30 =	vld [tilespmem:$0x1FF60]  }
0x3c7: {  	v32 =	vld [tilespmem:$0x1FF80]  }
0x3c8: {  	v54 =	vld.idx.msk [tilespmem:v42+s19+$0x0], $0xffff;
	v42 =	vadd.s32 v17, v0  }
0x3c9: {  	v20 =	vadd.s32 v35, v1;
	v52 =	vld.idx.msk [tilespmem:v39+s15+$0x0], $0xffff  }
0x3ca: {  	v55 =	vld.idx.msk [tilespmem:v60+s15+$0x0], $0xffff  }
0x3cb: {  	v59 =	vadd.s32 v31, v1;
	v2 =	vmul.f32 v4, v2;
	v4 =	vld.idx.msk [tilespmem:v56+s19+$0x0], $0xffff  }
0x3cc: {  	v40 =	vadd.s32 v34, v1;
	v57 =	vadd.s32 v28, v1;
	v60 =	vadd.s32 v32, v1;
	v39 =	vld [tilespmem:$0x1FFA0]  }
0x3cd: {  	v31 =	vmovc v37;
	v56 =	vadd.s32 v33, v0;
	v33 =	vmov v34;
	v34 =	vadd.s32 v37, v1;
	v37 =	vld.idx.msk [tilespmem:v42+s15+$0x0], $0xffff  }
0x3ce: {  	v5 =	vmul.f32 v7, v5;
	v42 =	vld.idx.msk [tilespmem:v20+s19+$0x0], $0xffff  }
0x3cf: {  	v58 =	vadd.s32 v30, v0;
	v20 =	vld [tilespmem:$0x1FEF0];
	v2 =	vmul.f32 v2, v3;
	v3 =	vmul.f32 v10, v8  }
0x3d0: {  	v5 =	vmul.f32 v5, v6;
	v6 =	vld.idx.msk [tilespmem:v59+s19+$0x0], $0xffff  }
0x3d1: {  	v2 =	vadd.f32 $0.0e+00, v2;
	v3 =	vmul.f32 v3, v9;
	v7 =	vld.idx.msk [tilespmem:v57+s19+$0x0], $0xffff;
	v57 =	vadd.s32 v39, v1  }
0x3d2: {  	v9 =	vld.idx.msk [tilespmem:v60+s19+$0x0], $0xffff;
	v60 =	vadd.s32 v36, v0  }
0x3d3: {  	v10 =	vld.idx.msk [tilespmem:v40+s19+$0x0], $0xffff;
	v0 =	vadd.s32 v23, v0;
	v2 =	vadd.f32 v3, v2;
	v3 =	vmul.f32 v13, v11  }
0x3d4: {  	v35 =	vmul.f32 v46, v41;
	v5 =	vadd.f32 $0.0e+00, v5;
	v8 =	vld.idx.msk [tilespmem:v58+s15+$0x0], $0xffff  }
0x3d5: {  	v56 =	vld.idx.msk [tilespmem:v56+s15+$0x0], $0xffff;
	v39 =	vadd.s32 v62, v1;
	v1 =	vadd.s32 v20, v1;
	v3 =	vmul.f32 v3, v12  }
0x3d6: {  	v11 =	vld.idx.msk [tilespmem:v57+s19+$0x0], $0xffff  }
0x3d7: {  	v40 =	vmul.f32 v35, v45;
	v50 =	vmul.f32 v52, v50;
	v58 =	vld.idx.msk [tilespmem:v34+s19+$0x0], $0xffff;
	v3 =	vadd.f32 v3, v5  }
0x3d8: {  	v14 =	vmul.f32 v16, v14;
	v0 =	vld.idx.msk [tilespmem:v0+s15+$0x0], $0xffff  }
0x3d9: {  	v12 =	vmul.f32 v50, v51;
	v4 =	vmul.f32 v8, v4;
	v3 =	vadd.f32 v40, v3  }
0x3da: {  	v14 =	vmul.f32 v14, v15;
	v6 =	vmul.f32 v56, v6;
	v1 =	vld.idx.msk [tilespmem:v1+s19+$0x0], $0xffff  }
0x3db: {  	v4 =	vmul.f32 v4, v7;
	v3 =	vadd.f32 v12, v3;
	v11 =	vmul.f32 v37, v11  }
0x3dc: {  	v28 =	vmov v62;
	v36 =	vmul.f32 v49, v47;
	v62 =	vmul.f32 v6, v9  }
0x3dd: {  	v52 =	vld.idx.msk [tilespmem:v60+s15+$0x0], $0xffff;
	v0 =	vmul.f32 v0, v58;
	v3 =	vadd.f32 v4, v3;
	v9 =	vmul.f32 v11, v10  }
0x3de: {  	v49 =	vmul.f32 v36, v48;
	v2 =	vadd.f32 v14, v2;
	v57 =	vmul.f32 v55, v53;
	v60 =	vld.idx.msk [tilespmem:v39+s19+$0x0], $0xffff  }
0x3df: {  	v0 =	vmul.f32 v0, v1;
	v1 =	vld [tilespmem:$0x1FFF0];
	v3 =	vadd.f32 v9, v3  }
0x3e0: {  	v2 =	vadd.f32 v49, v2;
	v59 =	vmul.f32 v57, v54  }
0x3e1: {  	v0 =	vadd.f32 v0, v3;
	v3 =	vld [tilespmem:$0x1FF10]  }
0x3e2: {  	v2 =	vadd.f32 v59, v2;
	v10 =	vmul.f32 v52, v42  }
0x3e3: {  	s16 =	sadd.s32 $0xFFFFFFFC, s8  }
0x3e4: {  	v2 =	vadd.f32 v62, v2;
	v11 =	vmul.f32 v10, v60;
	v1 =	vadd.s32 s16, v1  }
0x3e5: {  	v30 =	vld [tilespmem:$0x1FF30];
	v1 =	vand.u32 $0x7F8, v1  }
0x3e6: {  	v32 =	vld [tilespmem:$0x1FD30];
	v2 =	vadd.f32 v11, v2;
	v1 =	vor.u32 v3, v1  }
0x3e7: {  	v35 =	vld [tilespmem:$0x1FD40]  }
0x3e8: {  	v34 =	vld [tilespmem:$0x1FD60];
	v0 =	vadd.f32 v0, v2  }
0x3e9: {  	v36 =	vld [tilespmem:$0x1FD00]  }
0x3ea: {  	v2 =	vld [tilespmem:$0x1FF20];
	[tilespmem:$0x19B48] =	vst v0  }
0x3eb: {  	v0 =	vld.idx.msk [tilespmem:v1+s3+$0x0], $0xffff  }
0x3ec: {  	v39 =	vld [tilespmem:$0x1FD80];
	v1 =	vmov s16  }
0x3ed: {  	v40 =	vld [tilespmem:$0x1FD70];
	v1 =	vmul.u32 $0x38, v1  }
0x3ee: {  	v37 =	vld [tilespmem:$0x1FDC0]  }
0x3ef: {  	v42 =	vld [tilespmem:$0x1FD50];
	v2 =	vadd.s32 v2, v1  }
0x3f0: {  	v3 =	vadd.s32 v36, v1;
	v14 =	vadd.s32 v63, v1;
	v63 =	vld [tilespmem:$0x1FDE0];
	v0 =	vmul.u32 $0x38, v0  }
0x3f1: {  	v13 =	vadd.s32 v44, v1;
	v44 =	vmov v29;
	v56 =	vadd.s32 v29, v1;
	v29 =	vld [tilespmem:$0x1FE10]  }
0x3f2: {  	v16 =	vadd.s32 v35, v1;
	v51 =	vadd.s32 v26, v1;
	v26 =	vmovc v24;
	v49 =	vadd.s32 v27, v0;
	v27 =	vld [tilespmem:$0x1FE30]  }
0x3f3: {  	v62 =	vadd.s32 v18, v1;
	v18 =	vadd.s32 v61, v1;
	v55 =	vadd.s32 v24, v0;
	v24 =	vmovc v61;
	v61 =	vld [tilespmem:$0x1FF50]  }
0x3f4: {  	v45 =	vadd.s32 v42, v1;
	v2 =	vld.idx.msk [tilespmem:v2+s19+$0x0], $0xffff  }
0x3f5: {  	v47 =	vadd.s32 v40, v1;
	v3 =	vld.idx.msk [tilespmem:v3+s19+$0x0], $0xffff  }
0x3f6: {  	v50 =	vadd.s32 v38, v1;
	v5 =	vld.idx.msk [tilespmem:v13+s19+$0x0], $0xffff  }
0x3f7: {  	v53 =	vadd.s32 v25, v1;
	v6 =	vld.idx.msk [tilespmem:v14+s19+$0x0], $0xffff  }
0x3f8: {  	v8 =	vld.idx.msk [tilespmem:v16+s19+$0x0], $0xffff  }
0x3f9: {  	v9 =	vld.idx.msk [tilespmem:v45+s19+$0x0], $0xffff  }
0x3fa: {  	v11 =	vld.idx.msk [tilespmem:v47+s19+$0x0], $0xffff  }
0x3fb: {  	v12 =	vor.u32 v30, v0;
	v14 =	vld.idx.msk [tilespmem:v50+s19+$0x0], $0xffff  }
0x3fc: {  	v15 =	vor.u32 v32, v0;
	v41 =	vld.idx.msk [tilespmem:v53+s19+$0x0], $0xffff  }
0x3fd: {  	v46 =	vadd.s32 v34, v0;
	v47 =	vld.idx.msk [tilespmem:v56+s19+$0x0], $0xffff  }
0x3fe: {  	v48 =	vadd.s32 v39, v1;
	v53 =	vld.idx.msk [tilespmem:v62+s19+$0x0], $0xffff  }
0x3ff: {  	v62 =	vld [tilespmem:$0x1FF60]  }
0x400: {  	v4 =	vld.idx.msk [tilespmem:v12+s15+$0x0], $0xffff  }
0x401: {  	v52 =	vadd.s32 v37, v0;
	v7 =	vld.idx.msk [tilespmem:v15+s15+$0x0], $0xffff  }
0x402: {  	v10 =	vld.idx.msk [tilespmem:v46+s15+$0x0], $0xffff  }
0x403: {  	v58 =	vadd.s32 v22, v0;
	v12 =	vld.idx.msk [tilespmem:v48+s19+$0x0], $0xffff  }
0x404: {  	v60 =	vadd.s32 v43, v1;
	v13 =	vld.idx.msk [tilespmem:v49+s15+$0x0], $0xffff  }
0x405: {  	v15 =	vld.idx.msk [tilespmem:v51+s19+$0x0], $0xffff  }
0x406: {  	v54 =	vadd.s32 v63, v1;
	v16 =	vld.idx.msk [tilespmem:v52+s15+$0x0], $0xffff  }
0x407: {  	v46 =	vld.idx.msk [tilespmem:v55+s15+$0x0], $0xffff  }
0x408: {  	v49 =	vld.idx.msk [tilespmem:v58+s15+$0x0], $0xffff  }
0x409: {  	v51 =	vld.idx.msk [tilespmem:v60+s19+$0x0], $0xffff  }
0x40a: {  	v57 =	vadd.s32 v29, v1;
	v60 =	vld [tilespmem:$0x1FF40]  }
0x40b: {  	v59 =	vadd.s32 v27, v1;
	v45 =	vld.idx.msk [tilespmem:v54+s19+$0x0], $0xffff  }
0x40c: {  	v52 =	vadd.s32 v19, v0;
	v54 =	vld.idx.msk [tilespmem:v18+s19+$0x0], $0xffff  }
0x40d: {  	v18 =	vld [tilespmem:$0x1FF70]  }
0x40e: {  	v22 =	vmov v21;
	v55 =	vadd.s32 v21, v0;
	v21 =	vld [tilespmem:$0x1FF80]  }
0x40f: {  	v48 =	vld.idx.msk [tilespmem:v57+s19+$0x0], $0xffff  }
0x410: {  	v57 =	vadd.s32 v61, v1;
	v50 =	vld.idx.msk [tilespmem:v59+s19+$0x0], $0xffff  }
0x411: {  	v58 =	vadd.s32 v62, v0;
	v52 =	vld.idx.msk [tilespmem:v52+s15+$0x0], $0xffff  }
0x412: {  	v59 =	vadd.s32 v18, v1;
	v18 =	vld [tilespmem:$0x1FF90]  }
0x413: {  	v56 =	vadd.s32 v60, v1;
	v60 =	vadd.s32 v21, v1;
	v21 =	vld [tilespmem:$0x1FFA0]  }
0x414: {  	v62 =	vadd.s32 v33, v1;
	v55 =	vld.idx.msk [tilespmem:v55+s15+$0x0], $0xffff  }
0x415: {  	v2 =	vmul.f32 v4, v2;
	v4 =	vld.idx.msk [tilespmem:v57+s19+$0x0], $0xffff  }
0x416: {  	v58 =	vld.idx.msk [tilespmem:v58+s15+$0x0], $0xffff  }
0x417: {  	v2 =	vmul.f32 v2, v3;
	v61 =	vadd.s32 v18, v0;
	v18 =	vld [tilespmem:$0x1FEB0]  }
0x418: {  	v3 =	vmul.f32 v7, v5;
	v7 =	vadd.s32 v17, v0;
	v57 =	vadd.s32 v21, v1;
	v21 =	vmovc v17;
	v17 =	vld [tilespmem:$0x1FED0]  }
0x419: {  	v14 =	vmul.f32 v16, v14;
	v16 =	vld.idx.msk [tilespmem:v62+s19+$0x0], $0xffff  }
0x41a: {  	v56 =	vld.idx.msk [tilespmem:v56+s19+$0x0], $0xffff  }
0x41b: {  	v8 =	vmul.f32 v10, v8;
	v10 =	vmul.f32 v13, v11;
	v13 =	vadd.s32 v31, v1;
	v5 =	vld.idx.msk [tilespmem:v59+s19+$0x0], $0xffff  }
0x41c: {  	v59 =	vld.idx.msk [tilespmem:v60+s19+$0x0], $0xffff;
	v60 =	vadd.s32 v18, v1  }
0x41d: {  	v3 =	vmul.f32 v3, v6;
	v6 =	vld.idx.msk [tilespmem:v61+s15+$0x0], $0xffff;
	v61 =	vadd.s32 v17, v0  }
0x41e: {  	v62 =	vmul.f32 v49, v47;
	v8 =	vmul.f32 v8, v9;
	v7 =	vld.idx.msk [tilespmem:v7+s15+$0x0], $0xffff;
	v0 =	vadd.s32 v23, v0  }
0x41f: {  	v9 =	vmul.f32 v10, v12;
	v10 =	vadd.s32 v28, v1;
	v2 =	vadd.f32 $0.0e+00, v2;
	v11 =	vld.idx.msk [tilespmem:v57+s19+$0x0], $0xffff  }
0x420: {  	v13 =	vld.idx.msk [tilespmem:v13+s19+$0x0], $0xffff;
	v3 =	vadd.f32 $0.0e+00, v3;
	v57 =	vmul.f32 v46, v41;
	v1 =	vadd.s32 v20, v1  }
0x421: {  	v12 =	vmul.f32 v14, v15;
	v49 =	vmul.f32 v52, v50;
	v2 =	vadd.f32 v8, v2;
	v15 =	vld.idx.msk [tilespmem:v60+s19+$0x0], $0xffff  }
0x422: {  	v8 =	vmul.f32 v62, v48;
	v3 =	vadd.f32 v9, v3;
	v52 =	vmul.f32 v57, v45;
	v50 =	vld.idx.msk [tilespmem:v61+s15+$0x0], $0xffff  }
0x423: {  	v2 =	vadd.f32 v12, v2;
	v62 =	vmul.f32 v58, v56;
	v57 =	vmul.f32 v55, v53;
	v0 =	vld.idx.msk [tilespmem:v0+s15+$0x0], $0xffff  }
0x424: {  	v10 =	vld.idx.msk [tilespmem:v10+s19+$0x0], $0xffff;
	v3 =	vadd.f32 v52, v3;
	v11 =	vmul.f32 v7, v11;
	v60 =	vmul.f32 v49, v51  }
0x425: {  	v2 =	vadd.f32 v8, v2;
	v61 =	vmul.f32 v57, v54;
	v5 =	vmul.f32 v6, v5;
	v1 =	vld.idx.msk [tilespmem:v1+s19+$0x0], $0xffff  }
0x426: {  	v4 =	vmul.f32 v62, v4;
	v3 =	vadd.f32 v60, v3  }
0x427: {  	v6 =	vmul.f32 v11, v16;
	v2 =	vadd.f32 v61, v2;
	v5 =	vmul.f32 v5, v59  }
0x428: {  	v3 =	vadd.f32 v4, v3;
	v41 =	vmul.f32 v50, v15;
	v0 =	vmul.f32 v0, v13  }
0x429: {  	v2 =	vadd.f32 v5, v2  }
0x42a: {  	v3 =	vadd.f32 v6, v3;
	v4 =	vmul.f32 v41, v10;
	v0 =	vmul.f32 v0, v1;
	_ =	sdelay $0x1  }
0x42b: {  	v47 =	vld [tilespmem:$0x1FD20];
	v1 =	vadd.f32 v4, v2;
	v0 =	vadd.f32 v0, v3  }
0x42c: {  	v2 =	vld [tilespmem:$0x1FFF0]  }
0x42d: {  	v46 =	vld [tilespmem:$0x1FD10];
	v0 =	vadd.f32 v0, v1;
	v1 =	vmov s8  }
0x42e: {  	v56 =	vld [tilespmem:$0x1FDB0];
	v1 =	vmul.u32 $0x38, v1  }
0x42f: {  	v54 =	vld [tilespmem:$0x1FD90]  }
0x430: {  	v59 =	vadd.s32 v63, v1;
	v63 =	vld [tilespmem:$0x1FE20]  }
0x431: {  	v2 =	vadd.s32 s8, v2;
	v3 =	vadd.s32 v36, v1;
	v36 =	vld [tilespmem:$0x1FF40]  }
0x432: {  	v55 =	vadd.s32 v38, v1;
	v38 =	vld [tilespmem:$0x1FF60]  }
0x433: {  	v53 =	vadd.s32 v39, v1;
	v39 =	vld [tilespmem:$0x1FF70]  }
0x434: {  	v5 =	vadd.s32 v46, v1;
	v52 =	vadd.s32 v40, v1;
	v40 =	vld [tilespmem:$0x1FF80]  }
0x435: {  	[tilespmem:$0x19B58] =	vst v0;
	v6 =	vadd.s32 v47, v1;
	v50 =	vadd.s32 v42, v1;
	v42 =	vld [tilespmem:$0x1FF90]  }
0x436: {  	v49 =	vadd.s32 v35, v1;
	v0 =	vld.idx.msk [tilespmem:v2+s3+$0x0], $0xffff  }
0x437: {  	v2 =	vld [tilespmem:$0x1FF20]  }
0x438: {  	v3 =	vld.idx.msk [tilespmem:v3+s19+$0x0], $0xffff  }
0x439: {  	v5 =	vld.idx.msk [tilespmem:v5+s19+$0x0], $0xffff  }
0x43a: {  	v6 =	vld.idx.msk [tilespmem:v6+s19+$0x0], $0xffff  }
0x43b: {  	v15 =	vadd.s32 v56, v1;
	v8 =	vld.idx.msk [tilespmem:v49+s19+$0x0], $0xffff  }
0x43c: {  	v58 =	vadd.s32 v25, v1;
	v9 =	vld.idx.msk [tilespmem:v50+s19+$0x0], $0xffff  }
0x43d: {  	v61 =	vadd.s32 v44, v1;
	v11 =	vld.idx.msk [tilespmem:v52+s19+$0x0], $0xffff  }
0x43e: {  	v44 =	vadd.s32 v33, v1;
	v12 =	vld.idx.msk [tilespmem:v53+s19+$0x0], $0xffff  }
0x43f: {  	v14 =	vld.idx.msk [tilespmem:v55+s19+$0x0], $0xffff;
	v56 =	vadd.s32 v36, v1  }
0x440: {  	v15 =	vld.idx.msk [tilespmem:v15+s19+$0x0], $0xffff  }
0x441: {  	v41 =	vld.idx.msk [tilespmem:v58+s19+$0x0], $0xffff  }
0x442: {  	v47 =	vld.idx.msk [tilespmem:v61+s19+$0x0], $0xffff;
	v0 =	vmul.u32 $0x38, v0  }
0x443: {  	v33 =	vld.idx.msk [tilespmem:v44+s19+$0x0], $0xffff;
	v2 =	vadd.s32 v2, v1  }
0x444: {  	v56 =	vld.idx.msk [tilespmem:v56+s19+$0x0], $0xffff;
	v45 =	vor.u32 v30, v0  }
0x445: {  	v48 =	vor.u32 v32, v0;
	v30 =	vld [tilespmem:$0x1FE60]  }
0x446: {  	v51 =	vadd.s32 v34, v0;
	v13 =	vadd.s32 v54, v0;
	v57 =	vadd.s32 v37, v0;
	v37 =	vld [tilespmem:$0x1FF50]  }
0x447: {  	v60 =	vadd.s32 v26, v0;
	v26 =	vadd.s32 v27, v1;
	v27 =	vadd.s32 v43, v1;
	v43 =	vld [tilespmem:$0x1FFA0]  }
0x448: {  	v2 =	vld.idx.msk [tilespmem:v2+s19+$0x0], $0xffff  }
0x449: {  	v4 =	vld.idx.msk [tilespmem:v45+s15+$0x0], $0xffff  }
0x44a: {  	v7 =	vld.idx.msk [tilespmem:v48+s15+$0x0], $0xffff  }
0x44b: {  	v62 =	vadd.s32 v29, v1;
	v10 =	vld.idx.msk [tilespmem:v51+s15+$0x0], $0xffff  }
0x44c: {  	v25 =	vadd.s32 v63, v0;
	v13 =	vld.idx.msk [tilespmem:v13+s15+$0x0], $0xffff  }
0x44d: {  	v16 =	vld.idx.msk [tilespmem:v57+s15+$0x0], $0xffff  }
0x44e: {  	v45 =	vld.idx.msk [tilespmem:v59+s19+$0x0], $0xffff  }
0x44f: {  	v29 =	vadd.s32 v19, v0;
	v46 =	vld.idx.msk [tilespmem:v60+s15+$0x0], $0xffff  }
0x450: {  	v34 =	vadd.s32 v24, v1;
	v48 =	vld.idx.msk [tilespmem:v62+s19+$0x0], $0xffff  }
0x451: {  	v35 =	vadd.s32 v22, v0;
	v49 =	vld.idx.msk [tilespmem:v25+s15+$0x0], $0xffff  }
0x452: {  	v61 =	vadd.s32 v42, v0;
	v50 =	vld.idx.msk [tilespmem:v26+s19+$0x0], $0xffff  }
0x453: {  	v21 =	vadd.s32 v21, v0;
	v51 =	vld.idx.msk [tilespmem:v27+s19+$0x0], $0xffff  }
0x454: {  	v32 =	vadd.s32 v30, v1;
	v52 =	vld.idx.msk [tilespmem:v29+s15+$0x0], $0xffff  }
0x455: {  	v57 =	vadd.s32 v37, v1;
	v54 =	vld.idx.msk [tilespmem:v34+s19+$0x0], $0xffff  }
0x456: {  	v58 =	vadd.s32 v38, v0;
	v55 =	vld.idx.msk [tilespmem:v35+s15+$0x0], $0xffff  }
0x457: {  	v62 =	vadd.s32 v43, v1;
	v26 =	vld.idx.msk [tilespmem:v61+s15+$0x0], $0xffff  }
0x458: {  	v31 =	vadd.s32 v31, v1;
	v27 =	vadd.s32 v17, v0;
	v34 =	vld.idx.msk [tilespmem:v21+s15+$0x0], $0xffff;
	v2 =	vmul.f32 v4, v2  }
0x459: {  	v0 =	vadd.s32 v23, v0;
	v53 =	vld.idx.msk [tilespmem:v32+s19+$0x0], $0xffff;
	v8 =	vmul.f32 v10, v8;
	v25 =	vmul.f32 v13, v11  }
0x45a: {  	v59 =	vadd.s32 v39, v1;
	v57 =	vld.idx.msk [tilespmem:v57+s19+$0x0], $0xffff;
	v29 =	vmul.f32 v16, v14;
	v41 =	vmul.f32 v46, v41  }
0x45b: {  	v24 =	vadd.s32 v18, v1;
	v4 =	vld.idx.msk [tilespmem:v58+s15+$0x0], $0xffff;
	v2 =	vmul.f32 v2, v3;
	v3 =	vmul.f32 v7, v5  }
0x45c: {  	v60 =	vadd.s32 v40, v1;
	v30 =	vld.idx.msk [tilespmem:v62+s19+$0x0], $0xffff;
	v36 =	vmul.f32 v49, v47;
	v37 =	vmul.f32 v52, v50  }
0x45d: {  	v35 =	vadd.s32 v28, v1;
	v16 =	vld.idx.msk [tilespmem:v31+s19+$0x0], $0xffff;
	v8 =	vmul.f32 v8, v9;
	v3 =	vmul.f32 v3, v6  }
0x45e: {  	v1 =	vadd.s32 v20, v1;
	v0 =	vld.idx.msk [tilespmem:v0+s15+$0x0], $0xffff;
	v32 =	vmul.f32 v25, v12;
	v38 =	vmul.f32 v41, v45  }
0x45f: {  	v59 =	vld.idx.msk [tilespmem:v59+s19+$0x0], $0xffff;
	v50 =	vmul.f32 v36, v48;
	v2 =	vadd.f32 $0.0e+00, v2;
	v3 =	vadd.f32 $0.0e+00, v3  }
0x460: {  	v13 =	vld.idx.msk [tilespmem:v27+s15+$0x0], $0xffff;
	v52 =	vmul.f32 v37, v51;
	v6 =	vmul.f32 v29, v15  }
0x461: {  	v7 =	vld.idx.msk [tilespmem:v24+s19+$0x0], $0xffff;
	v49 =	vmul.f32 v55, v53;
	v2 =	vadd.f32 v8, v2;
	v3 =	vadd.f32 v32, v3  }
0x462: {  	v22 =	vld.idx.msk [tilespmem:v60+s19+$0x0], $0xffff;
	v4 =	vmul.f32 v4, v56;
	v55 =	vmul.f32 v34, v30  }
0x463: {  	v1 =	vld.idx.msk [tilespmem:v1+s19+$0x0], $0xffff;
	v0 =	vmul.f32 v0, v16;
	v2 =	vadd.f32 v6, v2;
	v3 =	vadd.f32 v38, v3  }
0x464: {  	v15 =	vld.idx.msk [tilespmem:v35+s19+$0x0], $0xffff;
	v53 =	vmul.f32 v49, v54;
	v54 =	vmul.f32 v26, v59  }
0x465: {  	v4 =	vmul.f32 v4, v57;
	v2 =	vadd.f32 v50, v2;
	v3 =	vadd.f32 v52, v3  }
0x466: {  	v56 =	vmul.f32 v55, v33;
	v57 =	vmul.f32 v13, v7  }
0x467: {  	v5 =	vmul.f32 v54, v22;
	v2 =	vadd.f32 v53, v2;
	v3 =	vadd.f32 v4, v3  }
0x468: {  	v61 =	vld [tilespmem:$0x1FFB0];
	v0 =	vmul.f32 v0, v1  }
0x469: {  	v2 =	vadd.f32 v5, v2;
	v4 =	vmul.f32 v57, v15;
	v3 =	vadd.f32 v56, v3  }
0x46a: {  	v59 =	vld [tilespmem:$0x1FFC0]  }
0x46b: {  	v1 =	vadd.f32 v4, v2;
	v0 =	vadd.f32 v0, v3  }
0x46c: {  	v60 =	vld [tilespmem:$0x1FFD0]  }
0x46d: {  	v0 =	vadd.f32 v0, v1  }
0x46e: {  	v58 =	vld [tilespmem:$0x1FFE0]  }
0x46f: {  	[tilespmem:$0x19B68] =	vst v0  }
0x470: {  	v0 =	vld.idx.msk [tilespmem:v61+s28+$0x0], $0xffff;
	_ =	sdelay $0x1  }
0x471: {  	v1 =	vld.idx.msk [tilespmem:v59+s28+$0x0], $0xffff;
	_ =	sdelay $0x1  }
0x472: {  	v2 =	vld.idx.msk [tilespmem:v60+s28+$0x0], $0xffff  }
0x473: {  	v0 =	vadd.f32 $0.0e+00, v0  }
0x474: {  	v3 =	vld.idx.msk [tilespmem:v58+s28+$0x0], $0xffff  }
0x475: {  	v0 =	vadd.f32 v1, v0  }
0x476: {  	p0 =	sne.s32 s8, $0x18C  }
.Ltmp4:
0x477: {  	v0 =	vadd.f32 v2, v0;
	(pc) =	sbr.rel @p0 .LBB2_9-.Ltmp4, $4  }
0x478: {  	v63 =	vld [tilespmem:$0x1FF10]  }
0x479: {  	v62 =	vld [tilespmem:$0x1FFA0];
	v0 =	vadd.f32 v3, v0  }
0x47a: {  	v47 =	vld [tilespmem:$0x1FF20]  }
0x47b: {  	s8 =	sadd.s32 $0x10, s8;
	[tilespmem:s9+$0x0] =	vst v0;
	v0 =	vld [tilespmem:$0x1FFF0];
	s9 =	sadd.s32 $0x10, s9  }
0x47c: {  	s2 =	rddreg [dreg:$0x6]  }
0x47d: {  	[hbm4b:s2+s3] =	stream.linear.scatter [tilespmem:s29], [sflag:$0x5], $0x190, $0x38;
	[tilespmem:$0x19E98] =	vst v63  }
0x47e: {  	_ =	swait.ge [sflag:s0], $0x190  }
0x47f: {  	[sflag:s0] =	ssyncset.done $0x0  }
0x480: {  	s8 =	simm.s32 $0x6;
	[sflag:s0] =	ssyncadd.s32 $0xFFFFFE70  }
0x481: {  	_ =	swait.ge [sflag:s8], $0x190  }
0x482: {  	s6 =	sadd.s32 $0x1, s6;
	s16 =	rddreg [dreg:$0x7]  }
0x483: {  	p0 =	sne.s32 s6, s16  }
.Ltmp5:
0x484: {  	_ = 	snop;
	(pc) =	sbr.rel @p0 .LBB2_1-.Ltmp5, $3  }
0x485: {  	_ =	sdelay $0x1  }
0x486: {  	[sflag:s8] =	ssyncset.done $0x0  }
0x487: {  	[sflag:s8] =	ssyncadd.s32 $0xFFFFFE70  }
0x488: {  	_ =	sfence.sel $0x180000  }
0x489: {  	[bflag:$0x0] =	sbarrier.arrive $0xFFFF  }
0x48a: {  	_ =	strace $0x90000047  }
0x48b: {  	s0 =	stileid.u32;
	[bflag:$0x2] =	sbarrier.arrive $0xFFFF  }
0x48c: {  	p0 =	sne.s32 s0, $0x0;
	s0 =	rddreg [dreg:$0x2]  }
0x48d: {  	s0 =	sadd.s32 @!p0 $0x100000, s0  }
0x48e: {  	[sflag:s0] =	ssyncadd.tile.s32 @!p0 $0x1;
	_ =	shalt  }
.Lfunc_end2:
_tile_overlayer_lowered:
.L_overlay_start_2:
0x48f: {  	(tag) =	ssettag $0x2  }
0x490: {  	s0 =	rddreg [dreg:$0x0];
	s2 =	stileid.u32  }
0x491: {  	s1 =	rddreg [dreg:$0x1];
	p0 =	sne.s32 s2, $0x0  }
0x492: {  	s3 =	rddreg [dreg:$0x2];
	[bflag:$0x3] =	sbarrier.arrive $0xFFFF;
	s2 =	simm.s32 @!p0 $0x1C07  }
0x493: {  	[timem:s3], [sflag:s2] =	dma.local @!p0 [hbm:s0], s1  }
0x494: {  	s0 =	simm.s32 @!p0 $0x7  }
0x495: {  	_ =	swait.ge @!p0 [sflag:s0], s1  }
0x496: {  	s1 =	ssub.s32 @!p0 $0x0, s1;
	[sflag:s0] =	ssyncset.done @!p0 $0x0  }
0x497: {  	[sflag:s0] =	ssyncadd.s32 @!p0 s1  }
0x498: {  	[bflag:$0x3] =	sbarrier.arrive $0xFFFF  }
0x499: {  	_ =	shalt  }

</sc_bundles>
